<compile_context>
chip_gen: v7x
topology: tpu7x:2x2x1
jax: 0.10.2.dev20260603
libtpu: 0.0.44.dev20260713+nightly
codegen_flags: <defaults>
</compile_context>

<pallas_src>
import functools

import jax
import jax.numpy as jnp
import numpy as np
from jax import lax
from jax.experimental import pallas as pl
from jax.experimental.pallas import tpu as pltpu
from jax.experimental.pallas import tpu_sc as plsc

N = 100000
E = 3200000
F = 16
G = 64
CLS = 7
NC = 2
NS = 16
NW = NC * NS
CH = 128
EWR = E // NW
CUT = 776 * CH
NCHUNK = 800
EW = NCHUNK * CH
E_PAD = EW * NW
PAD_A = 6 * CH
REAL_B = EWR - CUT
PAD_TAIL = EW - CUT - PAD_A - REAL_B
ACC_ROWS = 100096
ZR = ACC_ROWS // NS
PAD_ROWS = ACC_ROWS - N

KB = 8
NOB = NCHUNK // KB
NROWS2 = E_PAD // CH

NP = N // 8
ACCP = ACC_ROWS // 8
RP = 368
NBLK = ACCP // RP
NPB = NBLK * RP * 8


def _sc_mesh():
    return plsc.VectorSubcoreMesh(core_axis_name="c", subcore_axis_name="s")


def _sc_degree(dstp, zeros_acc, ones_rows):

    @functools.partial(
        pl.kernel,
        out_type=jax.ShapeDtypeStruct((NC * ACC_ROWS, F), jnp.float32),
        mesh=_sc_mesh(),
        compiler_params=pltpu.CompilerParams(use_tc_tiling_on_sc=False),
        scratch_types=[
            pltpu.VMEM((2, KB, CH), jnp.int32),
            pltpu.VMEM((CH, F), jnp.float32),
            pltpu.VMEM((CH, F), jnp.float32),
            pltpu.VMEM_SHARED((ACC_ROWS, F), jnp.float32),
            pltpu.SemaphoreType.DMA,
            pltpu.SemaphoreType.DMA((KB,)),
        ],
    )
    def kern(dst_hbm, zero_hbm, ones_hbm, out_hbm, didx2, ones_v, zeros_v,
             acc_sh, isem, ssem):
        cid = lax.axis_index("c")
        sid = lax.axis_index("s")
        w = sid * NC + cid
        pltpu.sync_copy(zero_hbm.at[pl.ds(sid * ZR, ZR)],
                        acc_sh.at[pl.ds(sid * ZR, ZR)])
        pltpu.sync_copy(ones_hbm, ones_v)
        pltpu.sync_copy(zero_hbm.at[pl.ds(0, CH)], zeros_v)
        plsc.subcore_barrier()
        crow = w * NCHUNK
        pltpu.sync_copy(dst_hbm.at[pl.ds(crow, KB)], didx2.at[0])

        @pl.loop(0, NOB)
        def _(j):
            p = lax.rem(j, 2)
            nrow = crow + lax.rem(j + 1, NOB) * KB
            pf = pltpu.async_copy(dst_hbm.at[pl.ds(nrow, KB)],
                                  didx2.at[1 - p], isem)
            hs = []
            for b in range(KB):
                hs.append(pltpu.async_copy(
                    ones_v, acc_sh.at[didx2.at[p, b]], ssem.at[b], add=True))
            for b in range(KB):
                hs[b].wait()
            pf.wait()

        for t in range(2 * KB):
            pltpu.sync_copy(zeros_v, acc_sh.at[didx2.at[0, t % KB]],
                            add=True)

        plsc.subcore_barrier()
        pltpu.sync_copy(acc_sh.at[pl.ds(sid * ZR, ZR)],
                        out_hbm.at[pl.ds(cid * ACC_ROWS + sid * ZR, ZR)])

    return kern(dstp, zeros_acc, ones_rows)


def _sc_scatter(y, srcp, dstp, zeros_acc):

    @functools.partial(
        pl.kernel,
        out_type=jax.ShapeDtypeStruct((NC * ACC_ROWS, F), jnp.float32),
        mesh=_sc_mesh(),
        compiler_params=pltpu.CompilerParams(use_tc_tiling_on_sc=False),
        scratch_types=[
            pltpu.VMEM((2, KB, CH), jnp.int32),
            pltpu.VMEM((2, KB, CH), jnp.int32),
            pltpu.VMEM((KB, CH, F), jnp.float32),
            pltpu.VMEM((CH, F), jnp.float32),
            pltpu.VMEM_SHARED((ACC_ROWS, F), jnp.float32),
            pltpu.SemaphoreType.DMA((2,)),
            pltpu.SemaphoreType.DMA((KB,)),
            pltpu.SemaphoreType.DMA((KB,)),
        ],
    )
    def kern(y_hbm, src_hbm, dst_hbm, zero_hbm, out_hbm,
             sidx2, didx2, rows2, zeros_v, acc_sh, isem, gsem, ssem):
        cid = lax.axis_index("c")
        sid = lax.axis_index("s")
        w = sid * NC + cid
        pltpu.sync_copy(zero_hbm.at[pl.ds(sid * ZR, ZR)],
                        acc_sh.at[pl.ds(sid * ZR, ZR)])
        pltpu.sync_copy(zero_hbm.at[pl.ds(0, CH)], zeros_v)
        plsc.subcore_barrier()
        crow = w * NCHUNK
        pltpu.sync_copy(src_hbm.at[pl.ds(crow, KB)], sidx2.at[0])
        pltpu.sync_copy(dst_hbm.at[pl.ds(crow, KB)], didx2.at[0])

        @pl.loop(0, NOB)
        def _(j):
            p = lax.rem(j, 2)
            nrow = crow + lax.rem(j + 1, NOB) * KB
            pf_s = pltpu.async_copy(src_hbm.at[pl.ds(nrow, KB)],
                                    sidx2.at[1 - p], isem.at[0])
            pf_d = pltpu.async_copy(dst_hbm.at[pl.ds(nrow, KB)],
                                    didx2.at[1 - p], isem.at[1])
            ghs = []
            for b in range(KB):
                ghs.append(pltpu.async_copy(
                    y_hbm.at[sidx2.at[p, b]], rows2.at[b], gsem.at[b]))
            shs = []
            for b in range(KB):
                ghs[b].wait()
                shs.append(pltpu.async_copy(
                    rows2.at[b], acc_sh.at[didx2.at[p, b]], ssem.at[b],
                    add=True))
            for b in range(KB):
                shs[b].wait()
            pf_s.wait()
            pf_d.wait()

        for t in range(2 * KB):
            pltpu.sync_copy(zeros_v, acc_sh.at[didx2.at[0, t % KB]],
                            add=True)

        plsc.subcore_barrier()
        pltpu.sync_copy(acc_sh.at[pl.ds(sid * ZR, ZR)],
                        out_hbm.at[pl.ds(cid * ACC_ROWS + sid * ZR, ZR)])

    return kern(y, srcp, dstp, zeros_acc)


def _tc_xw1(xp, W1b):

    def body(x_ref, w_ref, o_ref):
        o_ref[...] = jnp.dot(x_ref[...], w_ref[...],
                             preferred_element_type=jnp.float32,
                             precision=lax.Precision.HIGHEST)

    return pl.pallas_call(
        body,
        grid=(NBLK,),
        in_specs=[
            pl.BlockSpec((RP, 128), lambda i: (i, 0)),
            pl.BlockSpec((128, 128), lambda i: (0, 0)),
        ],
        out_specs=pl.BlockSpec((RP, 128), lambda i: (i, 0)),
        out_shape=jax.ShapeDtypeStruct((NP, 128), jnp.float32),
    )(xp, W1b)


def _tc_prep(d0p, d1p, xw1p):

    def body(d0_ref, d1_ref, xw_ref, dinv_ref, y1_ref):
        deg = d0_ref[...] + d1_ref[...] + 1.0
        dinv = lax.rsqrt(deg)
        dinv_ref[...] = dinv
        y1_ref[...] = dinv * xw_ref[...]

    return pl.pallas_call(
        body,
        grid=(NBLK,),
        in_specs=[
            pl.BlockSpec((RP, 128), lambda i: (i, 0)),
            pl.BlockSpec((RP, 128), lambda i: (i + NBLK, 0)),
            pl.BlockSpec((RP, 128), lambda i: (i, 0)),
        ],
        out_specs=[
            pl.BlockSpec((RP, 128), lambda i: (i, 0)),
            pl.BlockSpec((RP, 128), lambda i: (i, 0)),
        ],
        out_shape=[
            jax.ShapeDtypeStruct((NP, 128), jnp.float32),
            jax.ShapeDtypeStruct((NP, 128), jnp.float32),
        ],
    )(d0p, d1p, xw1p)


def _tc_mid(a0p, a1p, y1p, dinvp, W2b, b1t):

    def body(a0_ref, a1_ref, y1_ref, dinv_ref, w_ref, b_ref, y2_ref):
        dinv = dinv_ref[...]
        h1 = jnp.maximum(
            dinv * (a0_ref[...] + a1_ref[...] + y1_ref[...]) + b_ref[...],
            0.0)
        y2_ref[...] = dinv * jnp.dot(h1, w_ref[...],
                                     preferred_element_type=jnp.float32,
                                     precision=lax.Precision.HIGHEST)

    return pl.pallas_call(
        body,
        grid=(NBLK,),
        in_specs=[
            pl.BlockSpec((RP, 128), lambda i: (i, 0)),
            pl.BlockSpec((RP, 128), lambda i: (i + NBLK, 0)),
            pl.BlockSpec((RP, 128), lambda i: (i, 0)),
            pl.BlockSpec((RP, 128), lambda i: (i, 0)),
            pl.BlockSpec((128, 128), lambda i: (0, 0)),
            pl.BlockSpec((1, 128), lambda i: (0, 0)),
        ],
        out_specs=pl.BlockSpec((RP, 128), lambda i: (i, 0)),
        out_shape=jax.ShapeDtypeStruct((NP, 128), jnp.float32),
    )(a0p, a1p, y1p, dinvp, W2b, b1t)


def _tc_final(a0p, a1p, y2p, dinvp, b2t, batR, Wlin, blin):

    def body(a0_ref, a1_ref, y2_ref, dinv_ref, b_ref, bat_ref, wlin_ref,
             blin_ref, out_ref, pool_ref):
        i = pl.program_id(0)

        @pl.when(i == 0)
        def _():
            pool_ref[...] = jnp.zeros((G, F), jnp.float32)

        h2 = dinv_ref[...] * (a0_ref[...] + a1_ref[...] + y2_ref[...]) \
            + b_ref[...]
        rid = lax.broadcasted_iota(jnp.int32, (RP, 1), 0) + i * RP
        h2 = jnp.where(rid < NP, h2, 0.0)
        bat = bat_ref[...]
        giota = lax.broadcasted_iota(jnp.int32, (G, 1), 0)
        acc = jnp.zeros((G, F), jnp.float32)
        for a in range(8):
            oh = (bat[0, a:a + 1, :] == giota).astype(jnp.float32)
            acc = acc + jnp.dot(oh, h2[:, 16 * a:16 * a + 16],
                                preferred_element_type=jnp.float32,
                                precision=lax.Precision.HIGHEST)
        pool_ref[...] += acc

        @pl.when(i == NBLK - 1)
        def _():
            logits = jnp.dot(pool_ref[...], wlin_ref[...],
                             preferred_element_type=jnp.float32,
                             precision=lax.Precision.HIGHEST) + blin_ref[...]
            m = jnp.max(logits, axis=1, keepdims=True)
            s = jnp.sum(jnp.exp(logits - m), axis=1, keepdims=True)
            out_ref[...] = logits - m - jnp.log(s)

    return pl.pallas_call(
        body,
        grid=(NBLK,),
        in_specs=[
            pl.BlockSpec((RP, 128), lambda i: (i, 0)),
            pl.BlockSpec((RP, 128), lambda i: (i + NBLK, 0)),
            pl.BlockSpec((RP, 128), lambda i: (i, 0)),
            pl.BlockSpec((RP, 128), lambda i: (i, 0)),
            pl.BlockSpec((1, 128), lambda i: (0, 0)),
            pl.BlockSpec((1, 8, RP), lambda i: (i, 0, 0)),
            pl.BlockSpec((F, CLS), lambda i: (0, 0)),
            pl.BlockSpec((1, CLS), lambda i: (0, 0)),
        ],
        out_specs=pl.BlockSpec((G, CLS), lambda i: (0, 0)),
        out_shape=jax.ShapeDtypeStruct((G, CLS), jnp.float32),
        scratch_shapes=[pltpu.VMEM((G, F), jnp.float32)],
    )(a0p, a1p, y2p, dinvp, b2t, batR, Wlin, blin)


def kernel(x, edge_index, batch, W1, b1, W2, b2, Wlin, blin):
    def lay_out(idx, pad_vals):
        iw = idx.reshape(NW, EWR)
        pa = jnp.broadcast_to(pad_vals[:PAD_A], (NW, PAD_A))
        pt = jnp.broadcast_to(pad_vals[PAD_A:PAD_A + PAD_TAIL],
                              (NW, PAD_TAIL))
        return jnp.concatenate(
            [iw[:, :CUT], pa, iw[:, CUT:], pt], axis=1).reshape(NROWS2, CH)

    src = edge_index[0]
    dst = edge_index[1]
    padi = jnp.arange(PAD_A + PAD_TAIL, dtype=jnp.int32)
    srcp = lay_out(src, padi % np.int32(N))
    dstp = lay_out(dst, np.int32(N) + padi % np.int32(PAD_ROWS))
    zeros_acc = jnp.zeros((ACC_ROWS, F), jnp.float32)
    ones_rows = jnp.ones((CH, F), jnp.float32)

    eye8 = jnp.eye(8, dtype=jnp.float32)
    xp = jnp.pad(x, ((0, 0), (0, F - 3))).reshape(NP, 128)
    W1b = jnp.kron(eye8, jnp.pad(W1, ((0, F - 3), (0, 0))))
    W2b = jnp.kron(eye8, W2)
    b1t = jnp.tile(b1, 8).reshape(1, 128)
    b2t = jnp.tile(b2, 8).reshape(1, 128)
    batR = jnp.pad(batch, (0, NPB - N), constant_values=G) \
        .reshape(NBLK, RP, 8).transpose(0, 2, 1)

    degp = _sc_degree(dstp, zeros_acc, ones_rows).reshape(NC * ACCP, 128)
    xw1p = _tc_xw1(xp, W1b)
    dinvp, y1p = _tc_prep(degp, degp, xw1p)

    acc1p = _sc_scatter(y1p.reshape(N, F), srcp, dstp,
                        zeros_acc).reshape(NC * ACCP, 128)
    y2p = _tc_mid(acc1p, acc1p, y1p, dinvp, W2b, b1t)

    acc2p = _sc_scatter(y2p.reshape(N, F), srcp, dstp,
                        zeros_acc).reshape(NC * ACCP, 128)
    return _tc_final(acc2p, acc2p, y2p, dinvp, b2t, batR,
                     Wlin, blin.reshape(1, CLS))

# --- scband reference (transcript-rebuilt; emitter-appended) ---
"""Pipeline reference for scband-gnn-20151986553191 (READ-ONLY COPY).

The authoritative reference and input builder live on the scoring server;
editing this copy changes nothing except your own understanding.
"""

import jax, jax.numpy as jnp
import numpy as np

N_NODES = 100000
N_EDGES = 3200000
N_GRAPHS = 64


def setup_inputs(seed: int = 0) -> dict:
    key = jax.random.key(seed)
    k1, k2, k3, k4, k5, k6, k7, k8, k9 = jax.random.split(key, 9)
    x = jax.random.normal(k1, (N_NODES, 3), dtype=jnp.float32)
    edge_index = jax.random.randint(k2, (2, N_EDGES), 0, N_NODES, dtype=jnp.int32)
    batch = jnp.sort(jax.random.randint(k3, (N_NODES,), 0, N_GRAPHS, dtype=jnp.int32))
    # GCNConv(3,16) params (glorot-ish init)
    W1 = jax.random.normal(k4, (3, 16), dtype=jnp.float32) * (1.0 / np.sqrt(3))
    b1 = jnp.zeros((16,), dtype=jnp.float32)
    # GCNConv(16,16) params
    W2 = jax.random.normal(k5, (16, 16), dtype=jnp.float32) * (1.0 / np.sqrt(16))
    b2 = jnp.zeros((16,), dtype=jnp.float32)
    # Linear(16,7) params
    Wlin = jax.random.normal(k6, (16, 7), dtype=jnp.float32) * (1.0 / np.sqrt(16))
    blin = jnp.zeros((7,), dtype=jnp.float32)
    return {"x": x, "edge_index": edge_index, "batch": batch,
            "W1": W1, "b1": b1, "W2": W2, "b2": b2, "Wlin": Wlin, "blin": blin}


def _gcn_conv(x, edge_index, W, b, n_nodes):
    # xw = x @ W
    xw = x @ W
    src = edge_index[0]
    dst = edge_index[1]
    # add self-loops (PyG GCNConv default add_self_loops=True)
    loop = jnp.arange(n_nodes, dtype=src.dtype)
    src = jnp.concatenate([src, loop])
    dst = jnp.concatenate([dst, loop])
    # symmetric normalization deg^{-1/2} A deg^{-1/2}
    deg = jnp.zeros((n_nodes,), dtype=xw.dtype).at[dst].add(1.0)
    deg_inv_sqrt = jnp.where(deg > 0, deg ** -0.5, 0.0)
    norm = deg_inv_sqrt[src] * deg_inv_sqrt[dst]
    msg = xw[src] * norm[:, None]
    out = jax.ops.segment_sum(msg, dst, num_segments=n_nodes)
    return out + b


def reference(x, edge_index, batch, W1, b1, W2, b2, Wlin, blin):
    n_nodes = x.shape[0]
    h = _gcn_conv(x, edge_index, W1, b1, n_nodes)
    h = jax.nn.relu(h)
    h = _gcn_conv(h, edge_index, W2, b2, n_nodes)
    # global_add_pool over batch assignment
    pooled = jax.ops.segment_sum(h, batch, num_segments=N_GRAPHS)
    logits = pooled @ Wlin + blin
    return jax.nn.log_softmax(logits, axis=1)

if __name__ == "__main__":
    import jax
    _d = setup_inputs()
    print(jax.jit(kernel)(*tuple(_d.values())))

</pallas_src>

<mosaic_0001>
#map = affine_map<(d0, d1) -> (0, 0)>
module attributes {stable_mosaic.version = 14 : i64} {
  func.func @kern(%arg0: i32, %arg1: i32, %arg2: memref<100000x16xf32, #tpu.memory_space<hbm>>, %arg3: memref<25600x128xi32, #tpu.memory_space<hbm>>, %arg4: memref<25600x128xi32, #tpu.memory_space<hbm>>, %arg5: memref<100096x16xf32, #tpu.memory_space<hbm>>, %arg6: memref<200192x16xf32, #tpu.memory_space<hbm>>, %arg7: memref<2x8x128xi32, #tpu.memory_space<vmem>>, %arg8: memref<2x8x128xi32, #tpu.memory_space<vmem>>, %arg9: memref<8x128x16xf32, #tpu.memory_space<vmem>>, %arg10: memref<128x16xf32, #tpu.memory_space<vmem>>, %arg11: memref<100096x16xf32, #tpu.memory_space<vmem_shared>>, %arg12: memref<2x!tpu.dma_semaphore, #tpu.memory_space<semaphore_mem>>, %arg13: memref<8x!tpu.dma_semaphore, #tpu.memory_space<semaphore_mem>>, %arg14: memref<8x!tpu.dma_semaphore, #tpu.memory_space<semaphore_mem>>) attributes {dimension_semantics = [#tpu.dimension_semantics<core_parallel>, #tpu.dimension_semantics<subcore_parallel>], iteration_bounds = array<i64: 2, 16>, scalar_prefetch = 0 : i64, scratch_operands = 8 : i64, tpu.core_type = #tpu.core_type<sc_vector_subcore>, window_params = [{transform_indices = #map}, {transform_indices = #map}, {transform_indices = #map}, {transform_indices = #map}, {transform_indices = #map}]} {
    %mul3A = arith.constant 2 : i32
    %mul3A_0 = arith.muli %arg1, %mul3A : i32
    %add3A = arith.addi %mul3A_0, %arg0 : i32
    %mul3A_1 = arith.constant 6256 : i32
    %mul3A_2 = arith.muli %arg1, %mul3A_1 : i32
    %mul3A_3 = arith.constant 6256 : i32
    %mul3A_4 = arith.muli %arg1, %mul3A_3 : i32
    "tpu.region"() ({
      %run_scoped3A_52 = tpu.sem_alloc : memref<!tpu.dma_semaphore, #tpu.memory_space<semaphore_mem>>
      %dma_start3A = arith.constant 0 : i32
      %dma_start3A_53 = tpu.memref_slice %arg11[%mul3A_4, %dma_start3A] : memref<100096x16xf32, #tpu.memory_space<vmem_shared>> -> memref<6256x16xf32, #tpu.memory_space<vmem_shared>>
      %dma_start3A_54 = arith.constant 0 : i32
      %dma_start3A_55 = tpu.memref_slice %arg5[%mul3A_2, %dma_start3A_54] : memref<100096x16xf32, #tpu.memory_space<hbm>> -> memref<6256x16xf32, #tpu.memory_space<hbm>>
      tpu.enqueue_dma source(%dma_start3A_55 : memref<6256x16xf32, #tpu.memory_space<hbm>>) target(%dma_start3A_53 : memref<6256x16xf32, #tpu.memory_space<vmem_shared>>) target_semaphore(%run_scoped3A_52 : memref<!tpu.dma_semaphore, #tpu.memory_space<semaphore_mem>>)
      %dma_wait3A = arith.constant 0 : i32
      %dma_wait3A_56 = tpu.memref_slice %arg11[%mul3A_4, %dma_wait3A] : memref<100096x16xf32, #tpu.memory_space<vmem_shared>> -> memref<6256x16xf32, #tpu.memory_space<vmem_shared>>
      %dma_wait3A_57 = arith.constant 0 : i32
      %dma_wait3A_58 = tpu.memref_slice %arg5[%mul3A_2, %dma_wait3A_57] : memref<100096x16xf32, #tpu.memory_space<hbm>> -> memref<6256x16xf32, #tpu.memory_space<hbm>>
      tpu.wait_dma2 semaphore(%run_scoped3A_52 : memref<!tpu.dma_semaphore, #tpu.memory_space<semaphore_mem>>) src(%dma_wait3A_58 : memref<6256x16xf32, #tpu.memory_space<hbm>>) dst(%dma_wait3A_56 : memref<6256x16xf32, #tpu.memory_space<vmem_shared>>)
      tpu.yield
    }) : () -> ()
    "tpu.region"() ({
      %run_scoped3A_52 = tpu.sem_alloc : memref<!tpu.dma_semaphore, #tpu.memory_space<semaphore_mem>>
      %dma_start3A = arith.constant 0 : i32
      %dma_start3A_53 = arith.constant 0 : i32
      %dma_start3A_54 = tpu.memref_slice %arg5[%dma_start3A, %dma_start3A_53] : memref<100096x16xf32, #tpu.memory_space<hbm>> -> memref<128x16xf32, #tpu.memory_space<hbm>>
      %dma_start3A_55 = arith.constant 0 : i32
      %dma_start3A_56 = arith.constant 0 : i32
      %dma_start3A_57 = tpu.memref_slice %arg5[%dma_start3A_55, %dma_start3A_56] : memref<100096x16xf32, #tpu.memory_space<hbm>> -> memref<128x16xf32, #tpu.memory_space<hbm>>
      tpu.enqueue_dma source(%dma_start3A_57 : memref<128x16xf32, #tpu.memory_space<hbm>>) target(%arg10 : memref<128x16xf32, #tpu.memory_space<vmem>>) target_semaphore(%run_scoped3A_52 : memref<!tpu.dma_semaphore, #tpu.memory_space<semaphore_mem>>)
      %dma_wait3A = arith.constant 0 : i32
      %dma_wait3A_58 = arith.constant 0 : i32
      %dma_wait3A_59 = tpu.memref_slice %arg5[%dma_wait3A, %dma_wait3A_58] : memref<100096x16xf32, #tpu.memory_space<hbm>> -> memref<128x16xf32, #tpu.memory_space<hbm>>
      %dma_wait3A_60 = arith.constant 0 : i32
      %dma_wait3A_61 = arith.constant 0 : i32
      %dma_wait3A_62 = tpu.memref_slice %arg5[%dma_wait3A_60, %dma_wait3A_61] : memref<100096x16xf32, #tpu.memory_space<hbm>> -> memref<128x16xf32, #tpu.memory_space<hbm>>
      tpu.wait_dma2 semaphore(%run_scoped3A_52 : memref<!tpu.dma_semaphore, #tpu.memory_space<semaphore_mem>>) src(%dma_wait3A_62 : memref<128x16xf32, #tpu.memory_space<hbm>>) dst(%arg10 : memref<128x16xf32, #tpu.memory_space<vmem>>)
      tpu.yield
    }) : () -> ()
    %barrier3A = arith.constant 0 : index
    tpu.barrier barrier_id(%barrier3A)
    %mul3A_5 = arith.constant 800 : i32
    %mul3A_6 = arith.muli %add3A, %mul3A_5 : i32
    %run_scoped3A = arith.constant 0 : i32
    "tpu.region"() ({
      %run_scoped3A_52 = tpu.sem_alloc : memref<!tpu.dma_semaphore, #tpu.memory_space<semaphore_mem>>
      %dma_start3A = arith.constant 0 : i32
      %dma_start3A_53 = arith.constant 0 : i32
      %dma_start3A_54 = tpu.memref_slice %arg7[%run_scoped3A, %dma_start3A, %dma_start3A_53] : memref<2x8x128xi32, #tpu.memory_space<vmem>> -> memref<1x8x128xi32, #tpu.memory_space<vmem>>
      %dma_start3A_55 = tpu.memref_squeeze %dma_start3A_54 : memref<1x8x128xi32, #tpu.memory_space<vmem>> -> memref<8x128xi32, #tpu.memory_space<vmem>>
      %dma_start3A_56 = arith.constant 0 : i32
      %dma_start3A_57 = tpu.memref_slice %arg3[%mul3A_6, %dma_start3A_56] : memref<25600x128xi32, #tpu.memory_space<hbm>> -> memref<8x128xi32, #tpu.memory_space<hbm>>
      %dma_start3A_58 = arith.constant 0 : i32
      %dma_start3A_59 = arith.constant 0 : i32
      %dma_start3A_60 = tpu.memref_slice %arg7[%run_scoped3A, %dma_start3A_58, %dma_start3A_59] : memref<2x8x128xi32, #tpu.memory_space<vmem>> -> memref<1x8x128xi32, #tpu.memory_space<vmem>>
      %dma_start3A_61 = tpu.memref_squeeze %dma_start3A_60 : memref<1x8x128xi32, #tpu.memory_space<vmem>> -> memref<8x128xi32, #tpu.memory_space<vmem>>
      %dma_start3A_62 = arith.constant 0 : i32
      %dma_start3A_63 = tpu.memref_slice %arg3[%mul3A_6, %dma_start3A_62] : memref<25600x128xi32, #tpu.memory_space<hbm>> -> memref<8x128xi32, #tpu.memory_space<hbm>>
      tpu.enqueue_dma source(%dma_start3A_63 : memref<8x128xi32, #tpu.memory_space<hbm>>) target(%dma_start3A_61 : memref<8x128xi32, #tpu.memory_space<vmem>>) target_semaphore(%run_scoped3A_52 : memref<!tpu.dma_semaphore, #tpu.memory_space<semaphore_mem>>)
      %dma_wait3A = arith.constant 0 : i32
      %dma_wait3A_64 = arith.constant 0 : i32
      %dma_wait3A_65 = tpu.memref_slice %arg7[%run_scoped3A, %dma_wait3A, %dma_wait3A_64] : memref<2x8x128xi32, #tpu.memory_space<vmem>> -> memref<1x8x128xi32, #tpu.memory_space<vmem>>
      %dma_wait3A_66 = tpu.memref_squeeze %dma_wait3A_65 : memref<1x8x128xi32, #tpu.memory_space<vmem>> -> memref<8x128xi32, #tpu.memory_space<vmem>>
      %dma_wait3A_67 = arith.constant 0 : i32
      %dma_wait3A_68 = tpu.memref_slice %arg3[%mul3A_6, %dma_wait3A_67] : memref<25600x128xi32, #tpu.memory_space<hbm>> -> memref<8x128xi32, #tpu.memory_space<hbm>>
      %dma_wait3A_69 = arith.constant 0 : i32
      %dma_wait3A_70 = arith.constant 0 : i32
      %dma_wait3A_71 = tpu.memref_slice %arg7[%run_scoped3A, %dma_wait3A_69, %dma_wait3A_70] : memref<2x8x128xi32, #tpu.memory_space<vmem>> -> memref<1x8x128xi32, #tpu.memory_space<vmem>>
      %dma_wait3A_72 = tpu.memref_squeeze %dma_wait3A_71 : memref<1x8x128xi32, #tpu.memory_space<vmem>> -> memref<8x128xi32, #tpu.memory_space<vmem>>
      %dma_wait3A_73 = arith.constant 0 : i32
      %dma_wait3A_74 = tpu.memref_slice %arg3[%mul3A_6, %dma_wait3A_73] : memref<25600x128xi32, #tpu.memory_space<hbm>> -> memref<8x128xi32, #tpu.memory_space<hbm>>
      tpu.wait_dma2 semaphore(%run_scoped3A_52 : memref<!tpu.dma_semaphore, #tpu.memory_space<semaphore_mem>>) src(%dma_wait3A_74 : memref<8x128xi32, #tpu.memory_space<hbm>>) dst(%dma_wait3A_72 : memref<8x128xi32, #tpu.memory_space<vmem>>)
      tpu.yield
    }) : () -> ()
    %run_scoped3A_7 = arith.constant 0 : i32
    "tpu.region"() ({
      %run_scoped3A_52 = tpu.sem_alloc : memref<!tpu.dma_semaphore, #tpu.memory_space<semaphore_mem>>
      %dma_start3A = arith.constant 0 : i32
      %dma_start3A_53 = arith.constant 0 : i32
      %dma_start3A_54 = tpu.memref_slice %arg8[%run_scoped3A_7, %dma_start3A, %dma_start3A_53] : memref<2x8x128xi32, #tpu.memory_space<vmem>> -> memref<1x8x128xi32, #tpu.memory_space<vmem>>
      %dma_start3A_55 = tpu.memref_squeeze %dma_start3A_54 : memref<1x8x128xi32, #tpu.memory_space<vmem>> -> memref<8x128xi32, #tpu.memory_space<vmem>>
      %dma_start3A_56 = arith.constant 0 : i32
      %dma_start3A_57 = tpu.memref_slice %arg4[%mul3A_6, %dma_start3A_56] : memref<25600x128xi32, #tpu.memory_space<hbm>> -> memref<8x128xi32, #tpu.memory_space<hbm>>
      %dma_start3A_58 = arith.constant 0 : i32
      %dma_start3A_59 = arith.constant 0 : i32
      %dma_start3A_60 = tpu.memref_slice %arg8[%run_scoped3A_7, %dma_start3A_58, %dma_start3A_59] : memref<2x8x128xi32, #tpu.memory_space<vmem>> -> memref<1x8x128xi32, #tpu.memory_space<vmem>>
      %dma_start3A_61 = tpu.memref_squeeze %dma_start3A_60 : memref<1x8x128xi32, #tpu.memory_space<vmem>> -> memref<8x128xi32, #tpu.memory_space<vmem>>
      %dma_start3A_62 = arith.constant 0 : i32
      %dma_start3A_63 = tpu.memref_slice %arg4[%mul3A_6, %dma_start3A_62] : memref<25600x128xi32, #tpu.memory_space<hbm>> -> memref<8x128xi32, #tpu.memory_space<hbm>>
      tpu.enqueue_dma source(%dma_start3A_63 : memref<8x128xi32, #tpu.memory_space<hbm>>) target(%dma_start3A_61 : memref<8x128xi32, #tpu.memory_space<vmem>>) target_semaphore(%run_scoped3A_52 : memref<!tpu.dma_semaphore, #tpu.memory_space<semaphore_mem>>)
      %dma_wait3A = arith.constant 0 : i32
      %dma_wait3A_64 = arith.constant 0 : i32
      %dma_wait3A_65 = tpu.memref_slice %arg8[%run_scoped3A_7, %dma_wait3A, %dma_wait3A_64] : memref<2x8x128xi32, #tpu.memory_space<vmem>> -> memref<1x8x128xi32, #tpu.memory_space<vmem>>
      %dma_wait3A_66 = tpu.memref_squeeze %dma_wait3A_65 : memref<1x8x128xi32, #tpu.memory_space<vmem>> -> memref<8x128xi32, #tpu.memory_space<vmem>>
      %dma_wait3A_67 = arith.constant 0 : i32
      %dma_wait3A_68 = tpu.memref_slice %arg4[%mul3A_6, %dma_wait3A_67] : memref<25600x128xi32, #tpu.memory_space<hbm>> -> memref<8x128xi32, #tpu.memory_space<hbm>>
      %dma_wait3A_69 = arith.constant 0 : i32
      %dma_wait3A_70 = arith.constant 0 : i32
      %dma_wait3A_71 = tpu.memref_slice %arg8[%run_scoped3A_7, %dma_wait3A_69, %dma_wait3A_70] : memref<2x8x128xi32, #tpu.memory_space<vmem>> -> memref<1x8x128xi32, #tpu.memory_space<vmem>>
      %dma_wait3A_72 = tpu.memref_squeeze %dma_wait3A_71 : memref<1x8x128xi32, #tpu.memory_space<vmem>> -> memref<8x128xi32, #tpu.memory_space<vmem>>
      %dma_wait3A_73 = arith.constant 0 : i32
      %dma_wait3A_74 = tpu.memref_slice %arg4[%mul3A_6, %dma_wait3A_73] : memref<25600x128xi32, #tpu.memory_space<hbm>> -> memref<8x128xi32, #tpu.memory_space<hbm>>
      tpu.wait_dma2 semaphore(%run_scoped3A_52 : memref<!tpu.dma_semaphore, #tpu.memory_space<semaphore_mem>>) src(%dma_wait3A_74 : memref<8x128xi32, #tpu.memory_space<hbm>>) dst(%dma_wait3A_72 : memref<8x128xi32, #tpu.memory_space<vmem>>)
      tpu.yield
    }) : () -> ()
    %scan3A = arith.constant 0 : i32
    %scan3A_8 = arith.constant 100 : i32
    %scan3A_9 = arith.addi %scan3A, %scan3A_8 : i32
    %scan3A_10 = arith.constant 1 : i32
    scf.for %scan3A_52 = %scan3A to %scan3A_9 step %scan3A_10  : i32 {
      %mul3A_53 = arith.constant 1 : i32
      %mul3A_54 = arith.muli %scan3A_52, %mul3A_53 : i32
      %add3A_55 = arith.constant 0 : i32
      %add3A_56 = arith.addi %add3A_55, %mul3A_54 : i32
      %rem3A = arith.constant 2 : i32
      %rem3A_57 = arith.remsi %add3A_56, %rem3A : i32
      %add3A_58 = arith.constant 1 : i32
      %add3A_59 = arith.addi %add3A_56, %add3A_58 : i32
      %rem3A_60 = arith.constant 100 : i32
      %rem3A_61 = arith.remsi %add3A_59, %rem3A_60 : i32
      %mul3A_62 = arith.constant 8 : i32
      %mul3A_63 = arith.muli %rem3A_61, %mul3A_62 : i32
      %add3A_64 = arith.addi %mul3A_6, %mul3A_63 : i32
      %sub3A = arith.constant 1 : i32
      %sub3A_65 = arith.subi %sub3A, %rem3A_57 : i32
      %dma_start3A = arith.constant 0 : i32
      %dma_start3A_66 = arith.constant 0 : i32
      %dma_start3A_67 = arith.constant 0 : i32
      %dma_start3A_68 = tpu.memref_slice %arg7[%sub3A_65, %dma_start3A_66, %dma_start3A_67] : memref<2x8x128xi32, #tpu.memory_space<vmem>> -> memref<1x8x128xi32, #tpu.memory_space<vmem>>
      %dma_start3A_69 = tpu.memref_squeeze %dma_start3A_68 : memref<1x8x128xi32, #tpu.memory_space<vmem>> -> memref<8x128xi32, #tpu.memory_space<vmem>>
      %dma_start3A_70 = arith.constant 0 : i32
      %dma_start3A_71 = tpu.memref_slice %arg3[%add3A_64, %dma_start3A_70] : memref<25600x128xi32, #tpu.memory_space<hbm>> -> memref<8x128xi32, #tpu.memory_space<hbm>>
      %dma_start3A_72 = tpu.memref_slice %arg12[%dma_start3A] : memref<2x!tpu.dma_semaphore, #tpu.memory_space<semaphore_mem>> -> memref<1x!tpu.dma_semaphore, #tpu.memory_space<semaphore_mem>>
      %dma_start3A_73 = tpu.memref_squeeze %dma_start3A_72 : memref<1x!tpu.dma_semaphore, #tpu.memory_space<semaphore_mem>> -> memref<!tpu.dma_semaphore, #tpu.memory_space<semaphore_mem>>
      %dma_start3A_74 = arith.constant 0 : i32
      %dma_start3A_75 = arith.constant 0 : i32
      %dma_start3A_76 = tpu.memref_slice %arg7[%sub3A_65, %dma_start3A_74, %dma_start3A_75] : memref<2x8x128xi32, #tpu.memory_space<vmem>> -> memref<1x8x128xi32, #tpu.memory_space<vmem>>
      %dma_start3A_77 = tpu.memref_squeeze %dma_start3A_76 : memref<1x8x128xi32, #tpu.memory_space<vmem>> -> memref<8x128xi32, #tpu.memory_space<vmem>>
      %dma_start3A_78 = arith.constant 0 : i32
      %dma_start3A_79 = tpu.memref_slice %arg3[%add3A_64, %dma_start3A_78] : memref<25600x128xi32, #tpu.memory_space<hbm>> -> memref<8x128xi32, #tpu.memory_space<hbm>>
      tpu.enqueue_dma source(%dma_start3A_79 : memref<8x128xi32, #tpu.memory_space<hbm>>) target(%dma_start3A_77 : memref<8x128xi32, #tpu.memory_space<vmem>>) target_semaphore(%dma_start3A_73 : memref<!tpu.dma_semaphore, #tpu.memory_space<semaphore_mem>>)
      %sub3A_80 = arith.constant 1 : i32
      %sub3A_81 = arith.subi %sub3A_80, %rem3A_57 : i32
      %dma_start3A_82 = arith.constant 1 : i32
      %dma_start3A_83 = arith.constant 0 : i32
      %dma_start3A_84 = arith.constant 0 : i32
      %dma_start3A_85 = tpu.memref_slice %arg8[%sub3A_81, %dma_start3A_83, %dma_start3A_84] : memref<2x8x128xi32, #tpu.memory_space<vmem>> -> memref<1x8x128xi32, #tpu.memory_space<vmem>>
      %dma_start3A_86 = tpu.memref_squeeze %dma_start3A_85 : memref<1x8x128xi32, #tpu.memory_space<vmem>> -> memref<8x128xi32, #tpu.memory_space<vmem>>
      %dma_start3A_87 = arith.constant 0 : i32
      %dma_start3A_88 = tpu.memref_slice %arg4[%add3A_64, %dma_start3A_87] : memref<25600x128xi32, #tpu.memory_space<hbm>> -> memref<8x128xi32, #tpu.memory_space<hbm>>
      %dma_start3A_89 = tpu.memref_slice %arg12[%dma_start3A_82] : memref<2x!tpu.dma_semaphore, #tpu.memory_space<semaphore_mem>> -> memref<1x!tpu.dma_semaphore, #tpu.memory_space<semaphore_mem>>
      %dma_start3A_90 = tpu.memref_squeeze %dma_start3A_89 : memref<1x!tpu.dma_semaphore, #tpu.memory_space<semaphore_mem>> -> memref<!tpu.dma_semaphore, #tpu.memory_space<semaphore_mem>>
      %dma_start3A_91 = arith.constant 0 : i32
      %dma_start3A_92 = arith.constant 0 : i32
      %dma_start3A_93 = tpu.memref_slice %arg8[%sub3A_81, %dma_start3A_91, %dma_start3A_92] : memref<2x8x128xi32, #tpu.memory_space<vmem>> -> memref<1x8x128xi32, #tpu.memory_space<vmem>>
      %dma_start3A_94 = tpu.memref_squeeze %dma_start3A_93 : memref<1x8x128xi32, #tpu.memory_space<vmem>> -> memref<8x128xi32, #tpu.memory_space<vmem>>
      %dma_start3A_95 = arith.constant 0 : i32
      %dma_start3A_96 = tpu.memref_slice %arg4[%add3A_64, %dma_start3A_95] : memref<25600x128xi32, #tpu.memory_space<hbm>> -> memref<8x128xi32, #tpu.memory_space<hbm>>
      tpu.enqueue_dma source(%dma_start3A_96 : memref<8x128xi32, #tpu.memory_space<hbm>>) target(%dma_start3A_94 : memref<8x128xi32, #tpu.memory_space<vmem>>) target_semaphore(%dma_start3A_90 : memref<!tpu.dma_semaphore, #tpu.memory_space<semaphore_mem>>)
      %dma_start3A_97 = arith.constant 0 : i32
      %dma_start3A_98 = arith.constant 0 : i32
      %dma_start3A_99 = arith.constant 0 : i32
      %dma_start3A_100 = arith.constant 0 : i32
      %dma_start3A_101 = arith.constant 0 : i32
      %dma_start3A_102 = tpu.memref_slice %arg9[%dma_start3A_98, %dma_start3A_100, %dma_start3A_101] : memref<8x128x16xf32, #tpu.memory_space<vmem>> -> memref<1x128x16xf32, #tpu.memory_space<vmem>>
      %dma_start3A_103 = tpu.memref_squeeze %dma_start3A_102 : memref<1x128x16xf32, #tpu.memory_space<vmem>> -> memref<128x16xf32, #tpu.memory_space<vmem>>
      %dma_start3A_104 = arith.constant 0 : i32
      %dma_start3A_105 = tpu.memref_slice %arg7[%rem3A_57, %dma_start3A_97, %dma_start3A_104] : memref<2x8x128xi32, #tpu.memory_space<vmem>> -> memref<1x1x128xi32, #tpu.memory_space<vmem>>
      %dma_start3A_106 = tpu.memref_squeeze %dma_start3A_105 : memref<1x1x128xi32, #tpu.memory_space<vmem>> -> memref<128xi32, #tpu.memory_space<vmem>>
      %dma_start3A_107 = arith.constant 0 : i32
      %dma_start3A_108 = arith.constant 0 : i32
      %dma_start3A_109 = tpu.memref_slice %arg2[%dma_start3A_107, %dma_start3A_108] : memref<100000x16xf32, #tpu.memory_space<hbm>> -> memref<100000x16xf32, #tpu.memory_space<hbm>>
      %dma_start3A_110 = tpu.memref_slice %arg13[%dma_start3A_99] : memref<8x!tpu.dma_semaphore, #tpu.memory_space<semaphore_mem>> -> memref<1x!tpu.dma_semaphore, #tpu.memory_space<semaphore_mem>>
      %dma_start3A_111 = tpu.memref_squeeze %dma_start3A_110 : memref<1x!tpu.dma_semaphore, #tpu.memory_space<semaphore_mem>> -> memref<!tpu.dma_semaphore, #tpu.memory_space<semaphore_mem>>
      tpu.enqueue_indirect_dma source(%dma_start3A_109 : memref<100000x16xf32, #tpu.memory_space<hbm>>) target(%dma_start3A_103 : memref<128x16xf32, #tpu.memory_space<vmem>>) offsets(%dma_start3A_106 : memref<128xi32, #tpu.memory_space<vmem>>) semaphore(%dma_start3A_111 : memref<!tpu.dma_semaphore, #tpu.memory_space<semaphore_mem>>)
      %dma_start3A_112 = arith.constant 1 : i32
      %dma_start3A_113 = arith.constant 1 : i32
      %dma_start3A_114 = arith.constant 1 : i32
      %dma_start3A_115 = arith.constant 0 : i32
      %dma_start3A_116 = arith.constant 0 : i32
      %dma_start3A_117 = tpu.memref_slice %arg9[%dma_start3A_113, %dma_start3A_115, %dma_start3A_116] : memref<8x128x16xf32, #tpu.memory_space<vmem>> -> memref<1x128x16xf32, #tpu.memory_space<vmem>>
      %dma_start3A_118 = tpu.memref_squeeze %dma_start3A_117 : memref<1x128x16xf32, #tpu.memory_space<vmem>> -> memref<128x16xf32, #tpu.memory_space<vmem>>
      %dma_start3A_119 = arith.constant 0 : i32
      %dma_start3A_120 = tpu.memref_slice %arg7[%rem3A_57, %dma_start3A_112, %dma_start3A_119] : memref<2x8x128xi32, #tpu.memory_space<vmem>> -> memref<1x1x128xi32, #tpu.memory_space<vmem>>
      %dma_start3A_121 = tpu.memref_squeeze %dma_start3A_120 : memref<1x1x128xi32, #tpu.memory_space<vmem>> -> memref<128xi32, #tpu.memory_space<vmem>>
      %dma_start3A_122 = arith.constant 0 : i32
      %dma_start3A_123 = arith.constant 0 : i32
      %dma_start3A_124 = tpu.memref_slice %arg2[%dma_start3A_122, %dma_start3A_123] : memref<100000x16xf32, #tpu.memory_space<hbm>> -> memref<100000x16xf32, #tpu.memory_space<hbm>>
      %dma_start3A_125 = tpu.memref_slice %arg13[%dma_start3A_114] : memref<8x!tpu.dma_semaphore, #tpu.memory_space<semaphore_mem>> -> memref<1x!tpu.dma_semaphore, #tpu.memory_space<semaphore_mem>>
      %dma_start3A_126 = tpu.memref_squeeze %dma_start3A_125 : memref<1x!tpu.dma_semaphore, #tpu.memory_space<semaphore_mem>> -> memref<!tpu.dma_semaphore, #tpu.memory_space<semaphore_mem>>
      tpu.enqueue_indirect_dma source(%dma_start3A_124 : memref<100000x16xf32, #tpu.memory_space<hbm>>) target(%dma_start3A_118 : memref<128x16xf32, #tpu.memory_space<vmem>>) offsets(%dma_start3A_121 : memref<128xi32, #tpu.memory_space<vmem>>) semaphore(%dma_start3A_126 : memref<!tpu.dma_semaphore, #tpu.memory_space<semaphore_mem>>)
      %dma_start3A_127 = arith.constant 2 : i32
      %dma_start3A_128 = arith.constant 2 : i32
      %dma_start3A_129 = arith.constant 2 : i32
      %dma_start3A_130 = arith.constant 0 : i32
      %dma_start3A_131 = arith.constant 0 : i32
      %dma_start3A_132 = tpu.memref_slice %arg9[%dma_start3A_128, %dma_start3A_130, %dma_start3A_131] : memref<8x128x16xf32, #tpu.memory_space<vmem>> -> memref<1x128x16xf32, #tpu.memory_space<vmem>>
      %dma_start3A_133 = tpu.memref_squeeze %dma_start3A_132 : memref<1x128x16xf32, #tpu.memory_space<vmem>> -> memref<128x16xf32, #tpu.memory_space<vmem>>
      %dma_start3A_134 = arith.constant 0 : i32
      %dma_start3A_135 = tpu.memref_slice %arg7[%rem3A_57, %dma_start3A_127, %dma_start3A_134] : memref<2x8x128xi32, #tpu.memory_space<vmem>> -> memref<1x1x128xi32, #tpu.memory_space<vmem>>
      %dma_start3A_136 = tpu.memref_squeeze %dma_start3A_135 : memref<1x1x128xi32, #tpu.memory_space<vmem>> -> memref<128xi32, #tpu.memory_space<vmem>>
      %dma_start3A_137 = arith.constant 0 : i32
      %dma_start3A_138 = arith.constant 0 : i32
      %dma_start3A_139 = tpu.memref_slice %arg2[%dma_start3A_137, %dma_start3A_138] : memref<100000x16xf32, #tpu.memory_space<hbm>> -> memref<100000x16xf32, #tpu.memory_space<hbm>>
      %dma_start3A_140 = tpu.memref_slice %arg13[%dma_start3A_129] : memref<8x!tpu.dma_semaphore, #tpu.memory_space<semaphore_mem>> -> memref<1x!tpu.dma_semaphore, #tpu.memory_space<semaphore_mem>>
      %dma_start3A_141 = tpu.memref_squeeze %dma_start3A_140 : memref<1x!tpu.dma_semaphore, #tpu.memory_space<semaphore_mem>> -> memref<!tpu.dma_semaphore, #tpu.memory_space<semaphore_mem>>
      tpu.enqueue_indirect_dma source(%dma_start3A_139 : memref<100000x16xf32, #tpu.memory_space<hbm>>) target(%dma_start3A_133 : memref<128x16xf32, #tpu.memory_space<vmem>>) offsets(%dma_start3A_136 : memref<128xi32, #tpu.memory_space<vmem>>) semaphore(%dma_start3A_141 : memref<!tpu.dma_semaphore, #tpu.memory_space<semaphore_mem>>)
      %dma_start3A_142 = arith.constant 3 : i32
      %dma_start3A_143 = arith.constant 3 : i32
      %dma_start3A_144 = arith.constant 3 : i32
      %dma_start3A_145 = arith.constant 0 : i32
      %dma_start3A_146 = arith.constant 0 : i32
      %dma_start3A_147 = tpu.memref_slice %arg9[%dma_start3A_143, %dma_start3A_145, %dma_start3A_146] : memref<8x128x16xf32, #tpu.memory_space<vmem>> -> memref<1x128x16xf32, #tpu.memory_space<vmem>>
      %dma_start3A_148 = tpu.memref_squeeze %dma_start3A_147 : memref<1x128x16xf32, #tpu.memory_space<vmem>> -> memref<128x16xf32, #tpu.memory_space<vmem>>
      %dma_start3A_149 = arith.constant 0 : i32
      %dma_start3A_150 = tpu.memref_slice %arg7[%rem3A_57, %dma_start3A_142, %dma_start3A_149] : memref<2x8x128xi32, #tpu.memory_space<vmem>> -> memref<1x1x128xi32, #tpu.memory_space<vmem>>
      %dma_start3A_151 = tpu.memref_squeeze %dma_start3A_150 : memref<1x1x128xi32, #tpu.memory_space<vmem>> -> memref<128xi32, #tpu.memory_space<vmem>>
      %dma_start3A_152 = arith.constant 0 : i32
      %dma_start3A_153 = arith.constant 0 : i32
      %dma_start3A_154 = tpu.memref_slice %arg2[%dma_start3A_152, %dma_start3A_153] : memref<100000x16xf32, #tpu.memory_space<hbm>> -> memref<100000x16xf32, #tpu.memory_space<hbm>>
      %dma_start3A_155 = tpu.memref_slice %arg13[%dma_start3A_144] : memref<8x!tpu.dma_semaphore, #tpu.memory_space<semaphore_mem>> -> memref<1x!tpu.dma_semaphore, #tpu.memory_space<semaphore_mem>>
      %dma_start3A_156 = tpu.memref_squeeze %dma_start3A_155 : memref<1x!tpu.dma_semaphore, #tpu.memory_space<semaphore_mem>> -> memref<!tpu.dma_semaphore, #tpu.memory_space<semaphore_mem>>
      tpu.enqueue_indirect_dma source(%dma_start3A_154 : memref<100000x16xf32, #tpu.memory_space<hbm>>) target(%dma_start3A_148 : memref<128x16xf32, #tpu.memory_space<vmem>>) offsets(%dma_start3A_151 : memref<128xi32, #tpu.memory_space<vmem>>) semaphore(%dma_start3A_156 : memref<!tpu.dma_semaphore, #tpu.memory_space<semaphore_mem>>)
      %dma_start3A_157 = arith.constant 4 : i32
      %dma_start3A_158 = arith.constant 4 : i32
      %dma_start3A_159 = arith.constant 4 : i32
      %dma_start3A_160 = arith.constant 0 : i32
      %dma_start3A_161 = arith.constant 0 : i32
      %dma_start3A_162 = tpu.memref_slice %arg9[%dma_start3A_158, %dma_start3A_160, %dma_start3A_161] : memref<8x128x16xf32, #tpu.memory_space<vmem>> -> memref<1x128x16xf32, #tpu.memory_space<vmem>>
      %dma_start3A_163 = tpu.memref_squeeze %dma_start3A_162 : memref<1x128x16xf32, #tpu.memory_space<vmem>> -> memref<128x16xf32, #tpu.memory_space<vmem>>
      %dma_start3A_164 = arith.constant 0 : i32
      %dma_start3A_165 = tpu.memref_slice %arg7[%rem3A_57, %dma_start3A_157, %dma_start3A_164] : memref<2x8x128xi32, #tpu.memory_space<vmem>> -> memref<1x1x128xi32, #tpu.memory_space<vmem>>
      %dma_start3A_166 = tpu.memref_squeeze %dma_start3A_165 : memref<1x1x128xi32, #tpu.memory_space<vmem>> -> memref<128xi32, #tpu.memory_space<vmem>>
      %dma_start3A_167 = arith.constant 0 : i32
      %dma_start3A_168 = arith.constant 0 : i32
      %dma_start3A_169 = tpu.memref_slice %arg2[%dma_start3A_167, %dma_start3A_168] : memref<100000x16xf32, #tpu.memory_space<hbm>> -> memref<100000x16xf32, #tpu.memory_space<hbm>>
      %dma_start3A_170 = tpu.memref_slice %arg13[%dma_start3A_159] : memref<8x!tpu.dma_semaphore, #tpu.memory_space<semaphore_mem>> -> memref<1x!tpu.dma_semaphore, #tpu.memory_space<semaphore_mem>>
      %dma_start3A_171 = tpu.memref_squeeze %dma_start3A_170 : memref<1x!tpu.dma_semaphore, #tpu.memory_space<semaphore_mem>> -> memref<!tpu.dma_semaphore, #tpu.memory_space<semaphore_mem>>
      tpu.enqueue_indirect_dma source(%dma_start3A_169 : memref<100000x16xf32, #tpu.memory_space<hbm>>) target(%dma_start3A_163 : memref<128x16xf32, #tpu.memory_space<vmem>>) offsets(%dma_start3A_166 : memref<128xi32, #tpu.memory_space<vmem>>) semaphore(%dma_start3A_171 : memref<!tpu.dma_semaphore, #tpu.memory_space<semaphore_mem>>)
      %dma_start3A_172 = arith.constant 5 : i32
      %dma_start3A_173 = arith.constant 5 : i32
      %dma_start3A_174 = arith.constant 5 : i32
      %dma_start3A_175 = arith.constant 0 : i32
      %dma_start3A_176 = arith.constant 0 : i32
      %dma_start3A_177 = tpu.memref_slice %arg9[%dma_start3A_173, %dma_start3A_175, %dma_start3A_176] : memref<8x128x16xf32, #tpu.memory_space<vmem>> -> memref<1x128x16xf32, #tpu.memory_space<vmem>>
      %dma_start3A_178 = tpu.memref_squeeze %dma_start3A_177 : memref<1x128x16xf32, #tpu.memory_space<vmem>> -> memref<128x16xf32, #tpu.memory_space<vmem>>
      %dma_start3A_179 = arith.constant 0 : i32
      %dma_start3A_180 = tpu.memref_slice %arg7[%rem3A_57, %dma_start3A_172, %dma_start3A_179] : memref<2x8x128xi32, #tpu.memory_space<vmem>> -> memref<1x1x128xi32, #tpu.memory_space<vmem>>
      %dma_start3A_181 = tpu.memref_squeeze %dma_start3A_180 : memref<1x1x128xi32, #tpu.memory_space<vmem>> -> memref<128xi32, #tpu.memory_space<vmem>>
      %dma_start3A_182 = arith.constant 0 : i32
      %dma_start3A_183 = arith.constant 0 : i32
      %dma_start3A_184 = tpu.memref_slice %arg2[%dma_start3A_182, %dma_start3A_183] : memref<100000x16xf32, #tpu.memory_space<hbm>> -> memref<100000x16xf32, #tpu.memory_space<hbm>>
      %dma_start3A_185 = tpu.memref_slice %arg13[%dma_start3A_174] : memref<8x!tpu.dma_semaphore, #tpu.memory_space<semaphore_mem>> -> memref<1x!tpu.dma_semaphore, #tpu.memory_space<semaphore_mem>>
      %dma_start3A_186 = tpu.memref_squeeze %dma_start3A_185 : memref<1x!tpu.dma_semaphore, #tpu.memory_space<semaphore_mem>> -> memref<!tpu.dma_semaphore, #tpu.memory_space<semaphore_mem>>
      tpu.enqueue_indirect_dma source(%dma_start3A_184 : memref<100000x16xf32, #tpu.memory_space<hbm>>) target(%dma_start3A_178 : memref<128x16xf32, #tpu.memory_space<vmem>>) offsets(%dma_start3A_181 : memref<128xi32, #tpu.memory_space<vmem>>) semaphore(%dma_start3A_186 : memref<!tpu.dma_semaphore, #tpu.memory_space<semaphore_mem>>)
      %dma_start3A_187 = arith.constant 6 : i32
      %dma_start3A_188 = arith.constant 6 : i32
      %dma_start3A_189 = arith.constant 6 : i32
      %dma_start3A_190 = arith.constant 0 : i32
      %dma_start3A_191 = arith.constant 0 : i32
      %dma_start3A_192 = tpu.memref_slice %arg9[%dma_start3A_188, %dma_start3A_190, %dma_start3A_191] : memref<8x128x16xf32, #tpu.memory_space<vmem>> -> memref<1x128x16xf32, #tpu.memory_space<vmem>>
      %dma_start3A_193 = tpu.memref_squeeze %dma_start3A_192 : memref<1x128x16xf32, #tpu.memory_space<vmem>> -> memref<128x16xf32, #tpu.memory_space<vmem>>
      %dma_start3A_194 = arith.constant 0 : i32
      %dma_start3A_195 = tpu.memref_slice %arg7[%rem3A_57, %dma_start3A_187, %dma_start3A_194] : memref<2x8x128xi32, #tpu.memory_space<vmem>> -> memref<1x1x128xi32, #tpu.memory_space<vmem>>
      %dma_start3A_196 = tpu.memref_squeeze %dma_start3A_195 : memref<1x1x128xi32, #tpu.memory_space<vmem>> -> memref<128xi32, #tpu.memory_space<vmem>>
      %dma_start3A_197 = arith.constant 0 : i32
      %dma_start3A_198 = arith.constant 0 : i32
      %dma_start3A_199 = tpu.memref_slice %arg2[%dma_start3A_197, %dma_start3A_198] : memref<100000x16xf32, #tpu.memory_space<hbm>> -> memref<100000x16xf32, #tpu.memory_space<hbm>>
      %dma_start3A_200 = tpu.memref_slice %arg13[%dma_start3A_189] : memref<8x!tpu.dma_semaphore, #tpu.memory_space<semaphore_mem>> -> memref<1x!tpu.dma_semaphore, #tpu.memory_space<semaphore_mem>>
      %dma_start3A_201 = tpu.memref_squeeze %dma_start3A_200 : memref<1x!tpu.dma_semaphore, #tpu.memory_space<semaphore_mem>> -> memref<!tpu.dma_semaphore, #tpu.memory_space<semaphore_mem>>
      tpu.enqueue_indirect_dma source(%dma_start3A_199 : memref<100000x16xf32, #tpu.memory_space<hbm>>) target(%dma_start3A_193 : memref<128x16xf32, #tpu.memory_space<vmem>>) offsets(%dma_start3A_196 : memref<128xi32, #tpu.memory_space<vmem>>) semaphore(%dma_start3A_201 : memref<!tpu.dma_semaphore, #tpu.memory_space<semaphore_mem>>)
      %dma_start3A_202 = arith.constant 7 : i32
      %dma_start3A_203 = arith.constant 7 : i32
      %dma_start3A_204 = arith.constant 7 : i32
      %dma_start3A_205 = arith.constant 0 : i32
      %dma_start3A_206 = arith.constant 0 : i32
      %dma_start3A_207 = tpu.memref_slice %arg9[%dma_start3A_203, %dma_start3A_205, %dma_start3A_206] : memref<8x128x16xf32, #tpu.memory_space<vmem>> -> memref<1x128x16xf32, #tpu.memory_space<vmem>>
      %dma_start3A_208 = tpu.memref_squeeze %dma_start3A_207 : memref<1x128x16xf32, #tpu.memory_space<vmem>> -> memref<128x16xf32, #tpu.memory_space<vmem>>
      %dma_start3A_209 = arith.constant 0 : i32
      %dma_start3A_210 = tpu.memref_slice %arg7[%rem3A_57, %dma_start3A_202, %dma_start3A_209] : memref<2x8x128xi32, #tpu.memory_space<vmem>> -> memref<1x1x128xi32, #tpu.memory_space<vmem>>
      %dma_start3A_211 = tpu.memref_squeeze %dma_start3A_210 : memref<1x1x128xi32, #tpu.memory_space<vmem>> -> memref<128xi32, #tpu.memory_space<vmem>>
      %dma_start3A_212 = arith.constant 0 : i32
      %dma_start3A_213 = arith.constant 0 : i32
      %dma_start3A_214 = tpu.memref_slice %arg2[%dma_start3A_212, %dma_start3A_213] : memref<100000x16xf32, #tpu.memory_space<hbm>> -> memref<100000x16xf32, #tpu.memory_space<hbm>>
      %dma_start3A_215 = tpu.memref_slice %arg13[%dma_start3A_204] : memref<8x!tpu.dma_semaphore, #tpu.memory_space<semaphore_mem>> -> memref<1x!tpu.dma_semaphore, #tpu.memory_space<semaphore_mem>>
      %dma_start3A_216 = tpu.memref_squeeze %dma_start3A_215 : memref<1x!tpu.dma_semaphore, #tpu.memory_space<semaphore_mem>> -> memref<!tpu.dma_semaphore, #tpu.memory_space<semaphore_mem>>
      tpu.enqueue_indirect_dma source(%dma_start3A_214 : memref<100000x16xf32, #tpu.memory_space<hbm>>) target(%dma_start3A_208 : memref<128x16xf32, #tpu.memory_space<vmem>>) offsets(%dma_start3A_211 : memref<128xi32, #tpu.memory_space<vmem>>) semaphore(%dma_start3A_216 : memref<!tpu.dma_semaphore, #tpu.memory_space<semaphore_mem>>)
      %dma_wait3A = arith.constant 0 : i32
      %dma_wait3A_217 = arith.constant 0 : i32
      %dma_wait3A_218 = arith.constant 0 : i32
      %dma_wait3A_219 = arith.constant 0 : i32
      %dma_wait3A_220 = arith.constant 0 : i32
      %dma_wait3A_221 = tpu.memref_slice %arg9[%dma_wait3A_217, %dma_wait3A_219, %dma_wait3A_220] : memref<8x128x16xf32, #tpu.memory_space<vmem>> -> memref<1x128x16xf32, #tpu.memory_space<vmem>>
      %dma_wait3A_222 = tpu.memref_squeeze %dma_wait3A_221 : memref<1x128x16xf32, #tpu.memory_space<vmem>> -> memref<128x16xf32, #tpu.memory_space<vmem>>
      %dma_wait3A_223 = arith.constant 0 : i32
      %dma_wait3A_224 = tpu.memref_slice %arg7[%rem3A_57, %dma_wait3A, %dma_wait3A_223] : memref<2x8x128xi32, #tpu.memory_space<vmem>> -> memref<1x1x128xi32, #tpu.memory_space<vmem>>
      %dma_wait3A_225 = tpu.memref_squeeze %dma_wait3A_224 : memref<1x1x128xi32, #tpu.memory_space<vmem>> -> memref<128xi32, #tpu.memory_space<vmem>>
      %dma_wait3A_226 = arith.constant 0 : i32
      %dma_wait3A_227 = arith.constant 0 : i32
      %dma_wait3A_228 = tpu.memref_slice %arg2[%dma_wait3A_226, %dma_wait3A_227] : memref<100000x16xf32, #tpu.memory_space<hbm>> -> memref<100000x16xf32, #tpu.memory_space<hbm>>
      %dma_wait3A_229 = tpu.memref_slice %arg13[%dma_wait3A_218] : memref<8x!tpu.dma_semaphore, #tpu.memory_space<semaphore_mem>> -> memref<1x!tpu.dma_semaphore, #tpu.memory_space<semaphore_mem>>
      %dma_wait3A_230 = tpu.memref_squeeze %dma_wait3A_229 : memref<1x!tpu.dma_semaphore, #tpu.memory_space<semaphore_mem>> -> memref<!tpu.dma_semaphore, #tpu.memory_space<semaphore_mem>>
      tpu.wait_indirect_dma semaphore(%dma_wait3A_230 : memref<!tpu.dma_semaphore, #tpu.memory_space<semaphore_mem>>) src(%dma_wait3A_228 : memref<100000x16xf32, #tpu.memory_space<hbm>>) dst(%dma_wait3A_222 : memref<128x16xf32, #tpu.memory_space<vmem>>)
      %dma_start3A_231 = arith.constant 0 : i32
      %dma_start3A_232 = arith.constant 0 : i32
      %dma_start3A_233 = arith.constant 0 : i32
      %dma_start3A_234 = arith.constant 0 : i32
      %dma_start3A_235 = arith.constant 0 : i32
      %dma_start3A_236 = tpu.memref_slice %arg9[%dma_start3A_231, %dma_start3A_234, %dma_start3A_235] : memref<8x128x16xf32, #tpu.memory_space<vmem>> -> memref<1x128x16xf32, #tpu.memory_space<vmem>>
      %dma_start3A_237 = tpu.memref_squeeze %dma_start3A_236 : memref<1x128x16xf32, #tpu.memory_space<vmem>> -> memref<128x16xf32, #tpu.memory_space<vmem>>
      %dma_start3A_238 = arith.constant 0 : i32
      %dma_start3A_239 = tpu.memref_slice %arg8[%rem3A_57, %dma_start3A_232, %dma_start3A_238] : memref<2x8x128xi32, #tpu.memory_space<vmem>> -> memref<1x1x128xi32, #tpu.memory_space<vmem>>
      %dma_start3A_240 = tpu.memref_squeeze %dma_start3A_239 : memref<1x1x128xi32, #tpu.memory_space<vmem>> -> memref<128xi32, #tpu.memory_space<vmem>>
      %dma_start3A_241 = arith.constant 0 : i32
      %dma_start3A_242 = arith.constant 0 : i32
      %dma_start3A_243 = tpu.memref_slice %arg11[%dma_start3A_241, %dma_start3A_242] : memref<100096x16xf32, #tpu.memory_space<vmem_shared>> -> memref<100096x16xf32, #tpu.memory_space<vmem_shared>>
      %dma_start3A_244 = tpu.memref_slice %arg14[%dma_start3A_233] : memref<8x!tpu.dma_semaphore, #tpu.memory_space<semaphore_mem>> -> memref<1x!tpu.dma_semaphore, #tpu.memory_space<semaphore_mem>>
      %dma_start3A_245 = tpu.memref_squeeze %dma_start3A_244 : memref<1x!tpu.dma_semaphore, #tpu.memory_space<semaphore_mem>> -> memref<!tpu.dma_semaphore, #tpu.memory_space<semaphore_mem>>
      tpu.enqueue_indirect_dma source(%dma_start3A_237 : memref<128x16xf32, #tpu.memory_space<vmem>>) target(%dma_start3A_243 : memref<100096x16xf32, #tpu.memory_space<vmem_shared>>) offsets(%dma_start3A_240 : memref<128xi32, #tpu.memory_space<vmem>>) semaphore(%dma_start3A_245 : memref<!tpu.dma_semaphore, #tpu.memory_space<semaphore_mem>>) {add = true}
      %dma_wait3A_246 = arith.constant 1 : i32
      %dma_wait3A_247 = arith.constant 1 : i32
      %dma_wait3A_248 = arith.constant 1 : i32
      %dma_wait3A_249 = arith.constant 0 : i32
      %dma_wait3A_250 = arith.constant 0 : i32
      %dma_wait3A_251 = tpu.memref_slice %arg9[%dma_wait3A_247, %dma_wait3A_249, %dma_wait3A_250] : memref<8x128x16xf32, #tpu.memory_space<vmem>> -> memref<1x128x16xf32, #tpu.memory_space<vmem>>
      %dma_wait3A_252 = tpu.memref_squeeze %dma_wait3A_251 : memref<1x128x16xf32, #tpu.memory_space<vmem>> -> memref<128x16xf32, #tpu.memory_space<vmem>>
      %dma_wait3A_253 = arith.constant 0 : i32
      %dma_wait3A_254 = tpu.memref_slice %arg7[%rem3A_57, %dma_wait3A_246, %dma_wait3A_253] : memref<2x8x128xi32, #tpu.memory_space<vmem>> -> memref<1x1x128xi32, #tpu.memory_space<vmem>>
      %dma_wait3A_255 = tpu.memref_squeeze %dma_wait3A_254 : memref<1x1x128xi32, #tpu.memory_space<vmem>> -> memref<128xi32, #tpu.memory_space<vmem>>
      %dma_wait3A_256 = arith.constant 0 : i32
      %dma_wait3A_257 = arith.constant 0 : i32
      %dma_wait3A_258 = tpu.memref_slice %arg2[%dma_wait3A_256, %dma_wait3A_257] : memref<100000x16xf32, #tpu.memory_space<hbm>> -> memref<100000x16xf32, #tpu.memory_space<hbm>>
      %dma_wait3A_259 = tpu.memref_slice %arg13[%dma_wait3A_248] : memref<8x!tpu.dma_semaphore, #tpu.memory_space<semaphore_mem>> -> memref<1x!tpu.dma_semaphore, #tpu.memory_space<semaphore_mem>>
      %dma_wait3A_260 = tpu.memref_squeeze %dma_wait3A_259 : memref<1x!tpu.dma_semaphore, #tpu.memory_space<semaphore_mem>> -> memref<!tpu.dma_semaphore, #tpu.memory_space<semaphore_mem>>
      tpu.wait_indirect_dma semaphore(%dma_wait3A_260 : memref<!tpu.dma_semaphore, #tpu.memory_space<semaphore_mem>>) src(%dma_wait3A_258 : memref<100000x16xf32, #tpu.memory_space<hbm>>) dst(%dma_wait3A_252 : memref<128x16xf32, #tpu.memory_space<vmem>>)
      %dma_start3A_261 = arith.constant 1 : i32
      %dma_start3A_262 = arith.constant 1 : i32
      %dma_start3A_263 = arith.constant 1 : i32
      %dma_start3A_264 = arith.constant 0 : i32
      %dma_start3A_265 = arith.constant 0 : i32
      %dma_start3A_266 = tpu.memref_slice %arg9[%dma_start3A_261, %dma_start3A_264, %dma_start3A_265] : memref<8x128x16xf32, #tpu.memory_space<vmem>> -> memref<1x128x16xf32, #tpu.memory_space<vmem>>
      %dma_start3A_267 = tpu.memref_squeeze %dma_start3A_266 : memref<1x128x16xf32, #tpu.memory_space<vmem>> -> memref<128x16xf32, #tpu.memory_space<vmem>>
      %dma_start3A_268 = arith.constant 0 : i32
      %dma_start3A_269 = tpu.memref_slice %arg8[%rem3A_57, %dma_start3A_262, %dma_start3A_268] : memref<2x8x128xi32, #tpu.memory_space<vmem>> -> memref<1x1x128xi32, #tpu.memory_space<vmem>>
      %dma_start3A_270 = tpu.memref_squeeze %dma_start3A_269 : memref<1x1x128xi32, #tpu.memory_space<vmem>> -> memref<128xi32, #tpu.memory_space<vmem>>
      %dma_start3A_271 = arith.constant 0 : i32
      %dma_start3A_272 = arith.constant 0 : i32
      %dma_start3A_273 = tpu.memref_slice %arg11[%dma_start3A_271, %dma_start3A_272] : memref<100096x16xf32, #tpu.memory_space<vmem_shared>> -> memref<100096x16xf32, #tpu.memory_space<vmem_shared>>
      %dma_start3A_274 = tpu.memref_slice %arg14[%dma_start3A_263] : memref<8x!tpu.dma_semaphore, #tpu.memory_space<semaphore_mem>> -> memref<1x!tpu.dma_semaphore, #tpu.memory_space<semaphore_mem>>
      %dma_start3A_275 = tpu.memref_squeeze %dma_start3A_274 : memref<1x!tpu.dma_semaphore, #tpu.memory_space<semaphore_mem>> -> memref<!tpu.dma_semaphore, #tpu.memory_space<semaphore_mem>>
      tpu.enqueue_indirect_dma source(%dma_start3A_267 : memref<128x16xf32, #tpu.memory_space<vmem>>) target(%dma_start3A_273 : memref<100096x16xf32, #tpu.memory_space<vmem_shared>>) offsets(%dma_start3A_270 : memref<128xi32, #tpu.memory_space<vmem>>) semaphore(%dma_start3A_275 : memref<!tpu.dma_semaphore, #tpu.memory_space<semaphore_mem>>) {add = true}
      %dma_wait3A_276 = arith.constant 2 : i32
      %dma_wait3A_277 = arith.constant 2 : i32
      %dma_wait3A_278 = arith.constant 2 : i32
      %dma_wait3A_279 = arith.constant 0 : i32
      %dma_wait3A_280 = arith.constant 0 : i32
      %dma_wait3A_281 = tpu.memref_slice %arg9[%dma_wait3A_277, %dma_wait3A_279, %dma_wait3A_280] : memref<8x128x16xf32, #tpu.memory_space<vmem>> -> memref<1x128x16xf32, #tpu.memory_space<vmem>>
      %dma_wait3A_282 = tpu.memref_squeeze %dma_wait3A_281 : memref<1x128x16xf32, #tpu.memory_space<vmem>> -> memref<128x16xf32, #tpu.memory_space<vmem>>
      %dma_wait3A_283 = arith.constant 0 : i32
      %dma_wait3A_284 = tpu.memref_slice %arg7[%rem3A_57, %dma_wait3A_276, %dma_wait3A_283] : memref<2x8x128xi32, #tpu.memory_space<vmem>> -> memref<1x1x128xi32, #tpu.memory_space<vmem>>
      %dma_wait3A_285 = tpu.memref_squeeze %dma_wait3A_284 : memref<1x1x128xi32, #tpu.memory_space<vmem>> -> memref<128xi32, #tpu.memory_space<vmem>>
      %dma_wait3A_286 = arith.constant 0 : i32
      %dma_wait3A_287 = arith.constant 0 : i32
      %dma_wait3A_288 = tpu.memref_slice %arg2[%dma_wait3A_286, %dma_wait3A_287] : memref<100000x16xf32, #tpu.memory_space<hbm>> -> memref<100000x16xf32, #tpu.memory_space<hbm>>
      %dma_wait3A_289 = tpu.memref_slice %arg13[%dma_wait3A_278] : memref<8x!tpu.dma_semaphore, #tpu.memory_space<semaphore_mem>> -> memref<1x!tpu.dma_semaphore, #tpu.memory_space<semaphore_mem>>
      %dma_wait3A_290 = tpu.memref_squeeze %dma_wait3A_289 : memref<1x!tpu.dma_semaphore, #tpu.memory_space<semaphore_mem>> -> memref<!tpu.dma_semaphore, #tpu.memory_space<semaphore_mem>>
      tpu.wait_indirect_dma semaphore(%dma_wait3A_290 : memref<!tpu.dma_semaphore, #tpu.memory_space<semaphore_mem>>) src(%dma_wait3A_288 : memref<100000x16xf32, #tpu.memory_space<hbm>>) dst(%dma_wait3A_282 : memref<128x16xf32, #tpu.memory_space<vmem>>)
      %dma_start3A_291 = arith.constant 2 : i32
      %dma_start3A_292 = arith.constant 2 : i32
      %dma_start3A_293 = arith.constant 2 : i32
      %dma_start3A_294 = arith.constant 0 : i32
      %dma_start3A_295 = arith.constant 0 : i32
      %dma_start3A_296 = tpu.memref_slice %arg9[%dma_start3A_291, %dma_start3A_294, %dma_start3A_295] : memref<8x128x16xf32, #tpu.memory_space<vmem>> -> memref<1x128x16xf32, #tpu.memory_space<vmem>>
      %dma_start3A_297 = tpu.memref_squeeze %dma_start3A_296 : memref<1x128x16xf32, #tpu.memory_space<vmem>> -> memref<128x16xf32, #tpu.memory_space<vmem>>
      %dma_start3A_298 = arith.constant 0 : i32
      %dma_start3A_299 = tpu.memref_slice %arg8[%rem3A_57, %dma_start3A_292, %dma_start3A_298] : memref<2x8x128xi32, #tpu.memory_space<vmem>> -> memref<1x1x128xi32, #tpu.memory_space<vmem>>
      %dma_start3A_300 = tpu.memref_squeeze %dma_start3A_299 : memref<1x1x128xi32, #tpu.memory_space<vmem>> -> memref<128xi32, #tpu.memory_space<vmem>>
      %dma_start3A_301 = arith.constant 0 : i32
      %dma_start3A_302 = arith.constant 0 : i32
      %dma_start3A_303 = tpu.memref_slice %arg11[%dma_start3A_301, %dma_start3A_302] : memref<100096x16xf32, #tpu.memory_space<vmem_shared>> -> memref<100096x16xf32, #tpu.memory_space<vmem_shared>>
      %dma_start3A_304 = tpu.memref_slice %arg14[%dma_start3A_293] : memref<8x!tpu.dma_semaphore, #tpu.memory_space<semaphore_mem>> -> memref<1x!tpu.dma_semaphore, #tpu.memory_space<semaphore_mem>>
      %dma_start3A_305 = tpu.memref_squeeze %dma_start3A_304 : memref<1x!tpu.dma_semaphore, #tpu.memory_space<semaphore_mem>> -> memref<!tpu.dma_semaphore, #tpu.memory_space<semaphore_mem>>
      tpu.enqueue_indirect_dma source(%dma_start3A_297 : memref<128x16xf32, #tpu.memory_space<vmem>>) target(%dma_start3A_303 : memref<100096x16xf32, #tpu.memory_space<vmem_shared>>) offsets(%dma_start3A_300 : memref<128xi32, #tpu.memory_space<vmem>>) semaphore(%dma_start3A_305 : memref<!tpu.dma_semaphore, #tpu.memory_space<semaphore_mem>>) {add = true}
      %dma_wait3A_306 = arith.constant 3 : i32
      %dma_wait3A_307 = arith.constant 3 : i32
      %dma_wait3A_308 = arith.constant 3 : i32
      %dma_wait3A_309 = arith.constant 0 : i32
      %dma_wait3A_310 = arith.constant 0 : i32
      %dma_wait3A_311 = tpu.memref_slice %arg9[%dma_wait3A_307, %dma_wait3A_309, %dma_wait3A_310] : memref<8x128x16xf32, #tpu.memory_space<vmem>> -> memref<1x128x16xf32, #tpu.memory_space<vmem>>
      %dma_wait3A_312 = tpu.memref_squeeze %dma_wait3A_311 : memref<1x128x16xf32, #tpu.memory_space<vmem>> -> memref<128x16xf32, #tpu.memory_space<vmem>>
      %dma_wait3A_313 = arith.constant 0 : i32
      %dma_wait3A_314 = tpu.memref_slice %arg7[%rem3A_57, %dma_wait3A_306, %dma_wait3A_313] : memref<2x8x128xi32, #tpu.memory_space<vmem>> -> memref<1x1x128xi32, #tpu.memory_space<vmem>>
      %dma_wait3A_315 = tpu.memref_squeeze %dma_wait3A_314 : memref<1x1x128xi32, #tpu.memory_space<vmem>> -> memref<128xi32, #tpu.memory_space<vmem>>
      %dma_wait3A_316 = arith.constant 0 : i32
      %dma_wait3A_317 = arith.constant 0 : i32
      %dma_wait3A_318 = tpu.memref_slice %arg2[%dma_wait3A_316, %dma_wait3A_317] : memref<100000x16xf32, #tpu.memory_space<hbm>> -> memref<100000x16xf32, #tpu.memory_space<hbm>>
      %dma_wait3A_319 = tpu.memref_slice %arg13[%dma_wait3A_308] : memref<8x!tpu.dma_semaphore, #tpu.memory_space<semaphore_mem>> -> memref<1x!tpu.dma_semaphore, #tpu.memory_space<semaphore_mem>>
      %dma_wait3A_320 = tpu.memref_squeeze %dma_wait3A_319 : memref<1x!tpu.dma_semaphore, #tpu.memory_space<semaphore_mem>> -> memref<!tpu.dma_semaphore, #tpu.memory_space<semaphore_mem>>
      tpu.wait_indirect_dma semaphore(%dma_wait3A_320 : memref<!tpu.dma_semaphore, #tpu.memory_space<semaphore_mem>>) src(%dma_wait3A_318 : memref<100000x16xf32, #tpu.memory_space<hbm>>) dst(%dma_wait3A_312 : memref<128x16xf32, #tpu.memory_space<vmem>>)
      %dma_start3A_321 = arith.constant 3 : i32
      %dma_start3A_322 = arith.constant 3 : i32
      %dma_start3A_323 = arith.constant 3 : i32
      %dma_start3A_324 = arith.constant 0 : i32
      %dma_start3A_325 = arith.constant 0 : i32
      %dma_start3A_326 = tpu.memref_slice %arg9[%dma_start3A_321, %dma_start3A_324, %dma_start3A_325] : memref<8x128x16xf32, #tpu.memory_space<vmem>> -> memref<1x128x16xf32, #tpu.memory_space<vmem>>
      %dma_start3A_327 = tpu.memref_squeeze %dma_start3A_326 : memref<1x128x16xf32, #tpu.memory_space<vmem>> -> memref<128x16xf32, #tpu.memory_space<vmem>>
      %dma_start3A_328 = arith.constant 0 : i32
      %dma_start3A_329 = tpu.memref_slice %arg8[%rem3A_57, %dma_start3A_322, %dma_start3A_328] : memref<2x8x128xi32, #tpu.memory_space<vmem>> -> memref<1x1x128xi32, #tpu.memory_space<vmem>>
      %dma_start3A_330 = tpu.memref_squeeze %dma_start3A_329 : memref<1x1x128xi32, #tpu.memory_space<vmem>> -> memref<128xi32, #tpu.memory_space<vmem>>
      %dma_start3A_331 = arith.constant 0 : i32
      %dma_start3A_332 = arith.constant 0 : i32
      %dma_start3A_333 = tpu.memref_slice %arg11[%dma_start3A_331, %dma_start3A_332] : memref<100096x16xf32, #tpu.memory_space<vmem_shared>> -> memref<100096x16xf32, #tpu.memory_space<vmem_shared>>
      %dma_start3A_334 = tpu.memref_slice %arg14[%dma_start3A_323] : memref<8x!tpu.dma_semaphore, #tpu.memory_space<semaphore_mem>> -> memref<1x!tpu.dma_semaphore, #tpu.memory_space<semaphore_mem>>
      %dma_start3A_335 = tpu.memref_squeeze %dma_start3A_334 : memref<1x!tpu.dma_semaphore, #tpu.memory_space<semaphore_mem>> -> memref<!tpu.dma_semaphore, #tpu.memory_space<semaphore_mem>>
      tpu.enqueue_indirect_dma source(%dma_start3A_327 : memref<128x16xf32, #tpu.memory_space<vmem>>) target(%dma_start3A_333 : memref<100096x16xf32, #tpu.memory_space<vmem_shared>>) offsets(%dma_start3A_330 : memref<128xi32, #tpu.memory_space<vmem>>) semaphore(%dma_start3A_335 : memref<!tpu.dma_semaphore, #tpu.memory_space<semaphore_mem>>) {add = true}
      %dma_wait3A_336 = arith.constant 4 : i32
      %dma_wait3A_337 = arith.constant 4 : i32
      %dma_wait3A_338 = arith.constant 4 : i32
      %dma_wait3A_339 = arith.constant 0 : i32
      %dma_wait3A_340 = arith.constant 0 : i32
      %dma_wait3A_341 = tpu.memref_slice %arg9[%dma_wait3A_337, %dma_wait3A_339, %dma_wait3A_340] : memref<8x128x16xf32, #tpu.memory_space<vmem>> -> memref<1x128x16xf32, #tpu.memory_space<vmem>>
      %dma_wait3A_342 = tpu.memref_squeeze %dma_wait3A_341 : memref<1x128x16xf32, #tpu.memory_space<vmem>> -> memref<128x16xf32, #tpu.memory_space<vmem>>
      %dma_wait3A_343 = arith.constant 0 : i32
      %dma_wait3A_344 = tpu.memref_slice %arg7[%rem3A_57, %dma_wait3A_336, %dma_wait3A_343] : memref<2x8x128xi32, #tpu.memory_space<vmem>> -> memref<1x1x128xi32, #tpu.memory_space<vmem>>
      %dma_wait3A_345 = tpu.memref_squeeze %dma_wait3A_344 : memref<1x1x128xi32, #tpu.memory_space<vmem>> -> memref<128xi32, #tpu.memory_space<vmem>>
      %dma_wait3A_346 = arith.constant 0 : i32
      %dma_wait3A_347 = arith.constant 0 : i32
      %dma_wait3A_348 = tpu.memref_slice %arg2[%dma_wait3A_346, %dma_wait3A_347] : memref<100000x16xf32, #tpu.memory_space<hbm>> -> memref<100000x16xf32, #tpu.memory_space<hbm>>
      %dma_wait3A_349 = tpu.memref_slice %arg13[%dma_wait3A_338] : memref<8x!tpu.dma_semaphore, #tpu.memory_space<semaphore_mem>> -> memref<1x!tpu.dma_semaphore, #tpu.memory_space<semaphore_mem>>
      %dma_wait3A_350 = tpu.memref_squeeze %dma_wait3A_349 : memref<1x!tpu.dma_semaphore, #tpu.memory_space<semaphore_mem>> -> memref<!tpu.dma_semaphore, #tpu.memory_space<semaphore_mem>>
      tpu.wait_indirect_dma semaphore(%dma_wait3A_350 : memref<!tpu.dma_semaphore, #tpu.memory_space<semaphore_mem>>) src(%dma_wait3A_348 : memref<100000x16xf32, #tpu.memory_space<hbm>>) dst(%dma_wait3A_342 : memref<128x16xf32, #tpu.memory_space<vmem>>)
      %dma_start3A_351 = arith.constant 4 : i32
      %dma_start3A_352 = arith.constant 4 : i32
      %dma_start3A_353 = arith.constant 4 : i32
      %dma_start3A_354 = arith.constant 0 : i32
      %dma_start3A_355 = arith.constant 0 : i32
      %dma_start3A_356 = tpu.memref_slice %arg9[%dma_start3A_351, %dma_start3A_354, %dma_start3A_355] : memref<8x128x16xf32, #tpu.memory_space<vmem>> -> memref<1x128x16xf32, #tpu.memory_space<vmem>>
      %dma_start3A_357 = tpu.memref_squeeze %dma_start3A_356 : memref<1x128x16xf32, #tpu.memory_space<vmem>> -> memref<128x16xf32, #tpu.memory_space<vmem>>
      %dma_start3A_358 = arith.constant 0 : i32
      %dma_start3A_359 = tpu.memref_slice %arg8[%rem3A_57, %dma_start3A_352, %dma_start3A_358] : memref<2x8x128xi32, #tpu.memory_space<vmem>> -> memref<1x1x128xi32, #tpu.memory_space<vmem>>
      %dma_start3A_360 = tpu.memref_squeeze %dma_start3A_359 : memref<1x1x128xi32, #tpu.memory_space<vmem>> -> memref<128xi32, #tpu.memory_space<vmem>>
      %dma_start3A_361 = arith.constant 0 : i32
      %dma_start3A_362 = arith.constant 0 : i32
      %dma_start3A_363 = tpu.memref_slice %arg11[%dma_start3A_361, %dma_start3A_362] : memref<100096x16xf32, #tpu.memory_space<vmem_shared>> -> memref<100096x16xf32, #tpu.memory_space<vmem_shared>>
      %dma_start3A_364 = tpu.memref_slice %arg14[%dma_start3A_353] : memref<8x!tpu.dma_semaphore, #tpu.memory_space<semaphore_mem>> -> memref<1x!tpu.dma_semaphore, #tpu.memory_space<semaphore_mem>>
      %dma_start3A_365 = tpu.memref_squeeze %dma_start3A_364 : memref<1x!tpu.dma_semaphore, #tpu.memory_space<semaphore_mem>> -> memref<!tpu.dma_semaphore, #tpu.memory_space<semaphore_mem>>
      tpu.enqueue_indirect_dma source(%dma_start3A_357 : memref<128x16xf32, #tpu.memory_space<vmem>>) target(%dma_start3A_363 : memref<100096x16xf32, #tpu.memory_space<vmem_shared>>) offsets(%dma_start3A_360 : memref<128xi32, #tpu.memory_space<vmem>>) semaphore(%dma_start3A_365 : memref<!tpu.dma_semaphore, #tpu.memory_space<semaphore_mem>>) {add = true}
      %dma_wait3A_366 = arith.constant 5 : i32
      %dma_wait3A_367 = arith.constant 5 : i32
      %dma_wait3A_368 = arith.constant 5 : i32
      %dma_wait3A_369 = arith.constant 0 : i32
      %dma_wait3A_370 = arith.constant 0 : i32
      %dma_wait3A_371 = tpu.memref_slice %arg9[%dma_wait3A_367, %dma_wait3A_369, %dma_wait3A_370] : memref<8x128x16xf32, #tpu.memory_space<vmem>> -> memref<1x128x16xf32, #tpu.memory_space<vmem>>
      %dma_wait3A_372 = tpu.memref_squeeze %dma_wait3A_371 : memref<1x128x16xf32, #tpu.memory_space<vmem>> -> memref<128x16xf32, #tpu.memory_space<vmem>>
      %dma_wait3A_373 = arith.constant 0 : i32
      %dma_wait3A_374 = tpu.memref_slice %arg7[%rem3A_57, %dma_wait3A_366, %dma_wait3A_373] : memref<2x8x128xi32, #tpu.memory_space<vmem>> -> memref<1x1x128xi32, #tpu.memory_space<vmem>>
      %dma_wait3A_375 = tpu.memref_squeeze %dma_wait3A_374 : memref<1x1x128xi32, #tpu.memory_space<vmem>> -> memref<128xi32, #tpu.memory_space<vmem>>
      %dma_wait3A_376 = arith.constant 0 : i32
      %dma_wait3A_377 = arith.constant 0 : i32
      %dma_wait3A_378 = tpu.memref_slice %arg2[%dma_wait3A_376, %dma_wait3A_377] : memref<100000x16xf32, #tpu.memory_space<hbm>> -> memref<100000x16xf32, #tpu.memory_space<hbm>>
      %dma_wait3A_379 = tpu.memref_slice %arg13[%dma_wait3A_368] : memref<8x!tpu.dma_semaphore, #tpu.memory_space<semaphore_mem>> -> memref<1x!tpu.dma_semaphore, #tpu.memory_space<semaphore_mem>>
      %dma_wait3A_380 = tpu.memref_squeeze %dma_wait3A_379 : memref<1x!tpu.dma_semaphore, #tpu.memory_space<semaphore_mem>> -> memref<!tpu.dma_semaphore, #tpu.memory_space<semaphore_mem>>
      tpu.wait_indirect_dma semaphore(%dma_wait3A_380 : memref<!tpu.dma_semaphore, #tpu.memory_space<semaphore_mem>>) src(%dma_wait3A_378 : memref<100000x16xf32, #tpu.memory_space<hbm>>) dst(%dma_wait3A_372 : memref<128x16xf32, #tpu.memory_space<vmem>>)
      %dma_start3A_381 = arith.constant 5 : i32
      %dma_start3A_382 = arith.constant 5 : i32
      %dma_start3A_383 = arith.constant 5 : i32
      %dma_start3A_384 = arith.constant 0 : i32
      %dma_start3A_385 = arith.constant 0 : i32
      %dma_start3A_386 = tpu.memref_slice %arg9[%dma_start3A_381, %dma_start3A_384, %dma_start3A_385] : memref<8x128x16xf32, #tpu.memory_space<vmem>> -> memref<1x128x16xf32, #tpu.memory_space<vmem>>
      %dma_start3A_387 = tpu.memref_squeeze %dma_start3A_386 : memref<1x128x16xf32, #tpu.memory_space<vmem>> -> memref<128x16xf32, #tpu.memory_space<vmem>>
      %dma_start3A_388 = arith.constant 0 : i32
      %dma_start3A_389 = tpu.memref_slice %arg8[%rem3A_57, %dma_start3A_382, %dma_start3A_388] : memref<2x8x128xi32, #tpu.memory_space<vmem>> -> memref<1x1x128xi32, #tpu.memory_space<vmem>>
      %dma_start3A_390 = tpu.memref_squeeze %dma_start3A_389 : memref<1x1x128xi32, #tpu.memory_space<vmem>> -> memref<128xi32, #tpu.memory_space<vmem>>
      %dma_start3A_391 = arith.constant 0 : i32
      %dma_start3A_392 = arith.constant 0 : i32
      %dma_start3A_393 = tpu.memref_slice %arg11[%dma_start3A_391, %dma_start3A_392] : memref<100096x16xf32, #tpu.memory_space<vmem_shared>> -> memref<100096x16xf32, #tpu.memory_space<vmem_shared>>
      %dma_start3A_394 = tpu.memref_slice %arg14[%dma_start3A_383] : memref<8x!tpu.dma_semaphore, #tpu.memory_space<semaphore_mem>> -> memref<1x!tpu.dma_semaphore, #tpu.memory_space<semaphore_mem>>
      %dma_start3A_395 = tpu.memref_squeeze %dma_start3A_394 : memref<1x!tpu.dma_semaphore, #tpu.memory_space<semaphore_mem>> -> memref<!tpu.dma_semaphore, #tpu.memory_space<semaphore_mem>>
      tpu.enqueue_indirect_dma source(%dma_start3A_387 : memref<128x16xf32, #tpu.memory_space<vmem>>) target(%dma_start3A_393 : memref<100096x16xf32, #tpu.memory_space<vmem_shared>>) offsets(%dma_start3A_390 : memref<128xi32, #tpu.memory_space<vmem>>) semaphore(%dma_start3A_395 : memref<!tpu.dma_semaphore, #tpu.memory_space<semaphore_mem>>) {add = true}
      %dma_wait3A_396 = arith.constant 6 : i32
      %dma_wait3A_397 = arith.constant 6 : i32
      %dma_wait3A_398 = arith.constant 6 : i32
      %dma_wait3A_399 = arith.constant 0 : i32
      %dma_wait3A_400 = arith.constant 0 : i32
      %dma_wait3A_401 = tpu.memref_slice %arg9[%dma_wait3A_397, %dma_wait3A_399, %dma_wait3A_400] : memref<8x128x16xf32, #tpu.memory_space<vmem>> -> memref<1x128x16xf32, #tpu.memory_space<vmem>>
      %dma_wait3A_402 = tpu.memref_squeeze %dma_wait3A_401 : memref<1x128x16xf32, #tpu.memory_space<vmem>> -> memref<128x16xf32, #tpu.memory_space<vmem>>
      %dma_wait3A_403 = arith.constant 0 : i32
      %dma_wait3A_404 = tpu.memref_slice %arg7[%rem3A_57, %dma_wait3A_396, %dma_wait3A_403] : memref<2x8x128xi32, #tpu.memory_space<vmem>> -> memref<1x1x128xi32, #tpu.memory_space<vmem>>
      %dma_wait3A_405 = tpu.memref_squeeze %dma_wait3A_404 : memref<1x1x128xi32, #tpu.memory_space<vmem>> -> memref<128xi32, #tpu.memory_space<vmem>>
      %dma_wait3A_406 = arith.constant 0 : i32
      %dma_wait3A_407 = arith.constant 0 : i32
      %dma_wait3A_408 = tpu.memref_slice %arg2[%dma_wait3A_406, %dma_wait3A_407] : memref<100000x16xf32, #tpu.memory_space<hbm>> -> memref<100000x16xf32, #tpu.memory_space<hbm>>
      %dma_wait3A_409 = tpu.memref_slice %arg13[%dma_wait3A_398] : memref<8x!tpu.dma_semaphore, #tpu.memory_space<semaphore_mem>> -> memref<1x!tpu.dma_semaphore, #tpu.memory_space<semaphore_mem>>
      %dma_wait3A_410 = tpu.memref_squeeze %dma_wait3A_409 : memref<1x!tpu.dma_semaphore, #tpu.memory_space<semaphore_mem>> -> memref<!tpu.dma_semaphore, #tpu.memory_space<semaphore_mem>>
      tpu.wait_indirect_dma semaphore(%dma_wait3A_410 : memref<!tpu.dma_semaphore, #tpu.memory_space<semaphore_mem>>) src(%dma_wait3A_408 : memref<100000x16xf32, #tpu.memory_space<hbm>>) dst(%dma_wait3A_402 : memref<128x16xf32, #tpu.memory_space<vmem>>)
      %dma_start3A_411 = arith.constant 6 : i32
      %dma_start3A_412 = arith.constant 6 : i32
      %dma_start3A_413 = arith.constant 6 : i32
      %dma_start3A_414 = arith.constant 0 : i32
      %dma_start3A_415 = arith.constant 0 : i32
      %dma_start3A_416 = tpu.memref_slice %arg9[%dma_start3A_411, %dma_start3A_414, %dma_start3A_415] : memref<8x128x16xf32, #tpu.memory_space<vmem>> -> memref<1x128x16xf32, #tpu.memory_space<vmem>>
      %dma_start3A_417 = tpu.memref_squeeze %dma_start3A_416 : memref<1x128x16xf32, #tpu.memory_space<vmem>> -> memref<128x16xf32, #tpu.memory_space<vmem>>
      %dma_start3A_418 = arith.constant 0 : i32
      %dma_start3A_419 = tpu.memref_slice %arg8[%rem3A_57, %dma_start3A_412, %dma_start3A_418] : memref<2x8x128xi32, #tpu.memory_space<vmem>> -> memref<1x1x128xi32, #tpu.memory_space<vmem>>
      %dma_start3A_420 = tpu.memref_squeeze %dma_start3A_419 : memref<1x1x128xi32, #tpu.memory_space<vmem>> -> memref<128xi32, #tpu.memory_space<vmem>>
      %dma_start3A_421 = arith.constant 0 : i32
      %dma_start3A_422 = arith.constant 0 : i32
      %dma_start3A_423 = tpu.memref_slice %arg11[%dma_start3A_421, %dma_start3A_422] : memref<100096x16xf32, #tpu.memory_space<vmem_shared>> -> memref<100096x16xf32, #tpu.memory_space<vmem_shared>>
      %dma_start3A_424 = tpu.memref_slice %arg14[%dma_start3A_413] : memref<8x!tpu.dma_semaphore, #tpu.memory_space<semaphore_mem>> -> memref<1x!tpu.dma_semaphore, #tpu.memory_space<semaphore_mem>>
      %dma_start3A_425 = tpu.memref_squeeze %dma_start3A_424 : memref<1x!tpu.dma_semaphore, #tpu.memory_space<semaphore_mem>> -> memref<!tpu.dma_semaphore, #tpu.memory_space<semaphore_mem>>
      tpu.enqueue_indirect_dma source(%dma_start3A_417 : memref<128x16xf32, #tpu.memory_space<vmem>>) target(%dma_start3A_423 : memref<100096x16xf32, #tpu.memory_space<vmem_shared>>) offsets(%dma_start3A_420 : memref<128xi32, #tpu.memory_space<vmem>>) semaphore(%dma_start3A_425 : memref<!tpu.dma_semaphore, #tpu.memory_space<semaphore_mem>>) {add = true}
      %dma_wait3A_426 = arith.constant 7 : i32
      %dma_wait3A_427 = arith.constant 7 : i32
      %dma_wait3A_428 = arith.constant 7 : i32
      %dma_wait3A_429 = arith.constant 0 : i32
      %dma_wait3A_430 = arith.constant 0 : i32
      %dma_wait3A_431 = tpu.memref_slice %arg9[%dma_wait3A_427, %dma_wait3A_429, %dma_wait3A_430] : memref<8x128x16xf32, #tpu.memory_space<vmem>> -> memref<1x128x16xf32, #tpu.memory_space<vmem>>
      %dma_wait3A_432 = tpu.memref_squeeze %dma_wait3A_431 : memref<1x128x16xf32, #tpu.memory_space<vmem>> -> memref<128x16xf32, #tpu.memory_space<vmem>>
      %dma_wait3A_433 = arith.constant 0 : i32
      %dma_wait3A_434 = tpu.memref_slice %arg7[%rem3A_57, %dma_wait3A_426, %dma_wait3A_433] : memref<2x8x128xi32, #tpu.memory_space<vmem>> -> memref<1x1x128xi32, #tpu.memory_space<vmem>>
      %dma_wait3A_435 = tpu.memref_squeeze %dma_wait3A_434 : memref<1x1x128xi32, #tpu.memory_space<vmem>> -> memref<128xi32, #tpu.memory_space<vmem>>
      %dma_wait3A_436 = arith.constant 0 : i32
      %dma_wait3A_437 = arith.constant 0 : i32
      %dma_wait3A_438 = tpu.memref_slice %arg2[%dma_wait3A_436, %dma_wait3A_437] : memref<100000x16xf32, #tpu.memory_space<hbm>> -> memref<100000x16xf32, #tpu.memory_space<hbm>>
      %dma_wait3A_439 = tpu.memref_slice %arg13[%dma_wait3A_428] : memref<8x!tpu.dma_semaphore, #tpu.memory_space<semaphore_mem>> -> memref<1x!tpu.dma_semaphore, #tpu.memory_space<semaphore_mem>>
      %dma_wait3A_440 = tpu.memref_squeeze %dma_wait3A_439 : memref<1x!tpu.dma_semaphore, #tpu.memory_space<semaphore_mem>> -> memref<!tpu.dma_semaphore, #tpu.memory_space<semaphore_mem>>
      tpu.wait_indirect_dma semaphore(%dma_wait3A_440 : memref<!tpu.dma_semaphore, #tpu.memory_space<semaphore_mem>>) src(%dma_wait3A_438 : memref<100000x16xf32, #tpu.memory_space<hbm>>) dst(%dma_wait3A_432 : memref<128x16xf32, #tpu.memory_space<vmem>>)
      %dma_start3A_441 = arith.constant 7 : i32
      %dma_start3A_442 = arith.constant 7 : i32
      %dma_start3A_443 = arith.constant 7 : i32
      %dma_start3A_444 = arith.constant 0 : i32
      %dma_start3A_445 = arith.constant 0 : i32
      %dma_start3A_446 = tpu.memref_slice %arg9[%dma_start3A_441, %dma_start3A_444, %dma_start3A_445] : memref<8x128x16xf32, #tpu.memory_space<vmem>> -> memref<1x128x16xf32, #tpu.memory_space<vmem>>
      %dma_start3A_447 = tpu.memref_squeeze %dma_start3A_446 : memref<1x128x16xf32, #tpu.memory_space<vmem>> -> memref<128x16xf32, #tpu.memory_space<vmem>>
      %dma_start3A_448 = arith.constant 0 : i32
      %dma_start3A_449 = tpu.memref_slice %arg8[%rem3A_57, %dma_start3A_442, %dma_start3A_448] : memref<2x8x128xi32, #tpu.memory_space<vmem>> -> memref<1x1x128xi32, #tpu.memory_space<vmem>>
      %dma_start3A_450 = tpu.memref_squeeze %dma_start3A_449 : memref<1x1x128xi32, #tpu.memory_space<vmem>> -> memref<128xi32, #tpu.memory_space<vmem>>
      %dma_start3A_451 = arith.constant 0 : i32
      %dma_start3A_452 = arith.constant 0 : i32
      %dma_start3A_453 = tpu.memref_slice %arg11[%dma_start3A_451, %dma_start3A_452] : memref<100096x16xf32, #tpu.memory_space<vmem_shared>> -> memref<100096x16xf32, #tpu.memory_space<vmem_shared>>
      %dma_start3A_454 = tpu.memref_slice %arg14[%dma_start3A_443] : memref<8x!tpu.dma_semaphore, #tpu.memory_space<semaphore_mem>> -> memref<1x!tpu.dma_semaphore, #tpu.memory_space<semaphore_mem>>
      %dma_start3A_455 = tpu.memref_squeeze %dma_start3A_454 : memref<1x!tpu.dma_semaphore, #tpu.memory_space<semaphore_mem>> -> memref<!tpu.dma_semaphore, #tpu.memory_space<semaphore_mem>>
      tpu.enqueue_indirect_dma source(%dma_start3A_447 : memref<128x16xf32, #tpu.memory_space<vmem>>) target(%dma_start3A_453 : memref<100096x16xf32, #tpu.memory_space<vmem_shared>>) offsets(%dma_start3A_450 : memref<128xi32, #tpu.memory_space<vmem>>) semaphore(%dma_start3A_455 : memref<!tpu.dma_semaphore, #tpu.memory_space<semaphore_mem>>) {add = true}
      %dma_wait3A_456 = arith.constant 0 : i32
      %dma_wait3A_457 = arith.constant 0 : i32
      %dma_wait3A_458 = arith.constant 0 : i32
      %dma_wait3A_459 = arith.constant 0 : i32
      %dma_wait3A_460 = arith.constant 0 : i32
      %dma_wait3A_461 = tpu.memref_slice %arg9[%dma_wait3A_456, %dma_wait3A_459, %dma_wait3A_460] : memref<8x128x16xf32, #tpu.memory_space<vmem>> -> memref<1x128x16xf32, #tpu.memory_space<vmem>>
      %dma_wait3A_462 = tpu.memref_squeeze %dma_wait3A_461 : memref<1x128x16xf32, #tpu.memory_space<vmem>> -> memref<128x16xf32, #tpu.memory_space<vmem>>
      %dma_wait3A_463 = arith.constant 0 : i32
      %dma_wait3A_464 = tpu.memref_slice %arg8[%rem3A_57, %dma_wait3A_457, %dma_wait3A_463] : memref<2x8x128xi32, #tpu.memory_space<vmem>> -> memref<1x1x128xi32, #tpu.memory_space<vmem>>
      %dma_wait3A_465 = tpu.memref_squeeze %dma_wait3A_464 : memref<1x1x128xi32, #tpu.memory_space<vmem>> -> memref<128xi32, #tpu.memory_space<vmem>>
      %dma_wait3A_466 = arith.constant 0 : i32
      %dma_wait3A_467 = arith.constant 0 : i32
      %dma_wait3A_468 = tpu.memref_slice %arg11[%dma_wait3A_466, %dma_wait3A_467] : memref<100096x16xf32, #tpu.memory_space<vmem_shared>> -> memref<100096x16xf32, #tpu.memory_space<vmem_shared>>
      %dma_wait3A_469 = tpu.memref_slice %arg14[%dma_wait3A_458] : memref<8x!tpu.dma_semaphore, #tpu.memory_space<semaphore_mem>> -> memref<1x!tpu.dma_semaphore, #tpu.memory_space<semaphore_mem>>
      %dma_wait3A_470 = tpu.memref_squeeze %dma_wait3A_469 : memref<1x!tpu.dma_semaphore, #tpu.memory_space<semaphore_mem>> -> memref<!tpu.dma_semaphore, #tpu.memory_space<semaphore_mem>>
      tpu.wait_indirect_dma semaphore(%dma_wait3A_470 : memref<!tpu.dma_semaphore, #tpu.memory_space<semaphore_mem>>) src(%dma_wait3A_462 : memref<128x16xf32, #tpu.memory_space<vmem>>) dst(%dma_wait3A_468 : memref<100096x16xf32, #tpu.memory_space<vmem_shared>>)
      %dma_wait3A_471 = arith.constant 1 : i32
      %dma_wait3A_472 = arith.constant 1 : i32
      %dma_wait3A_473 = arith.constant 1 : i32
      %dma_wait3A_474 = arith.constant 0 : i32
      %dma_wait3A_475 = arith.constant 0 : i32
      %dma_wait3A_476 = tpu.memref_slice %arg9[%dma_wait3A_471, %dma_wait3A_474, %dma_wait3A_475] : memref<8x128x16xf32, #tpu.memory_space<vmem>> -> memref<1x128x16xf32, #tpu.memory_space<vmem>>
      %dma_wait3A_477 = tpu.memref_squeeze %dma_wait3A_476 : memref<1x128x16xf32, #tpu.memory_space<vmem>> -> memref<128x16xf32, #tpu.memory_space<vmem>>
      %dma_wait3A_478 = arith.constant 0 : i32
      %dma_wait3A_479 = tpu.memref_slice %arg8[%rem3A_57, %dma_wait3A_472, %dma_wait3A_478] : memref<2x8x128xi32, #tpu.memory_space<vmem>> -> memref<1x1x128xi32, #tpu.memory_space<vmem>>
      %dma_wait3A_480 = tpu.memref_squeeze %dma_wait3A_479 : memref<1x1x128xi32, #tpu.memory_space<vmem>> -> memref<128xi32, #tpu.memory_space<vmem>>
      %dma_wait3A_481 = arith.constant 0 : i32
      %dma_wait3A_482 = arith.constant 0 : i32
      %dma_wait3A_483 = tpu.memref_slice %arg11[%dma_wait3A_481, %dma_wait3A_482] : memref<100096x16xf32, #tpu.memory_space<vmem_shared>> -> memref<100096x16xf32, #tpu.memory_space<vmem_shared>>
      %dma_wait3A_484 = tpu.memref_slice %arg14[%dma_wait3A_473] : memref<8x!tpu.dma_semaphore, #tpu.memory_space<semaphore_mem>> -> memref<1x!tpu.dma_semaphore, #tpu.memory_space<semaphore_mem>>
      %dma_wait3A_485 = tpu.memref_squeeze %dma_wait3A_484 : memref<1x!tpu.dma_semaphore, #tpu.memory_space<semaphore_mem>> -> memref<!tpu.dma_semaphore, #tpu.memory_space<semaphore_mem>>
      tpu.wait_indirect_dma semaphore(%dma_wait3A_485 : memref<!tpu.dma_semaphore, #tpu.memory_space<semaphore_mem>>) src(%dma_wait3A_477 : memref<128x16xf32, #tpu.memory_space<vmem>>) dst(%dma_wait3A_483 : memref<100096x16xf32, #tpu.memory_space<vmem_shared>>)
      %dma_wait3A_486 = arith.constant 2 : i32
      %dma_wait3A_487 = arith.constant 2 : i32
      %dma_wait3A_488 = arith.constant 2 : i32
      %dma_wait3A_489 = arith.constant 0 : i32
      %dma_wait3A_490 = arith.constant 0 : i32
      %dma_wait3A_491 = tpu.memref_slice %arg9[%dma_wait3A_486, %dma_wait3A_489, %dma_wait3A_490] : memref<8x128x16xf32, #tpu.memory_space<vmem>> -> memref<1x128x16xf32, #tpu.memory_space<vmem>>
      %dma_wait3A_492 = tpu.memref_squeeze %dma_wait3A_491 : memref<1x128x16xf32, #tpu.memory_space<vmem>> -> memref<128x16xf32, #tpu.memory_space<vmem>>
      %dma_wait3A_493 = arith.constant 0 : i32
      %dma_wait3A_494 = tpu.memref_slice %arg8[%rem3A_57, %dma_wait3A_487, %dma_wait3A_493] : memref<2x8x128xi32, #tpu.memory_space<vmem>> -> memref<1x1x128xi32, #tpu.memory_space<vmem>>
      %dma_wait3A_495 = tpu.memref_squeeze %dma_wait3A_494 : memref<1x1x128xi32, #tpu.memory_space<vmem>> -> memref<128xi32, #tpu.memory_space<vmem>>
      %dma_wait3A_496 = arith.constant 0 : i32
      %dma_wait3A_497 = arith.constant 0 : i32
      %dma_wait3A_498 = tpu.memref_slice %arg11[%dma_wait3A_496, %dma_wait3A_497] : memref<100096x16xf32, #tpu.memory_space<vmem_shared>> -> memref<100096x16xf32, #tpu.memory_space<vmem_shared>>
      %dma_wait3A_499 = tpu.memref_slice %arg14[%dma_wait3A_488] : memref<8x!tpu.dma_semaphore, #tpu.memory_space<semaphore_mem>> -> memref<1x!tpu.dma_semaphore, #tpu.memory_space<semaphore_mem>>
      %dma_wait3A_500 = tpu.memref_squeeze %dma_wait3A_499 : memref<1x!tpu.dma_semaphore, #tpu.memory_space<semaphore_mem>> -> memref<!tpu.dma_semaphore, #tpu.memory_space<semaphore_mem>>
      tpu.wait_indirect_dma semaphore(%dma_wait3A_500 : memref<!tpu.dma_semaphore, #tpu.memory_space<semaphore_mem>>) src(%dma_wait3A_492 : memref<128x16xf32, #tpu.memory_space<vmem>>) dst(%dma_wait3A_498 : memref<100096x16xf32, #tpu.memory_space<vmem_shared>>)
      %dma_wait3A_501 = arith.constant 3 : i32
      %dma_wait3A_502 = arith.constant 3 : i32
      %dma_wait3A_503 = arith.constant 3 : i32
      %dma_wait3A_504 = arith.constant 0 : i32
      %dma_wait3A_505 = arith.constant 0 : i32
      %dma_wait3A_506 = tpu.memref_slice %arg9[%dma_wait3A_501, %dma_wait3A_504, %dma_wait3A_505] : memref<8x128x16xf32, #tpu.memory_space<vmem>> -> memref<1x128x16xf32, #tpu.memory_space<vmem>>
      %dma_wait3A_507 = tpu.memref_squeeze %dma_wait3A_506 : memref<1x128x16xf32, #tpu.memory_space<vmem>> -> memref<128x16xf32, #tpu.memory_space<vmem>>
      %dma_wait3A_508 = arith.constant 0 : i32
      %dma_wait3A_509 = tpu.memref_slice %arg8[%rem3A_57, %dma_wait3A_502, %dma_wait3A_508] : memref<2x8x128xi32, #tpu.memory_space<vmem>> -> memref<1x1x128xi32, #tpu.memory_space<vmem>>
      %dma_wait3A_510 = tpu.memref_squeeze %dma_wait3A_509 : memref<1x1x128xi32, #tpu.memory_space<vmem>> -> memref<128xi32, #tpu.memory_space<vmem>>
      %dma_wait3A_511 = arith.constant 0 : i32
      %dma_wait3A_512 = arith.constant 0 : i32
      %dma_wait3A_513 = tpu.memref_slice %arg11[%dma_wait3A_511, %dma_wait3A_512] : memref<100096x16xf32, #tpu.memory_space<vmem_shared>> -> memref<100096x16xf32, #tpu.memory_space<vmem_shared>>
      %dma_wait3A_514 = tpu.memref_slice %arg14[%dma_wait3A_503] : memref<8x!tpu.dma_semaphore, #tpu.memory_space<semaphore_mem>> -> memref<1x!tpu.dma_semaphore, #tpu.memory_space<semaphore_mem>>
      %dma_wait3A_515 = tpu.memref_squeeze %dma_wait3A_514 : memref<1x!tpu.dma_semaphore, #tpu.memory_space<semaphore_mem>> -> memref<!tpu.dma_semaphore, #tpu.memory_space<semaphore_mem>>
      tpu.wait_indirect_dma semaphore(%dma_wait3A_515 : memref<!tpu.dma_semaphore, #tpu.memory_space<semaphore_mem>>) src(%dma_wait3A_507 : memref<128x16xf32, #tpu.memory_space<vmem>>) dst(%dma_wait3A_513 : memref<100096x16xf32, #tpu.memory_space<vmem_shared>>)
      %dma_wait3A_516 = arith.constant 4 : i32
      %dma_wait3A_517 = arith.constant 4 : i32
      %dma_wait3A_518 = arith.constant 4 : i32
      %dma_wait3A_519 = arith.constant 0 : i32
      %dma_wait3A_520 = arith.constant 0 : i32
      %dma_wait3A_521 = tpu.memref_slice %arg9[%dma_wait3A_516, %dma_wait3A_519, %dma_wait3A_520] : memref<8x128x16xf32, #tpu.memory_space<vmem>> -> memref<1x128x16xf32, #tpu.memory_space<vmem>>
      %dma_wait3A_522 = tpu.memref_squeeze %dma_wait3A_521 : memref<1x128x16xf32, #tpu.memory_space<vmem>> -> memref<128x16xf32, #tpu.memory_space<vmem>>
      %dma_wait3A_523 = arith.constant 0 : i32
      %dma_wait3A_524 = tpu.memref_slice %arg8[%rem3A_57, %dma_wait3A_517, %dma_wait3A_523] : memref<2x8x128xi32, #tpu.memory_space<vmem>> -> memref<1x1x128xi32, #tpu.memory_space<vmem>>
      %dma_wait3A_525 = tpu.memref_squeeze %dma_wait3A_524 : memref<1x1x128xi32, #tpu.memory_space<vmem>> -> memref<128xi32, #tpu.memory_space<vmem>>
      %dma_wait3A_526 = arith.constant 0 : i32
      %dma_wait3A_527 = arith.constant 0 : i32
      %dma_wait3A_528 = tpu.memref_slice %arg11[%dma_wait3A_526, %dma_wait3A_527] : memref<100096x16xf32, #tpu.memory_space<vmem_shared>> -> memref<100096x16xf32, #tpu.memory_space<vmem_shared>>
      %dma_wait3A_529 = tpu.memref_slice %arg14[%dma_wait3A_518] : memref<8x!tpu.dma_semaphore, #tpu.memory_space<semaphore_mem>> -> memref<1x!tpu.dma_semaphore, #tpu.memory_space<semaphore_mem>>
      %dma_wait3A_530 = tpu.memref_squeeze %dma_wait3A_529 : memref<1x!tpu.dma_semaphore, #tpu.memory_space<semaphore_mem>> -> memref<!tpu.dma_semaphore, #tpu.memory_space<semaphore_mem>>
      tpu.wait_indirect_dma semaphore(%dma_wait3A_530 : memref<!tpu.dma_semaphore, #tpu.memory_space<semaphore_mem>>) src(%dma_wait3A_522 : memref<128x16xf32, #tpu.memory_space<vmem>>) dst(%dma_wait3A_528 : memref<100096x16xf32, #tpu.memory_space<vmem_shared>>)
      %dma_wait3A_531 = arith.constant 5 : i32
      %dma_wait3A_532 = arith.constant 5 : i32
      %dma_wait3A_533 = arith.constant 5 : i32
      %dma_wait3A_534 = arith.constant 0 : i32
      %dma_wait3A_535 = arith.constant 0 : i32
      %dma_wait3A_536 = tpu.memref_slice %arg9[%dma_wait3A_531, %dma_wait3A_534, %dma_wait3A_535] : memref<8x128x16xf32, #tpu.memory_space<vmem>> -> memref<1x128x16xf32, #tpu.memory_space<vmem>>
      %dma_wait3A_537 = tpu.memref_squeeze %dma_wait3A_536 : memref<1x128x16xf32, #tpu.memory_space<vmem>> -> memref<128x16xf32, #tpu.memory_space<vmem>>
      %dma_wait3A_538 = arith.constant 0 : i32
      %dma_wait3A_539 = tpu.memref_slice %arg8[%rem3A_57, %dma_wait3A_532, %dma_wait3A_538] : memref<2x8x128xi32, #tpu.memory_space<vmem>> -> memref<1x1x128xi32, #tpu.memory_space<vmem>>
      %dma_wait3A_540 = tpu.memref_squeeze %dma_wait3A_539 : memref<1x1x128xi32, #tpu.memory_space<vmem>> -> memref<128xi32, #tpu.memory_space<vmem>>
      %dma_wait3A_541 = arith.constant 0 : i32
      %dma_wait3A_542 = arith.constant 0 : i32
      %dma_wait3A_543 = tpu.memref_slice %arg11[%dma_wait3A_541, %dma_wait3A_542] : memref<100096x16xf32, #tpu.memory_space<vmem_shared>> -> memref<100096x16xf32, #tpu.memory_space<vmem_shared>>
      %dma_wait3A_544 = tpu.memref_slice %arg14[%dma_wait3A_533] : memref<8x!tpu.dma_semaphore, #tpu.memory_space<semaphore_mem>> -> memref<1x!tpu.dma_semaphore, #tpu.memory_space<semaphore_mem>>
      %dma_wait3A_545 = tpu.memref_squeeze %dma_wait3A_544 : memref<1x!tpu.dma_semaphore, #tpu.memory_space<semaphore_mem>> -> memref<!tpu.dma_semaphore, #tpu.memory_space<semaphore_mem>>
      tpu.wait_indirect_dma semaphore(%dma_wait3A_545 : memref<!tpu.dma_semaphore, #tpu.memory_space<semaphore_mem>>) src(%dma_wait3A_537 : memref<128x16xf32, #tpu.memory_space<vmem>>) dst(%dma_wait3A_543 : memref<100096x16xf32, #tpu.memory_space<vmem_shared>>)
      %dma_wait3A_546 = arith.constant 6 : i32
      %dma_wait3A_547 = arith.constant 6 : i32
      %dma_wait3A_548 = arith.constant 6 : i32
      %dma_wait3A_549 = arith.constant 0 : i32
      %dma_wait3A_550 = arith.constant 0 : i32
      %dma_wait3A_551 = tpu.memref_slice %arg9[%dma_wait3A_546, %dma_wait3A_549, %dma_wait3A_550] : memref<8x128x16xf32, #tpu.memory_space<vmem>> -> memref<1x128x16xf32, #tpu.memory_space<vmem>>
      %dma_wait3A_552 = tpu.memref_squeeze %dma_wait3A_551 : memref<1x128x16xf32, #tpu.memory_space<vmem>> -> memref<128x16xf32, #tpu.memory_space<vmem>>
      %dma_wait3A_553 = arith.constant 0 : i32
      %dma_wait3A_554 = tpu.memref_slice %arg8[%rem3A_57, %dma_wait3A_547, %dma_wait3A_553] : memref<2x8x128xi32, #tpu.memory_space<vmem>> -> memref<1x1x128xi32, #tpu.memory_space<vmem>>
      %dma_wait3A_555 = tpu.memref_squeeze %dma_wait3A_554 : memref<1x1x128xi32, #tpu.memory_space<vmem>> -> memref<128xi32, #tpu.memory_space<vmem>>
      %dma_wait3A_556 = arith.constant 0 : i32
      %dma_wait3A_557 = arith.constant 0 : i32
      %dma_wait3A_558 = tpu.memref_slice %arg11[%dma_wait3A_556, %dma_wait3A_557] : memref<100096x16xf32, #tpu.memory_space<vmem_shared>> -> memref<100096x16xf32, #tpu.memory_space<vmem_shared>>
      %dma_wait3A_559 = tpu.memref_slice %arg14[%dma_wait3A_548] : memref<8x!tpu.dma_semaphore, #tpu.memory_space<semaphore_mem>> -> memref<1x!tpu.dma_semaphore, #tpu.memory_space<semaphore_mem>>
      %dma_wait3A_560 = tpu.memref_squeeze %dma_wait3A_559 : memref<1x!tpu.dma_semaphore, #tpu.memory_space<semaphore_mem>> -> memref<!tpu.dma_semaphore, #tpu.memory_space<semaphore_mem>>
      tpu.wait_indirect_dma semaphore(%dma_wait3A_560 : memref<!tpu.dma_semaphore, #tpu.memory_space<semaphore_mem>>) src(%dma_wait3A_552 : memref<128x16xf32, #tpu.memory_space<vmem>>) dst(%dma_wait3A_558 : memref<100096x16xf32, #tpu.memory_space<vmem_shared>>)
      %dma_wait3A_561 = arith.constant 7 : i32
      %dma_wait3A_562 = arith.constant 7 : i32
      %dma_wait3A_563 = arith.constant 7 : i32
      %dma_wait3A_564 = arith.constant 0 : i32
      %dma_wait3A_565 = arith.constant 0 : i32
      %dma_wait3A_566 = tpu.memref_slice %arg9[%dma_wait3A_561, %dma_wait3A_564, %dma_wait3A_565] : memref<8x128x16xf32, #tpu.memory_space<vmem>> -> memref<1x128x16xf32, #tpu.memory_space<vmem>>
      %dma_wait3A_567 = tpu.memref_squeeze %dma_wait3A_566 : memref<1x128x16xf32, #tpu.memory_space<vmem>> -> memref<128x16xf32, #tpu.memory_space<vmem>>
      %dma_wait3A_568 = arith.constant 0 : i32
      %dma_wait3A_569 = tpu.memref_slice %arg8[%rem3A_57, %dma_wait3A_562, %dma_wait3A_568] : memref<2x8x128xi32, #tpu.memory_space<vmem>> -> memref<1x1x128xi32, #tpu.memory_space<vmem>>
      %dma_wait3A_570 = tpu.memref_squeeze %dma_wait3A_569 : memref<1x1x128xi32, #tpu.memory_space<vmem>> -> memref<128xi32, #tpu.memory_space<vmem>>
      %dma_wait3A_571 = arith.constant 0 : i32
      %dma_wait3A_572 = arith.constant 0 : i32
      %dma_wait3A_573 = tpu.memref_slice %arg11[%dma_wait3A_571, %dma_wait3A_572] : memref<100096x16xf32, #tpu.memory_space<vmem_shared>> -> memref<100096x16xf32, #tpu.memory_space<vmem_shared>>
      %dma_wait3A_574 = tpu.memref_slice %arg14[%dma_wait3A_563] : memref<8x!tpu.dma_semaphore, #tpu.memory_space<semaphore_mem>> -> memref<1x!tpu.dma_semaphore, #tpu.memory_space<semaphore_mem>>
      %dma_wait3A_575 = tpu.memref_squeeze %dma_wait3A_574 : memref<1x!tpu.dma_semaphore, #tpu.memory_space<semaphore_mem>> -> memref<!tpu.dma_semaphore, #tpu.memory_space<semaphore_mem>>
      tpu.wait_indirect_dma semaphore(%dma_wait3A_575 : memref<!tpu.dma_semaphore, #tpu.memory_space<semaphore_mem>>) src(%dma_wait3A_567 : memref<128x16xf32, #tpu.memory_space<vmem>>) dst(%dma_wait3A_573 : memref<100096x16xf32, #tpu.memory_space<vmem_shared>>)
      %dma_wait3A_576 = arith.constant 0 : i32
      %dma_wait3A_577 = arith.constant 0 : i32
      %dma_wait3A_578 = arith.constant 0 : i32
      %dma_wait3A_579 = tpu.memref_slice %arg7[%sub3A_65, %dma_wait3A_577, %dma_wait3A_578] : memref<2x8x128xi32, #tpu.memory_space<vmem>> -> memref<1x8x128xi32, #tpu.memory_space<vmem>>
      %dma_wait3A_580 = tpu.memref_squeeze %dma_wait3A_579 : memref<1x8x128xi32, #tpu.memory_space<vmem>> -> memref<8x128xi32, #tpu.memory_space<vmem>>
      %dma_wait3A_581 = arith.constant 0 : i32
      %dma_wait3A_582 = tpu.memref_slice %arg3[%add3A_64, %dma_wait3A_581] : memref<25600x128xi32, #tpu.memory_space<hbm>> -> memref<8x128xi32, #tpu.memory_space<hbm>>
      %dma_wait3A_583 = tpu.memref_slice %arg12[%dma_wait3A_576] : memref<2x!tpu.dma_semaphore, #tpu.memory_space<semaphore_mem>> -> memref<1x!tpu.dma_semaphore, #tpu.memory_space<semaphore_mem>>
      %dma_wait3A_584 = tpu.memref_squeeze %dma_wait3A_583 : memref<1x!tpu.dma_semaphore, #tpu.memory_space<semaphore_mem>> -> memref<!tpu.dma_semaphore, #tpu.memory_space<semaphore_mem>>
      %dma_wait3A_585 = arith.constant 0 : i32
      %dma_wait3A_586 = arith.constant 0 : i32
      %dma_wait3A_587 = tpu.memref_slice %arg7[%sub3A_65, %dma_wait3A_585, %dma_wait3A_586] : memref<2x8x128xi32, #tpu.memory_space<vmem>> -> memref<1x8x128xi32, #tpu.memory_space<vmem>>
      %dma_wait3A_588 = tpu.memref_squeeze %dma_wait3A_587 : memref<1x8x128xi32, #tpu.memory_space<vmem>> -> memref<8x128xi32, #tpu.memory_space<vmem>>
      %dma_wait3A_589 = arith.constant 0 : i32
      %dma_wait3A_590 = tpu.memref_slice %arg3[%add3A_64, %dma_wait3A_589] : memref<25600x128xi32, #tpu.memory_space<hbm>> -> memref<8x128xi32, #tpu.memory_space<hbm>>
      tpu.wait_dma2 semaphore(%dma_wait3A_584 : memref<!tpu.dma_semaphore, #tpu.memory_space<semaphore_mem>>) src(%dma_wait3A_590 : memref<8x128xi32, #tpu.memory_space<hbm>>) dst(%dma_wait3A_588 : memref<8x128xi32, #tpu.memory_space<vmem>>)
      %dma_wait3A_591 = arith.constant 1 : i32
      %dma_wait3A_592 = arith.constant 0 : i32
      %dma_wait3A_593 = arith.constant 0 : i32
      %dma_wait3A_594 = tpu.memref_slice %arg8[%sub3A_81, %dma_wait3A_592, %dma_wait3A_593] : memref<2x8x128xi32, #tpu.memory_space<vmem>> -> memref<1x8x128xi32, #tpu.memory_space<vmem>>
      %dma_wait3A_595 = tpu.memref_squeeze %dma_wait3A_594 : memref<1x8x128xi32, #tpu.memory_space<vmem>> -> memref<8x128xi32, #tpu.memory_space<vmem>>
      %dma_wait3A_596 = arith.constant 0 : i32
      %dma_wait3A_597 = tpu.memref_slice %arg4[%add3A_64, %dma_wait3A_596] : memref<25600x128xi32, #tpu.memory_space<hbm>> -> memref<8x128xi32, #tpu.memory_space<hbm>>
      %dma_wait3A_598 = tpu.memref_slice %arg12[%dma_wait3A_591] : memref<2x!tpu.dma_semaphore, #tpu.memory_space<semaphore_mem>> -> memref<1x!tpu.dma_semaphore, #tpu.memory_space<semaphore_mem>>
      %dma_wait3A_599 = tpu.memref_squeeze %dma_wait3A_598 : memref<1x!tpu.dma_semaphore, #tpu.memory_space<semaphore_mem>> -> memref<!tpu.dma_semaphore, #tpu.memory_space<semaphore_mem>>
      %dma_wait3A_600 = arith.constant 0 : i32
      %dma_wait3A_601 = arith.constant 0 : i32
      %dma_wait3A_602 = tpu.memref_slice %arg8[%sub3A_81, %dma_wait3A_600, %dma_wait3A_601] : memref<2x8x128xi32, #tpu.memory_space<vmem>> -> memref<1x8x128xi32, #tpu.memory_space<vmem>>
      %dma_wait3A_603 = tpu.memref_squeeze %dma_wait3A_602 : memref<1x8x128xi32, #tpu.memory_space<vmem>> -> memref<8x128xi32, #tpu.memory_space<vmem>>
      %dma_wait3A_604 = arith.constant 0 : i32
      %dma_wait3A_605 = tpu.memref_slice %arg4[%add3A_64, %dma_wait3A_604] : memref<25600x128xi32, #tpu.memory_space<hbm>> -> memref<8x128xi32, #tpu.memory_space<hbm>>
      tpu.wait_dma2 semaphore(%dma_wait3A_599 : memref<!tpu.dma_semaphore, #tpu.memory_space<semaphore_mem>>) src(%dma_wait3A_605 : memref<8x128xi32, #tpu.memory_space<hbm>>) dst(%dma_wait3A_603 : memref<8x128xi32, #tpu.memory_space<vmem>>)
    }
    %scan3A_11 = arith.constant 100 : i32
    %run_scoped3A_12 = arith.constant 0 : i32
    %run_scoped3A_13 = arith.constant 0 : i32
    "tpu.region"() ({
      %run_scoped3A_52 = tpu.sem_alloc : memref<!tpu.dma_semaphore, #tpu.memory_space<semaphore_mem>>
      %dma_start3A = arith.constant 0 : i32
      %dma_start3A_53 = tpu.memref_slice %arg8[%run_scoped3A_12, %run_scoped3A_13, %dma_start3A] : memref<2x8x128xi32, #tpu.memory_space<vmem>> -> memref<1x1x128xi32, #tpu.memory_space<vmem>>
      %dma_start3A_54 = tpu.memref_squeeze %dma_start3A_53 : memref<1x1x128xi32, #tpu.memory_space<vmem>> -> memref<128xi32, #tpu.memory_space<vmem>>
      %dma_start3A_55 = arith.constant 0 : i32
      %dma_start3A_56 = arith.constant 0 : i32
      %dma_start3A_57 = tpu.memref_slice %arg11[%dma_start3A_55, %dma_start3A_56] : memref<100096x16xf32, #tpu.memory_space<vmem_shared>> -> memref<100096x16xf32, #tpu.memory_space<vmem_shared>>
      tpu.enqueue_indirect_dma source(%arg10 : memref<128x16xf32, #tpu.memory_space<vmem>>) target(%dma_start3A_57 : memref<100096x16xf32, #tpu.memory_space<vmem_shared>>) offsets(%dma_start3A_54 : memref<128xi32, #tpu.memory_space<vmem>>) semaphore(%run_scoped3A_52 : memref<!tpu.dma_semaphore, #tpu.memory_space<semaphore_mem>>) {add = true}
      %dma_wait3A = arith.constant 0 : i32
      %dma_wait3A_58 = tpu.memref_slice %arg8[%run_scoped3A_12, %run_scoped3A_13, %dma_wait3A] : memref<2x8x128xi32, #tpu.memory_space<vmem>> -> memref<1x1x128xi32, #tpu.memory_space<vmem>>
      %dma_wait3A_59 = tpu.memref_squeeze %dma_wait3A_58 : memref<1x1x128xi32, #tpu.memory_space<vmem>> -> memref<128xi32, #tpu.memory_space<vmem>>
      %dma_wait3A_60 = arith.constant 0 : i32
      %dma_wait3A_61 = arith.constant 0 : i32
      %dma_wait3A_62 = tpu.memref_slice %arg11[%dma_wait3A_60, %dma_wait3A_61] : memref<100096x16xf32, #tpu.memory_space<vmem_shared>> -> memref<100096x16xf32, #tpu.memory_space<vmem_shared>>
      tpu.wait_indirect_dma semaphore(%run_scoped3A_52 : memref<!tpu.dma_semaphore, #tpu.memory_space<semaphore_mem>>) src(%arg10 : memref<128x16xf32, #tpu.memory_space<vmem>>) dst(%dma_wait3A_62 : memref<100096x16xf32, #tpu.memory_space<vmem_shared>>)
      tpu.yield
    }) : () -> ()
    %run_scoped3A_14 = arith.constant 0 : i32
    %run_scoped3A_15 = arith.constant 1 : i32
    "tpu.region"() ({
      %run_scoped3A_52 = tpu.sem_alloc : memref<!tpu.dma_semaphore, #tpu.memory_space<semaphore_mem>>
      %dma_start3A = arith.constant 0 : i32
      %dma_start3A_53 = tpu.memref_slice %arg8[%run_scoped3A_14, %run_scoped3A_15, %dma_start3A] : memref<2x8x128xi32, #tpu.memory_space<vmem>> -> memref<1x1x128xi32, #tpu.memory_space<vmem>>
      %dma_start3A_54 = tpu.memref_squeeze %dma_start3A_53 : memref<1x1x128xi32, #tpu.memory_space<vmem>> -> memref<128xi32, #tpu.memory_space<vmem>>
      %dma_start3A_55 = arith.constant 0 : i32
      %dma_start3A_56 = arith.constant 0 : i32
      %dma_start3A_57 = tpu.memref_slice %arg11[%dma_start3A_55, %dma_start3A_56] : memref<100096x16xf32, #tpu.memory_space<vmem_shared>> -> memref<100096x16xf32, #tpu.memory_space<vmem_shared>>
      tpu.enqueue_indirect_dma source(%arg10 : memref<128x16xf32, #tpu.memory_space<vmem>>) target(%dma_start3A_57 : memref<100096x16xf32, #tpu.memory_space<vmem_shared>>) offsets(%dma_start3A_54 : memref<128xi32, #tpu.memory_space<vmem>>) semaphore(%run_scoped3A_52 : memref<!tpu.dma_semaphore, #tpu.memory_space<semaphore_mem>>) {add = true}
      %dma_wait3A = arith.constant 0 : i32
      %dma_wait3A_58 = tpu.memref_slice %arg8[%run_scoped3A_14, %run_scoped3A_15, %dma_wait3A] : memref<2x8x128xi32, #tpu.memory_space<vmem>> -> memref<1x1x128xi32, #tpu.memory_space<vmem>>
      %dma_wait3A_59 = tpu.memref_squeeze %dma_wait3A_58 : memref<1x1x128xi32, #tpu.memory_space<vmem>> -> memref<128xi32, #tpu.memory_space<vmem>>
      %dma_wait3A_60 = arith.constant 0 : i32
      %dma_wait3A_61 = arith.constant 0 : i32
      %dma_wait3A_62 = tpu.memref_slice %arg11[%dma_wait3A_60, %dma_wait3A_61] : memref<100096x16xf32, #tpu.memory_space<vmem_shared>> -> memref<100096x16xf32, #tpu.memory_space<vmem_shared>>
      tpu.wait_indirect_dma semaphore(%run_scoped3A_52 : memref<!tpu.dma_semaphore, #tpu.memory_space<semaphore_mem>>) src(%arg10 : memref<128x16xf32, #tpu.memory_space<vmem>>) dst(%dma_wait3A_62 : memref<100096x16xf32, #tpu.memory_space<vmem_shared>>)
      tpu.yield
    }) : () -> ()
    %run_scoped3A_16 = arith.constant 0 : i32
    %run_scoped3A_17 = arith.constant 2 : i32
    "tpu.region"() ({
      %run_scoped3A_52 = tpu.sem_alloc : memref<!tpu.dma_semaphore, #tpu.memory_space<semaphore_mem>>
      %dma_start3A = arith.constant 0 : i32
      %dma_start3A_53 = tpu.memref_slice %arg8[%run_scoped3A_16, %run_scoped3A_17, %dma_start3A] : memref<2x8x128xi32, #tpu.memory_space<vmem>> -> memref<1x1x128xi32, #tpu.memory_space<vmem>>
      %dma_start3A_54 = tpu.memref_squeeze %dma_start3A_53 : memref<1x1x128xi32, #tpu.memory_space<vmem>> -> memref<128xi32, #tpu.memory_space<vmem>>
      %dma_start3A_55 = arith.constant 0 : i32
      %dma_start3A_56 = arith.constant 0 : i32
      %dma_start3A_57 = tpu.memref_slice %arg11[%dma_start3A_55, %dma_start3A_56] : memref<100096x16xf32, #tpu.memory_space<vmem_shared>> -> memref<100096x16xf32, #tpu.memory_space<vmem_shared>>
      tpu.enqueue_indirect_dma source(%arg10 : memref<128x16xf32, #tpu.memory_space<vmem>>) target(%dma_start3A_57 : memref<100096x16xf32, #tpu.memory_space<vmem_shared>>) offsets(%dma_start3A_54 : memref<128xi32, #tpu.memory_space<vmem>>) semaphore(%run_scoped3A_52 : memref<!tpu.dma_semaphore, #tpu.memory_space<semaphore_mem>>) {add = true}
      %dma_wait3A = arith.constant 0 : i32
      %dma_wait3A_58 = tpu.memref_slice %arg8[%run_scoped3A_16, %run_scoped3A_17, %dma_wait3A] : memref<2x8x128xi32, #tpu.memory_space<vmem>> -> memref<1x1x128xi32, #tpu.memory_space<vmem>>
      %dma_wait3A_59 = tpu.memref_squeeze %dma_wait3A_58 : memref<1x1x128xi32, #tpu.memory_space<vmem>> -> memref<128xi32, #tpu.memory_space<vmem>>
      %dma_wait3A_60 = arith.constant 0 : i32
      %dma_wait3A_61 = arith.constant 0 : i32
      %dma_wait3A_62 = tpu.memref_slice %arg11[%dma_wait3A_60, %dma_wait3A_61] : memref<100096x16xf32, #tpu.memory_space<vmem_shared>> -> memref<100096x16xf32, #tpu.memory_space<vmem_shared>>
      tpu.wait_indirect_dma semaphore(%run_scoped3A_52 : memref<!tpu.dma_semaphore, #tpu.memory_space<semaphore_mem>>) src(%arg10 : memref<128x16xf32, #tpu.memory_space<vmem>>) dst(%dma_wait3A_62 : memref<100096x16xf32, #tpu.memory_space<vmem_shared>>)
      tpu.yield
    }) : () -> ()
    %run_scoped3A_18 = arith.constant 0 : i32
    %run_scoped3A_19 = arith.constant 3 : i32
    "tpu.region"() ({
      %run_scoped3A_52 = tpu.sem_alloc : memref<!tpu.dma_semaphore, #tpu.memory_space<semaphore_mem>>
      %dma_start3A = arith.constant 0 : i32
      %dma_start3A_53 = tpu.memref_slice %arg8[%run_scoped3A_18, %run_scoped3A_19, %dma_start3A] : memref<2x8x128xi32, #tpu.memory_space<vmem>> -> memref<1x1x128xi32, #tpu.memory_space<vmem>>
      %dma_start3A_54 = tpu.memref_squeeze %dma_start3A_53 : memref<1x1x128xi32, #tpu.memory_space<vmem>> -> memref<128xi32, #tpu.memory_space<vmem>>
      %dma_start3A_55 = arith.constant 0 : i32
      %dma_start3A_56 = arith.constant 0 : i32
      %dma_start3A_57 = tpu.memref_slice %arg11[%dma_start3A_55, %dma_start3A_56] : memref<100096x16xf32, #tpu.memory_space<vmem_shared>> -> memref<100096x16xf32, #tpu.memory_space<vmem_shared>>
      tpu.enqueue_indirect_dma source(%arg10 : memref<128x16xf32, #tpu.memory_space<vmem>>) target(%dma_start3A_57 : memref<100096x16xf32, #tpu.memory_space<vmem_shared>>) offsets(%dma_start3A_54 : memref<128xi32, #tpu.memory_space<vmem>>) semaphore(%run_scoped3A_52 : memref<!tpu.dma_semaphore, #tpu.memory_space<semaphore_mem>>) {add = true}
      %dma_wait3A = arith.constant 0 : i32
      %dma_wait3A_58 = tpu.memref_slice %arg8[%run_scoped3A_18, %run_scoped3A_19, %dma_wait3A] : memref<2x8x128xi32, #tpu.memory_space<vmem>> -> memref<1x1x128xi32, #tpu.memory_space<vmem>>
      %dma_wait3A_59 = tpu.memref_squeeze %dma_wait3A_58 : memref<1x1x128xi32, #tpu.memory_space<vmem>> -> memref<128xi32, #tpu.memory_space<vmem>>
      %dma_wait3A_60 = arith.constant 0 : i32
      %dma_wait3A_61 = arith.constant 0 : i32
      %dma_wait3A_62 = tpu.memref_slice %arg11[%dma_wait3A_60, %dma_wait3A_61] : memref<100096x16xf32, #tpu.memory_space<vmem_shared>> -> memref<100096x16xf32, #tpu.memory_space<vmem_shared>>
      tpu.wait_indirect_dma semaphore(%run_scoped3A_52 : memref<!tpu.dma_semaphore, #tpu.memory_space<semaphore_mem>>) src(%arg10 : memref<128x16xf32, #tpu.memory_space<vmem>>) dst(%dma_wait3A_62 : memref<100096x16xf32, #tpu.memory_space<vmem_shared>>)
      tpu.yield
    }) : () -> ()
    %run_scoped3A_20 = arith.constant 0 : i32
    %run_scoped3A_21 = arith.constant 4 : i32
    "tpu.region"() ({
      %run_scoped3A_52 = tpu.sem_alloc : memref<!tpu.dma_semaphore, #tpu.memory_space<semaphore_mem>>
      %dma_start3A = arith.constant 0 : i32
      %dma_start3A_53 = tpu.memref_slice %arg8[%run_scoped3A_20, %run_scoped3A_21, %dma_start3A] : memref<2x8x128xi32, #tpu.memory_space<vmem>> -> memref<1x1x128xi32, #tpu.memory_space<vmem>>
      %dma_start3A_54 = tpu.memref_squeeze %dma_start3A_53 : memref<1x1x128xi32, #tpu.memory_space<vmem>> -> memref<128xi32, #tpu.memory_space<vmem>>
      %dma_start3A_55 = arith.constant 0 : i32
      %dma_start3A_56 = arith.constant 0 : i32
      %dma_start3A_57 = tpu.memref_slice %arg11[%dma_start3A_55, %dma_start3A_56] : memref<100096x16xf32, #tpu.memory_space<vmem_shared>> -> memref<100096x16xf32, #tpu.memory_space<vmem_shared>>
      tpu.enqueue_indirect_dma source(%arg10 : memref<128x16xf32, #tpu.memory_space<vmem>>) target(%dma_start3A_57 : memref<100096x16xf32, #tpu.memory_space<vmem_shared>>) offsets(%dma_start3A_54 : memref<128xi32, #tpu.memory_space<vmem>>) semaphore(%run_scoped3A_52 : memref<!tpu.dma_semaphore, #tpu.memory_space<semaphore_mem>>) {add = true}
      %dma_wait3A = arith.constant 0 : i32
      %dma_wait3A_58 = tpu.memref_slice %arg8[%run_scoped3A_20, %run_scoped3A_21, %dma_wait3A] : memref<2x8x128xi32, #tpu.memory_space<vmem>> -> memref<1x1x128xi32, #tpu.memory_space<vmem>>
      %dma_wait3A_59 = tpu.memref_squeeze %dma_wait3A_58 : memref<1x1x128xi32, #tpu.memory_space<vmem>> -> memref<128xi32, #tpu.memory_space<vmem>>
      %dma_wait3A_60 = arith.constant 0 : i32
      %dma_wait3A_61 = arith.constant 0 : i32
      %dma_wait3A_62 = tpu.memref_slice %arg11[%dma_wait3A_60, %dma_wait3A_61] : memref<100096x16xf32, #tpu.memory_space<vmem_shared>> -> memref<100096x16xf32, #tpu.memory_space<vmem_shared>>
      tpu.wait_indirect_dma semaphore(%run_scoped3A_52 : memref<!tpu.dma_semaphore, #tpu.memory_space<semaphore_mem>>) src(%arg10 : memref<128x16xf32, #tpu.memory_space<vmem>>) dst(%dma_wait3A_62 : memref<100096x16xf32, #tpu.memory_space<vmem_shared>>)
      tpu.yield
    }) : () -> ()
    %run_scoped3A_22 = arith.constant 0 : i32
    %run_scoped3A_23 = arith.constant 5 : i32
    "tpu.region"() ({
      %run_scoped3A_52 = tpu.sem_alloc : memref<!tpu.dma_semaphore, #tpu.memory_space<semaphore_mem>>
      %dma_start3A = arith.constant 0 : i32
      %dma_start3A_53 = tpu.memref_slice %arg8[%run_scoped3A_22, %run_scoped3A_23, %dma_start3A] : memref<2x8x128xi32, #tpu.memory_space<vmem>> -> memref<1x1x128xi32, #tpu.memory_space<vmem>>
      %dma_start3A_54 = tpu.memref_squeeze %dma_start3A_53 : memref<1x1x128xi32, #tpu.memory_space<vmem>> -> memref<128xi32, #tpu.memory_space<vmem>>
      %dma_start3A_55 = arith.constant 0 : i32
      %dma_start3A_56 = arith.constant 0 : i32
      %dma_start3A_57 = tpu.memref_slice %arg11[%dma_start3A_55, %dma_start3A_56] : memref<100096x16xf32, #tpu.memory_space<vmem_shared>> -> memref<100096x16xf32, #tpu.memory_space<vmem_shared>>
      tpu.enqueue_indirect_dma source(%arg10 : memref<128x16xf32, #tpu.memory_space<vmem>>) target(%dma_start3A_57 : memref<100096x16xf32, #tpu.memory_space<vmem_shared>>) offsets(%dma_start3A_54 : memref<128xi32, #tpu.memory_space<vmem>>) semaphore(%run_scoped3A_52 : memref<!tpu.dma_semaphore, #tpu.memory_space<semaphore_mem>>) {add = true}
      %dma_wait3A = arith.constant 0 : i32
      %dma_wait3A_58 = tpu.memref_slice %arg8[%run_scoped3A_22, %run_scoped3A_23, %dma_wait3A] : memref<2x8x128xi32, #tpu.memory_space<vmem>> -> memref<1x1x128xi32, #tpu.memory_space<vmem>>
      %dma_wait3A_59 = tpu.memref_squeeze %dma_wait3A_58 : memref<1x1x128xi32, #tpu.memory_space<vmem>> -> memref<128xi32, #tpu.memory_space<vmem>>
      %dma_wait3A_60 = arith.constant 0 : i32
      %dma_wait3A_61 = arith.constant 0 : i32
      %dma_wait3A_62 = tpu.memref_slice %arg11[%dma_wait3A_60, %dma_wait3A_61] : memref<100096x16xf32, #tpu.memory_space<vmem_shared>> -> memref<100096x16xf32, #tpu.memory_space<vmem_shared>>
      tpu.wait_indirect_dma semaphore(%run_scoped3A_52 : memref<!tpu.dma_semaphore, #tpu.memory_space<semaphore_mem>>) src(%arg10 : memref<128x16xf32, #tpu.memory_space<vmem>>) dst(%dma_wait3A_62 : memref<100096x16xf32, #tpu.memory_space<vmem_shared>>)
      tpu.yield
    }) : () -> ()
    %run_scoped3A_24 = arith.constant 0 : i32
    %run_scoped3A_25 = arith.constant 6 : i32
    "tpu.region"() ({
      %run_scoped3A_52 = tpu.sem_alloc : memref<!tpu.dma_semaphore, #tpu.memory_space<semaphore_mem>>
      %dma_start3A = arith.constant 0 : i32
      %dma_start3A_53 = tpu.memref_slice %arg8[%run_scoped3A_24, %run_scoped3A_25, %dma_start3A] : memref<2x8x128xi32, #tpu.memory_space<vmem>> -> memref<1x1x128xi32, #tpu.memory_space<vmem>>
      %dma_start3A_54 = tpu.memref_squeeze %dma_start3A_53 : memref<1x1x128xi32, #tpu.memory_space<vmem>> -> memref<128xi32, #tpu.memory_space<vmem>>
      %dma_start3A_55 = arith.constant 0 : i32
      %dma_start3A_56 = arith.constant 0 : i32
      %dma_start3A_57 = tpu.memref_slice %arg11[%dma_start3A_55, %dma_start3A_56] : memref<100096x16xf32, #tpu.memory_space<vmem_shared>> -> memref<100096x16xf32, #tpu.memory_space<vmem_shared>>
      tpu.enqueue_indirect_dma source(%arg10 : memref<128x16xf32, #tpu.memory_space<vmem>>) target(%dma_start3A_57 : memref<100096x16xf32, #tpu.memory_space<vmem_shared>>) offsets(%dma_start3A_54 : memref<128xi32, #tpu.memory_space<vmem>>) semaphore(%run_scoped3A_52 : memref<!tpu.dma_semaphore, #tpu.memory_space<semaphore_mem>>) {add = true}
      %dma_wait3A = arith.constant 0 : i32
      %dma_wait3A_58 = tpu.memref_slice %arg8[%run_scoped3A_24, %run_scoped3A_25, %dma_wait3A] : memref<2x8x128xi32, #tpu.memory_space<vmem>> -> memref<1x1x128xi32, #tpu.memory_space<vmem>>
      %dma_wait3A_59 = tpu.memref_squeeze %dma_wait3A_58 : memref<1x1x128xi32, #tpu.memory_space<vmem>> -> memref<128xi32, #tpu.memory_space<vmem>>
      %dma_wait3A_60 = arith.constant 0 : i32
      %dma_wait3A_61 = arith.constant 0 : i32
      %dma_wait3A_62 = tpu.memref_slice %arg11[%dma_wait3A_60, %dma_wait3A_61] : memref<100096x16xf32, #tpu.memory_space<vmem_shared>> -> memref<100096x16xf32, #tpu.memory_space<vmem_shared>>
      tpu.wait_indirect_dma semaphore(%run_scoped3A_52 : memref<!tpu.dma_semaphore, #tpu.memory_space<semaphore_mem>>) src(%arg10 : memref<128x16xf32, #tpu.memory_space<vmem>>) dst(%dma_wait3A_62 : memref<100096x16xf32, #tpu.memory_space<vmem_shared>>)
      tpu.yield
    }) : () -> ()
    %run_scoped3A_26 = arith.constant 0 : i32
    %run_scoped3A_27 = arith.constant 7 : i32
    "tpu.region"() ({
      %run_scoped3A_52 = tpu.sem_alloc : memref<!tpu.dma_semaphore, #tpu.memory_space<semaphore_mem>>
      %dma_start3A = arith.constant 0 : i32
      %dma_start3A_53 = tpu.memref_slice %arg8[%run_scoped3A_26, %run_scoped3A_27, %dma_start3A] : memref<2x8x128xi32, #tpu.memory_space<vmem>> -> memref<1x1x128xi32, #tpu.memory_space<vmem>>
      %dma_start3A_54 = tpu.memref_squeeze %dma_start3A_53 : memref<1x1x128xi32, #tpu.memory_space<vmem>> -> memref<128xi32, #tpu.memory_space<vmem>>
      %dma_start3A_55 = arith.constant 0 : i32
      %dma_start3A_56 = arith.constant 0 : i32
      %dma_start3A_57 = tpu.memref_slice %arg11[%dma_start3A_55, %dma_start3A_56] : memref<100096x16xf32, #tpu.memory_space<vmem_shared>> -> memref<100096x16xf32, #tpu.memory_space<vmem_shared>>
      tpu.enqueue_indirect_dma source(%arg10 : memref<128x16xf32, #tpu.memory_space<vmem>>) target(%dma_start3A_57 : memref<100096x16xf32, #tpu.memory_space<vmem_shared>>) offsets(%dma_start3A_54 : memref<128xi32, #tpu.memory_space<vmem>>) semaphore(%run_scoped3A_52 : memref<!tpu.dma_semaphore, #tpu.memory_space<semaphore_mem>>) {add = true}
      %dma_wait3A = arith.constant 0 : i32
      %dma_wait3A_58 = tpu.memref_slice %arg8[%run_scoped3A_26, %run_scoped3A_27, %dma_wait3A] : memref<2x8x128xi32, #tpu.memory_space<vmem>> -> memref<1x1x128xi32, #tpu.memory_space<vmem>>
      %dma_wait3A_59 = tpu.memref_squeeze %dma_wait3A_58 : memref<1x1x128xi32, #tpu.memory_space<vmem>> -> memref<128xi32, #tpu.memory_space<vmem>>
      %dma_wait3A_60 = arith.constant 0 : i32
      %dma_wait3A_61 = arith.constant 0 : i32
      %dma_wait3A_62 = tpu.memref_slice %arg11[%dma_wait3A_60, %dma_wait3A_61] : memref<100096x16xf32, #tpu.memory_space<vmem_shared>> -> memref<100096x16xf32, #tpu.memory_space<vmem_shared>>
      tpu.wait_indirect_dma semaphore(%run_scoped3A_52 : memref<!tpu.dma_semaphore, #tpu.memory_space<semaphore_mem>>) src(%arg10 : memref<128x16xf32, #tpu.memory_space<vmem>>) dst(%dma_wait3A_62 : memref<100096x16xf32, #tpu.memory_space<vmem_shared>>)
      tpu.yield
    }) : () -> ()
    %run_scoped3A_28 = arith.constant 0 : i32
    %run_scoped3A_29 = arith.constant 0 : i32
    "tpu.region"() ({
      %run_scoped3A_52 = tpu.sem_alloc : memref<!tpu.dma_semaphore, #tpu.memory_space<semaphore_mem>>
      %dma_start3A = arith.constant 0 : i32
      %dma_start3A_53 = tpu.memref_slice %arg8[%run_scoped3A_28, %run_scoped3A_29, %dma_start3A] : memref<2x8x128xi32, #tpu.memory_space<vmem>> -> memref<1x1x128xi32, #tpu.memory_space<vmem>>
      %dma_start3A_54 = tpu.memref_squeeze %dma_start3A_53 : memref<1x1x128xi32, #tpu.memory_space<vmem>> -> memref<128xi32, #tpu.memory_space<vmem>>
      %dma_start3A_55 = arith.constant 0 : i32
      %dma_start3A_56 = arith.constant 0 : i32
      %dma_start3A_57 = tpu.memref_slice %arg11[%dma_start3A_55, %dma_start3A_56] : memref<100096x16xf32, #tpu.memory_space<vmem_shared>> -> memref<100096x16xf32, #tpu.memory_space<vmem_shared>>
      tpu.enqueue_indirect_dma source(%arg10 : memref<128x16xf32, #tpu.memory_space<vmem>>) target(%dma_start3A_57 : memref<100096x16xf32, #tpu.memory_space<vmem_shared>>) offsets(%dma_start3A_54 : memref<128xi32, #tpu.memory_space<vmem>>) semaphore(%run_scoped3A_52 : memref<!tpu.dma_semaphore, #tpu.memory_space<semaphore_mem>>) {add = true}
      %dma_wait3A = arith.constant 0 : i32
      %dma_wait3A_58 = tpu.memref_slice %arg8[%run_scoped3A_28, %run_scoped3A_29, %dma_wait3A] : memref<2x8x128xi32, #tpu.memory_space<vmem>> -> memref<1x1x128xi32, #tpu.memory_space<vmem>>
      %dma_wait3A_59 = tpu.memref_squeeze %dma_wait3A_58 : memref<1x1x128xi32, #tpu.memory_space<vmem>> -> memref<128xi32, #tpu.memory_space<vmem>>
      %dma_wait3A_60 = arith.constant 0 : i32
      %dma_wait3A_61 = arith.constant 0 : i32
      %dma_wait3A_62 = tpu.memref_slice %arg11[%dma_wait3A_60, %dma_wait3A_61] : memref<100096x16xf32, #tpu.memory_space<vmem_shared>> -> memref<100096x16xf32, #tpu.memory_space<vmem_shared>>
      tpu.wait_indirect_dma semaphore(%run_scoped3A_52 : memref<!tpu.dma_semaphore, #tpu.memory_space<semaphore_mem>>) src(%arg10 : memref<128x16xf32, #tpu.memory_space<vmem>>) dst(%dma_wait3A_62 : memref<100096x16xf32, #tpu.memory_space<vmem_shared>>)
      tpu.yield
    }) : () -> ()
    %run_scoped3A_30 = arith.constant 0 : i32
    %run_scoped3A_31 = arith.constant 1 : i32
    "tpu.region"() ({
      %run_scoped3A_52 = tpu.sem_alloc : memref<!tpu.dma_semaphore, #tpu.memory_space<semaphore_mem>>
      %dma_start3A = arith.constant 0 : i32
      %dma_start3A_53 = tpu.memref_slice %arg8[%run_scoped3A_30, %run_scoped3A_31, %dma_start3A] : memref<2x8x128xi32, #tpu.memory_space<vmem>> -> memref<1x1x128xi32, #tpu.memory_space<vmem>>
      %dma_start3A_54 = tpu.memref_squeeze %dma_start3A_53 : memref<1x1x128xi32, #tpu.memory_space<vmem>> -> memref<128xi32, #tpu.memory_space<vmem>>
      %dma_start3A_55 = arith.constant 0 : i32
      %dma_start3A_56 = arith.constant 0 : i32
      %dma_start3A_57 = tpu.memref_slice %arg11[%dma_start3A_55, %dma_start3A_56] : memref<100096x16xf32, #tpu.memory_space<vmem_shared>> -> memref<100096x16xf32, #tpu.memory_space<vmem_shared>>
      tpu.enqueue_indirect_dma source(%arg10 : memref<128x16xf32, #tpu.memory_space<vmem>>) target(%dma_start3A_57 : memref<100096x16xf32, #tpu.memory_space<vmem_shared>>) offsets(%dma_start3A_54 : memref<128xi32, #tpu.memory_space<vmem>>) semaphore(%run_scoped3A_52 : memref<!tpu.dma_semaphore, #tpu.memory_space<semaphore_mem>>) {add = true}
      %dma_wait3A = arith.constant 0 : i32
      %dma_wait3A_58 = tpu.memref_slice %arg8[%run_scoped3A_30, %run_scoped3A_31, %dma_wait3A] : memref<2x8x128xi32, #tpu.memory_space<vmem>> -> memref<1x1x128xi32, #tpu.memory_space<vmem>>
      %dma_wait3A_59 = tpu.memref_squeeze %dma_wait3A_58 : memref<1x1x128xi32, #tpu.memory_space<vmem>> -> memref<128xi32, #tpu.memory_space<vmem>>
      %dma_wait3A_60 = arith.constant 0 : i32
      %dma_wait3A_61 = arith.constant 0 : i32
      %dma_wait3A_62 = tpu.memref_slice %arg11[%dma_wait3A_60, %dma_wait3A_61] : memref<100096x16xf32, #tpu.memory_space<vmem_shared>> -> memref<100096x16xf32, #tpu.memory_space<vmem_shared>>
      tpu.wait_indirect_dma semaphore(%run_scoped3A_52 : memref<!tpu.dma_semaphore, #tpu.memory_space<semaphore_mem>>) src(%arg10 : memref<128x16xf32, #tpu.memory_space<vmem>>) dst(%dma_wait3A_62 : memref<100096x16xf32, #tpu.memory_space<vmem_shared>>)
      tpu.yield
    }) : () -> ()
    %run_scoped3A_32 = arith.constant 0 : i32
    %run_scoped3A_33 = arith.constant 2 : i32
    "tpu.region"() ({
      %run_scoped3A_52 = tpu.sem_alloc : memref<!tpu.dma_semaphore, #tpu.memory_space<semaphore_mem>>
      %dma_start3A = arith.constant 0 : i32
      %dma_start3A_53 = tpu.memref_slice %arg8[%run_scoped3A_32, %run_scoped3A_33, %dma_start3A] : memref<2x8x128xi32, #tpu.memory_space<vmem>> -> memref<1x1x128xi32, #tpu.memory_space<vmem>>
      %dma_start3A_54 = tpu.memref_squeeze %dma_start3A_53 : memref<1x1x128xi32, #tpu.memory_space<vmem>> -> memref<128xi32, #tpu.memory_space<vmem>>
      %dma_start3A_55 = arith.constant 0 : i32
      %dma_start3A_56 = arith.constant 0 : i32
      %dma_start3A_57 = tpu.memref_slice %arg11[%dma_start3A_55, %dma_start3A_56] : memref<100096x16xf32, #tpu.memory_space<vmem_shared>> -> memref<100096x16xf32, #tpu.memory_space<vmem_shared>>
      tpu.enqueue_indirect_dma source(%arg10 : memref<128x16xf32, #tpu.memory_space<vmem>>) target(%dma_start3A_57 : memref<100096x16xf32, #tpu.memory_space<vmem_shared>>) offsets(%dma_start3A_54 : memref<128xi32, #tpu.memory_space<vmem>>) semaphore(%run_scoped3A_52 : memref<!tpu.dma_semaphore, #tpu.memory_space<semaphore_mem>>) {add = true}
      %dma_wait3A = arith.constant 0 : i32
      %dma_wait3A_58 = tpu.memref_slice %arg8[%run_scoped3A_32, %run_scoped3A_33, %dma_wait3A] : memref<2x8x128xi32, #tpu.memory_space<vmem>> -> memref<1x1x128xi32, #tpu.memory_space<vmem>>
      %dma_wait3A_59 = tpu.memref_squeeze %dma_wait3A_58 : memref<1x1x128xi32, #tpu.memory_space<vmem>> -> memref<128xi32, #tpu.memory_space<vmem>>
      %dma_wait3A_60 = arith.constant 0 : i32
      %dma_wait3A_61 = arith.constant 0 : i32
      %dma_wait3A_62 = tpu.memref_slice %arg11[%dma_wait3A_60, %dma_wait3A_61] : memref<100096x16xf32, #tpu.memory_space<vmem_shared>> -> memref<100096x16xf32, #tpu.memory_space<vmem_shared>>
      tpu.wait_indirect_dma semaphore(%run_scoped3A_52 : memref<!tpu.dma_semaphore, #tpu.memory_space<semaphore_mem>>) src(%arg10 : memref<128x16xf32, #tpu.memory_space<vmem>>) dst(%dma_wait3A_62 : memref<100096x16xf32, #tpu.memory_space<vmem_shared>>)
      tpu.yield
    }) : () -> ()
    %run_scoped3A_34 = arith.constant 0 : i32
    %run_scoped3A_35 = arith.constant 3 : i32
    "tpu.region"() ({
      %run_scoped3A_52 = tpu.sem_alloc : memref<!tpu.dma_semaphore, #tpu.memory_space<semaphore_mem>>
      %dma_start3A = arith.constant 0 : i32
      %dma_start3A_53 = tpu.memref_slice %arg8[%run_scoped3A_34, %run_scoped3A_35, %dma_start3A] : memref<2x8x128xi32, #tpu.memory_space<vmem>> -> memref<1x1x128xi32, #tpu.memory_space<vmem>>
      %dma_start3A_54 = tpu.memref_squeeze %dma_start3A_53 : memref<1x1x128xi32, #tpu.memory_space<vmem>> -> memref<128xi32, #tpu.memory_space<vmem>>
      %dma_start3A_55 = arith.constant 0 : i32
      %dma_start3A_56 = arith.constant 0 : i32
      %dma_start3A_57 = tpu.memref_slice %arg11[%dma_start3A_55, %dma_start3A_56] : memref<100096x16xf32, #tpu.memory_space<vmem_shared>> -> memref<100096x16xf32, #tpu.memory_space<vmem_shared>>
      tpu.enqueue_indirect_dma source(%arg10 : memref<128x16xf32, #tpu.memory_space<vmem>>) target(%dma_start3A_57 : memref<100096x16xf32, #tpu.memory_space<vmem_shared>>) offsets(%dma_start3A_54 : memref<128xi32, #tpu.memory_space<vmem>>) semaphore(%run_scoped3A_52 : memref<!tpu.dma_semaphore, #tpu.memory_space<semaphore_mem>>) {add = true}
      %dma_wait3A = arith.constant 0 : i32
      %dma_wait3A_58 = tpu.memref_slice %arg8[%run_scoped3A_34, %run_scoped3A_35, %dma_wait3A] : memref<2x8x128xi32, #tpu.memory_space<vmem>> -> memref<1x1x128xi32, #tpu.memory_space<vmem>>
      %dma_wait3A_59 = tpu.memref_squeeze %dma_wait3A_58 : memref<1x1x128xi32, #tpu.memory_space<vmem>> -> memref<128xi32, #tpu.memory_space<vmem>>
      %dma_wait3A_60 = arith.constant 0 : i32
      %dma_wait3A_61 = arith.constant 0 : i32
      %dma_wait3A_62 = tpu.memref_slice %arg11[%dma_wait3A_60, %dma_wait3A_61] : memref<100096x16xf32, #tpu.memory_space<vmem_shared>> -> memref<100096x16xf32, #tpu.memory_space<vmem_shared>>
      tpu.wait_indirect_dma semaphore(%run_scoped3A_52 : memref<!tpu.dma_semaphore, #tpu.memory_space<semaphore_mem>>) src(%arg10 : memref<128x16xf32, #tpu.memory_space<vmem>>) dst(%dma_wait3A_62 : memref<100096x16xf32, #tpu.memory_space<vmem_shared>>)
      tpu.yield
    }) : () -> ()
    %run_scoped3A_36 = arith.constant 0 : i32
    %run_scoped3A_37 = arith.constant 4 : i32
    "tpu.region"() ({
      %run_scoped3A_52 = tpu.sem_alloc : memref<!tpu.dma_semaphore, #tpu.memory_space<semaphore_mem>>
      %dma_start3A = arith.constant 0 : i32
      %dma_start3A_53 = tpu.memref_slice %arg8[%run_scoped3A_36, %run_scoped3A_37, %dma_start3A] : memref<2x8x128xi32, #tpu.memory_space<vmem>> -> memref<1x1x128xi32, #tpu.memory_space<vmem>>
      %dma_start3A_54 = tpu.memref_squeeze %dma_start3A_53 : memref<1x1x128xi32, #tpu.memory_space<vmem>> -> memref<128xi32, #tpu.memory_space<vmem>>
      %dma_start3A_55 = arith.constant 0 : i32
      %dma_start3A_56 = arith.constant 0 : i32
      %dma_start3A_57 = tpu.memref_slice %arg11[%dma_start3A_55, %dma_start3A_56] : memref<100096x16xf32, #tpu.memory_space<vmem_shared>> -> memref<100096x16xf32, #tpu.memory_space<vmem_shared>>
      tpu.enqueue_indirect_dma source(%arg10 : memref<128x16xf32, #tpu.memory_space<vmem>>) target(%dma_start3A_57 : memref<100096x16xf32, #tpu.memory_space<vmem_shared>>) offsets(%dma_start3A_54 : memref<128xi32, #tpu.memory_space<vmem>>) semaphore(%run_scoped3A_52 : memref<!tpu.dma_semaphore, #tpu.memory_space<semaphore_mem>>) {add = true}
      %dma_wait3A = arith.constant 0 : i32
      %dma_wait3A_58 = tpu.memref_slice %arg8[%run_scoped3A_36, %run_scoped3A_37, %dma_wait3A] : memref<2x8x128xi32, #tpu.memory_space<vmem>> -> memref<1x1x128xi32, #tpu.memory_space<vmem>>
      %dma_wait3A_59 = tpu.memref_squeeze %dma_wait3A_58 : memref<1x1x128xi32, #tpu.memory_space<vmem>> -> memref<128xi32, #tpu.memory_space<vmem>>
      %dma_wait3A_60 = arith.constant 0 : i32
      %dma_wait3A_61 = arith.constant 0 : i32
      %dma_wait3A_62 = tpu.memref_slice %arg11[%dma_wait3A_60, %dma_wait3A_61] : memref<100096x16xf32, #tpu.memory_space<vmem_shared>> -> memref<100096x16xf32, #tpu.memory_space<vmem_shared>>
      tpu.wait_indirect_dma semaphore(%run_scoped3A_52 : memref<!tpu.dma_semaphore, #tpu.memory_space<semaphore_mem>>) src(%arg10 : memref<128x16xf32, #tpu.memory_space<vmem>>) dst(%dma_wait3A_62 : memref<100096x16xf32, #tpu.memory_space<vmem_shared>>)
      tpu.yield
    }) : () -> ()
    %run_scoped3A_38 = arith.constant 0 : i32
    %run_scoped3A_39 = arith.constant 5 : i32
    "tpu.region"() ({
      %run_scoped3A_52 = tpu.sem_alloc : memref<!tpu.dma_semaphore, #tpu.memory_space<semaphore_mem>>
      %dma_start3A = arith.constant 0 : i32
      %dma_start3A_53 = tpu.memref_slice %arg8[%run_scoped3A_38, %run_scoped3A_39, %dma_start3A] : memref<2x8x128xi32, #tpu.memory_space<vmem>> -> memref<1x1x128xi32, #tpu.memory_space<vmem>>
      %dma_start3A_54 = tpu.memref_squeeze %dma_start3A_53 : memref<1x1x128xi32, #tpu.memory_space<vmem>> -> memref<128xi32, #tpu.memory_space<vmem>>
      %dma_start3A_55 = arith.constant 0 : i32
      %dma_start3A_56 = arith.constant 0 : i32
      %dma_start3A_57 = tpu.memref_slice %arg11[%dma_start3A_55, %dma_start3A_56] : memref<100096x16xf32, #tpu.memory_space<vmem_shared>> -> memref<100096x16xf32, #tpu.memory_space<vmem_shared>>
      tpu.enqueue_indirect_dma source(%arg10 : memref<128x16xf32, #tpu.memory_space<vmem>>) target(%dma_start3A_57 : memref<100096x16xf32, #tpu.memory_space<vmem_shared>>) offsets(%dma_start3A_54 : memref<128xi32, #tpu.memory_space<vmem>>) semaphore(%run_scoped3A_52 : memref<!tpu.dma_semaphore, #tpu.memory_space<semaphore_mem>>) {add = true}
      %dma_wait3A = arith.constant 0 : i32
      %dma_wait3A_58 = tpu.memref_slice %arg8[%run_scoped3A_38, %run_scoped3A_39, %dma_wait3A] : memref<2x8x128xi32, #tpu.memory_space<vmem>> -> memref<1x1x128xi32, #tpu.memory_space<vmem>>
      %dma_wait3A_59 = tpu.memref_squeeze %dma_wait3A_58 : memref<1x1x128xi32, #tpu.memory_space<vmem>> -> memref<128xi32, #tpu.memory_space<vmem>>
      %dma_wait3A_60 = arith.constant 0 : i32
      %dma_wait3A_61 = arith.constant 0 : i32
      %dma_wait3A_62 = tpu.memref_slice %arg11[%dma_wait3A_60, %dma_wait3A_61] : memref<100096x16xf32, #tpu.memory_space<vmem_shared>> -> memref<100096x16xf32, #tpu.memory_space<vmem_shared>>
      tpu.wait_indirect_dma semaphore(%run_scoped3A_52 : memref<!tpu.dma_semaphore, #tpu.memory_space<semaphore_mem>>) src(%arg10 : memref<128x16xf32, #tpu.memory_space<vmem>>) dst(%dma_wait3A_62 : memref<100096x16xf32, #tpu.memory_space<vmem_shared>>)
      tpu.yield
    }) : () -> ()
    %run_scoped3A_40 = arith.constant 0 : i32
    %run_scoped3A_41 = arith.constant 6 : i32
    "tpu.region"() ({
      %run_scoped3A_52 = tpu.sem_alloc : memref<!tpu.dma_semaphore, #tpu.memory_space<semaphore_mem>>
      %dma_start3A = arith.constant 0 : i32
      %dma_start3A_53 = tpu.memref_slice %arg8[%run_scoped3A_40, %run_scoped3A_41, %dma_start3A] : memref<2x8x128xi32, #tpu.memory_space<vmem>> -> memref<1x1x128xi32, #tpu.memory_space<vmem>>
      %dma_start3A_54 = tpu.memref_squeeze %dma_start3A_53 : memref<1x1x128xi32, #tpu.memory_space<vmem>> -> memref<128xi32, #tpu.memory_space<vmem>>
      %dma_start3A_55 = arith.constant 0 : i32
      %dma_start3A_56 = arith.constant 0 : i32
      %dma_start3A_57 = tpu.memref_slice %arg11[%dma_start3A_55, %dma_start3A_56] : memref<100096x16xf32, #tpu.memory_space<vmem_shared>> -> memref<100096x16xf32, #tpu.memory_space<vmem_shared>>
      tpu.enqueue_indirect_dma source(%arg10 : memref<128x16xf32, #tpu.memory_space<vmem>>) target(%dma_start3A_57 : memref<100096x16xf32, #tpu.memory_space<vmem_shared>>) offsets(%dma_start3A_54 : memref<128xi32, #tpu.memory_space<vmem>>) semaphore(%run_scoped3A_52 : memref<!tpu.dma_semaphore, #tpu.memory_space<semaphore_mem>>) {add = true}
      %dma_wait3A = arith.constant 0 : i32
      %dma_wait3A_58 = tpu.memref_slice %arg8[%run_scoped3A_40, %run_scoped3A_41, %dma_wait3A] : memref<2x8x128xi32, #tpu.memory_space<vmem>> -> memref<1x1x128xi32, #tpu.memory_space<vmem>>
      %dma_wait3A_59 = tpu.memref_squeeze %dma_wait3A_58 : memref<1x1x128xi32, #tpu.memory_space<vmem>> -> memref<128xi32, #tpu.memory_space<vmem>>
      %dma_wait3A_60 = arith.constant 0 : i32
      %dma_wait3A_61 = arith.constant 0 : i32
      %dma_wait3A_62 = tpu.memref_slice %arg11[%dma_wait3A_60, %dma_wait3A_61] : memref<100096x16xf32, #tpu.memory_space<vmem_shared>> -> memref<100096x16xf32, #tpu.memory_space<vmem_shared>>
      tpu.wait_indirect_dma semaphore(%run_scoped3A_52 : memref<!tpu.dma_semaphore, #tpu.memory_space<semaphore_mem>>) src(%arg10 : memref<128x16xf32, #tpu.memory_space<vmem>>) dst(%dma_wait3A_62 : memref<100096x16xf32, #tpu.memory_space<vmem_shared>>)
      tpu.yield
    }) : () -> ()
    %run_scoped3A_42 = arith.constant 0 : i32
    %run_scoped3A_43 = arith.constant 7 : i32
    "tpu.region"() ({
      %run_scoped3A_52 = tpu.sem_alloc : memref<!tpu.dma_semaphore, #tpu.memory_space<semaphore_mem>>
      %dma_start3A = arith.constant 0 : i32
      %dma_start3A_53 = tpu.memref_slice %arg8[%run_scoped3A_42, %run_scoped3A_43, %dma_start3A] : memref<2x8x128xi32, #tpu.memory_space<vmem>> -> memref<1x1x128xi32, #tpu.memory_space<vmem>>
      %dma_start3A_54 = tpu.memref_squeeze %dma_start3A_53 : memref<1x1x128xi32, #tpu.memory_space<vmem>> -> memref<128xi32, #tpu.memory_space<vmem>>
      %dma_start3A_55 = arith.constant 0 : i32
      %dma_start3A_56 = arith.constant 0 : i32
      %dma_start3A_57 = tpu.memref_slice %arg11[%dma_start3A_55, %dma_start3A_56] : memref<100096x16xf32, #tpu.memory_space<vmem_shared>> -> memref<100096x16xf32, #tpu.memory_space<vmem_shared>>
      tpu.enqueue_indirect_dma source(%arg10 : memref<128x16xf32, #tpu.memory_space<vmem>>) target(%dma_start3A_57 : memref<100096x16xf32, #tpu.memory_space<vmem_shared>>) offsets(%dma_start3A_54 : memref<128xi32, #tpu.memory_space<vmem>>) semaphore(%run_scoped3A_52 : memref<!tpu.dma_semaphore, #tpu.memory_space<semaphore_mem>>) {add = true}
      %dma_wait3A = arith.constant 0 : i32
      %dma_wait3A_58 = tpu.memref_slice %arg8[%run_scoped3A_42, %run_scoped3A_43, %dma_wait3A] : memref<2x8x128xi32, #tpu.memory_space<vmem>> -> memref<1x1x128xi32, #tpu.memory_space<vmem>>
      %dma_wait3A_59 = tpu.memref_squeeze %dma_wait3A_58 : memref<1x1x128xi32, #tpu.memory_space<vmem>> -> memref<128xi32, #tpu.memory_space<vmem>>
      %dma_wait3A_60 = arith.constant 0 : i32
      %dma_wait3A_61 = arith.constant 0 : i32
      %dma_wait3A_62 = tpu.memref_slice %arg11[%dma_wait3A_60, %dma_wait3A_61] : memref<100096x16xf32, #tpu.memory_space<vmem_shared>> -> memref<100096x16xf32, #tpu.memory_space<vmem_shared>>
      tpu.wait_indirect_dma semaphore(%run_scoped3A_52 : memref<!tpu.dma_semaphore, #tpu.memory_space<semaphore_mem>>) src(%arg10 : memref<128x16xf32, #tpu.memory_space<vmem>>) dst(%dma_wait3A_62 : memref<100096x16xf32, #tpu.memory_space<vmem_shared>>)
      tpu.yield
    }) : () -> ()
    %barrier3A_44 = arith.constant 0 : index
    tpu.barrier barrier_id(%barrier3A_44)
    %mul3A_45 = arith.constant 6256 : i32
    %mul3A_46 = arith.muli %arg1, %mul3A_45 : i32
    %mul3A_47 = arith.constant 100096 : i32
    %mul3A_48 = arith.muli %arg0, %mul3A_47 : i32
    %mul3A_49 = arith.constant 6256 : i32
    %mul3A_50 = arith.muli %arg1, %mul3A_49 : i32
    %add3A_51 = arith.addi %mul3A_48, %mul3A_50 : i32
    "tpu.region"() ({
      %run_scoped3A_52 = tpu.sem_alloc : memref<!tpu.dma_semaphore, #tpu.memory_space<semaphore_mem>>
      %dma_start3A = arith.constant 0 : i32
      %dma_start3A_53 = tpu.memref_slice %arg6[%add3A_51, %dma_start3A] : memref<200192x16xf32, #tpu.memory_space<hbm>> -> memref<6256x16xf32, #tpu.memory_space<hbm>>
      %dma_start3A_54 = arith.constant 0 : i32
      %dma_start3A_55 = tpu.memref_slice %arg11[%mul3A_46, %dma_start3A_54] : memref<100096x16xf32, #tpu.memory_space<vmem_shared>> -> memref<6256x16xf32, #tpu.memory_space<vmem_shared>>
      tpu.enqueue_dma source(%dma_start3A_55 : memref<6256x16xf32, #tpu.memory_space<vmem_shared>>) target(%dma_start3A_53 : memref<6256x16xf32, #tpu.memory_space<hbm>>) target_semaphore(%run_scoped3A_52 : memref<!tpu.dma_semaphore, #tpu.memory_space<semaphore_mem>>)
      %dma_wait3A = arith.constant 0 : i32
      %dma_wait3A_56 = tpu.memref_slice %arg6[%add3A_51, %dma_wait3A] : memref<200192x16xf32, #tpu.memory_space<hbm>> -> memref<6256x16xf32, #tpu.memory_space<hbm>>
      %dma_wait3A_57 = arith.constant 0 : i32
      %dma_wait3A_58 = tpu.memref_slice %arg11[%mul3A_46, %dma_wait3A_57] : memref<100096x16xf32, #tpu.memory_space<vmem_shared>> -> memref<6256x16xf32, #tpu.memory_space<vmem_shared>>
      tpu.wait_dma2 semaphore(%run_scoped3A_52 : memref<!tpu.dma_semaphore, #tpu.memory_space<semaphore_mem>>) src(%dma_wait3A_58 : memref<6256x16xf32, #tpu.memory_space<vmem_shared>>) dst(%dma_wait3A_56 : memref<6256x16xf32, #tpu.memory_space<hbm>>)
      tpu.yield
    }) : () -> ()
    return
  }
}

#map = affine_map<(d0, d1) -> (0, 0)>
module attributes {stable_mosaic.version = 14 : i64} {
  func.func @kern(%arg0: i32, %arg1: i32, %arg2: memref<100000x16xf32, #tpu.memory_space<hbm>>, %arg3: memref<25600x128xi32, #tpu.memory_space<hbm>>, %arg4: memref<25600x128xi32, #tpu.memory_space<hbm>>, %arg5: memref<100096x16xf32, #tpu.memory_space<hbm>>, %arg6: memref<200192x16xf32, #tpu.memory_space<hbm>>, %arg7: memref<2x8x128xi32, #tpu.memory_space<vmem>>, %arg8: memref<2x8x128xi32, #tpu.memory_space<vmem>>, %arg9: memref<8x128x16xf32, #tpu.memory_space<vmem>>, %arg10: memref<128x16xf32, #tpu.memory_space<vmem>>, %arg11: memref<100096x16xf32, #tpu.memory_space<vmem_shared>>, %arg12: memref<2x!tpu.dma_semaphore, #tpu.memory_space<semaphore_mem>>, %arg13: memref<8x!tpu.dma_semaphore, #tpu.memory_space<semaphore_mem>>, %arg14: memref<8x!tpu.dma_semaphore, #tpu.memory_space<semaphore_mem>>) attributes {dimension_semantics = [#tpu.dimension_semantics<core_parallel>, #tpu.dimension_semantics<subcore_parallel>], iteration_bounds = array<i64: 2, 16>, scalar_prefetch = 0 : i64, scratch_operands = 8 : i64, tpu.core_type = #tpu.core_type<sc_vector_subcore>, window_params = [{transform_indices = #map}, {transform_indices = #map}, {transform_indices = #map}, {transform_indices = #map}, {transform_indices = #map}]} {
    %mul3A = arith.constant 2 : i32
    %mul3A_0 = arith.muli %arg1, %mul3A : i32
    %add3A = arith.addi %mul3A_0, %arg0 : i32
    %mul3A_1 = arith.constant 6256 : i32
    %mul3A_2 = arith.muli %arg1, %mul3A_1 : i32
    %mul3A_3 = arith.constant 6256 : i32
    %mul3A_4 = arith.muli %arg1, %mul3A_3 : i32
    "tpu.region"() ({
      %run_scoped3A_52 = tpu.sem_alloc : memref<!tpu.dma_semaphore, #tpu.memory_space<semaphore_mem>>
      %dma_start3A = arith.constant 0 : i32
      %dma_start3A_53 = tpu.memref_slice %arg11[%mul3A_4, %dma_start3A] : memref<100096x16xf32, #tpu.memory_space<vmem_shared>> -> memref<6256x16xf32, #tpu.memory_space<vmem_shared>>
      %dma_start3A_54 = arith.constant 0 : i32
      %dma_start3A_55 = tpu.memref_slice %arg5[%mul3A_2, %dma_start3A_54] : memref<100096x16xf32, #tpu.memory_space<hbm>> -> memref<6256x16xf32, #tpu.memory_space<hbm>>
      tpu.enqueue_dma source(%dma_start3A_55 : memref<6256x16xf32, #tpu.memory_space<hbm>>) target(%dma_start3A_53 : memref<6256x16xf32, #tpu.memory_space<vmem_shared>>) target_semaphore(%run_scoped3A_52 : memref<!tpu.dma_semaphore, #tpu.memory_space<semaphore_mem>>)
      %dma_wait3A = arith.constant 0 : i32
      %dma_wait3A_56 = tpu.memref_slice %arg11[%mul3A_4, %dma_wait3A] : memref<100096x16xf32, #tpu.memory_space<vmem_shared>> -> memref<6256x16xf32, #tpu.memory_space<vmem_shared>>
      %dma_wait3A_57 = arith.constant 0 : i32
      %dma_wait3A_58 = tpu.memref_slice %arg5[%mul3A_2, %dma_wait3A_57] : memref<100096x16xf32, #tpu.memory_space<hbm>> -> memref<6256x16xf32, #tpu.memory_space<hbm>>
      tpu.wait_dma2 semaphore(%run_scoped3A_52 : memref<!tpu.dma_semaphore, #tpu.memory_space<semaphore_mem>>) src(%dma_wait3A_58 : memref<6256x16xf32, #tpu.memory_space<hbm>>) dst(%dma_wait3A_56 : memref<6256x16xf32, #tpu.memory_space<vmem_shared>>)
      tpu.yield
    }) : () -> ()
    "tpu.region"() ({
      %run_scoped3A_52 = tpu.sem_alloc : memref<!tpu.dma_semaphore, #tpu.memory_space<semaphore_mem>>
      %dma_start3A = arith.constant 0 : i32
      %dma_start3A_53 = arith.constant 0 : i32
      %dma_start3A_54 = tpu.memref_slice %arg5[%dma_start3A, %dma_start3A_53] : memref<100096x16xf32, #tpu.memory_space<hbm>> -> memref<128x16xf32, #tpu.memory_space<hbm>>
      %dma_start3A_55 = arith.constant 0 : i32
      %dma_start3A_56 = arith.constant 0 : i32
      %dma_start3A_57 = tpu.memref_slice %arg5[%dma_start3A_55, %dma_start3A_56] : memref<100096x16xf32, #tpu.memory_space<hbm>> -> memref<128x16xf32, #tpu.memory_space<hbm>>
      tpu.enqueue_dma source(%dma_start3A_57 : memref<128x16xf32, #tpu.memory_space<hbm>>) target(%arg10 : memref<128x16xf32, #tpu.memory_space<vmem>>) target_semaphore(%run_scoped3A_52 : memref<!tpu.dma_semaphore, #tpu.memory_space<semaphore_mem>>)
      %dma_wait3A = arith.constant 0 : i32
      %dma_wait3A_58 = arith.constant 0 : i32
      %dma_wait3A_59 = tpu.memref_slice %arg5[%dma_wait3A, %dma_wait3A_58] : memref<100096x16xf32, #tpu.memory_space<hbm>> -> memref<128x16xf32, #tpu.memory_space<hbm>>
      %dma_wait3A_60 = arith.constant 0 : i32
      %dma_wait3A_61 = arith.constant 0 : i32
      %dma_wait3A_62 = tpu.memref_slice %arg5[%dma_wait3A_60, %dma_wait3A_61] : memref<100096x16xf32, #tpu.memory_space<hbm>> -> memref<128x16xf32, #tpu.memory_space<hbm>>
      tpu.wait_dma2 semaphore(%run_scoped3A_52 : memref<!tpu.dma_semaphore, #tpu.memory_space<semaphore_mem>>) src(%dma_wait3A_62 : memref<128x16xf32, #tpu.memory_space<hbm>>) dst(%arg10 : memref<128x16xf32, #tpu.memory_space<vmem>>)
      tpu.yield
    }) : () -> ()
    %barrier3A = arith.constant 0 : index
    tpu.barrier barrier_id(%barrier3A)
    %mul3A_5 = arith.constant 800 : i32
    %mul3A_6 = arith.muli %add3A, %mul3A_5 : i32
    %run_scoped3A = arith.constant 0 : i32
    "tpu.region"() ({
      %run_scoped3A_52 = tpu.sem_alloc : memref<!tpu.dma_semaphore, #tpu.memory_space<semaphore_mem>>
      %dma_start3A = arith.constant 0 : i32
      %dma_start3A_53 = arith.constant 0 : i32
      %dma_start3A_54 = tpu.memref_slice %arg7[%run_scoped3A, %dma_start3A, %dma_start3A_53] : memref<2x8x128xi32, #tpu.memory_space<vmem>> -> memref<1x8x128xi32, #tpu.memory_space<vmem>>
      %dma_start3A_55 = tpu.memref_squeeze %dma_start3A_54 : memref<1x8x128xi32, #tpu.memory_space<vmem>> -> memref<8x128xi32, #tpu.memory_space<vmem>>
      %dma_start3A_56 = arith.constant 0 : i32
      %dma_start3A_57 = tpu.memref_slice %arg3[%mul3A_6, %dma_start3A_56] : memref<25600x128xi32, #tpu.memory_space<hbm>> -> memref<8x128xi32, #tpu.memory_space<hbm>>
      %dma_start3A_58 = arith.constant 0 : i32
      %dma_start3A_59 = arith.constant 0 : i32
      %dma_start3A_60 = tpu.memref_slice %arg7[%run_scoped3A, %dma_start3A_58, %dma_start3A_59] : memref<2x8x128xi32, #tpu.memory_space<vmem>> -> memref<1x8x128xi32, #tpu.memory_space<vmem>>
      %dma_start3A_61 = tpu.memref_squeeze %dma_start3A_60 : memref<1x8x128xi32, #tpu.memory_space<vmem>> -> memref<8x128xi32, #tpu.memory_space<vmem>>
      %dma_start3A_62 = arith.constant 0 : i32
      %dma_start3A_63 = tpu.memref_slice %arg3[%mul3A_6, %dma_start3A_62] : memref<25600x128xi32, #tpu.memory_space<hbm>> -> memref<8x128xi32, #tpu.memory_space<hbm>>
      tpu.enqueue_dma source(%dma_start3A_63 : memref<8x128xi32, #tpu.memory_space<hbm>>) target(%dma_start3A_61 : memref<8x128xi32, #tpu.memory_space<vmem>>) target_semaphore(%run_scoped3A_52 : memref<!tpu.dma_semaphore, #tpu.memory_space<semaphore_mem>>)
      %dma_wait3A = arith.constant 0 : i32
      %dma_wait3A_64 = arith.constant 0 : i32
      %dma_wait3A_65 = tpu.memref_slice %arg7[%run_scoped3A, %dma_wait3A, %dma_wait3A_64] : memref<2x8x128xi32, #tpu.memory_space<vmem>> -> memref<1x8x128xi32, #tpu.memory_space<vmem>>
      %dma_wait3A_66 = tpu.memref_squeeze %dma_wait3A_65 : memref<1x8x128xi32, #tpu.memory_space<vmem>> -> memref<8x128xi32, #tpu.memory_space<vmem>>
      %dma_wait3A_67 = arith.constant 0 : i32
      %dma_wait3A_68 = tpu.memref_slice %arg3[%mul3A_6, %dma_wait3A_67] : memref<25600x128xi32, #tpu.memory_space<hbm>> -> memref<8x128xi32, #tpu.memory_space<hbm>>
      %dma_wait3A_69 = arith.constant 0 : i32
      %dma_wait3A_70 = arith.constant 0 : i32
      %dma_wait3A_71 = tpu.memref_slice %arg7[%run_scoped3A, %dma_wait3A_69, %dma_wait3A_70] : memref<2x8x128xi32, #tpu.memory_space<vmem>> -> memref<1x8x128xi32, #tpu.memory_space<vmem>>
      %dma_wait3A_72 = tpu.memref_squeeze %dma_wait3A_71 : memref<1x8x128xi32, #tpu.memory_space<vmem>> -> memref<8x128xi32, #tpu.memory_space<vmem>>
      %dma_wait3A_73 = arith.constant 0 : i32
      %dma_wait3A_74 = tpu.memref_slice %arg3[%mul3A_6, %dma_wait3A_73] : memref<25600x128xi32, #tpu.memory_space<hbm>> -> memref<8x128xi32, #tpu.memory_space<hbm>>
      tpu.wait_dma2 semaphore(%run_scoped3A_52 : memref<!tpu.dma_semaphore, #tpu.memory_space<semaphore_mem>>) src(%dma_wait3A_74 : memref<8x128xi32, #tpu.memory_space<hbm>>) dst(%dma_wait3A_72 : memref<8x128xi32, #tpu.memory_space<vmem>>)
      tpu.yield
    }) : () -> ()
    %run_scoped3A_7 = arith.constant 0 : i32
    "tpu.region"() ({
      %run_scoped3A_52 = tpu.sem_alloc : memref<!tpu.dma_semaphore, #tpu.memory_space<semaphore_mem>>
      %dma_start3A = arith.constant 0 : i32
      %dma_start3A_53 = arith.constant 0 : i32
      %dma_start3A_54 = tpu.memref_slice %arg8[%run_scoped3A_7, %dma_start3A, %dma_start3A_53] : memref<2x8x128xi32, #tpu.memory_space<vmem>> -> memref<1x8x128xi32, #tpu.memory_space<vmem>>
      %dma_start3A_55 = tpu.memref_squeeze %dma_start3A_54 : memref<1x8x128xi32, #tpu.memory_space<vmem>> -> memref<8x128xi32, #tpu.memory_space<vmem>>
      %dma_start3A_56 = arith.constant 0 : i32
      %dma_start3A_57 = tpu.memref_slice %arg4[%mul3A_6, %dma_start3A_56] : memref<25600x128xi32, #tpu.memory_space<hbm>> -> memref<8x128xi32, #tpu.memory_space<hbm>>
      %dma_start3A_58 = arith.constant 0 : i32
      %dma_start3A_59 = arith.constant 0 : i32
      %dma_start3A_60 = tpu.memref_slice %arg8[%run_scoped3A_7, %dma_start3A_58, %dma_start3A_59] : memref<2x8x128xi32, #tpu.memory_space<vmem>> -> memref<1x8x128xi32, #tpu.memory_space<vmem>>
      %dma_start3A_61 = tpu.memref_squeeze %dma_start3A_60 : memref<1x8x128xi32, #tpu.memory_space<vmem>> -> memref<8x128xi32, #tpu.memory_space<vmem>>
      %dma_start3A_62 = arith.constant 0 : i32
      %dma_start3A_63 = tpu.memref_slice %arg4[%mul3A_6, %dma_start3A_62] : memref<25600x128xi32, #tpu.memory_space<hbm>> -> memref<8x128xi32, #tpu.memory_space<hbm>>
      tpu.enqueue_dma source(%dma_start3A_63 : memref<8x128xi32, #tpu.memory_space<hbm>>) target(%dma_start3A_61 : memref<8x128xi32, #tpu.memory_space<vmem>>) target_semaphore(%run_scoped3A_52 : memref<!tpu.dma_semaphore, #tpu.memory_space<semaphore_mem>>)
      %dma_wait3A = arith.constant 0 : i32
      %dma_wait3A_64 = arith.constant 0 : i32
      %dma_wait3A_65 = tpu.memref_slice %arg8[%run_scoped3A_7, %dma_wait3A, %dma_wait3A_64] : memref<2x8x128xi32, #tpu.memory_space<vmem>> -> memref<1x8x128xi32, #tpu.memory_space<vmem>>
      %dma_wait3A_66 = tpu.memref_squeeze %dma_wait3A_65 : memref<1x8x128xi32, #tpu.memory_space<vmem>> -> memref<8x128xi32, #tpu.memory_space<vmem>>
      %dma_wait3A_67 = arith.constant 0 : i32
      %dma_wait3A_68 = tpu.memref_slice %arg4[%mul3A_6, %dma_wait3A_67] : memref<25600x128xi32, #tpu.memory_space<hbm>> -> memref<8x128xi32, #tpu.memory_space<hbm>>
      %dma_wait3A_69 = arith.constant 0 : i32
      %dma_wait3A_70 = arith.constant 0 : i32
      %dma_wait3A_71 = tpu.memref_slice %arg8[%run_scoped3A_7, %dma_wait3A_69, %dma_wait3A_70] : memref<2x8x128xi32, #tpu.memory_space<vmem>> -> memref<1x8x128xi32, #tpu.memory_space<vmem>>
      %dma_wait3A_72 = tpu.memref_squeeze %dma_wait3A_71 : memref<1x8x128xi32, #tpu.memory_space<vmem>> -> memref<8x128xi32, #tpu.memory_space<vmem>>
      %dma_wait3A_73 = arith.constant 0 : i32
      %dma_wait3A_74 = tpu.memref_slice %arg4[%mul3A_6, %dma_wait3A_73] : memref<25600x128xi32, #tpu.memory_space<hbm>> -> memref<8x128xi32, #tpu.memory_space<hbm>>
      tpu.wait_dma2 semaphore(%run_scoped3A_52 : memref<!tpu.dma_semaphore, #tpu.memory_space<semaphore_mem>>) src(%dma_wait3A_74 : memref<8x128xi32, #tpu.memory_space<hbm>>) dst(%dma_wait3A_72 : memref<8x128xi32, #tpu.memory_space<vmem>>)
      tpu.yield
    }) : () -> ()
    %scan3A = arith.constant 0 : i32
    %scan3A_8 = arith.constant 100 : i32
    %scan3A_9 = arith.addi %scan3A, %scan3A_8 : i32
    %scan3A_10 = arith.constant 1 : i32
    scf.for %scan3A_52 = %scan3A to %scan3A_9 step %scan3A_10  : i32 {
      %mul3A_53 = arith.constant 1 : i32
      %mul3A_54 = arith.muli %scan3A_52, %mul3A_53 : i32
      %add3A_55 = arith.constant 0 : i32
      %add3A_56 = arith.addi %add3A_55, %mul3A_54 : i32
      %rem3A = arith.constant 2 : i32
      %rem3A_57 = arith.remsi %add3A_56, %rem3A : i32
      %add3A_58 = arith.constant 1 : i32
      %add3A_59 = arith.addi %add3A_56, %add3A_58 : i32
      %rem3A_60 = arith.constant 100 : i32
      %rem3A_61 = arith.remsi %add3A_59, %rem3A_60 : i32
      %mul3A_62 = arith.constant 8 : i32
      %mul3A_63 = arith.muli %rem3A_61, %mul3A_62 : i32
      %add3A_64 = arith.addi %mul3A_6, %mul3A_63 : i32
      %sub3A = arith.constant 1 : i32
      %sub3A_65 = arith.subi %sub3A, %rem3A_57 : i32
      %dma_start3A = arith.constant 0 : i32
      %dma_start3A_66 = arith.constant 0 : i32
      %dma_start3A_67 = arith.constant 0 : i32
      %dma_start3A_68 = tpu.memref_slice %arg7[%sub3A_65, %dma_start3A_66, %dma_start3A_67] : memref<2x8x128xi32, #tpu.memory_space<vmem>> -> memref<1x8x128xi32, #tpu.memory_space<vmem>>
      %dma_start3A_69 = tpu.memref_squeeze %dma_start3A_68 : memref<1x8x128xi32, #tpu.memory_space<vmem>> -> memref<8x128xi32, #tpu.memory_space<vmem>>
      %dma_start3A_70 = arith.constant 0 : i32
      %dma_start3A_71 = tpu.memref_slice %arg3[%add3A_64, %dma_start3A_70] : memref<25600x128xi32, #tpu.memory_space<hbm>> -> memref<8x128xi32, #tpu.memory_space<hbm>>
      %dma_start3A_72 = tpu.memref_slice %arg12[%dma_start3A] : memref<2x!tpu.dma_semaphore, #tpu.memory_space<semaphore_mem>> -> memref<1x!tpu.dma_semaphore, #tpu.memory_space<semaphore_mem>>
      %dma_start3A_73 = tpu.memref_squeeze %dma_start3A_72 : memref<1x!tpu.dma_semaphore, #tpu.memory_space<semaphore_mem>> -> memref<!tpu.dma_semaphore, #tpu.memory_space<semaphore_mem>>
      %dma_start3A_74 = arith.constant 0 : i32
      %dma_start3A_75 = arith.constant 0 : i32
      %dma_start3A_76 = tpu.memref_slice %arg7[%sub3A_65, %dma_start3A_74, %dma_start3A_75] : memref<2x8x128xi32, #tpu.memory_space<vmem>> -> memref<1x8x128xi32, #tpu.memory_space<vmem>>
      %dma_start3A_77 = tpu.memref_squeeze %dma_start3A_76 : memref<1x8x128xi32, #tpu.memory_space<vmem>> -> memref<8x128xi32, #tpu.memory_space<vmem>>
      %dma_start3A_78 = arith.constant 0 : i32
      %dma_start3A_79 = tpu.memref_slice %arg3[%add3A_64, %dma_start3A_78] : memref<25600x128xi32, #tpu.memory_space<hbm>> -> memref<8x128xi32, #tpu.memory_space<hbm>>
      tpu.enqueue_dma source(%dma_start3A_79 : memref<8x128xi32, #tpu.memory_space<hbm>>) target(%dma_start3A_77 : memref<8x128xi32, #tpu.memory_space<vmem>>) target_semaphore(%dma_start3A_73 : memref<!tpu.dma_semaphore, #tpu.memory_space<semaphore_mem>>)
      %sub3A_80 = arith.constant 1 : i32
      %sub3A_81 = arith.subi %sub3A_80, %rem3A_57 : i32
      %dma_start3A_82 = arith.constant 1 : i32
      %dma_start3A_83 = arith.constant 0 : i32
      %dma_start3A_84 = arith.constant 0 : i32
      %dma_start3A_85 = tpu.memref_slice %arg8[%sub3A_81, %dma_start3A_83, %dma_start3A_84] : memref<2x8x128xi32, #tpu.memory_space<vmem>> -> memref<1x8x128xi32, #tpu.memory_space<vmem>>
      %dma_start3A_86 = tpu.memref_squeeze %dma_start3A_85 : memref<1x8x128xi32, #tpu.memory_space<vmem>> -> memref<8x128xi32, #tpu.memory_space<vmem>>
      %dma_start3A_87 = arith.constant 0 : i32
      %dma_start3A_88 = tpu.memref_slice %arg4[%add3A_64, %dma_start3A_87] : memref<25600x128xi32, #tpu.memory_space<hbm>> -> memref<8x128xi32, #tpu.memory_space<hbm>>
      %dma_start3A_89 = tpu.memref_slice %arg12[%dma_start3A_82] : memref<2x!tpu.dma_semaphore, #tpu.memory_space<semaphore_mem>> -> memref<1x!tpu.dma_semaphore, #tpu.memory_space<semaphore_mem>>
      %dma_start3A_90 = tpu.memref_squeeze %dma_start3A_89 : memref<1x!tpu.dma_semaphore, #tpu.memory_space<semaphore_mem>> -> memref<!tpu.dma_semaphore, #tpu.memory_space<semaphore_mem>>
      %dma_start3A_91 = arith.constant 0 : i32
      %dma_start3A_92 = arith.constant 0 : i32
      %dma_start3A_93 = tpu.memref_slice %arg8[%sub3A_81, %dma_start3A_91, %dma_start3A_92] : memref<2x8x128xi32, #tpu.memory_space<vmem>> -> memref<1x8x128xi32, #tpu.memory_space<vmem>>
      %dma_start3A_94 = tpu.memref_squeeze %dma_start3A_93 : memref<1x8x128xi32, #tpu.memory_space<vmem>> -> memref<8x128xi32, #tpu.memory_space<vmem>>
      %dma_start3A_95 = arith.constant 0 : i32
      %dma_start3A_96 = tpu.memref_slice %arg4[%add3A_64, %dma_start3A_95] : memref<25600x128xi32, #tpu.memory_space<hbm>> -> memref<8x128xi32, #tpu.memory_space<hbm>>
      tpu.enqueue_dma source(%dma_start3A_96 : memref<8x128xi32, #tpu.memory_space<hbm>>) target(%dma_start3A_94 : memref<8x128xi32, #tpu.memory_space<vmem>>) target_semaphore(%dma_start3A_90 : memref<!tpu.dma_semaphore, #tpu.memory_space<semaphore_mem>>)
      %dma_start3A_97 = arith.constant 0 : i32
      %dma_start3A_98 = arith.constant 0 : i32
      %dma_start3A_99 = arith.constant 0 : i32
      %dma_start3A_100 = arith.constant 0 : i32
      %dma_start3A_101 = arith.constant 0 : i32
      %dma_start3A_102 = tpu.memref_slice %arg9[%dma_start3A_98, %dma_start3A_100, %dma_start3A_101] : memref<8x128x16xf32, #tpu.memory_space<vmem>> -> memref<1x128x16xf32, #tpu.memory_space<vmem>>
      %dma_start3A_103 = tpu.memref_squeeze %dma_start3A_102 : memref<1x128x16xf32, #tpu.memory_space<vmem>> -> memref<128x16xf32, #tpu.memory_space<vmem>>
      %dma_start3A_104 = arith.constant 0 : i32
      %dma_start3A_105 = tpu.memref_slice %arg7[%rem3A_57, %dma_start3A_97, %dma_start3A_104] : memref<2x8x128xi32, #tpu.memory_space<vmem>> -> memref<1x1x128xi32, #tpu.memory_space<vmem>>
      %dma_start3A_106 = tpu.memref_squeeze %dma_start3A_105 : memref<1x1x128xi32, #tpu.memory_space<vmem>> -> memref<128xi32, #tpu.memory_space<vmem>>
      %dma_start3A_107 = arith.constant 0 : i32
      %dma_start3A_108 = arith.constant 0 : i32
      %dma_start3A_109 = tpu.memref_slice %arg2[%dma_start3A_107, %dma_start3A_108] : memref<100000x16xf32, #tpu.memory_space<hbm>> -> memref<100000x16xf32, #tpu.memory_space<hbm>>
      %dma_start3A_110 = tpu.memref_slice %arg13[%dma_start3A_99] : memref<8x!tpu.dma_semaphore, #tpu.memory_space<semaphore_mem>> -> memref<1x!tpu.dma_semaphore, #tpu.memory_space<semaphore_mem>>
      %dma_start3A_111 = tpu.memref_squeeze %dma_start3A_110 : memref<1x!tpu.dma_semaphore, #tpu.memory_space<semaphore_mem>> -> memref<!tpu.dma_semaphore, #tpu.memory_space<semaphore_mem>>
      tpu.enqueue_indirect_dma source(%dma_start3A_109 : memref<100000x16xf32, #tpu.memory_space<hbm>>) target(%dma_start3A_103 : memref<128x16xf32, #tpu.memory_space<vmem>>) offsets(%dma_start3A_106 : memref<128xi32, #tpu.memory_space<vmem>>) semaphore(%dma_start3A_111 : memref<!tpu.dma_semaphore, #tpu.memory_space<semaphore_mem>>)
      %dma_start3A_112 = arith.constant 1 : i32
      %dma_start3A_113 = arith.constant 1 : i32
      %dma_start3A_114 = arith.constant 1 : i32
      %dma_start3A_115 = arith.constant 0 : i32
      %dma_start3A_116 = arith.constant 0 : i32
      %dma_start3A_117 = tpu.memref_slice %arg9[%dma_start3A_113, %dma_start3A_115, %dma_start3A_116] : memref<8x128x16xf32, #tpu.memory_space<vmem>> -> memref<1x128x16xf32, #tpu.memory_space<vmem>>
      %dma_start3A_118 = tpu.memref_squeeze %dma_start3A_117 : memref<1x128x16xf32, #tpu.memory_space<vmem>> -> memref<128x16xf32, #tpu.memory_space<vmem>>
      %dma_start3A_119 = arith.constant 0 : i32
      %dma_start3A_120 = tpu.memref_slice %arg7[%rem3A_57, %dma_start3A_112, %dma_start3A_119] : memref<2x8x128xi32, #tpu.memory_space<vmem>> -> memref<1x1x128xi32, #tpu.memory_space<vmem>>
      %dma_start3A_121 = tpu.memref_squeeze %dma_start3A_120 : memref<1x1x128xi32, #tpu.memory_space<vmem>> -> memref<128xi32, #tpu.memory_space<vmem>>
      %dma_start3A_122 = arith.constant 0 : i32
      %dma_start3A_123 = arith.constant 0 : i32
      %dma_start3A_124 = tpu.memref_slice %arg2[%dma_start3A_122, %dma_start3A_123] : memref<100000x16xf32, #tpu.memory_space<hbm>> -> memref<100000x16xf32, #tpu.memory_space<hbm>>
      %dma_start3A_125 = tpu.memref_slice %arg13[%dma_start3A_114] : memref<8x!tpu.dma_semaphore, #tpu.memory_space<semaphore_mem>> -> memref<1x!tpu.dma_semaphore, #tpu.memory_space<semaphore_mem>>
      %dma_start3A_126 = tpu.memref_squeeze %dma_start3A_125 : memref<1x!tpu.dma_semaphore, #tpu.memory_space<semaphore_mem>> -> memref<!tpu.dma_semaphore, #tpu.memory_space<semaphore_mem>>
      tpu.enqueue_indirect_dma source(%dma_start3A_124 : memref<100000x16xf32, #tpu.memory_space<hbm>>) target(%dma_start3A_118 : memref<128x16xf32, #tpu.memory_space<vmem>>) offsets(%dma_start3A_121 : memref<128xi32, #tpu.memory_space<vmem>>) semaphore(%dma_start3A_126 : memref<!tpu.dma_semaphore, #tpu.memory_space<semaphore_mem>>)
      %dma_start3A_127 = arith.constant 2 : i32
      %dma_start3A_128 = arith.constant 2 : i32
      %dma_start3A_129 = arith.constant 2 : i32
      %dma_start3A_130 = arith.constant 0 : i32
      %dma_start3A_131 = arith.constant 0 : i32
      %dma_start3A_132 = tpu.memref_slice %arg9[%dma_start3A_128, %dma_start3A_130, %dma_start3A_131] : memref<8x128x16xf32, #tpu.memory_space<vmem>> -> memref<1x128x16xf32, #tpu.memory_space<vmem>>
      %dma_start3A_133 = tpu.memref_squeeze %dma_start3A_132 : memref<1x128x16xf32, #tpu.memory_space<vmem>> -> memref<128x16xf32, #tpu.memory_space<vmem>>
      %dma_start3A_134 = arith.constant 0 : i32
      %dma_start3A_135 = tpu.memref_slice %arg7[%rem3A_57, %dma_start3A_127, %dma_start3A_134] : memref<2x8x128xi32, #tpu.memory_space<vmem>> -> memref<1x1x128xi32, #tpu.memory_space<vmem>>
      %dma_start3A_136 = tpu.memref_squeeze %dma_start3A_135 : memref<1x1x128xi32, #tpu.memory_space<vmem>> -> memref<128xi32, #tpu.memory_space<vmem>>
      %dma_start3A_137 = arith.constant 0 : i32
      %dma_start3A_138 = arith.constant 0 : i32
      %dma_start3A_139 = tpu.memref_slice %arg2[%dma_start3A_137, %dma_start3A_138] : memref<100000x16xf32, #tpu.memory_space<hbm>> -> memref<100000x16xf32, #tpu.memory_space<hbm>>
      %dma_start3A_140 = tpu.memref_slice %arg13[%dma_start3A_129] : memref<8x!tpu.dma_semaphore, #tpu.memory_space<semaphore_mem>> -> memref<1x!tpu.dma_semaphore, #tpu.memory_space<semaphore_mem>>
      %dma_start3A_141 = tpu.memref_squeeze %dma_start3A_140 : memref<1x!tpu.dma_semaphore, #tpu.memory_space<semaphore_mem>> -> memref<!tpu.dma_semaphore, #tpu.memory_space<semaphore_mem>>
      tpu.enqueue_indirect_dma source(%dma_start3A_139 : memref<100000x16xf32, #tpu.memory_space<hbm>>) target(%dma_start3A_133 : memref<128x16xf32, #tpu.memory_space<vmem>>) offsets(%dma_start3A_136 : memref<128xi32, #tpu.memory_space<vmem>>) semaphore(%dma_start3A_141 : memref<!tpu.dma_semaphore, #tpu.memory_space<semaphore_mem>>)
      %dma_start3A_142 = arith.constant 3 : i32
      %dma_start3A_143 = arith.constant 3 : i32
      %dma_start3A_144 = arith.constant 3 : i32
      %dma_start3A_145 = arith.constant 0 : i32
      %dma_start3A_146 = arith.constant 0 : i32
      %dma_start3A_147 = tpu.memref_slice %arg9[%dma_start3A_143, %dma_start3A_145, %dma_start3A_146] : memref<8x128x16xf32, #tpu.memory_space<vmem>> -> memref<1x128x16xf32, #tpu.memory_space<vmem>>
      %dma_start3A_148 = tpu.memref_squeeze %dma_start3A_147 : memref<1x128x16xf32, #tpu.memory_space<vmem>> -> memref<128x16xf32, #tpu.memory_space<vmem>>
      %dma_start3A_149 = arith.constant 0 : i32
      %dma_start3A_150 = tpu.memref_slice %arg7[%rem3A_57, %dma_start3A_142, %dma_start3A_149] : memref<2x8x128xi32, #tpu.memory_space<vmem>> -> memref<1x1x128xi32, #tpu.memory_space<vmem>>
      %dma_start3A_151 = tpu.memref_squeeze %dma_start3A_150 : memref<1x1x128xi32, #tpu.memory_space<vmem>> -> memref<128xi32, #tpu.memory_space<vmem>>
      %dma_start3A_152 = arith.constant 0 : i32
      %dma_start3A_153 = arith.constant 0 : i32
      %dma_start3A_154 = tpu.memref_slice %arg2[%dma_start3A_152, %dma_start3A_153] : memref<100000x16xf32, #tpu.memory_space<hbm>> -> memref<100000x16xf32, #tpu.memory_space<hbm>>
      %dma_start3A_155 = tpu.memref_slice %arg13[%dma_start3A_144] : memref<8x!tpu.dma_semaphore, #tpu.memory_space<semaphore_mem>> -> memref<1x!tpu.dma_semaphore, #tpu.memory_space<semaphore_mem>>
      %dma_start3A_156 = tpu.memref_squeeze %dma_start3A_155 : memref<1x!tpu.dma_semaphore, #tpu.memory_space<semaphore_mem>> -> memref<!tpu.dma_semaphore, #tpu.memory_space<semaphore_mem>>
      tpu.enqueue_indirect_dma source(%dma_start3A_154 : memref<100000x16xf32, #tpu.memory_space<hbm>>) target(%dma_start3A_148 : memref<128x16xf32, #tpu.memory_space<vmem>>) offsets(%dma_start3A_151 : memref<128xi32, #tpu.memory_space<vmem>>) semaphore(%dma_start3A_156 : memref<!tpu.dma_semaphore, #tpu.memory_space<semaphore_mem>>)
      %dma_start3A_157 = arith.constant 4 : i32
      %dma_start3A_158 = arith.constant 4 : i32
      %dma_start3A_159 = arith.constant 4 : i32
      %dma_start3A_160 = arith.constant 0 : i32
      %dma_start3A_161 = arith.constant 0 : i32
      %dma_start3A_162 = tpu.memref_slice %arg9[%dma_start3A_158, %dma_start3A_160, %dma_start3A_161] : memref<8x128x16xf32, #tpu.memory_space<vmem>> -> memref<1x128x16xf32, #tpu.memory_space<vmem>>
      %dma_start3A_163 = tpu.memref_squeeze %dma_start3A_162 : memref<1x128x16xf32, #tpu.memory_space<vmem>> -> memref<128x16xf32, #tpu.memory_space<vmem>>
      %dma_start3A_164 = arith.constant 0 : i32
      %dma_start3A_165 = tpu.memref_slice %arg7[%rem3A_57, %dma_start3A_157, %dma_start3A_164] : memref<2x8x128xi32, #tpu.memory_space<vmem>> -> memref<1x1x128xi32, #tpu.memory_space<vmem>>
      %dma_start3A_166 = tpu.memref_squeeze %dma_start3A_165 : memref<1x1x128xi32, #tpu.memory_space<vmem>> -> memref<128xi32, #tpu.memory_space<vmem>>
      %dma_start3A_167 = arith.constant 0 : i32
      %dma_start3A_168 = arith.constant 0 : i32
      %dma_start3A_169 = tpu.memref_slice %arg2[%dma_start3A_167, %dma_start3A_168] : memref<100000x16xf32, #tpu.memory_space<hbm>> -> memref<100000x16xf32, #tpu.memory_space<hbm>>
      %dma_start3A_170 = tpu.memref_slice %arg13[%dma_start3A_159] : memref<8x!tpu.dma_semaphore, #tpu.memory_space<semaphore_mem>> -> memref<1x!tpu.dma_semaphore, #tpu.memory_space<semaphore_mem>>
      %dma_start3A_171 = tpu.memref_squeeze %dma_start3A_170 : memref<1x!tpu.dma_semaphore, #tpu.memory_space<semaphore_mem>> -> memref<!tpu.dma_semaphore, #tpu.memory_space<semaphore_mem>>
      tpu.enqueue_indirect_dma source(%dma_start3A_169 : memref<100000x16xf32, #tpu.memory_space<hbm>>) target(%dma_start3A_163 : memref<128x16xf32, #tpu.memory_space<vmem>>) offsets(%dma_start3A_166 : memref<128xi32, #tpu.memory_space<vmem>>) semaphore(%dma_start3A_171 : memref<!tpu.dma_semaphore, #tpu.memory_space<semaphore_mem>>)
      %dma_start3A_172 = arith.constant 5 : i32
      %dma_start3A_173 = arith.constant 5 : i32
      %dma_start3A_174 = arith.constant 5 : i32
      %dma_start3A_175 = arith.constant 0 : i32
      %dma_start3A_176 = arith.constant 0 : i32
      %dma_start3A_177 = tpu.memref_slice %arg9[%dma_start3A_173, %dma_start3A_175, %dma_start3A_176] : memref<8x128x16xf32, #tpu.memory_space<vmem>> -> memref<1x128x16xf32, #tpu.memory_space<vmem>>
      %dma_start3A_178 = tpu.memref_squeeze %dma_start3A_177 : memref<1x128x16xf32, #tpu.memory_space<vmem>> -> memref<128x16xf32, #tpu.memory_space<vmem>>
      %dma_start3A_179 = arith.constant 0 : i32
      %dma_start3A_180 = tpu.memref_slice %arg7[%rem3A_57, %dma_start3A_172, %dma_start3A_179] : memref<2x8x128xi32, #tpu.memory_space<vmem>> -> memref<1x1x128xi32, #tpu.memory_space<vmem>>
      %dma_start3A_181 = tpu.memref_squeeze %dma_start3A_180 : memref<1x1x128xi32, #tpu.memory_space<vmem>> -> memref<128xi32, #tpu.memory_space<vmem>>
      %dma_start3A_182 = arith.constant 0 : i32
      %dma_start3A_183 = arith.constant 0 : i32
      %dma_start3A_184 = tpu.memref_slice %arg2[%dma_start3A_182, %dma_start3A_183] : memref<100000x16xf32, #tpu.memory_space<hbm>> -> memref<100000x16xf32, #tpu.memory_space<hbm>>
      %dma_start3A_185 = tpu.memref_slice %arg13[%dma_start3A_174] : memref<8x!tpu.dma_semaphore, #tpu.memory_space<semaphore_mem>> -> memref<1x!tpu.dma_semaphore, #tpu.memory_space<semaphore_mem>>
      %dma_start3A_186 = tpu.memref_squeeze %dma_start3A_185 : memref<1x!tpu.dma_semaphore, #tpu.memory_space<semaphore_mem>> -> memref<!tpu.dma_semaphore, #tpu.memory_space<semaphore_mem>>
      tpu.enqueue_indirect_dma source(%dma_start3A_184 : memref<100000x16xf32, #tpu.memory_space<hbm>>) target(%dma_start3A_178 : memref<128x16xf32, #tpu.memory_space<vmem>>) offsets(%dma_start3A_181 : memref<128xi32, #tpu.memory_space<vmem>>) semaphore(%dma_start3A_186 : memref<!tpu.dma_semaphore, #tpu.memory_space<semaphore_mem>>)
      %dma_start3A_187 = arith.constant 6 : i32
      %dma_start3A_188 = arith.constant 6 : i32
      %dma_start3A_189 = arith.constant 6 : i32
      %dma_start3A_190 = arith.constant 0 : i32
      %dma_start3A_191 = arith.constant 0 : i32
      %dma_start3A_192 = tpu.memref_slice %arg9[%dma_start3A_188, %dma_start3A_190, %dma_start3A_191] : memref<8x128x16xf32, #tpu.memory_space<vmem>> -> memref<1x128x16xf32, #tpu.memory_space<vmem>>
      %dma_start3A_193 = tpu.memref_squeeze %dma_start3A_192 : memref<1x128x16xf32, #tpu.memory_space<vmem>> -> memref<128x16xf32, #tpu.memory_space<vmem>>
      %dma_start3A_194 = arith.constant 0 : i32
      %dma_start3A_195 = tpu.memref_slice %arg7[%rem3A_57, %dma_start3A_187, %dma_start3A_194] : memref<2x8x128xi32, #tpu.memory_space<vmem>> -> memref<1x1x128xi32, #tpu.memory_space<vmem>>
      %dma_start3A_196 = tpu.memref_squeeze %dma_start3A_195 : memref<1x1x128xi32, #tpu.memory_space<vmem>> -> memref<128xi32, #tpu.memory_space<vmem>>
      %dma_start3A_197 = arith.constant 0 : i32
      %dma_start3A_198 = arith.constant 0 : i32
      %dma_start3A_199 = tpu.memref_slice %arg2[%dma_start3A_197, %dma_start3A_198] : memref<100000x16xf32, #tpu.memory_space<hbm>> -> memref<100000x16xf32, #tpu.memory_space<hbm>>
      %dma_start3A_200 = tpu.memref_slice %arg13[%dma_start3A_189] : memref<8x!tpu.dma_semaphore, #tpu.memory_space<semaphore_mem>> -> memref<1x!tpu.dma_semaphore, #tpu.memory_space<semaphore_mem>>
      %dma_start3A_201 = tpu.memref_squeeze %dma_start3A_200 : memref<1x!tpu.dma_semaphore, #tpu.memory_space<semaphore_mem>> -> memref<!tpu.dma_semaphore, #tpu.memory_space<semaphore_mem>>
      tpu.enqueue_indirect_dma source(%dma_start3A_199 : memref<100000x16xf32, #tpu.memory_space<hbm>>) target(%dma_start3A_193 : memref<128x16xf32, #tpu.memory_space<vmem>>) offsets(%dma_start3A_196 : memref<128xi32, #tpu.memory_space<vmem>>) semaphore(%dma_start3A_201 : memref<!tpu.dma_semaphore, #tpu.memory_space<semaphore_mem>>)
      %dma_start3A_202 = arith.constant 7 : i32
      %dma_start3A_203 = arith.constant 7 : i32
      %dma_start3A_204 = arith.constant 7 : i32
      %dma_start3A_205 = arith.constant 0 : i32
      %dma_start3A_206 = arith.constant 0 : i32
      %dma_start3A_207 = tpu.memref_slice %arg9[%dma_start3A_203, %dma_start3A_205, %dma_start3A_206] : memref<8x128x16xf32, #tpu.memory_space<vmem>> -> memref<1x128x16xf32, #tpu.memory_space<vmem>>
      %dma_start3A_208 = tpu.memref_squeeze %dma_start3A_207 : memref<1x128x16xf32, #tpu.memory_space<vmem>> -> memref<128x16xf32, #tpu.memory_space<vmem>>
      %dma_start3A_209 = arith.constant 0 : i32
      %dma_start3A_210 = tpu.memref_slice %arg7[%rem3A_57, %dma_start3A_202, %dma_start3A_209] : memref<2x8x128xi32, #tpu.memory_space<vmem>> -> memref<1x1x128xi32, #tpu.memory_space<vmem>>
      %dma_start3A_211 = tpu.memref_squeeze %dma_start3A_210 : memref<1x1x128xi32, #tpu.memory_space<vmem>> -> memref<128xi32, #tpu.memory_space<vmem>>
      %dma_start3A_212 = arith.constant 0 : i32
      %dma_start3A_213 = arith.constant 0 : i32
      %dma_start3A_214 = tpu.memref_slice %arg2[%dma_start3A_212, %dma_start3A_213] : memref<100000x16xf32, #tpu.memory_space<hbm>> -> memref<100000x16xf32, #tpu.memory_space<hbm>>
      %dma_start3A_215 = tpu.memref_slice %arg13[%dma_start3A_204] : memref<8x!tpu.dma_semaphore, #tpu.memory_space<semaphore_mem>> -> memref<1x!tpu.dma_semaphore, #tpu.memory_space<semaphore_mem>>
      %dma_start3A_216 = tpu.memref_squeeze %dma_start3A_215 : memref<1x!tpu.dma_semaphore, #tpu.memory_space<semaphore_mem>> -> memref<!tpu.dma_semaphore, #tpu.memory_space<semaphore_mem>>
      tpu.enqueue_indirect_dma source(%dma_start3A_214 : memref<100000x16xf32, #tpu.memory_space<hbm>>) target(%dma_start3A_208 : memref<128x16xf32, #tpu.memory_space<vmem>>) offsets(%dma_start3A_211 : memref<128xi32, #tpu.memory_space<vmem>>) semaphore(%dma_start3A_216 : memref<!tpu.dma_semaphore, #tpu.memory_space<semaphore_mem>>)
      %dma_wait3A = arith.constant 0 : i32
      %dma_wait3A_217 = arith.constant 0 : i32
      %dma_wait3A_218 = arith.constant 0 : i32
      %dma_wait3A_219 = arith.constant 0 : i32
      %dma_wait3A_220 = arith.constant 0 : i32
      %dma_wait3A_221 = tpu.memref_slice %arg9[%dma_wait3A_217, %dma_wait3A_219, %dma_wait3A_220] : memref<8x128x16xf32, #tpu.memory_space<vmem>> -> memref<1x128x16xf32, #tpu.memory_space<vmem>>
      %dma_wait3A_222 = tpu.memref_squeeze %dma_wait3A_221 : memref<1x128x16xf32, #tpu.memory_space<vmem>> -> memref<128x16xf32, #tpu.memory_space<vmem>>
      %dma_wait3A_223 = arith.constant 0 : i32
      %dma_wait3A_224 = tpu.memref_slice %arg7[%rem3A_57, %dma_wait3A, %dma_wait3A_223] : memref<2x8x128xi32, #tpu.memory_space<vmem>> -> memref<1x1x128xi32, #tpu.memory_space<vmem>>
      %dma_wait3A_225 = tpu.memref_squeeze %dma_wait3A_224 : memref<1x1x128xi32, #tpu.memory_space<vmem>> -> memref<128xi32, #tpu.memory_space<vmem>>
      %dma_wait3A_226 = arith.constant 0 : i32
      %dma_wait3A_227 = arith.constant 0 : i32
      %dma_wait3A_228 = tpu.memref_slice %arg2[%dma_wait3A_226, %dma_wait3A_227] : memref<100000x16xf32, #tpu.memory_space<hbm>> -> memref<100000x16xf32, #tpu.memory_space<hbm>>
      %dma_wait3A_229 = tpu.memref_slice %arg13[%dma_wait3A_218] : memref<8x!tpu.dma_semaphore, #tpu.memory_space<semaphore_mem>> -> memref<1x!tpu.dma_semaphore, #tpu.memory_space<semaphore_mem>>
      %dma_wait3A_230 = tpu.memref_squeeze %dma_wait3A_229 : memref<1x!tpu.dma_semaphore, #tpu.memory_space<semaphore_mem>> -> memref<!tpu.dma_semaphore, #tpu.memory_space<semaphore_mem>>
      tpu.wait_indirect_dma semaphore(%dma_wait3A_230 : memref<!tpu.dma_semaphore, #tpu.memory_space<semaphore_mem>>) src(%dma_wait3A_228 : memref<100000x16xf32, #tpu.memory_space<hbm>>) dst(%dma_wait3A_222 : memref<128x16xf32, #tpu.memory_space<vmem>>)
      %dma_start3A_231 = arith.constant 0 : i32
      %dma_start3A_232 = arith.constant 0 : i32
      %dma_start3A_233 = arith.constant 0 : i32
      %dma_start3A_234 = arith.constant 0 : i32
      %dma_start3A_235 = arith.constant 0 : i32
      %dma_start3A_236 = tpu.memref_slice %arg9[%dma_start3A_231, %dma_start3A_234, %dma_start3A_235] : memref<8x128x16xf32, #tpu.memory_space<vmem>> -> memref<1x128x16xf32, #tpu.memory_space<vmem>>
      %dma_start3A_237 = tpu.memref_squeeze %dma_start3A_236 : memref<1x128x16xf32, #tpu.memory_space<vmem>> -> memref<128x16xf32, #tpu.memory_space<vmem>>
      %dma_start3A_238 = arith.constant 0 : i32
      %dma_start3A_239 = tpu.memref_slice %arg8[%rem3A_57, %dma_start3A_232, %dma_start3A_238] : memref<2x8x128xi32, #tpu.memory_space<vmem>> -> memref<1x1x128xi32, #tpu.memory_space<vmem>>
      %dma_start3A_240 = tpu.memref_squeeze %dma_start3A_239 : memref<1x1x128xi32, #tpu.memory_space<vmem>> -> memref<128xi32, #tpu.memory_space<vmem>>
      %dma_start3A_241 = arith.constant 0 : i32
      %dma_start3A_242 = arith.constant 0 : i32
      %dma_start3A_243 = tpu.memref_slice %arg11[%dma_start3A_241, %dma_start3A_242] : memref<100096x16xf32, #tpu.memory_space<vmem_shared>> -> memref<100096x16xf32, #tpu.memory_space<vmem_shared>>
      %dma_start3A_244 = tpu.memref_slice %arg14[%dma_start3A_233] : memref<8x!tpu.dma_semaphore, #tpu.memory_space<semaphore_mem>> -> memref<1x!tpu.dma_semaphore, #tpu.memory_space<semaphore_mem>>
      %dma_start3A_245 = tpu.memref_squeeze %dma_start3A_244 : memref<1x!tpu.dma_semaphore, #tpu.memory_space<semaphore_mem>> -> memref<!tpu.dma_semaphore, #tpu.memory_space<semaphore_mem>>
      tpu.enqueue_indirect_dma source(%dma_start3A_237 : memref<128x16xf32, #tpu.memory_space<vmem>>) target(%dma_start3A_243 : memref<100096x16xf32, #tpu.memory_space<vmem_shared>>) offsets(%dma_start3A_240 : memref<128xi32, #tpu.memory_space<vmem>>) semaphore(%dma_start3A_245 : memref<!tpu.dma_semaphore, #tpu.memory_space<semaphore_mem>>) {add = true}
      %dma_wait3A_246 = arith.constant 1 : i32
      %dma_wait3A_247 = arith.constant 1 : i32
      %dma_wait3A_248 = arith.constant 1 : i32
      %dma_wait3A_249 = arith.constant 0 : i32
      %dma_wait3A_250 = arith.constant 0 : i32
      %dma_wait3A_251 = tpu.memref_slice %arg9[%dma_wait3A_247, %dma_wait3A_249, %dma_wait3A_250] : memref<8x128x16xf32, #tpu.memory_space<vmem>> -> memref<1x128x16xf32, #tpu.memory_space<vmem>>
      %dma_wait3A_252 = tpu.memref_squeeze %dma_wait3A_251 : memref<1x128x16xf32, #tpu.memory_space<vmem>> -> memref<128x16xf32, #tpu.memory_space<vmem>>
      %dma_wait3A_253 = arith.constant 0 : i32
      %dma_wait3A_254 = tpu.memref_slice %arg7[%rem3A_57, %dma_wait3A_246, %dma_wait3A_253] : memref<2x8x128xi32, #tpu.memory_space<vmem>> -> memref<1x1x128xi32, #tpu.memory_space<vmem>>
      %dma_wait3A_255 = tpu.memref_squeeze %dma_wait3A_254 : memref<1x1x128xi32, #tpu.memory_space<vmem>> -> memref<128xi32, #tpu.memory_space<vmem>>
      %dma_wait3A_256 = arith.constant 0 : i32
      %dma_wait3A_257 = arith.constant 0 : i32
      %dma_wait3A_258 = tpu.memref_slice %arg2[%dma_wait3A_256, %dma_wait3A_257] : memref<100000x16xf32, #tpu.memory_space<hbm>> -> memref<100000x16xf32, #tpu.memory_space<hbm>>
      %dma_wait3A_259 = tpu.memref_slice %arg13[%dma_wait3A_248] : memref<8x!tpu.dma_semaphore, #tpu.memory_space<semaphore_mem>> -> memref<1x!tpu.dma_semaphore, #tpu.memory_space<semaphore_mem>>
      %dma_wait3A_260 = tpu.memref_squeeze %dma_wait3A_259 : memref<1x!tpu.dma_semaphore, #tpu.memory_space<semaphore_mem>> -> memref<!tpu.dma_semaphore, #tpu.memory_space<semaphore_mem>>
      tpu.wait_indirect_dma semaphore(%dma_wait3A_260 : memref<!tpu.dma_semaphore, #tpu.memory_space<semaphore_mem>>) src(%dma_wait3A_258 : memref<100000x16xf32, #tpu.memory_space<hbm>>) dst(%dma_wait3A_252 : memref<128x16xf32, #tpu.memory_space<vmem>>)
      %dma_start3A_261 = arith.constant 1 : i32
      %dma_start3A_262 = arith.constant 1 : i32
      %dma_start3A_263 = arith.constant 1 : i32
      %dma_start3A_264 = arith.constant 0 : i32
      %dma_start3A_265 = arith.constant 0 : i32
      %dma_start3A_266 = tpu.memref_slice %arg9[%dma_start3A_261, %dma_start3A_264, %dma_start3A_265] : memref<8x128x16xf32, #tpu.memory_space<vmem>> -> memref<1x128x16xf32, #tpu.memory_space<vmem>>
      %dma_start3A_267 = tpu.memref_squeeze %dma_start3A_266 : memref<1x128x16xf32, #tpu.memory_space<vmem>> -> memref<128x16xf32, #tpu.memory_space<vmem>>
      %dma_start3A_268 = arith.constant 0 : i32
      %dma_start3A_269 = tpu.memref_slice %arg8[%rem3A_57, %dma_start3A_262, %dma_start3A_268] : memref<2x8x128xi32, #tpu.memory_space<vmem>> -> memref<1x1x128xi32, #tpu.memory_space<vmem>>
      %dma_start3A_270 = tpu.memref_squeeze %dma_start3A_269 : memref<1x1x128xi32, #tpu.memory_space<vmem>> -> memref<128xi32, #tpu.memory_space<vmem>>
      %dma_start3A_271 = arith.constant 0 : i32
      %dma_start3A_272 = arith.constant 0 : i32
      %dma_start3A_273 = tpu.memref_slice %arg11[%dma_start3A_271, %dma_start3A_272] : memref<100096x16xf32, #tpu.memory_space<vmem_shared>> -> memref<100096x16xf32, #tpu.memory_space<vmem_shared>>
      %dma_start3A_274 = tpu.memref_slice %arg14[%dma_start3A_263] : memref<8x!tpu.dma_semaphore, #tpu.memory_space<semaphore_mem>> -> memref<1x!tpu.dma_semaphore, #tpu.memory_space<semaphore_mem>>
      %dma_start3A_275 = tpu.memref_squeeze %dma_start3A_274 : memref<1x!tpu.dma_semaphore, #tpu.memory_space<semaphore_mem>> -> memref<!tpu.dma_semaphore, #tpu.memory_space<semaphore_mem>>
      tpu.enqueue_indirect_dma source(%dma_start3A_267 : memref<128x16xf32, #tpu.memory_space<vmem>>) target(%dma_start3A_273 : memref<100096x16xf32, #tpu.memory_space<vmem_shared>>) offsets(%dma_start3A_270 : memref<128xi32, #tpu.memory_space<vmem>>) semaphore(%dma_start3A_275 : memref<!tpu.dma_semaphore, #tpu.memory_space<semaphore_mem>>) {add = true}
      %dma_wait3A_276 = arith.constant 2 : i32
      %dma_wait3A_277 = arith.constant 2 : i32
      %dma_wait3A_278 = arith.constant 2 : i32
      %dma_wait3A_279 = arith.constant 0 : i32
      %dma_wait3A_280 = arith.constant 0 : i32
      %dma_wait3A_281 = tpu.memref_slice %arg9[%dma_wait3A_277, %dma_wait3A_279, %dma_wait3A_280] : memref<8x128x16xf32, #tpu.memory_space<vmem>> -> memref<1x128x16xf32, #tpu.memory_space<vmem>>
      %dma_wait3A_282 = tpu.memref_squeeze %dma_wait3A_281 : memref<1x128x16xf32, #tpu.memory_space<vmem>> -> memref<128x16xf32, #tpu.memory_space<vmem>>
      %dma_wait3A_283 = arith.constant 0 : i32
      %dma_wait3A_284 = tpu.memref_slice %arg7[%rem3A_57, %dma_wait3A_276, %dma_wait3A_283] : memref<2x8x128xi32, #tpu.memory_space<vmem>> -> memref<1x1x128xi32, #tpu.memory_space<vmem>>
      %dma_wait3A_285 = tpu.memref_squeeze %dma_wait3A_284 : memref<1x1x128xi32, #tpu.memory_space<vmem>> -> memref<128xi32, #tpu.memory_space<vmem>>
      %dma_wait3A_286 = arith.constant 0 : i32
      %dma_wait3A_287 = arith.constant 0 : i32
      %dma_wait3A_288 = tpu.memref_slice %arg2[%dma_wait3A_286, %dma_wait3A_287] : memref<100000x16xf32, #tpu.memory_space<hbm>> -> memref<100000x16xf32, #tpu.memory_space<hbm>>
      %dma_wait3A_289 = tpu.memref_slice %arg13[%dma_wait3A_278] : memref<8x!tpu.dma_semaphore, #tpu.memory_space<semaphore_mem>> -> memref<1x!tpu.dma_semaphore, #tpu.memory_space<semaphore_mem>>
      %dma_wait3A_290 = tpu.memref_squeeze %dma_wait3A_289 : memref<1x!tpu.dma_semaphore, #tpu.memory_space<semaphore_mem>> -> memref<!tpu.dma_semaphore, #tpu.memory_space<semaphore_mem>>
      tpu.wait_indirect_dma semaphore(%dma_wait3A_290 : memref<!tpu.dma_semaphore, #tpu.memory_space<semaphore_mem>>) src(%dma_wait3A_288 : memref<100000x16xf32, #tpu.memory_space<hbm>>) dst(%dma_wait3A_282 : memref<128x16xf32, #tpu.memory_space<vmem>>)
      %dma_start3A_291 = arith.constant 2 : i32
      %dma_start3A_292 = arith.constant 2 : i32
      %dma_start3A_293 = arith.constant 2 : i32
      %dma_start3A_294 = arith.constant 0 : i32
      %dma_start3A_295 = arith.constant 0 : i32
      %dma_start3A_296 = tpu.memref_slice %arg9[%dma_start3A_291, %dma_start3A_294, %dma_start3A_295] : memref<8x128x16xf32, #tpu.memory_space<vmem>> -> memref<1x128x16xf32, #tpu.memory_space<vmem>>
      %dma_start3A_297 = tpu.memref_squeeze %dma_start3A_296 : memref<1x128x16xf32, #tpu.memory_space<vmem>> -> memref<128x16xf32, #tpu.memory_space<vmem>>
      %dma_start3A_298 = arith.constant 0 : i32
      %dma_start3A_299 = tpu.memref_slice %arg8[%rem3A_57, %dma_start3A_292, %dma_start3A_298] : memref<2x8x128xi32, #tpu.memory_space<vmem>> -> memref<1x1x128xi32, #tpu.memory_space<vmem>>
      %dma_start3A_300 = tpu.memref_squeeze %dma_start3A_299 : memref<1x1x128xi32, #tpu.memory_space<vmem>> -> memref<128xi32, #tpu.memory_space<vmem>>
      %dma_start3A_301 = arith.constant 0 : i32
      %dma_start3A_302 = arith.constant 0 : i32
      %dma_start3A_303 = tpu.memref_slice %arg11[%dma_start3A_301, %dma_start3A_302] : memref<100096x16xf32, #tpu.memory_space<vmem_shared>> -> memref<100096x16xf32, #tpu.memory_space<vmem_shared>>
      %dma_start3A_304 = tpu.memref_slice %arg14[%dma_start3A_293] : memref<8x!tpu.dma_semaphore, #tpu.memory_space<semaphore_mem>> -> memref<1x!tpu.dma_semaphore, #tpu.memory_space<semaphore_mem>>
      %dma_start3A_305 = tpu.memref_squeeze %dma_start3A_304 : memref<1x!tpu.dma_semaphore, #tpu.memory_space<semaphore_mem>> -> memref<!tpu.dma_semaphore, #tpu.memory_space<semaphore_mem>>
      tpu.enqueue_indirect_dma source(%dma_start3A_297 : memref<128x16xf32, #tpu.memory_space<vmem>>) target(%dma_start3A_303 : memref<100096x16xf32, #tpu.memory_space<vmem_shared>>) offsets(%dma_start3A_300 : memref<128xi32, #tpu.memory_space<vmem>>) semaphore(%dma_start3A_305 : memref<!tpu.dma_semaphore, #tpu.memory_space<semaphore_mem>>) {add = true}
      %dma_wait3A_306 = arith.constant 3 : i32
      %dma_wait3A_307 = arith.constant 3 : i32
      %dma_wait3A_308 = arith.constant 3 : i32
      %dma_wait3A_309 = arith.constant 0 : i32
      %dma_wait3A_310 = arith.constant 0 : i32
      %dma_wait3A_311 = tpu.memref_slice %arg9[%dma_wait3A_307, %dma_wait3A_309, %dma_wait3A_310] : memref<8x128x16xf32, #tpu.memory_space<vmem>> -> memref<1x128x16xf32, #tpu.memory_space<vmem>>
      %dma_wait3A_312 = tpu.memref_squeeze %dma_wait3A_311 : memref<1x128x16xf32, #tpu.memory_space<vmem>> -> memref<128x16xf32, #tpu.memory_space<vmem>>
      %dma_wait3A_313 = arith.constant 0 : i32
      %dma_wait3A_314 = tpu.memref_slice %arg7[%rem3A_57, %dma_wait3A_306, %dma_wait3A_313] : memref<2x8x128xi32, #tpu.memory_space<vmem>> -> memref<1x1x128xi32, #tpu.memory_space<vmem>>
      %dma_wait3A_315 = tpu.memref_squeeze %dma_wait3A_314 : memref<1x1x128xi32, #tpu.memory_space<vmem>> -> memref<128xi32, #tpu.memory_space<vmem>>
      %dma_wait3A_316 = arith.constant 0 : i32
      %dma_wait3A_317 = arith.constant 0 : i32
      %dma_wait3A_318 = tpu.memref_slice %arg2[%dma_wait3A_316, %dma_wait3A_317] : memref<100000x16xf32, #tpu.memory_space<hbm>> -> memref<100000x16xf32, #tpu.memory_space<hbm>>
      %dma_wait3A_319 = tpu.memref_slice %arg13[%dma_wait3A_308] : memref<8x!tpu.dma_semaphore, #tpu.memory_space<semaphore_mem>> -> memref<1x!tpu.dma_semaphore, #tpu.memory_space<semaphore_mem>>
      %dma_wait3A_320 = tpu.memref_squeeze %dma_wait3A_319 : memref<1x!tpu.dma_semaphore, #tpu.memory_space<semaphore_mem>> -> memref<!tpu.dma_semaphore, #tpu.memory_space<semaphore_mem>>
      tpu.wait_indirect_dma semaphore(%dma_wait3A_320 : memref<!tpu.dma_semaphore, #tpu.memory_space<semaphore_mem>>) src(%dma_wait3A_318 : memref<100000x16xf32, #tpu.memory_space<hbm>>) dst(%dma_wait3A_312 : memref<128x16xf32, #tpu.memory_space<vmem>>)
      %dma_start3A_321 = arith.constant 3 : i32
      %dma_start3A_322 = arith.constant 3 : i32
      %dma_start3A_323 = arith.constant 3 : i32
      %dma_start3A_324 = arith.constant 0 : i32
      %dma_start3A_325 = arith.constant 0 : i32
      %dma_start3A_326 = tpu.memref_slice %arg9[%dma_start3A_321, %dma_start3A_324, %dma_start3A_325] : memref<8x128x16xf32, #tpu.memory_space<vmem>> -> memref<1x128x16xf32, #tpu.memory_space<vmem>>
      %dma_start3A_327 = tpu.memref_squeeze %dma_start3A_326 : memref<1x128x16xf32, #tpu.memory_space<vmem>> -> memref<128x16xf32, #tpu.memory_space<vmem>>
      %dma_start3A_328 = arith.constant 0 : i32
      %dma_start3A_329 = tpu.memref_slice %arg8[%rem3A_57, %dma_start3A_322, %dma_start3A_328] : memref<2x8x128xi32, #tpu.memory_space<vmem>> -> memref<1x1x128xi32, #tpu.memory_space<vmem>>
      %dma_start3A_330 = tpu.memref_squeeze %dma_start3A_329 : memref<1x1x128xi32, #tpu.memory_space<vmem>> -> memref<128xi32, #tpu.memory_space<vmem>>
      %dma_start3A_331 = arith.constant 0 : i32
      %dma_start3A_332 = arith.constant 0 : i32
      %dma_start3A_333 = tpu.memref_slice %arg11[%dma_start3A_331, %dma_start3A_332] : memref<100096x16xf32, #tpu.memory_space<vmem_shared>> -> memref<100096x16xf32, #tpu.memory_space<vmem_shared>>
      %dma_start3A_334 = tpu.memref_slice %arg14[%dma_start3A_323] : memref<8x!tpu.dma_semaphore, #tpu.memory_space<semaphore_mem>> -> memref<1x!tpu.dma_semaphore, #tpu.memory_space<semaphore_mem>>
      %dma_start3A_335 = tpu.memref_squeeze %dma_start3A_334 : memref<1x!tpu.dma_semaphore, #tpu.memory_space<semaphore_mem>> -> memref<!tpu.dma_semaphore, #tpu.memory_space<semaphore_mem>>
      tpu.enqueue_indirect_dma source(%dma_start3A_327 : memref<128x16xf32, #tpu.memory_space<vmem>>) target(%dma_start3A_333 : memref<100096x16xf32, #tpu.memory_space<vmem_shared>>) offsets(%dma_start3A_330 : memref<128xi32, #tpu.memory_space<vmem>>) semaphore(%dma_start3A_335 : memref<!tpu.dma_semaphore, #tpu.memory_space<semaphore_mem>>) {add = true}
      %dma_wait3A_336 = arith.constant 4 : i32
      %dma_wait3A_337 = arith.constant 4 : i32
      %dma_wait3A_338 = arith.constant 4 : i32
      %dma_wait3A_339 = arith.constant 0 : i32
      %dma_wait3A_340 = arith.constant 0 : i32
      %dma_wait3A_341 = tpu.memref_slice %arg9[%dma_wait3A_337, %dma_wait3A_339, %dma_wait3A_340] : memref<8x128x16xf32, #tpu.memory_space<vmem>> -> memref<1x128x16xf32, #tpu.memory_space<vmem>>
      %dma_wait3A_342 = tpu.memref_squeeze %dma_wait3A_341 : memref<1x128x16xf32, #tpu.memory_space<vmem>> -> memref<128x16xf32, #tpu.memory_space<vmem>>
      %dma_wait3A_343 = arith.constant 0 : i32
      %dma_wait3A_344 = tpu.memref_slice %arg7[%rem3A_57, %dma_wait3A_336, %dma_wait3A_343] : memref<2x8x128xi32, #tpu.memory_space<vmem>> -> memref<1x1x128xi32, #tpu.memory_space<vmem>>
      %dma_wait3A_345 = tpu.memref_squeeze %dma_wait3A_344 : memref<1x1x128xi32, #tpu.memory_space<vmem>> -> memref<128xi32, #tpu.memory_space<vmem>>
      %dma_wait3A_346 = arith.constant 0 : i32
      %dma_wait3A_347 = arith.constant 0 : i32
      %dma_wait3A_348 = tpu.memref_slice %arg2[%dma_wait3A_346, %dma_wait3A_347] : memref<100000x16xf32, #tpu.memory_space<hbm>> -> memref<100000x16xf32, #tpu.memory_space<hbm>>
      %dma_wait3A_349 = tpu.memref_slice %arg13[%dma_wait3A_338] : memref<8x!tpu.dma_semaphore, #tpu.memory_space<semaphore_mem>> -> memref<1x!tpu.dma_semaphore, #tpu.memory_space<semaphore_mem>>
      %dma_wait3A_350 = tpu.memref_squeeze %dma_wait3A_349 : memref<1x!tpu.dma_semaphore, #tpu.memory_space<semaphore_mem>> -> memref<!tpu.dma_semaphore, #tpu.memory_space<semaphore_mem>>
      tpu.wait_indirect_dma semaphore(%dma_wait3A_350 : memref<!tpu.dma_semaphore, #tpu.memory_space<semaphore_mem>>) src(%dma_wait3A_348 : memref<100000x16xf32, #tpu.memory_space<hbm>>) dst(%dma_wait3A_342 : memref<128x16xf32, #tpu.memory_space<vmem>>)
      %dma_start3A_351 = arith.constant 4 : i32
      %dma_start3A_352 = arith.constant 4 : i32
      %dma_start3A_353 = arith.constant 4 : i32
      %dma_start3A_354 = arith.constant 0 : i32
      %dma_start3A_355 = arith.constant 0 : i32
      %dma_start3A_356 = tpu.memref_slice %arg9[%dma_start3A_351, %dma_start3A_354, %dma_start3A_355] : memref<8x128x16xf32, #tpu.memory_space<vmem>> -> memref<1x128x16xf32, #tpu.memory_space<vmem>>
      %dma_start3A_357 = tpu.memref_squeeze %dma_start3A_356 : memref<1x128x16xf32, #tpu.memory_space<vmem>> -> memref<128x16xf32, #tpu.memory_space<vmem>>
      %dma_start3A_358 = arith.constant 0 : i32
      %dma_start3A_359 = tpu.memref_slice %arg8[%rem3A_57, %dma_start3A_352, %dma_start3A_358] : memref<2x8x128xi32, #tpu.memory_space<vmem>> -> memref<1x1x128xi32, #tpu.memory_space<vmem>>
      %dma_start3A_360 = tpu.memref_squeeze %dma_start3A_359 : memref<1x1x128xi32, #tpu.memory_space<vmem>> -> memref<128xi32, #tpu.memory_space<vmem>>
      %dma_start3A_361 = arith.constant 0 : i32
      %dma_start3A_362 = arith.constant 0 : i32
      %dma_start3A_363 = tpu.memref_slice %arg11[%dma_start3A_361, %dma_start3A_362] : memref<100096x16xf32, #tpu.memory_space<vmem_shared>> -> memref<100096x16xf32, #tpu.memory_space<vmem_shared>>
      %dma_start3A_364 = tpu.memref_slice %arg14[%dma_start3A_353] : memref<8x!tpu.dma_semaphore, #tpu.memory_space<semaphore_mem>> -> memref<1x!tpu.dma_semaphore, #tpu.memory_space<semaphore_mem>>
      %dma_start3A_365 = tpu.memref_squeeze %dma_start3A_364 : memref<1x!tpu.dma_semaphore, #tpu.memory_space<semaphore_mem>> -> memref<!tpu.dma_semaphore, #tpu.memory_space<semaphore_mem>>
      tpu.enqueue_indirect_dma source(%dma_start3A_357 : memref<128x16xf32, #tpu.memory_space<vmem>>) target(%dma_start3A_363 : memref<100096x16xf32, #tpu.memory_space<vmem_shared>>) offsets(%dma_start3A_360 : memref<128xi32, #tpu.memory_space<vmem>>) semaphore(%dma_start3A_365 : memref<!tpu.dma_semaphore, #tpu.memory_space<semaphore_mem>>) {add = true}
      %dma_wait3A_366 = arith.constant 5 : i32
      %dma_wait3A_367 = arith.constant 5 : i32
      %dma_wait3A_368 = arith.constant 5 : i32
      %dma_wait3A_369 = arith.constant 0 : i32
      %dma_wait3A_370 = arith.constant 0 : i32
      %dma_wait3A_371 = tpu.memref_slice %arg9[%dma_wait3A_367, %dma_wait3A_369, %dma_wait3A_370] : memref<8x128x16xf32, #tpu.memory_space<vmem>> -> memref<1x128x16xf32, #tpu.memory_space<vmem>>
      %dma_wait3A_372 = tpu.memref_squeeze %dma_wait3A_371 : memref<1x128x16xf32, #tpu.memory_space<vmem>> -> memref<128x16xf32, #tpu.memory_space<vmem>>
      %dma_wait3A_373 = arith.constant 0 : i32
      %dma_wait3A_374 = tpu.memref_slice %arg7[%rem3A_57, %dma_wait3A_366, %dma_wait3A_373] : memref<2x8x128xi32, #tpu.memory_space<vmem>> -> memref<1x1x128xi32, #tpu.memory_space<vmem>>
      %dma_wait3A_375 = tpu.memref_squeeze %dma_wait3A_374 : memref<1x1x128xi32, #tpu.memory_space<vmem>> -> memref<128xi32, #tpu.memory_space<vmem>>
      %dma_wait3A_376 = arith.constant 0 : i32
      %dma_wait3A_377 = arith.constant 0 : i32
      %dma_wait3A_378 = tpu.memref_slice %arg2[%dma_wait3A_376, %dma_wait3A_377] : memref<100000x16xf32, #tpu.memory_space<hbm>> -> memref<100000x16xf32, #tpu.memory_space<hbm>>
      %dma_wait3A_379 = tpu.memref_slice %arg13[%dma_wait3A_368] : memref<8x!tpu.dma_semaphore, #tpu.memory_space<semaphore_mem>> -> memref<1x!tpu.dma_semaphore, #tpu.memory_space<semaphore_mem>>
      %dma_wait3A_380 = tpu.memref_squeeze %dma_wait3A_379 : memref<1x!tpu.dma_semaphore, #tpu.memory_space<semaphore_mem>> -> memref<!tpu.dma_semaphore, #tpu.memory_space<semaphore_mem>>
      tpu.wait_indirect_dma semaphore(%dma_wait3A_380 : memref<!tpu.dma_semaphore, #tpu.memory_space<semaphore_mem>>) src(%dma_wait3A_378 : memref<100000x16xf32, #tpu.memory_space<hbm>>) dst(%dma_wait3A_372 : memref<128x16xf32, #tpu.memory_space<vmem>>)
      %dma_start3A_381 = arith.constant 5 : i32
      %dma_start3A_382 = arith.constant 5 : i32
      %dma_start3A_383 = arith.constant 5 : i32
      %dma_start3A_384 = arith.constant 0 : i32
      %dma_start3A_385 = arith.constant 0 : i32
      %dma_start3A_386 = tpu.memref_slice %arg9[%dma_start3A_381, %dma_start3A_384, %dma_start3A_385] : memref<8x128x16xf32, #tpu.memory_space<vmem>> -> memref<1x128x16xf32, #tpu.memory_space<vmem>>
      %dma_start3A_387 = tpu.memref_squeeze %dma_start3A_386 : memref<1x128x16xf32, #tpu.memory_space<vmem>> -> memref<128x16xf32, #tpu.memory_space<vmem>>
      %dma_start3A_388 = arith.constant 0 : i32
      %dma_start3A_389 = tpu.memref_slice %arg8[%rem3A_57, %dma_start3A_382, %dma_start3A_388] : memref<2x8x128xi32, #tpu.memory_space<vmem>> -> memref<1x1x128xi32, #tpu.memory_space<vmem>>
      %dma_start3A_390 = tpu.memref_squeeze %dma_start3A_389 : memref<1x1x128xi32, #tpu.memory_space<vmem>> -> memref<128xi32, #tpu.memory_space<vmem>>
      %dma_start3A_391 = arith.constant 0 : i32
      %dma_start3A_392 = arith.constant 0 : i32
      %dma_start3A_393 = tpu.memref_slice %arg11[%dma_start3A_391, %dma_start3A_392] : memref<100096x16xf32, #tpu.memory_space<vmem_shared>> -> memref<100096x16xf32, #tpu.memory_space<vmem_shared>>
      %dma_start3A_394 = tpu.memref_slice %arg14[%dma_start3A_383] : memref<8x!tpu.dma_semaphore, #tpu.memory_space<semaphore_mem>> -> memref<1x!tpu.dma_semaphore, #tpu.memory_space<semaphore_mem>>
      %dma_start3A_395 = tpu.memref_squeeze %dma_start3A_394 : memref<1x!tpu.dma_semaphore, #tpu.memory_space<semaphore_mem>> -> memref<!tpu.dma_semaphore, #tpu.memory_space<semaphore_mem>>
      tpu.enqueue_indirect_dma source(%dma_start3A_387 : memref<128x16xf32, #tpu.memory_space<vmem>>) target(%dma_start3A_393 : memref<100096x16xf32, #tpu.memory_space<vmem_shared>>) offsets(%dma_start3A_390 : memref<128xi32, #tpu.memory_space<vmem>>) semaphore(%dma_start3A_395 : memref<!tpu.dma_semaphore, #tpu.memory_space<semaphore_mem>>) {add = true}
      %dma_wait3A_396 = arith.constant 6 : i32
      %dma_wait3A_397 = arith.constant 6 : i32
      %dma_wait3A_398 = arith.constant 6 : i32
      %dma_wait3A_399 = arith.constant 0 : i32
      %dma_wait3A_400 = arith.constant 0 : i32
      %dma_wait3A_401 = tpu.memref_slice %arg9[%dma_wait3A_397, %dma_wait3A_399, %dma_wait3A_400] : memref<8x128x16xf32, #tpu.memory_space<vmem>> -> memref<1x128x16xf32, #tpu.memory_space<vmem>>
      %dma_wait3A_402 = tpu.memref_squeeze %dma_wait3A_401 : memref<1x128x16xf32, #tpu.memory_space<vmem>> -> memref<128x16xf32, #tpu.memory_space<vmem>>
      %dma_wait3A_403 = arith.constant 0 : i32
      %dma_wait3A_404 = tpu.memref_slice %arg7[%rem3A_57, %dma_wait3A_396, %dma_wait3A_403] : memref<2x8x128xi32, #tpu.memory_space<vmem>> -> memref<1x1x128xi32, #tpu.memory_space<vmem>>
      %dma_wait3A_405 = tpu.memref_squeeze %dma_wait3A_404 : memref<1x1x128xi32, #tpu.memory_space<vmem>> -> memref<128xi32, #tpu.memory_space<vmem>>
      %dma_wait3A_406 = arith.constant 0 : i32
      %dma_wait3A_407 = arith.constant 0 : i32
      %dma_wait3A_408 = tpu.memref_slice %arg2[%dma_wait3A_406, %dma_wait3A_407] : memref<100000x16xf32, #tpu.memory_space<hbm>> -> memref<100000x16xf32, #tpu.memory_space<hbm>>
      %dma_wait3A_409 = tpu.memref_slice %arg13[%dma_wait3A_398] : memref<8x!tpu.dma_semaphore, #tpu.memory_space<semaphore_mem>> -> memref<1x!tpu.dma_semaphore, #tpu.memory_space<semaphore_mem>>
      %dma_wait3A_410 = tpu.memref_squeeze %dma_wait3A_409 : memref<1x!tpu.dma_semaphore, #tpu.memory_space<semaphore_mem>> -> memref<!tpu.dma_semaphore, #tpu.memory_space<semaphore_mem>>
      tpu.wait_indirect_dma semaphore(%dma_wait3A_410 : memref<!tpu.dma_semaphore, #tpu.memory_space<semaphore_mem>>) src(%dma_wait3A_408 : memref<100000x16xf32, #tpu.memory_space<hbm>>) dst(%dma_wait3A_402 : memref<128x16xf32, #tpu.memory_space<vmem>>)
      %dma_start3A_411 = arith.constant 6 : i32
      %dma_start3A_412 = arith.constant 6 : i32
      %dma_start3A_413 = arith.constant 6 : i32
      %dma_start3A_414 = arith.constant 0 : i32
      %dma_start3A_415 = arith.constant 0 : i32
      %dma_start3A_416 = tpu.memref_slice %arg9[%dma_start3A_411, %dma_start3A_414, %dma_start3A_415] : memref<8x128x16xf32, #tpu.memory_space<vmem>> -> memref<1x128x16xf32, #tpu.memory_space<vmem>>
      %dma_start3A_417 = tpu.memref_squeeze %dma_start3A_416 : memref<1x128x16xf32, #tpu.memory_space<vmem>> -> memref<128x16xf32, #tpu.memory_space<vmem>>
      %dma_start3A_418 = arith.constant 0 : i32
      %dma_start3A_419 = tpu.memref_slice %arg8[%rem3A_57, %dma_start3A_412, %dma_start3A_418] : memref<2x8x128xi32, #tpu.memory_space<vmem>> -> memref<1x1x128xi32, #tpu.memory_space<vmem>>
      %dma_start3A_420 = tpu.memref_squeeze %dma_start3A_419 : memref<1x1x128xi32, #tpu.memory_space<vmem>> -> memref<128xi32, #tpu.memory_space<vmem>>
      %dma_start3A_421 = arith.constant 0 : i32
      %dma_start3A_422 = arith.constant 0 : i32
      %dma_start3A_423 = tpu.memref_slice %arg11[%dma_start3A_421, %dma_start3A_422] : memref<100096x16xf32, #tpu.memory_space<vmem_shared>> -> memref<100096x16xf32, #tpu.memory_space<vmem_shared>>
      %dma_start3A_424 = tpu.memref_slice %arg14[%dma_start3A_413] : memref<8x!tpu.dma_semaphore, #tpu.memory_space<semaphore_mem>> -> memref<1x!tpu.dma_semaphore, #tpu.memory_space<semaphore_mem>>
      %dma_start3A_425 = tpu.memref_squeeze %dma_start3A_424 : memref<1x!tpu.dma_semaphore, #tpu.memory_space<semaphore_mem>> -> memref<!tpu.dma_semaphore, #tpu.memory_space<semaphore_mem>>
      tpu.enqueue_indirect_dma source(%dma_start3A_417 : memref<128x16xf32, #tpu.memory_space<vmem>>) target(%dma_start3A_423 : memref<100096x16xf32, #tpu.memory_space<vmem_shared>>) offsets(%dma_start3A_420 : memref<128xi32, #tpu.memory_space<vmem>>) semaphore(%dma_start3A_425 : memref<!tpu.dma_semaphore, #tpu.memory_space<semaphore_mem>>) {add = true}
      %dma_wait3A_426 = arith.constant 7 : i32
      %dma_wait3A_427 = arith.constant 7 : i32
      %dma_wait3A_428 = arith.constant 7 : i32
      %dma_wait3A_429 = arith.constant 0 : i32
      %dma_wait3A_430 = arith.constant 0 : i32
      %dma_wait3A_431 = tpu.memref_slice %arg9[%dma_wait3A_427, %dma_wait3A_429, %dma_wait3A_430] : memref<8x128x16xf32, #tpu.memory_space<vmem>> -> memref<1x128x16xf32, #tpu.memory_space<vmem>>
      %dma_wait3A_432 = tpu.memref_squeeze %dma_wait3A_431 : memref<1x128x16xf32, #tpu.memory_space<vmem>> -> memref<128x16xf32, #tpu.memory_space<vmem>>
      %dma_wait3A_433 = arith.constant 0 : i32
      %dma_wait3A_434 = tpu.memref_slice %arg7[%rem3A_57, %dma_wait3A_426, %dma_wait3A_433] : memref<2x8x128xi32, #tpu.memory_space<vmem>> -> memref<1x1x128xi32, #tpu.memory_space<vmem>>
      %dma_wait3A_435 = tpu.memref_squeeze %dma_wait3A_434 : memref<1x1x128xi32, #tpu.memory_space<vmem>> -> memref<128xi32, #tpu.memory_space<vmem>>
      %dma_wait3A_436 = arith.constant 0 : i32
      %dma_wait3A_437 = arith.constant 0 : i32
      %dma_wait3A_438 = tpu.memref_slice %arg2[%dma_wait3A_436, %dma_wait3A_437] : memref<100000x16xf32, #tpu.memory_space<hbm>> -> memref<100000x16xf32, #tpu.memory_space<hbm>>
      %dma_wait3A_439 = tpu.memref_slice %arg13[%dma_wait3A_428] : memref<8x!tpu.dma_semaphore, #tpu.memory_space<semaphore_mem>> -> memref<1x!tpu.dma_semaphore, #tpu.memory_space<semaphore_mem>>
      %dma_wait3A_440 = tpu.memref_squeeze %dma_wait3A_439 : memref<1x!tpu.dma_semaphore, #tpu.memory_space<semaphore_mem>> -> memref<!tpu.dma_semaphore, #tpu.memory_space<semaphore_mem>>
      tpu.wait_indirect_dma semaphore(%dma_wait3A_440 : memref<!tpu.dma_semaphore, #tpu.memory_space<semaphore_mem>>) src(%dma_wait3A_438 : memref<100000x16xf32, #tpu.memory_space<hbm>>) dst(%dma_wait3A_432 : memref<128x16xf32, #tpu.memory_space<vmem>>)
      %dma_start3A_441 = arith.constant 7 : i32
      %dma_start3A_442 = arith.constant 7 : i32
      %dma_start3A_443 = arith.constant 7 : i32
      %dma_start3A_444 = arith.constant 0 : i32
      %dma_start3A_445 = arith.constant 0 : i32
      %dma_start3A_446 = tpu.memref_slice %arg9[%dma_start3A_441, %dma_start3A_444, %dma_start3A_445] : memref<8x128x16xf32, #tpu.memory_space<vmem>> -> memref<1x128x16xf32, #tpu.memory_space<vmem>>
      %dma_start3A_447 = tpu.memref_squeeze %dma_start3A_446 : memref<1x128x16xf32, #tpu.memory_space<vmem>> -> memref<128x16xf32, #tpu.memory_space<vmem>>
      %dma_start3A_448 = arith.constant 0 : i32
      %dma_start3A_449 = tpu.memref_slice %arg8[%rem3A_57, %dma_start3A_442, %dma_start3A_448] : memref<2x8x128xi32, #tpu.memory_space<vmem>> -> memref<1x1x128xi32, #tpu.memory_space<vmem>>
      %dma_start3A_450 = tpu.memref_squeeze %dma_start3A_449 : memref<1x1x128xi32, #tpu.memory_space<vmem>> -> memref<128xi32, #tpu.memory_space<vmem>>
      %dma_start3A_451 = arith.constant 0 : i32
      %dma_start3A_452 = arith.constant 0 : i32
      %dma_start3A_453 = tpu.memref_slice %arg11[%dma_start3A_451, %dma_start3A_452] : memref<100096x16xf32, #tpu.memory_space<vmem_shared>> -> memref<100096x16xf32, #tpu.memory_space<vmem_shared>>
      %dma_start3A_454 = tpu.memref_slice %arg14[%dma_start3A_443] : memref<8x!tpu.dma_semaphore, #tpu.memory_space<semaphore_mem>> -> memref<1x!tpu.dma_semaphore, #tpu.memory_space<semaphore_mem>>
      %dma_start3A_455 = tpu.memref_squeeze %dma_start3A_454 : memref<1x!tpu.dma_semaphore, #tpu.memory_space<semaphore_mem>> -> memref<!tpu.dma_semaphore, #tpu.memory_space<semaphore_mem>>
      tpu.enqueue_indirect_dma source(%dma_start3A_447 : memref<128x16xf32, #tpu.memory_space<vmem>>) target(%dma_start3A_453 : memref<100096x16xf32, #tpu.memory_space<vmem_shared>>) offsets(%dma_start3A_450 : memref<128xi32, #tpu.memory_space<vmem>>) semaphore(%dma_start3A_455 : memref<!tpu.dma_semaphore, #tpu.memory_space<semaphore_mem>>) {add = true}
      %dma_wait3A_456 = arith.constant 0 : i32
      %dma_wait3A_457 = arith.constant 0 : i32
      %dma_wait3A_458 = arith.constant 0 : i32
      %dma_wait3A_459 = arith.constant 0 : i32
      %dma_wait3A_460 = arith.constant 0 : i32
      %dma_wait3A_461 = tpu.memref_slice %arg9[%dma_wait3A_456, %dma_wait3A_459, %dma_wait3A_460] : memref<8x128x16xf32, #tpu.memory_space<vmem>> -> memref<1x128x16xf32, #tpu.memory_space<vmem>>
      %dma_wait3A_462 = tpu.memref_squeeze %dma_wait3A_461 : memref<1x128x16xf32, #tpu.memory_space<vmem>> -> memref<128x16xf32, #tpu.memory_space<vmem>>
      %dma_wait3A_463 = arith.constant 0 : i32
      %dma_wait3A_464 = tpu.memref_slice %arg8[%rem3A_57, %dma_wait3A_457, %dma_wait3A_463] : memref<2x8x128xi32, #tpu.memory_space<vmem>> -> memref<1x1x128xi32, #tpu.memory_space<vmem>>
      %dma_wait3A_465 = tpu.memref_squeeze %dma_wait3A_464 : memref<1x1x128xi32, #tpu.memory_space<vmem>> -> memref<128xi32, #tpu.memory_space<vmem>>
      %dma_wait3A_466 = arith.constant 0 : i32
      %dma_wait3A_467 = arith.constant 0 : i32
      %dma_wait3A_468 = tpu.memref_slice %arg11[%dma_wait3A_466, %dma_wait3A_467] : memref<100096x16xf32, #tpu.memory_space<vmem_shared>> -> memref<100096x16xf32, #tpu.memory_space<vmem_shared>>
      %dma_wait3A_469 = tpu.memref_slice %arg14[%dma_wait3A_458] : memref<8x!tpu.dma_semaphore, #tpu.memory_space<semaphore_mem>> -> memref<1x!tpu.dma_semaphore, #tpu.memory_space<semaphore_mem>>
      %dma_wait3A_470 = tpu.memref_squeeze %dma_wait3A_469 : memref<1x!tpu.dma_semaphore, #tpu.memory_space<semaphore_mem>> -> memref<!tpu.dma_semaphore, #tpu.memory_space<semaphore_mem>>
      tpu.wait_indirect_dma semaphore(%dma_wait3A_470 : memref<!tpu.dma_semaphore, #tpu.memory_space<semaphore_mem>>) src(%dma_wait3A_462 : memref<128x16xf32, #tpu.memory_space<vmem>>) dst(%dma_wait3A_468 : memref<100096x16xf32, #tpu.memory_space<vmem_shared>>)
      %dma_wait3A_471 = arith.constant 1 : i32
      %dma_wait3A_472 = arith.constant 1 : i32
      %dma_wait3A_473 = arith.constant 1 : i32
      %dma_wait3A_474 = arith.constant 0 : i32
      %dma_wait3A_475 = arith.constant 0 : i32
      %dma_wait3A_476 = tpu.memref_slice %arg9[%dma_wait3A_471, %dma_wait3A_474, %dma_wait3A_475] : memref<8x128x16xf32, #tpu.memory_space<vmem>> -> memref<1x128x16xf32, #tpu.memory_space<vmem>>
      %dma_wait3A_477 = tpu.memref_squeeze %dma_wait3A_476 : memref<1x128x16xf32, #tpu.memory_space<vmem>> -> memref<128x16xf32, #tpu.memory_space<vmem>>
      %dma_wait3A_478 = arith.constant 0 : i32
      %dma_wait3A_479 = tpu.memref_slice %arg8[%rem3A_57, %dma_wait3A_472, %dma_wait3A_478] : memref<2x8x128xi32, #tpu.memory_space<vmem>> -> memref<1x1x128xi32, #tpu.memory_space<vmem>>
      %dma_wait3A_480 = tpu.memref_squeeze %dma_wait3A_479 : memref<1x1x128xi32, #tpu.memory_space<vmem>> -> memref<128xi32, #tpu.memory_space<vmem>>
      %dma_wait3A_481 = arith.constant 0 : i32
      %dma_wait3A_482 = arith.constant 0 : i32
      %dma_wait3A_483 = tpu.memref_slice %arg11[%dma_wait3A_481, %dma_wait3A_482] : memref<100096x16xf32, #tpu.memory_space<vmem_shared>> -> memref<100096x16xf32, #tpu.memory_space<vmem_shared>>
      %dma_wait3A_484 = tpu.memref_slice %arg14[%dma_wait3A_473] : memref<8x!tpu.dma_semaphore, #tpu.memory_space<semaphore_mem>> -> memref<1x!tpu.dma_semaphore, #tpu.memory_space<semaphore_mem>>
      %dma_wait3A_485 = tpu.memref_squeeze %dma_wait3A_484 : memref<1x!tpu.dma_semaphore, #tpu.memory_space<semaphore_mem>> -> memref<!tpu.dma_semaphore, #tpu.memory_space<semaphore_mem>>
      tpu.wait_indirect_dma semaphore(%dma_wait3A_485 : memref<!tpu.dma_semaphore, #tpu.memory_space<semaphore_mem>>) src(%dma_wait3A_477 : memref<128x16xf32, #tpu.memory_space<vmem>>) dst(%dma_wait3A_483 : memref<100096x16xf32, #tpu.memory_space<vmem_shared>>)
      %dma_wait3A_486 = arith.constant 2 : i32
      %dma_wait3A_487 = arith.constant 2 : i32
      %dma_wait3A_488 = arith.constant 2 : i32
      %dma_wait3A_489 = arith.constant 0 : i32
      %dma_wait3A_490 = arith.constant 0 : i32
      %dma_wait3A_491 = tpu.memref_slice %arg9[%dma_wait3A_486, %dma_wait3A_489, %dma_wait3A_490] : memref<8x128x16xf32, #tpu.memory_space<vmem>> -> memref<1x128x16xf32, #tpu.memory_space<vmem>>
      %dma_wait3A_492 = tpu.memref_squeeze %dma_wait3A_491 : memref<1x128x16xf32, #tpu.memory_space<vmem>> -> memref<128x16xf32, #tpu.memory_space<vmem>>
      %dma_wait3A_493 = arith.constant 0 : i32
      %dma_wait3A_494 = tpu.memref_slice %arg8[%rem3A_57, %dma_wait3A_487, %dma_wait3A_493] : memref<2x8x128xi32, #tpu.memory_space<vmem>> -> memref<1x1x128xi32, #tpu.memory_space<vmem>>
      %dma_wait3A_495 = tpu.memref_squeeze %dma_wait3A_494 : memref<1x1x128xi32, #tpu.memory_space<vmem>> -> memref<128xi32, #tpu.memory_space<vmem>>
      %dma_wait3A_496 = arith.constant 0 : i32
      %dma_wait3A_497 = arith.constant 0 : i32
      %dma_wait3A_498 = tpu.memref_slice %arg11[%dma_wait3A_496, %dma_wait3A_497] : memref<100096x16xf32, #tpu.memory_space<vmem_shared>> -> memref<100096x16xf32, #tpu.memory_space<vmem_shared>>
      %dma_wait3A_499 = tpu.memref_slice %arg14[%dma_wait3A_488] : memref<8x!tpu.dma_semaphore, #tpu.memory_space<semaphore_mem>> -> memref<1x!tpu.dma_semaphore, #tpu.memory_space<semaphore_mem>>
      %dma_wait3A_500 = tpu.memref_squeeze %dma_wait3A_499 : memref<1x!tpu.dma_semaphore, #tpu.memory_space<semaphore_mem>> -> memref<!tpu.dma_semaphore, #tpu.memory_space<semaphore_mem>>
      tpu.wait_indirect_dma semaphore(%dma_wait3A_500 : memref<!tpu.dma_semaphore, #tpu.memory_space<semaphore_mem>>) src(%dma_wait3A_492 : memref<128x16xf32, #tpu.memory_space<vmem>>) dst(%dma_wait3A_498 : memref<100096x16xf32, #tpu.memory_space<vmem_shared>>)
      %dma_wait3A_501 = arith.constant 3 : i32
      %dma_wait3A_502 = arith.constant 3 : i32
      %dma_wait3A_503 = arith.constant 3 : i32
      %dma_wait3A_504 = arith.constant 0 : i32
      %dma_wait3A_505 = arith.constant 0 : i32
      %dma_wait3A_506 = tpu.memref_slice %arg9[%dma_wait3A_501, %dma_wait3A_504, %dma_wait3A_505] : memref<8x128x16xf32, #tpu.memory_space<vmem>> -> memref<1x128x16xf32, #tpu.memory_space<vmem>>
      %dma_wait3A_507 = tpu.memref_squeeze %dma_wait3A_506 : memref<1x128x16xf32, #tpu.memory_space<vmem>> -> memref<128x16xf32, #tpu.memory_space<vmem>>
      %dma_wait3A_508 = arith.constant 0 : i32
      %dma_wait3A_509 = tpu.memref_slice %arg8[%rem3A_57, %dma_wait3A_502, %dma_wait3A_508] : memref<2x8x128xi32, #tpu.memory_space<vmem>> -> memref<1x1x128xi32, #tpu.memory_space<vmem>>
      %dma_wait3A_510 = tpu.memref_squeeze %dma_wait3A_509 : memref<1x1x128xi32, #tpu.memory_space<vmem>> -> memref<128xi32, #tpu.memory_space<vmem>>
      %dma_wait3A_511 = arith.constant 0 : i32
      %dma_wait3A_512 = arith.constant 0 : i32
      %dma_wait3A_513 = tpu.memref_slice %arg11[%dma_wait3A_511, %dma_wait3A_512] : memref<100096x16xf32, #tpu.memory_space<vmem_shared>> -> memref<100096x16xf32, #tpu.memory_space<vmem_shared>>
      %dma_wait3A_514 = tpu.memref_slice %arg14[%dma_wait3A_503] : memref<8x!tpu.dma_semaphore, #tpu.memory_space<semaphore_mem>> -> memref<1x!tpu.dma_semaphore, #tpu.memory_space<semaphore_mem>>
      %dma_wait3A_515 = tpu.memref_squeeze %dma_wait3A_514 : memref<1x!tpu.dma_semaphore, #tpu.memory_space<semaphore_mem>> -> memref<!tpu.dma_semaphore, #tpu.memory_space<semaphore_mem>>
      tpu.wait_indirect_dma semaphore(%dma_wait3A_515 : memref<!tpu.dma_semaphore, #tpu.memory_space<semaphore_mem>>) src(%dma_wait3A_507 : memref<128x16xf32, #tpu.memory_space<vmem>>) dst(%dma_wait3A_513 : memref<100096x16xf32, #tpu.memory_space<vmem_shared>>)
      %dma_wait3A_516 = arith.constant 4 : i32
      %dma_wait3A_517 = arith.constant 4 : i32
      %dma_wait3A_518 = arith.constant 4 : i32
      %dma_wait3A_519 = arith.constant 0 : i32
      %dma_wait3A_520 = arith.constant 0 : i32
      %dma_wait3A_521 = tpu.memref_slice %arg9[%dma_wait3A_516, %dma_wait3A_519, %dma_wait3A_520] : memref<8x128x16xf32, #tpu.memory_space<vmem>> -> memref<1x128x16xf32, #tpu.memory_space<vmem>>
      %dma_wait3A_522 = tpu.memref_squeeze %dma_wait3A_521 : memref<1x128x16xf32, #tpu.memory_space<vmem>> -> memref<128x16xf32, #tpu.memory_space<vmem>>
      %dma_wait3A_523 = arith.constant 0 : i32
      %dma_wait3A_524 = tpu.memref_slice %arg8[%rem3A_57, %dma_wait3A_517, %dma_wait3A_523] : memref<2x8x128xi32, #tpu.memory_space<vmem>> -> memref<1x1x128xi32, #tpu.memory_space<vmem>>
      %dma_wait3A_525 = tpu.memref_squeeze %dma_wait3A_524 : memref<1x1x128xi32, #tpu.memory_space<vmem>> -> memref<128xi32, #tpu.memory_space<vmem>>
      %dma_wait3A_526 = arith.constant 0 : i32
      %dma_wait3A_527 = arith.constant 0 : i32
      %dma_wait3A_528 = tpu.memref_slice %arg11[%dma_wait3A_526, %dma_wait3A_527] : memref<100096x16xf32, #tpu.memory_space<vmem_shared>> -> memref<100096x16xf32, #tpu.memory_space<vmem_shared>>
      %dma_wait3A_529 = tpu.memref_slice %arg14[%dma_wait3A_518] : memref<8x!tpu.dma_semaphore, #tpu.memory_space<semaphore_mem>> -> memref<1x!tpu.dma_semaphore, #tpu.memory_space<semaphore_mem>>
      %dma_wait3A_530 = tpu.memref_squeeze %dma_wait3A_529 : memref<1x!tpu.dma_semaphore, #tpu.memory_space<semaphore_mem>> -> memref<!tpu.dma_semaphore, #tpu.memory_space<semaphore_mem>>
      tpu.wait_indirect_dma semaphore(%dma_wait3A_530 : memref<!tpu.dma_semaphore, #tpu.memory_space<semaphore_mem>>) src(%dma_wait3A_522 : memref<128x16xf32, #tpu.memory_space<vmem>>) dst(%dma_wait3A_528 : memref<100096x16xf32, #tpu.memory_space<vmem_shared>>)
      %dma_wait3A_531 = arith.constant 5 : i32
      %dma_wait3A_532 = arith.constant 5 : i32
      %dma_wait3A_533 = arith.constant 5 : i32
      %dma_wait3A_534 = arith.constant 0 : i32
      %dma_wait3A_535 = arith.constant 0 : i32
      %dma_wait3A_536 = tpu.memref_slice %arg9[%dma_wait3A_531, %dma_wait3A_534, %dma_wait3A_535] : memref<8x128x16xf32, #tpu.memory_space<vmem>> -> memref<1x128x16xf32, #tpu.memory_space<vmem>>
      %dma_wait3A_537 = tpu.memref_squeeze %dma_wait3A_536 : memref<1x128x16xf32, #tpu.memory_space<vmem>> -> memref<128x16xf32, #tpu.memory_space<vmem>>
      %dma_wait3A_538 = arith.constant 0 : i32
      %dma_wait3A_539 = tpu.memref_slice %arg8[%rem3A_57, %dma_wait3A_532, %dma_wait3A_538] : memref<2x8x128xi32, #tpu.memory_space<vmem>> -> memref<1x1x128xi32, #tpu.memory_space<vmem>>
      %dma_wait3A_540 = tpu.memref_squeeze %dma_wait3A_539 : memref<1x1x128xi32, #tpu.memory_space<vmem>> -> memref<128xi32, #tpu.memory_space<vmem>>
      %dma_wait3A_541 = arith.constant 0 : i32
      %dma_wait3A_542 = arith.constant 0 : i32
      %dma_wait3A_543 = tpu.memref_slice %arg11[%dma_wait3A_541, %dma_wait3A_542] : memref<100096x16xf32, #tpu.memory_space<vmem_shared>> -> memref<100096x16xf32, #tpu.memory_space<vmem_shared>>
      %dma_wait3A_544 = tpu.memref_slice %arg14[%dma_wait3A_533] : memref<8x!tpu.dma_semaphore, #tpu.memory_space<semaphore_mem>> -> memref<1x!tpu.dma_semaphore, #tpu.memory_space<semaphore_mem>>
      %dma_wait3A_545 = tpu.memref_squeeze %dma_wait3A_544 : memref<1x!tpu.dma_semaphore, #tpu.memory_space<semaphore_mem>> -> memref<!tpu.dma_semaphore, #tpu.memory_space<semaphore_mem>>
      tpu.wait_indirect_dma semaphore(%dma_wait3A_545 : memref<!tpu.dma_semaphore, #tpu.memory_space<semaphore_mem>>) src(%dma_wait3A_537 : memref<128x16xf32, #tpu.memory_space<vmem>>) dst(%dma_wait3A_543 : memref<100096x16xf32, #tpu.memory_space<vmem_shared>>)
      %dma_wait3A_546 = arith.constant 6 : i32
      %dma_wait3A_547 = arith.constant 6 : i32
      %dma_wait3A_548 = arith.constant 6 : i32
      %dma_wait3A_549 = arith.constant 0 : i32
      %dma_wait3A_550 = arith.constant 0 : i32
      %dma_wait3A_551 = tpu.memref_slice %arg9[%dma_wait3A_546, %dma_wait3A_549, %dma_wait3A_550] : memref<8x128x16xf32, #tpu.memory_space<vmem>> -> memref<1x128x16xf32, #tpu.memory_space<vmem>>
      %dma_wait3A_552 = tpu.memref_squeeze %dma_wait3A_551 : memref<1x128x16xf32, #tpu.memory_space<vmem>> -> memref<128x16xf32, #tpu.memory_space<vmem>>
      %dma_wait3A_553 = arith.constant 0 : i32
      %dma_wait3A_554 = tpu.memref_slice %arg8[%rem3A_57, %dma_wait3A_547, %dma_wait3A_553] : memref<2x8x128xi32, #tpu.memory_space<vmem>> -> memref<1x1x128xi32, #tpu.memory_space<vmem>>
      %dma_wait3A_555 = tpu.memref_squeeze %dma_wait3A_554 : memref<1x1x128xi32, #tpu.memory_space<vmem>> -> memref<128xi32, #tpu.memory_space<vmem>>
      %dma_wait3A_556 = arith.constant 0 : i32
      %dma_wait3A_557 = arith.constant 0 : i32
      %dma_wait3A_558 = tpu.memref_slice %arg11[%dma_wait3A_556, %dma_wait3A_557] : memref<100096x16xf32, #tpu.memory_space<vmem_shared>> -> memref<100096x16xf32, #tpu.memory_space<vmem_shared>>
      %dma_wait3A_559 = tpu.memref_slice %arg14[%dma_wait3A_548] : memref<8x!tpu.dma_semaphore, #tpu.memory_space<semaphore_mem>> -> memref<1x!tpu.dma_semaphore, #tpu.memory_space<semaphore_mem>>
      %dma_wait3A_560 = tpu.memref_squeeze %dma_wait3A_559 : memref<1x!tpu.dma_semaphore, #tpu.memory_space<semaphore_mem>> -> memref<!tpu.dma_semaphore, #tpu.memory_space<semaphore_mem>>
      tpu.wait_indirect_dma semaphore(%dma_wait3A_560 : memref<!tpu.dma_semaphore, #tpu.memory_space<semaphore_mem>>) src(%dma_wait3A_552 : memref<128x16xf32, #tpu.memory_space<vmem>>) dst(%dma_wait3A_558 : memref<100096x16xf32, #tpu.memory_space<vmem_shared>>)
      %dma_wait3A_561 = arith.constant 7 : i32
      %dma_wait3A_562 = arith.constant 7 : i32
      %dma_wait3A_563 = arith.constant 7 : i32
      %dma_wait3A_564 = arith.constant 0 : i32
      %dma_wait3A_565 = arith.constant 0 : i32
      %dma_wait3A_566 = tpu.memref_slice %arg9[%dma_wait3A_561, %dma_wait3A_564, %dma_wait3A_565] : memref<8x128x16xf32, #tpu.memory_space<vmem>> -> memref<1x128x16xf32, #tpu.memory_space<vmem>>
      %dma_wait3A_567 = tpu.memref_squeeze %dma_wait3A_566 : memref<1x128x16xf32, #tpu.memory_space<vmem>> -> memref<128x16xf32, #tpu.memory_space<vmem>>
      %dma_wait3A_568 = arith.constant 0 : i32
      %dma_wait3A_569 = tpu.memref_slice %arg8[%rem3A_57, %dma_wait3A_562, %dma_wait3A_568] : memref<2x8x128xi32, #tpu.memory_space<vmem>> -> memref<1x1x128xi32, #tpu.memory_space<vmem>>
      %dma_wait3A_570 = tpu.memref_squeeze %dma_wait3A_569 : memref<1x1x128xi32, #tpu.memory_space<vmem>> -> memref<128xi32, #tpu.memory_space<vmem>>
      %dma_wait3A_571 = arith.constant 0 : i32
      %dma_wait3A_572 = arith.constant 0 : i32
      %dma_wait3A_573 = tpu.memref_slice %arg11[%dma_wait3A_571, %dma_wait3A_572] : memref<100096x16xf32, #tpu.memory_space<vmem_shared>> -> memref<100096x16xf32, #tpu.memory_space<vmem_shared>>
      %dma_wait3A_574 = tpu.memref_slice %arg14[%dma_wait3A_563] : memref<8x!tpu.dma_semaphore, #tpu.memory_space<semaphore_mem>> -> memref<1x!tpu.dma_semaphore, #tpu.memory_space<semaphore_mem>>
      %dma_wait3A_575 = tpu.memref_squeeze %dma_wait3A_574 : memref<1x!tpu.dma_semaphore, #tpu.memory_space<semaphore_mem>> -> memref<!tpu.dma_semaphore, #tpu.memory_space<semaphore_mem>>
      tpu.wait_indirect_dma semaphore(%dma_wait3A_575 : memref<!tpu.dma_semaphore, #tpu.memory_space<semaphore_mem>>) src(%dma_wait3A_567 : memref<128x16xf32, #tpu.memory_space<vmem>>) dst(%dma_wait3A_573 : memref<100096x16xf32, #tpu.memory_space<vmem_shared>>)
      %dma_wait3A_576 = arith.constant 0 : i32
      %dma_wait3A_577 = arith.constant 0 : i32
      %dma_wait3A_578 = arith.constant 0 : i32
      %dma_wait3A_579 = tpu.memref_slice %arg7[%sub3A_65, %dma_wait3A_577, %dma_wait3A_578] : memref<2x8x128xi32, #tpu.memory_space<vmem>> -> memref<1x8x128xi32, #tpu.memory_space<vmem>>
      %dma_wait3A_580 = tpu.memref_squeeze %dma_wait3A_579 : memref<1x8x128xi32, #tpu.memory_space<vmem>> -> memref<8x128xi32, #tpu.memory_space<vmem>>
      %dma_wait3A_581 = arith.constant 0 : i32
      %dma_wait3A_582 = tpu.memref_slice %arg3[%add3A_64, %dma_wait3A_581] : memref<25600x128xi32, #tpu.memory_space<hbm>> -> memref<8x128xi32, #tpu.memory_space<hbm>>
      %dma_wait3A_583 = tpu.memref_slice %arg12[%dma_wait3A_576] : memref<2x!tpu.dma_semaphore, #tpu.memory_space<semaphore_mem>> -> memref<1x!tpu.dma_semaphore, #tpu.memory_space<semaphore_mem>>
      %dma_wait3A_584 = tpu.memref_squeeze %dma_wait3A_583 : memref<1x!tpu.dma_semaphore, #tpu.memory_space<semaphore_mem>> -> memref<!tpu.dma_semaphore, #tpu.memory_space<semaphore_mem>>
      %dma_wait3A_585 = arith.constant 0 : i32
      %dma_wait3A_586 = arith.constant 0 : i32
      %dma_wait3A_587 = tpu.memref_slice %arg7[%sub3A_65, %dma_wait3A_585, %dma_wait3A_586] : memref<2x8x128xi32, #tpu.memory_space<vmem>> -> memref<1x8x128xi32, #tpu.memory_space<vmem>>
      %dma_wait3A_588 = tpu.memref_squeeze %dma_wait3A_587 : memref<1x8x128xi32, #tpu.memory_space<vmem>> -> memref<8x128xi32, #tpu.memory_space<vmem>>
      %dma_wait3A_589 = arith.constant 0 : i32
      %dma_wait3A_590 = tpu.memref_slice %arg3[%add3A_64, %dma_wait3A_589] : memref<25600x128xi32, #tpu.memory_space<hbm>> -> memref<8x128xi32, #tpu.memory_space<hbm>>
      tpu.wait_dma2 semaphore(%dma_wait3A_584 : memref<!tpu.dma_semaphore, #tpu.memory_space<semaphore_mem>>) src(%dma_wait3A_590 : memref<8x128xi32, #tpu.memory_space<hbm>>) dst(%dma_wait3A_588 : memref<8x128xi32, #tpu.memory_space<vmem>>)
      %dma_wait3A_591 = arith.constant 1 : i32
      %dma_wait3A_592 = arith.constant 0 : i32
      %dma_wait3A_593 = arith.constant 0 : i32
      %dma_wait3A_594 = tpu.memref_slice %arg8[%sub3A_81, %dma_wait3A_592, %dma_wait3A_593] : memref<2x8x128xi32, #tpu.memory_space<vmem>> -> memref<1x8x128xi32, #tpu.memory_space<vmem>>
      %dma_wait3A_595 = tpu.memref_squeeze %dma_wait3A_594 : memref<1x8x128xi32, #tpu.memory_space<vmem>> -> memref<8x128xi32, #tpu.memory_space<vmem>>
      %dma_wait3A_596 = arith.constant 0 : i32
      %dma_wait3A_597 = tpu.memref_slice %arg4[%add3A_64, %dma_wait3A_596] : memref<25600x128xi32, #tpu.memory_space<hbm>> -> memref<8x128xi32, #tpu.memory_space<hbm>>
      %dma_wait3A_598 = tpu.memref_slice %arg12[%dma_wait3A_591] : memref<2x!tpu.dma_semaphore, #tpu.memory_space<semaphore_mem>> -> memref<1x!tpu.dma_semaphore, #tpu.memory_space<semaphore_mem>>
      %dma_wait3A_599 = tpu.memref_squeeze %dma_wait3A_598 : memref<1x!tpu.dma_semaphore, #tpu.memory_space<semaphore_mem>> -> memref<!tpu.dma_semaphore, #tpu.memory_space<semaphore_mem>>
      %dma_wait3A_600 = arith.constant 0 : i32
      %dma_wait3A_601 = arith.constant 0 : i32
      %dma_wait3A_602 = tpu.memref_slice %arg8[%sub3A_81, %dma_wait3A_600, %dma_wait3A_601] : memref<2x8x128xi32, #tpu.memory_space<vmem>> -> memref<1x8x128xi32, #tpu.memory_space<vmem>>
      %dma_wait3A_603 = tpu.memref_squeeze %dma_wait3A_602 : memref<1x8x128xi32, #tpu.memory_space<vmem>> -> memref<8x128xi32, #tpu.memory_space<vmem>>
      %dma_wait3A_604 = arith.constant 0 : i32
      %dma_wait3A_605 = tpu.memref_slice %arg4[%add3A_64, %dma_wait3A_604] : memref<25600x128xi32, #tpu.memory_space<hbm>> -> memref<8x128xi32, #tpu.memory_space<hbm>>
      tpu.wait_dma2 semaphore(%dma_wait3A_599 : memref<!tpu.dma_semaphore, #tpu.memory_space<semaphore_mem>>) src(%dma_wait3A_605 : memref<8x128xi32, #tpu.memory_space<hbm>>) dst(%dma_wait3A_603 : memref<8x128xi32, #tpu.memory_space<vmem>>)
    }
    %scan3A_11 = arith.constant 100 : i32
    %run_scoped3A_12 = arith.constant 0 : i32
    %run_scoped3A_13 = arith.constant 0 : i32
    "tpu.region"() ({
      %run_scoped3A_52 = tpu.sem_alloc : memref<!tpu.dma_semaphore, #tpu.memory_space<semaphore_mem>>
      %dma_start3A = arith.constant 0 : i32
      %dma_start3A_53 = tpu.memref_slice %arg8[%run_scoped3A_12, %run_scoped3A_13, %dma_start3A] : memref<2x8x128xi32, #tpu.memory_space<vmem>> -> memref<1x1x128xi32, #tpu.memory_space<vmem>>
      %dma_start3A_54 = tpu.memref_squeeze %dma_start3A_53 : memref<1x1x128xi32, #tpu.memory_space<vmem>> -> memref<128xi32, #tpu.memory_space<vmem>>
      %dma_start3A_55 = arith.constant 0 : i32
      %dma_start3A_56 = arith.constant 0 : i32
      %dma_start3A_57 = tpu.memref_slice %arg11[%dma_start3A_55, %dma_start3A_56] : memref<100096x16xf32, #tpu.memory_space<vmem_shared>> -> memref<100096x16xf32, #tpu.memory_space<vmem_shared>>
      tpu.enqueue_indirect_dma source(%arg10 : memref<128x16xf32, #tpu.memory_space<vmem>>) target(%dma_start3A_57 : memref<100096x16xf32, #tpu.memory_space<vmem_shared>>) offsets(%dma_start3A_54 : memref<128xi32, #tpu.memory_space<vmem>>) semaphore(%run_scoped3A_52 : memref<!tpu.dma_semaphore, #tpu.memory_space<semaphore_mem>>) {add = true}
      %dma_wait3A = arith.constant 0 : i32
      %dma_wait3A_58 = tpu.memref_slice %arg8[%run_scoped3A_12, %run_scoped3A_13, %dma_wait3A] : memref<2x8x128xi32, #tpu.memory_space<vmem>> -> memref<1x1x128xi32, #tpu.memory_space<vmem>>
      %dma_wait3A_59 = tpu.memref_squeeze %dma_wait3A_58 : memref<1x1x128xi32, #tpu.memory_space<vmem>> -> memref<128xi32, #tpu.memory_space<vmem>>
      %dma_wait3A_60 = arith.constant 0 : i32
      %dma_wait3A_61 = arith.constant 0 : i32
      %dma_wait3A_62 = tpu.memref_slice %arg11[%dma_wait3A_60, %dma_wait3A_61] : memref<100096x16xf32, #tpu.memory_space<vmem_shared>> -> memref<100096x16xf32, #tpu.memory_space<vmem_shared>>
      tpu.wait_indirect_dma semaphore(%run_scoped3A_52 : memref<!tpu.dma_semaphore, #tpu.memory_space<semaphore_mem>>) src(%arg10 : memref<128x16xf32, #tpu.memory_space<vmem>>) dst(%dma_wait3A_62 : memref<100096x16xf32, #tpu.memory_space<vmem_shared>>)
      tpu.yield
    }) : () -> ()
    %run_scoped3A_14 = arith.constant 0 : i32
    %run_scoped3A_15 = arith.constant 1 : i32
    "tpu.region"() ({
      %run_scoped3A_52 = tpu.sem_alloc : memref<!tpu.dma_semaphore, #tpu.memory_space<semaphore_mem>>
      %dma_start3A = arith.constant 0 : i32
      %dma_start3A_53 = tpu.memref_slice %arg8[%run_scoped3A_14, %run_scoped3A_15, %dma_start3A] : memref<2x8x128xi32, #tpu.memory_space<vmem>> -> memref<1x1x128xi32, #tpu.memory_space<vmem>>
      %dma_start3A_54 = tpu.memref_squeeze %dma_start3A_53 : memref<1x1x128xi32, #tpu.memory_space<vmem>> -> memref<128xi32, #tpu.memory_space<vmem>>
      %dma_start3A_55 = arith.constant 0 : i32
      %dma_start3A_56 = arith.constant 0 : i32
      %dma_start3A_57 = tpu.memref_slice %arg11[%dma_start3A_55, %dma_start3A_56] : memref<100096x16xf32, #tpu.memory_space<vmem_shared>> -> memref<100096x16xf32, #tpu.memory_space<vmem_shared>>
      tpu.enqueue_indirect_dma source(%arg10 : memref<128x16xf32, #tpu.memory_space<vmem>>) target(%dma_start3A_57 : memref<100096x16xf32, #tpu.memory_space<vmem_shared>>) offsets(%dma_start3A_54 : memref<128xi32, #tpu.memory_space<vmem>>) semaphore(%run_scoped3A_52 : memref<!tpu.dma_semaphore, #tpu.memory_space<semaphore_mem>>) {add = true}
      %dma_wait3A = arith.constant 0 : i32
      %dma_wait3A_58 = tpu.memref_slice %arg8[%run_scoped3A_14, %run_scoped3A_15, %dma_wait3A] : memref<2x8x128xi32, #tpu.memory_space<vmem>> -> memref<1x1x128xi32, #tpu.memory_space<vmem>>
      %dma_wait3A_59 = tpu.memref_squeeze %dma_wait3A_58 : memref<1x1x128xi32, #tpu.memory_space<vmem>> -> memref<128xi32, #tpu.memory_space<vmem>>
      %dma_wait3A_60 = arith.constant 0 : i32
      %dma_wait3A_61 = arith.constant 0 : i32
      %dma_wait3A_62 = tpu.memref_slice %arg11[%dma_wait3A_60, %dma_wait3A_61] : memref<100096x16xf32, #tpu.memory_space<vmem_shared>> -> memref<100096x16xf32, #tpu.memory_space<vmem_shared>>
      tpu.wait_indirect_dma semaphore(%run_scoped3A_52 : memref<!tpu.dma_semaphore, #tpu.memory_space<semaphore_mem>>) src(%arg10 : memref<128x16xf32, #tpu.memory_space<vmem>>) dst(%dma_wait3A_62 : memref<100096x16xf32, #tpu.memory_space<vmem_shared>>)
      tpu.yield
    }) : () -> ()
    %run_scoped3A_16 = arith.constant 0 : i32
    %run_scoped3A_17 = arith.constant 2 : i32
    "tpu.region"() ({
      %run_scoped3A_52 = tpu.sem_alloc : memref<!tpu.dma_semaphore, #tpu.memory_space<semaphore_mem>>
      %dma_start3A = arith.constant 0 : i32
      %dma_start3A_53 = tpu.memref_slice %arg8[%run_scoped3A_16, %run_scoped3A_17, %dma_start3A] : memref<2x8x128xi32, #tpu.memory_space<vmem>> -> memref<1x1x128xi32, #tpu.memory_space<vmem>>
      %dma_start3A_54 = tpu.memref_squeeze %dma_start3A_53 : memref<1x1x128xi32, #tpu.memory_space<vmem>> -> memref<128xi32, #tpu.memory_space<vmem>>
      %dma_start3A_55 = arith.constant 0 : i32
      %dma_start3A_56 = arith.constant 0 : i32
      %dma_start3A_57 = tpu.memref_slice %arg11[%dma_start3A_55, %dma_start3A_56] : memref<100096x16xf32, #tpu.memory_space<vmem_shared>> -> memref<100096x16xf32, #tpu.memory_space<vmem_shared>>
      tpu.enqueue_indirect_dma source(%arg10 : memref<128x16xf32, #tpu.memory_space<vmem>>) target(%dma_start3A_57 : memref<100096x16xf32, #tpu.memory_space<vmem_shared>>) offsets(%dma_start3A_54 : memref<128xi32, #tpu.memory_space<vmem>>) semaphore(%run_scoped3A_52 : memref<!tpu.dma_semaphore, #tpu.memory_space<semaphore_mem>>) {add = true}
      %dma_wait3A = arith.constant 0 : i32
      %dma_wait3A_58 = tpu.memref_slice %arg8[%run_scoped3A_16, %run_scoped3A_17, %dma_wait3A] : memref<2x8x128xi32, #tpu.memory_space<vmem>> -> memref<1x1x128xi32, #tpu.memory_space<vmem>>
      %dma_wait3A_59 = tpu.memref_squeeze %dma_wait3A_58 : memref<1x1x128xi32, #tpu.memory_space<vmem>> -> memref<128xi32, #tpu.memory_space<vmem>>
      %dma_wait3A_60 = arith.constant 0 : i32
      %dma_wait3A_61 = arith.constant 0 : i32
      %dma_wait3A_62 = tpu.memref_slice %arg11[%dma_wait3A_60, %dma_wait3A_61] : memref<100096x16xf32, #tpu.memory_space<vmem_shared>> -> memref<100096x16xf32, #tpu.memory_space<vmem_shared>>
      tpu.wait_indirect_dma semaphore(%run_scoped3A_52 : memref<!tpu.dma_semaphore, #tpu.memory_space<semaphore_mem>>) src(%arg10 : memref<128x16xf32, #tpu.memory_space<vmem>>) dst(%dma_wait3A_62 : memref<100096x16xf32, #tpu.memory_space<vmem_shared>>)
      tpu.yield
    }) : () -> ()
    %run_scoped3A_18 = arith.constant 0 : i32
    %run_scoped3A_19 = arith.constant 3 : i32
    "tpu.region"() ({
      %run_scoped3A_52 = tpu.sem_alloc : memref<!tpu.dma_semaphore, #tpu.memory_space<semaphore_mem>>
      %dma_start3A = arith.constant 0 : i32
      %dma_start3A_53 = tpu.memref_slice %arg8[%run_scoped3A_18, %run_scoped3A_19, %dma_start3A] : memref<2x8x128xi32, #tpu.memory_space<vmem>> -> memref<1x1x128xi32, #tpu.memory_space<vmem>>
      %dma_start3A_54 = tpu.memref_squeeze %dma_start3A_53 : memref<1x1x128xi32, #tpu.memory_space<vmem>> -> memref<128xi32, #tpu.memory_space<vmem>>
      %dma_start3A_55 = arith.constant 0 : i32
      %dma_start3A_56 = arith.constant 0 : i32
      %dma_start3A_57 = tpu.memref_slice %arg11[%dma_start3A_55, %dma_start3A_56] : memref<100096x16xf32, #tpu.memory_space<vmem_shared>> -> memref<100096x16xf32, #tpu.memory_space<vmem_shared>>
      tpu.enqueue_indirect_dma source(%arg10 : memref<128x16xf32, #tpu.memory_space<vmem>>) target(%dma_start3A_57 : memref<100096x16xf32, #tpu.memory_space<vmem_shared>>) offsets(%dma_start3A_54 : memref<128xi32, #tpu.memory_space<vmem>>) semaphore(%run_scoped3A_52 : memref<!tpu.dma_semaphore, #tpu.memory_space<semaphore_mem>>) {add = true}
      %dma_wait3A = arith.constant 0 : i32
      %dma_wait3A_58 = tpu.memref_slice %arg8[%run_scoped3A_18, %run_scoped3A_19, %dma_wait3A] : memref<2x8x128xi32, #tpu.memory_space<vmem>> -> memref<1x1x128xi32, #tpu.memory_space<vmem>>
      %dma_wait3A_59 = tpu.memref_squeeze %dma_wait3A_58 : memref<1x1x128xi32, #tpu.memory_space<vmem>> -> memref<128xi32, #tpu.memory_space<vmem>>
      %dma_wait3A_60 = arith.constant 0 : i32
      %dma_wait3A_61 = arith.constant 0 : i32
      %dma_wait3A_62 = tpu.memref_slice %arg11[%dma_wait3A_60, %dma_wait3A_61] : memref<100096x16xf32, #tpu.memory_space<vmem_shared>> -> memref<100096x16xf32, #tpu.memory_space<vmem_shared>>
      tpu.wait_indirect_dma semaphore(%run_scoped3A_52 : memref<!tpu.dma_semaphore, #tpu.memory_space<semaphore_mem>>) src(%arg10 : memref<128x16xf32, #tpu.memory_space<vmem>>) dst(%dma_wait3A_62 : memref<100096x16xf32, #tpu.memory_space<vmem_shared>>)
      tpu.yield
    }) : () -> ()
    %run_scoped3A_20 = arith.constant 0 : i32
    %run_scoped3A_21 = arith.constant 4 : i32
    "tpu.region"() ({
      %run_scoped3A_52 = tpu.sem_alloc : memref<!tpu.dma_semaphore, #tpu.memory_space<semaphore_mem>>
      %dma_start3A = arith.constant 0 : i32
      %dma_start3A_53 = tpu.memref_slice %arg8[%run_scoped3A_20, %run_scoped3A_21, %dma_start3A] : memref<2x8x128xi32, #tpu.memory_space<vmem>> -> memref<1x1x128xi32, #tpu.memory_space<vmem>>
      %dma_start3A_54 = tpu.memref_squeeze %dma_start3A_53 : memref<1x1x128xi32, #tpu.memory_space<vmem>> -> memref<128xi32, #tpu.memory_space<vmem>>
      %dma_start3A_55 = arith.constant 0 : i32
      %dma_start3A_56 = arith.constant 0 : i32
      %dma_start3A_57 = tpu.memref_slice %arg11[%dma_start3A_55, %dma_start3A_56] : memref<100096x16xf32, #tpu.memory_space<vmem_shared>> -> memref<100096x16xf32, #tpu.memory_space<vmem_shared>>
      tpu.enqueue_indirect_dma source(%arg10 : memref<128x16xf32, #tpu.memory_space<vmem>>) target(%dma_start3A_57 : memref<100096x16xf32, #tpu.memory_space<vmem_shared>>) offsets(%dma_start3A_54 : memref<128xi32, #tpu.memory_space<vmem>>) semaphore(%run_scoped3A_52 : memref<!tpu.dma_semaphore, #tpu.memory_space<semaphore_mem>>) {add = true}
      %dma_wait3A = arith.constant 0 : i32
      %dma_wait3A_58 = tpu.memref_slice %arg8[%run_scoped3A_20, %run_scoped3A_21, %dma_wait3A] : memref<2x8x128xi32, #tpu.memory_space<vmem>> -> memref<1x1x128xi32, #tpu.memory_space<vmem>>
      %dma_wait3A_59 = tpu.memref_squeeze %dma_wait3A_58 : memref<1x1x128xi32, #tpu.memory_space<vmem>> -> memref<128xi32, #tpu.memory_space<vmem>>
      %dma_wait3A_60 = arith.constant 0 : i32
      %dma_wait3A_61 = arith.constant 0 : i32
      %dma_wait3A_62 = tpu.memref_slice %arg11[%dma_wait3A_60, %dma_wait3A_61] : memref<100096x16xf32, #tpu.memory_space<vmem_shared>> -> memref<100096x16xf32, #tpu.memory_space<vmem_shared>>
      tpu.wait_indirect_dma semaphore(%run_scoped3A_52 : memref<!tpu.dma_semaphore, #tpu.memory_space<semaphore_mem>>) src(%arg10 : memref<128x16xf32, #tpu.memory_space<vmem>>) dst(%dma_wait3A_62 : memref<100096x16xf32, #tpu.memory_space<vmem_shared>>)
      tpu.yield
    }) : () -> ()
    %run_scoped3A_22 = arith.constant 0 : i32
    %run_scoped3A_23 = arith.constant 5 : i32
    "tpu.region"() ({
      %run_scoped3A_52 = tpu.sem_alloc : memref<!tpu.dma_semaphore, #tpu.memory_space<semaphore_mem>>
      %dma_start3A = arith.constant 0 : i32
      %dma_start3A_53 = tpu.memref_slice %arg8[%run_scoped3A_22, %run_scoped3A_23, %dma_start3A] : memref<2x8x128xi32, #tpu.memory_space<vmem>> -> memref<1x1x128xi32, #tpu.memory_space<vmem>>
      %dma_start3A_54 = tpu.memref_squeeze %dma_start3A_53 : memref<1x1x128xi32, #tpu.memory_space<vmem>> -> memref<128xi32, #tpu.memory_space<vmem>>
      %dma_start3A_55 = arith.constant 0 : i32
      %dma_start3A_56 = arith.constant 0 : i32
      %dma_start3A_57 = tpu.memref_slice %arg11[%dma_start3A_55, %dma_start3A_56] : memref<100096x16xf32, #tpu.memory_space<vmem_shared>> -> memref<100096x16xf32, #tpu.memory_space<vmem_shared>>
      tpu.enqueue_indirect_dma source(%arg10 : memref<128x16xf32, #tpu.memory_space<vmem>>) target(%dma_start3A_57 : memref<100096x16xf32, #tpu.memory_space<vmem_shared>>) offsets(%dma_start3A_54 : memref<128xi32, #tpu.memory_space<vmem>>) semaphore(%run_scoped3A_52 : memref<!tpu.dma_semaphore, #tpu.memory_space<semaphore_mem>>) {add = true}
      %dma_wait3A = arith.constant 0 : i32
      %dma_wait3A_58 = tpu.memref_slice %arg8[%run_scoped3A_22, %run_scoped3A_23, %dma_wait3A] : memref<2x8x128xi32, #tpu.memory_space<vmem>> -> memref<1x1x128xi32, #tpu.memory_space<vmem>>
      %dma_wait3A_59 = tpu.memref_squeeze %dma_wait3A_58 : memref<1x1x128xi32, #tpu.memory_space<vmem>> -> memref<128xi32, #tpu.memory_space<vmem>>
      %dma_wait3A_60 = arith.constant 0 : i32
      %dma_wait3A_61 = arith.constant 0 : i32
      %dma_wait3A_62 = tpu.memref_slice %arg11[%dma_wait3A_60, %dma_wait3A_61] : memref<100096x16xf32, #tpu.memory_space<vmem_shared>> -> memref<100096x16xf32, #tpu.memory_space<vmem_shared>>
      tpu.wait_indirect_dma semaphore(%run_scoped3A_52 : memref<!tpu.dma_semaphore, #tpu.memory_space<semaphore_mem>>) src(%arg10 : memref<128x16xf32, #tpu.memory_space<vmem>>) dst(%dma_wait3A_62 : memref<100096x16xf32, #tpu.memory_space<vmem_shared>>)
      tpu.yield
    }) : () -> ()
    %run_scoped3A_24 = arith.constant 0 : i32
    %run_scoped3A_25 = arith.constant 6 : i32
    "tpu.region"() ({
      %run_scoped3A_52 = tpu.sem_alloc : memref<!tpu.dma_semaphore, #tpu.memory_space<semaphore_mem>>
      %dma_start3A = arith.constant 0 : i32
      %dma_start3A_53 = tpu.memref_slice %arg8[%run_scoped3A_24, %run_scoped3A_25, %dma_start3A] : memref<2x8x128xi32, #tpu.memory_space<vmem>> -> memref<1x1x128xi32, #tpu.memory_space<vmem>>
      %dma_start3A_54 = tpu.memref_squeeze %dma_start3A_53 : memref<1x1x128xi32, #tpu.memory_space<vmem>> -> memref<128xi32, #tpu.memory_space<vmem>>
      %dma_start3A_55 = arith.constant 0 : i32
      %dma_start3A_56 = arith.constant 0 : i32
      %dma_start3A_57 = tpu.memref_slice %arg11[%dma_start3A_55, %dma_start3A_56] : memref<100096x16xf32, #tpu.memory_space<vmem_shared>> -> memref<100096x16xf32, #tpu.memory_space<vmem_shared>>
      tpu.enqueue_indirect_dma source(%arg10 : memref<128x16xf32, #tpu.memory_space<vmem>>) target(%dma_start3A_57 : memref<100096x16xf32, #tpu.memory_space<vmem_shared>>) offsets(%dma_start3A_54 : memref<128xi32, #tpu.memory_space<vmem>>) semaphore(%run_scoped3A_52 : memref<!tpu.dma_semaphore, #tpu.memory_space<semaphore_mem>>) {add = true}
      %dma_wait3A = arith.constant 0 : i32
      %dma_wait3A_58 = tpu.memref_slice %arg8[%run_scoped3A_24, %run_scoped3A_25, %dma_wait3A] : memref<2x8x128xi32, #tpu.memory_space<vmem>> -> memref<1x1x128xi32, #tpu.memory_space<vmem>>
      %dma_wait3A_59 = tpu.memref_squeeze %dma_wait3A_58 : memref<1x1x128xi32, #tpu.memory_space<vmem>> -> memref<128xi32, #tpu.memory_space<vmem>>
      %dma_wait3A_60 = arith.constant 0 : i32
      %dma_wait3A_61 = arith.constant 0 : i32
      %dma_wait3A_62 = tpu.memref_slice %arg11[%dma_wait3A_60, %dma_wait3A_61] : memref<100096x16xf32, #tpu.memory_space<vmem_shared>> -> memref<100096x16xf32, #tpu.memory_space<vmem_shared>>
      tpu.wait_indirect_dma semaphore(%run_scoped3A_52 : memref<!tpu.dma_semaphore, #tpu.memory_space<semaphore_mem>>) src(%arg10 : memref<128x16xf32, #tpu.memory_space<vmem>>) dst(%dma_wait3A_62 : memref<100096x16xf32, #tpu.memory_space<vmem_shared>>)
      tpu.yield
    }) : () -> ()
    %run_scoped3A_26 = arith.constant 0 : i32
    %run_scoped3A_27 = arith.constant 7 : i32
    "tpu.region"() ({
      %run_scoped3A_52 = tpu.sem_alloc : memref<!tpu.dma_semaphore, #tpu.memory_space<semaphore_mem>>
      %dma_start3A = arith.constant 0 : i32
      %dma_start3A_53 = tpu.memref_slice %arg8[%run_scoped3A_26, %run_scoped3A_27, %dma_start3A] : memref<2x8x128xi32, #tpu.memory_space<vmem>> -> memref<1x1x128xi32, #tpu.memory_space<vmem>>
      %dma_start3A_54 = tpu.memref_squeeze %dma_start3A_53 : memref<1x1x128xi32, #tpu.memory_space<vmem>> -> memref<128xi32, #tpu.memory_space<vmem>>
      %dma_start3A_55 = arith.constant 0 : i32
      %dma_start3A_56 = arith.constant 0 : i32
      %dma_start3A_57 = tpu.memref_slice %arg11[%dma_start3A_55, %dma_start3A_56] : memref<100096x16xf32, #tpu.memory_space<vmem_shared>> -> memref<100096x16xf32, #tpu.memory_space<vmem_shared>>
      tpu.enqueue_indirect_dma source(%arg10 : memref<128x16xf32, #tpu.memory_space<vmem>>) target(%dma_start3A_57 : memref<100096x16xf32, #tpu.memory_space<vmem_shared>>) offsets(%dma_start3A_54 : memref<128xi32, #tpu.memory_space<vmem>>) semaphore(%run_scoped3A_52 : memref<!tpu.dma_semaphore, #tpu.memory_space<semaphore_mem>>) {add = true}
      %dma_wait3A = arith.constant 0 : i32
      %dma_wait3A_58 = tpu.memref_slice %arg8[%run_scoped3A_26, %run_scoped3A_27, %dma_wait3A] : memref<2x8x128xi32, #tpu.memory_space<vmem>> -> memref<1x1x128xi32, #tpu.memory_space<vmem>>
      %dma_wait3A_59 = tpu.memref_squeeze %dma_wait3A_58 : memref<1x1x128xi32, #tpu.memory_space<vmem>> -> memref<128xi32, #tpu.memory_space<vmem>>
      %dma_wait3A_60 = arith.constant 0 : i32
      %dma_wait3A_61 = arith.constant 0 : i32
      %dma_wait3A_62 = tpu.memref_slice %arg11[%dma_wait3A_60, %dma_wait3A_61] : memref<100096x16xf32, #tpu.memory_space<vmem_shared>> -> memref<100096x16xf32, #tpu.memory_space<vmem_shared>>
      tpu.wait_indirect_dma semaphore(%run_scoped3A_52 : memref<!tpu.dma_semaphore, #tpu.memory_space<semaphore_mem>>) src(%arg10 : memref<128x16xf32, #tpu.memory_space<vmem>>) dst(%dma_wait3A_62 : memref<100096x16xf32, #tpu.memory_space<vmem_shared>>)
      tpu.yield
    }) : () -> ()
    %run_scoped3A_28 = arith.constant 0 : i32
    %run_scoped3A_29 = arith.constant 0 : i32
    "tpu.region"() ({
      %run_scoped3A_52 = tpu.sem_alloc : memref<!tpu.dma_semaphore, #tpu.memory_space<semaphore_mem>>
      %dma_start3A = arith.constant 0 : i32
      %dma_start3A_53 = tpu.memref_slice %arg8[%run_scoped3A_28, %run_scoped3A_29, %dma_start3A] : memref<2x8x128xi32, #tpu.memory_space<vmem>> -> memref<1x1x128xi32, #tpu.memory_space<vmem>>
      %dma_start3A_54 = tpu.memref_squeeze %dma_start3A_53 : memref<1x1x128xi32, #tpu.memory_space<vmem>> -> memref<128xi32, #tpu.memory_space<vmem>>
      %dma_start3A_55 = arith.constant 0 : i32
      %dma_start3A_56 = arith.constant 0 : i32
      %dma_start3A_57 = tpu.memref_slice %arg11[%dma_start3A_55, %dma_start3A_56] : memref<100096x16xf32, #tpu.memory_space<vmem_shared>> -> memref<100096x16xf32, #tpu.memory_space<vmem_shared>>
      tpu.enqueue_indirect_dma source(%arg10 : memref<128x16xf32, #tpu.memory_space<vmem>>) target(%dma_start3A_57 : memref<100096x16xf32, #tpu.memory_space<vmem_shared>>) offsets(%dma_start3A_54 : memref<128xi32, #tpu.memory_space<vmem>>) semaphore(%run_scoped3A_52 : memref<!tpu.dma_semaphore, #tpu.memory_space<semaphore_mem>>) {add = true}
      %dma_wait3A = arith.constant 0 : i32
      %dma_wait3A_58 = tpu.memref_slice %arg8[%run_scoped3A_28, %run_scoped3A_29, %dma_wait3A] : memref<2x8x128xi32, #tpu.memory_space<vmem>> -> memref<1x1x128xi32, #tpu.memory_space<vmem>>
      %dma_wait3A_59 = tpu.memref_squeeze %dma_wait3A_58 : memref<1x1x128xi32, #tpu.memory_space<vmem>> -> memref<128xi32, #tpu.memory_space<vmem>>
      %dma_wait3A_60 = arith.constant 0 : i32
      %dma_wait3A_61 = arith.constant 0 : i32
      %dma_wait3A_62 = tpu.memref_slice %arg11[%dma_wait3A_60, %dma_wait3A_61] : memref<100096x16xf32, #tpu.memory_space<vmem_shared>> -> memref<100096x16xf32, #tpu.memory_space<vmem_shared>>
      tpu.wait_indirect_dma semaphore(%run_scoped3A_52 : memref<!tpu.dma_semaphore, #tpu.memory_space<semaphore_mem>>) src(%arg10 : memref<128x16xf32, #tpu.memory_space<vmem>>) dst(%dma_wait3A_62 : memref<100096x16xf32, #tpu.memory_space<vmem_shared>>)
      tpu.yield
    }) : () -> ()
    %run_scoped3A_30 = arith.constant 0 : i32
    %run_scoped3A_31 = arith.constant 1 : i32
    "tpu.region"() ({
      %run_scoped3A_52 = tpu.sem_alloc : memref<!tpu.dma_semaphore, #tpu.memory_space<semaphore_mem>>
      %dma_start3A = arith.constant 0 : i32
      %dma_start3A_53 = tpu.memref_slice %arg8[%run_scoped3A_30, %run_scoped3A_31, %dma_start3A] : memref<2x8x128xi32, #tpu.memory_space<vmem>> -> memref<1x1x128xi32, #tpu.memory_space<vmem>>
      %dma_start3A_54 = tpu.memref_squeeze %dma_start3A_53 : memref<1x1x128xi32, #tpu.memory_space<vmem>> -> memref<128xi32, #tpu.memory_space<vmem>>
      %dma_start3A_55 = arith.constant 0 : i32
      %dma_start3A_56 = arith.constant 0 : i32
      %dma_start3A_57 = tpu.memref_slice %arg11[%dma_start3A_55, %dma_start3A_56] : memref<100096x16xf32, #tpu.memory_space<vmem_shared>> -> memref<100096x16xf32, #tpu.memory_space<vmem_shared>>
      tpu.enqueue_indirect_dma source(%arg10 : memref<128x16xf32, #tpu.memory_space<vmem>>) target(%dma_start3A_57 : memref<100096x16xf32, #tpu.memory_space<vmem_shared>>) offsets(%dma_start3A_54 : memref<128xi32, #tpu.memory_space<vmem>>) semaphore(%run_scoped3A_52 : memref<!tpu.dma_semaphore, #tpu.memory_space<semaphore_mem>>) {add = true}
      %dma_wait3A = arith.constant 0 : i32
      %dma_wait3A_58 = tpu.memref_slice %arg8[%run_scoped3A_30, %run_scoped3A_31, %dma_wait3A] : memref<2x8x128xi32, #tpu.memory_space<vmem>> -> memref<1x1x128xi32, #tpu.memory_space<vmem>>
      %dma_wait3A_59 = tpu.memref_squeeze %dma_wait3A_58 : memref<1x1x128xi32, #tpu.memory_space<vmem>> -> memref<128xi32, #tpu.memory_space<vmem>>
      %dma_wait3A_60 = arith.constant 0 : i32
      %dma_wait3A_61 = arith.constant 0 : i32
      %dma_wait3A_62 = tpu.memref_slice %arg11[%dma_wait3A_60, %dma_wait3A_61] : memref<100096x16xf32, #tpu.memory_space<vmem_shared>> -> memref<100096x16xf32, #tpu.memory_space<vmem_shared>>
      tpu.wait_indirect_dma semaphore(%run_scoped3A_52 : memref<!tpu.dma_semaphore, #tpu.memory_space<semaphore_mem>>) src(%arg10 : memref<128x16xf32, #tpu.memory_space<vmem>>) dst(%dma_wait3A_62 : memref<100096x16xf32, #tpu.memory_space<vmem_shared>>)
      tpu.yield
    }) : () -> ()
    %run_scoped3A_32 = arith.constant 0 : i32
    %run_scoped3A_33 = arith.constant 2 : i32
    "tpu.region"() ({
      %run_scoped3A_52 = tpu.sem_alloc : memref<!tpu.dma_semaphore, #tpu.memory_space<semaphore_mem>>
      %dma_start3A = arith.constant 0 : i32
      %dma_start3A_53 = tpu.memref_slice %arg8[%run_scoped3A_32, %run_scoped3A_33, %dma_start3A] : memref<2x8x128xi32, #tpu.memory_space<vmem>> -> memref<1x1x128xi32, #tpu.memory_space<vmem>>
      %dma_start3A_54 = tpu.memref_squeeze %dma_start3A_53 : memref<1x1x128xi32, #tpu.memory_space<vmem>> -> memref<128xi32, #tpu.memory_space<vmem>>
      %dma_start3A_55 = arith.constant 0 : i32
      %dma_start3A_56 = arith.constant 0 : i32
      %dma_start3A_57 = tpu.memref_slice %arg11[%dma_start3A_55, %dma_start3A_56] : memref<100096x16xf32, #tpu.memory_space<vmem_shared>> -> memref<100096x16xf32, #tpu.memory_space<vmem_shared>>
      tpu.enqueue_indirect_dma source(%arg10 : memref<128x16xf32, #tpu.memory_space<vmem>>) target(%dma_start3A_57 : memref<100096x16xf32, #tpu.memory_space<vmem_shared>>) offsets(%dma_start3A_54 : memref<128xi32, #tpu.memory_space<vmem>>) semaphore(%run_scoped3A_52 : memref<!tpu.dma_semaphore, #tpu.memory_space<semaphore_mem>>) {add = true}
      %dma_wait3A = arith.constant 0 : i32
      %dma_wait3A_58 = tpu.memref_slice %arg8[%run_scoped3A_32, %run_scoped3A_33, %dma_wait3A] : memref<2x8x128xi32, #tpu.memory_space<vmem>> -> memref<1x1x128xi32, #tpu.memory_space<vmem>>
      %dma_wait3A_59 = tpu.memref_squeeze %dma_wait3A_58 : memref<1x1x128xi32, #tpu.memory_space<vmem>> -> memref<128xi32, #tpu.memory_space<vmem>>
      %dma_wait3A_60 = arith.constant 0 : i32
      %dma_wait3A_61 = arith.constant 0 : i32
      %dma_wait3A_62 = tpu.memref_slice %arg11[%dma_wait3A_60, %dma_wait3A_61] : memref<100096x16xf32, #tpu.memory_space<vmem_shared>> -> memref<100096x16xf32, #tpu.memory_space<vmem_shared>>
      tpu.wait_indirect_dma semaphore(%run_scoped3A_52 : memref<!tpu.dma_semaphore, #tpu.memory_space<semaphore_mem>>) src(%arg10 : memref<128x16xf32, #tpu.memory_space<vmem>>) dst(%dma_wait3A_62 : memref<100096x16xf32, #tpu.memory_space<vmem_shared>>)
      tpu.yield
    }) : () -> ()
    %run_scoped3A_34 = arith.constant 0 : i32
    %run_scoped3A_35 = arith.constant 3 : i32
    "tpu.region"() ({
      %run_scoped3A_52 = tpu.sem_alloc : memref<!tpu.dma_semaphore, #tpu.memory_space<semaphore_mem>>
      %dma_start3A = arith.constant 0 : i32
      %dma_start3A_53 = tpu.memref_slice %arg8[%run_scoped3A_34, %run_scoped3A_35, %dma_start3A] : memref<2x8x128xi32, #tpu.memory_space<vmem>> -> memref<1x1x128xi32, #tpu.memory_space<vmem>>
      %dma_start3A_54 = tpu.memref_squeeze %dma_start3A_53 : memref<1x1x128xi32, #tpu.memory_space<vmem>> -> memref<128xi32, #tpu.memory_space<vmem>>
      %dma_start3A_55 = arith.constant 0 : i32
      %dma_start3A_56 = arith.constant 0 : i32
      %dma_start3A_57 = tpu.memref_slice %arg11[%dma_start3A_55, %dma_start3A_56] : memref<100096x16xf32, #tpu.memory_space<vmem_shared>> -> memref<100096x16xf32, #tpu.memory_space<vmem_shared>>
      tpu.enqueue_indirect_dma source(%arg10 : memref<128x16xf32, #tpu.memory_space<vmem>>) target(%dma_start3A_57 : memref<100096x16xf32, #tpu.memory_space<vmem_shared>>) offsets(%dma_start3A_54 : memref<128xi32, #tpu.memory_space<vmem>>) semaphore(%run_scoped3A_52 : memref<!tpu.dma_semaphore, #tpu.memory_space<semaphore_mem>>) {add = true}
      %dma_wait3A = arith.constant 0 : i32
      %dma_wait3A_58 = tpu.memref_slice %arg8[%run_scoped3A_34, %run_scoped3A_35, %dma_wait3A] : memref<2x8x128xi32, #tpu.memory_space<vmem>> -> memref<1x1x128xi32, #tpu.memory_space<vmem>>
      %dma_wait3A_59 = tpu.memref_squeeze %dma_wait3A_58 : memref<1x1x128xi32, #tpu.memory_space<vmem>> -> memref<128xi32, #tpu.memory_space<vmem>>
      %dma_wait3A_60 = arith.constant 0 : i32
      %dma_wait3A_61 = arith.constant 0 : i32
      %dma_wait3A_62 = tpu.memref_slice %arg11[%dma_wait3A_60, %dma_wait3A_61] : memref<100096x16xf32, #tpu.memory_space<vmem_shared>> -> memref<100096x16xf32, #tpu.memory_space<vmem_shared>>
      tpu.wait_indirect_dma semaphore(%run_scoped3A_52 : memref<!tpu.dma_semaphore, #tpu.memory_space<semaphore_mem>>) src(%arg10 : memref<128x16xf32, #tpu.memory_space<vmem>>) dst(%dma_wait3A_62 : memref<100096x16xf32, #tpu.memory_space<vmem_shared>>)
      tpu.yield
    }) : () -> ()
    %run_scoped3A_36 = arith.constant 0 : i32
    %run_scoped3A_37 = arith.constant 4 : i32
    "tpu.region"() ({
      %run_scoped3A_52 = tpu.sem_alloc : memref<!tpu.dma_semaphore, #tpu.memory_space<semaphore_mem>>
      %dma_start3A = arith.constant 0 : i32
      %dma_start3A_53 = tpu.memref_slice %arg8[%run_scoped3A_36, %run_scoped3A_37, %dma_start3A] : memref<2x8x128xi32, #tpu.memory_space<vmem>> -> memref<1x1x128xi32, #tpu.memory_space<vmem>>
      %dma_start3A_54 = tpu.memref_squeeze %dma_start3A_53 : memref<1x1x128xi32, #tpu.memory_space<vmem>> -> memref<128xi32, #tpu.memory_space<vmem>>
      %dma_start3A_55 = arith.constant 0 : i32
      %dma_start3A_56 = arith.constant 0 : i32
      %dma_start3A_57 = tpu.memref_slice %arg11[%dma_start3A_55, %dma_start3A_56] : memref<100096x16xf32, #tpu.memory_space<vmem_shared>> -> memref<100096x16xf32, #tpu.memory_space<vmem_shared>>
      tpu.enqueue_indirect_dma source(%arg10 : memref<128x16xf32, #tpu.memory_space<vmem>>) target(%dma_start3A_57 : memref<100096x16xf32, #tpu.memory_space<vmem_shared>>) offsets(%dma_start3A_54 : memref<128xi32, #tpu.memory_space<vmem>>) semaphore(%run_scoped3A_52 : memref<!tpu.dma_semaphore, #tpu.memory_space<semaphore_mem>>) {add = true}
      %dma_wait3A = arith.constant 0 : i32
      %dma_wait3A_58 = tpu.memref_slice %arg8[%run_scoped3A_36, %run_scoped3A_37, %dma_wait3A] : memref<2x8x128xi32, #tpu.memory_space<vmem>> -> memref<1x1x128xi32, #tpu.memory_space<vmem>>
      %dma_wait3A_59 = tpu.memref_squeeze %dma_wait3A_58 : memref<1x1x128xi32, #tpu.memory_space<vmem>> -> memref<128xi32, #tpu.memory_space<vmem>>
      %dma_wait3A_60 = arith.constant 0 : i32
      %dma_wait3A_61 = arith.constant 0 : i32
      %dma_wait3A_62 = tpu.memref_slice %arg11[%dma_wait3A_60, %dma_wait3A_61] : memref<100096x16xf32, #tpu.memory_space<vmem_shared>> -> memref<100096x16xf32, #tpu.memory_space<vmem_shared>>
      tpu.wait_indirect_dma semaphore(%run_scoped3A_52 : memref<!tpu.dma_semaphore, #tpu.memory_space<semaphore_mem>>) src(%arg10 : memref<128x16xf32, #tpu.memory_space<vmem>>) dst(%dma_wait3A_62 : memref<100096x16xf32, #tpu.memory_space<vmem_shared>>)
      tpu.yield
    }) : () -> ()
    %run_scoped3A_38 = arith.constant 0 : i32
    %run_scoped3A_39 = arith.constant 5 : i32
    "tpu.region"() ({
      %run_scoped3A_52 = tpu.sem_alloc : memref<!tpu.dma_semaphore, #tpu.memory_space<semaphore_mem>>
      %dma_start3A = arith.constant 0 : i32
      %dma_start3A_53 = tpu.memref_slice %arg8[%run_scoped3A_38, %run_scoped3A_39, %dma_start3A] : memref<2x8x128xi32, #tpu.memory_space<vmem>> -> memref<1x1x128xi32, #tpu.memory_space<vmem>>
      %dma_start3A_54 = tpu.memref_squeeze %dma_start3A_53 : memref<1x1x128xi32, #tpu.memory_space<vmem>> -> memref<128xi32, #tpu.memory_space<vmem>>
      %dma_start3A_55 = arith.constant 0 : i32
      %dma_start3A_56 = arith.constant 0 : i32
      %dma_start3A_57 = tpu.memref_slice %arg11[%dma_start3A_55, %dma_start3A_56] : memref<100096x16xf32, #tpu.memory_space<vmem_shared>> -> memref<100096x16xf32, #tpu.memory_space<vmem_shared>>
      tpu.enqueue_indirect_dma source(%arg10 : memref<128x16xf32, #tpu.memory_space<vmem>>) target(%dma_start3A_57 : memref<100096x16xf32, #tpu.memory_space<vmem_shared>>) offsets(%dma_start3A_54 : memref<128xi32, #tpu.memory_space<vmem>>) semaphore(%run_scoped3A_52 : memref<!tpu.dma_semaphore, #tpu.memory_space<semaphore_mem>>) {add = true}
      %dma_wait3A = arith.constant 0 : i32
      %dma_wait3A_58 = tpu.memref_slice %arg8[%run_scoped3A_38, %run_scoped3A_39, %dma_wait3A] : memref<2x8x128xi32, #tpu.memory_space<vmem>> -> memref<1x1x128xi32, #tpu.memory_space<vmem>>
      %dma_wait3A_59 = tpu.memref_squeeze %dma_wait3A_58 : memref<1x1x128xi32, #tpu.memory_space<vmem>> -> memref<128xi32, #tpu.memory_space<vmem>>
      %dma_wait3A_60 = arith.constant 0 : i32
      %dma_wait3A_61 = arith.constant 0 : i32
      %dma_wait3A_62 = tpu.memref_slice %arg11[%dma_wait3A_60, %dma_wait3A_61] : memref<100096x16xf32, #tpu.memory_space<vmem_shared>> -> memref<100096x16xf32, #tpu.memory_space<vmem_shared>>
      tpu.wait_indirect_dma semaphore(%run_scoped3A_52 : memref<!tpu.dma_semaphore, #tpu.memory_space<semaphore_mem>>) src(%arg10 : memref<128x16xf32, #tpu.memory_space<vmem>>) dst(%dma_wait3A_62 : memref<100096x16xf32, #tpu.memory_space<vmem_shared>>)
      tpu.yield
    }) : () -> ()
    %run_scoped3A_40 = arith.constant 0 : i32
    %run_scoped3A_41 = arith.constant 6 : i32
    "tpu.region"() ({
      %run_scoped3A_52 = tpu.sem_alloc : memref<!tpu.dma_semaphore, #tpu.memory_space<semaphore_mem>>
      %dma_start3A = arith.constant 0 : i32
      %dma_start3A_53 = tpu.memref_slice %arg8[%run_scoped3A_40, %run_scoped3A_41, %dma_start3A] : memref<2x8x128xi32, #tpu.memory_space<vmem>> -> memref<1x1x128xi32, #tpu.memory_space<vmem>>
      %dma_start3A_54 = tpu.memref_squeeze %dma_start3A_53 : memref<1x1x128xi32, #tpu.memory_space<vmem>> -> memref<128xi32, #tpu.memory_space<vmem>>
      %dma_start3A_55 = arith.constant 0 : i32
      %dma_start3A_56 = arith.constant 0 : i32
      %dma_start3A_57 = tpu.memref_slice %arg11[%dma_start3A_55, %dma_start3A_56] : memref<100096x16xf32, #tpu.memory_space<vmem_shared>> -> memref<100096x16xf32, #tpu.memory_space<vmem_shared>>
      tpu.enqueue_indirect_dma source(%arg10 : memref<128x16xf32, #tpu.memory_space<vmem>>) target(%dma_start3A_57 : memref<100096x16xf32, #tpu.memory_space<vmem_shared>>) offsets(%dma_start3A_54 : memref<128xi32, #tpu.memory_space<vmem>>) semaphore(%run_scoped3A_52 : memref<!tpu.dma_semaphore, #tpu.memory_space<semaphore_mem>>) {add = true}
      %dma_wait3A = arith.constant 0 : i32
      %dma_wait3A_58 = tpu.memref_slice %arg8[%run_scoped3A_40, %run_scoped3A_41, %dma_wait3A] : memref<2x8x128xi32, #tpu.memory_space<vmem>> -> memref<1x1x128xi32, #tpu.memory_space<vmem>>
      %dma_wait3A_59 = tpu.memref_squeeze %dma_wait3A_58 : memref<1x1x128xi32, #tpu.memory_space<vmem>> -> memref<128xi32, #tpu.memory_space<vmem>>
      %dma_wait3A_60 = arith.constant 0 : i32
      %dma_wait3A_61 = arith.constant 0 : i32
      %dma_wait3A_62 = tpu.memref_slice %arg11[%dma_wait3A_60, %dma_wait3A_61] : memref<100096x16xf32, #tpu.memory_space<vmem_shared>> -> memref<100096x16xf32, #tpu.memory_space<vmem_shared>>
      tpu.wait_indirect_dma semaphore(%run_scoped3A_52 : memref<!tpu.dma_semaphore, #tpu.memory_space<semaphore_mem>>) src(%arg10 : memref<128x16xf32, #tpu.memory_space<vmem>>) dst(%dma_wait3A_62 : memref<100096x16xf32, #tpu.memory_space<vmem_shared>>)
      tpu.yield
    }) : () -> ()
    %run_scoped3A_42 = arith.constant 0 : i32
    %run_scoped3A_43 = arith.constant 7 : i32
    "tpu.region"() ({
      %run_scoped3A_52 = tpu.sem_alloc : memref<!tpu.dma_semaphore, #tpu.memory_space<semaphore_mem>>
      %dma_start3A = arith.constant 0 : i32
      %dma_start3A_53 = tpu.memref_slice %arg8[%run_scoped3A_42, %run_scoped3A_43, %dma_start3A] : memref<2x8x128xi32, #tpu.memory_space<vmem>> -> memref<1x1x128xi32, #tpu.memory_space<vmem>>
      %dma_start3A_54 = tpu.memref_squeeze %dma_start3A_53 : memref<1x1x128xi32, #tpu.memory_space<vmem>> -> memref<128xi32, #tpu.memory_space<vmem>>
      %dma_start3A_55 = arith.constant 0 : i32
      %dma_start3A_56 = arith.constant 0 : i32
      %dma_start3A_57 = tpu.memref_slice %arg11[%dma_start3A_55, %dma_start3A_56] : memref<100096x16xf32, #tpu.memory_space<vmem_shared>> -> memref<100096x16xf32, #tpu.memory_space<vmem_shared>>
      tpu.enqueue_indirect_dma source(%arg10 : memref<128x16xf32, #tpu.memory_space<vmem>>) target(%dma_start3A_57 : memref<100096x16xf32, #tpu.memory_space<vmem_shared>>) offsets(%dma_start3A_54 : memref<128xi32, #tpu.memory_space<vmem>>) semaphore(%run_scoped3A_52 : memref<!tpu.dma_semaphore, #tpu.memory_space<semaphore_mem>>) {add = true}
      %dma_wait3A = arith.constant 0 : i32
      %dma_wait3A_58 = tpu.memref_slice %arg8[%run_scoped3A_42, %run_scoped3A_43, %dma_wait3A] : memref<2x8x128xi32, #tpu.memory_space<vmem>> -> memref<1x1x128xi32, #tpu.memory_space<vmem>>
      %dma_wait3A_59 = tpu.memref_squeeze %dma_wait3A_58 : memref<1x1x128xi32, #tpu.memory_space<vmem>> -> memref<128xi32, #tpu.memory_space<vmem>>
      %dma_wait3A_60 = arith.constant 0 : i32
      %dma_wait3A_61 = arith.constant 0 : i32
      %dma_wait3A_62 = tpu.memref_slice %arg11[%dma_wait3A_60, %dma_wait3A_61] : memref<100096x16xf32, #tpu.memory_space<vmem_shared>> -> memref<100096x16xf32, #tpu.memory_space<vmem_shared>>
      tpu.wait_indirect_dma semaphore(%run_scoped3A_52 : memref<!tpu.dma_semaphore, #tpu.memory_space<semaphore_mem>>) src(%arg10 : memref<128x16xf32, #tpu.memory_space<vmem>>) dst(%dma_wait3A_62 : memref<100096x16xf32, #tpu.memory_space<vmem_shared>>)
      tpu.yield
    }) : () -> ()
    %barrier3A_44 = arith.constant 0 : index
    tpu.barrier barrier_id(%barrier3A_44)
    %mul3A_45 = arith.constant 6256 : i32
    %mul3A_46 = arith.muli %arg1, %mul3A_45 : i32
    %mul3A_47 = arith.constant 100096 : i32
    %mul3A_48 = arith.muli %arg0, %mul3A_47 : i32
    %mul3A_49 = arith.constant 6256 : i32
    %mul3A_50 = arith.muli %arg1, %mul3A_49 : i32
    %add3A_51 = arith.addi %mul3A_48, %mul3A_50 : i32
    "tpu.region"() ({
      %run_scoped3A_52 = tpu.sem_alloc : memref<!tpu.dma_semaphore, #tpu.memory_space<semaphore_mem>>
      %dma_start3A = arith.constant 0 : i32
      %dma_start3A_53 = tpu.memref_slice %arg6[%add3A_51, %dma_start3A] : memref<200192x16xf32, #tpu.memory_space<hbm>> -> memref<6256x16xf32, #tpu.memory_space<hbm>>
      %dma_start3A_54 = arith.constant 0 : i32
      %dma_start3A_55 = tpu.memref_slice %arg11[%mul3A_46, %dma_start3A_54] : memref<100096x16xf32, #tpu.memory_space<vmem_shared>> -> memref<6256x16xf32, #tpu.memory_space<vmem_shared>>
      tpu.enqueue_dma source(%dma_start3A_55 : memref<6256x16xf32, #tpu.memory_space<vmem_shared>>) target(%dma_start3A_53 : memref<6256x16xf32, #tpu.memory_space<hbm>>) target_semaphore(%run_scoped3A_52 : memref<!tpu.dma_semaphore, #tpu.memory_space<semaphore_mem>>)
      %dma_wait3A = arith.constant 0 : i32
      %dma_wait3A_56 = tpu.memref_slice %arg6[%add3A_51, %dma_wait3A] : memref<200192x16xf32, #tpu.memory_space<hbm>> -> memref<6256x16xf32, #tpu.memory_space<hbm>>
      %dma_wait3A_57 = arith.constant 0 : i32
      %dma_wait3A_58 = tpu.memref_slice %arg11[%mul3A_46, %dma_wait3A_57] : memref<100096x16xf32, #tpu.memory_space<vmem_shared>> -> memref<6256x16xf32, #tpu.memory_space<vmem_shared>>
      tpu.wait_dma2 semaphore(%run_scoped3A_52 : memref<!tpu.dma_semaphore, #tpu.memory_space<semaphore_mem>>) src(%dma_wait3A_58 : memref<6256x16xf32, #tpu.memory_space<vmem_shared>>) dst(%dma_wait3A_56 : memref<6256x16xf32, #tpu.memory_space<hbm>>)
      tpu.yield
    }) : () -> ()
    return
  }
}

#map = affine_map<(d0, d1) -> (0, 0)>
module attributes {stable_mosaic.version = 14 : i64} {
  func.func @kern(%arg0: i32, %arg1: i32, %arg2: memref<25600x128xi32, #tpu.memory_space<hbm>>, %arg3: memref<100096x16xf32, #tpu.memory_space<hbm>>, %arg4: memref<128x16xf32, #tpu.memory_space<hbm>>, %arg5: memref<200192x16xf32, #tpu.memory_space<hbm>>, %arg6: memref<2x8x128xi32, #tpu.memory_space<vmem>>, %arg7: memref<128x16xf32, #tpu.memory_space<vmem>>, %arg8: memref<128x16xf32, #tpu.memory_space<vmem>>, %arg9: memref<100096x16xf32, #tpu.memory_space<vmem_shared>>, %arg10: memref<!tpu.dma_semaphore, #tpu.memory_space<semaphore_mem>>, %arg11: memref<8x!tpu.dma_semaphore, #tpu.memory_space<semaphore_mem>>) attributes {dimension_semantics = [#tpu.dimension_semantics<core_parallel>, #tpu.dimension_semantics<subcore_parallel>], iteration_bounds = array<i64: 2, 16>, scalar_prefetch = 0 : i64, scratch_operands = 6 : i64, tpu.core_type = #tpu.core_type<sc_vector_subcore>, window_params = [{transform_indices = #map}, {transform_indices = #map}, {transform_indices = #map}, {transform_indices = #map}]} {
    %mul3A = arith.constant 2 : i32
    %mul3A_0 = arith.muli %arg1, %mul3A : i32
    %add3A = arith.addi %mul3A_0, %arg0 : i32
    %mul3A_1 = arith.constant 6256 : i32
    %mul3A_2 = arith.muli %arg1, %mul3A_1 : i32
    %mul3A_3 = arith.constant 6256 : i32
    %mul3A_4 = arith.muli %arg1, %mul3A_3 : i32
    "tpu.region"() ({
      %run_scoped3A_51 = tpu.sem_alloc : memref<!tpu.dma_semaphore, #tpu.memory_space<semaphore_mem>>
      %dma_start3A = arith.constant 0 : i32
      %dma_start3A_52 = tpu.memref_slice %arg9[%mul3A_4, %dma_start3A] : memref<100096x16xf32, #tpu.memory_space<vmem_shared>> -> memref<6256x16xf32, #tpu.memory_space<vmem_shared>>
      %dma_start3A_53 = arith.constant 0 : i32
      %dma_start3A_54 = tpu.memref_slice %arg3[%mul3A_2, %dma_start3A_53] : memref<100096x16xf32, #tpu.memory_space<hbm>> -> memref<6256x16xf32, #tpu.memory_space<hbm>>
      tpu.enqueue_dma source(%dma_start3A_54 : memref<6256x16xf32, #tpu.memory_space<hbm>>) target(%dma_start3A_52 : memref<6256x16xf32, #tpu.memory_space<vmem_shared>>) target_semaphore(%run_scoped3A_51 : memref<!tpu.dma_semaphore, #tpu.memory_space<semaphore_mem>>)
      %dma_wait3A = arith.constant 0 : i32
      %dma_wait3A_55 = tpu.memref_slice %arg9[%mul3A_4, %dma_wait3A] : memref<100096x16xf32, #tpu.memory_space<vmem_shared>> -> memref<6256x16xf32, #tpu.memory_space<vmem_shared>>
      %dma_wait3A_56 = arith.constant 0 : i32
      %dma_wait3A_57 = tpu.memref_slice %arg3[%mul3A_2, %dma_wait3A_56] : memref<100096x16xf32, #tpu.memory_space<hbm>> -> memref<6256x16xf32, #tpu.memory_space<hbm>>
      tpu.wait_dma2 semaphore(%run_scoped3A_51 : memref<!tpu.dma_semaphore, #tpu.memory_space<semaphore_mem>>) src(%dma_wait3A_57 : memref<6256x16xf32, #tpu.memory_space<hbm>>) dst(%dma_wait3A_55 : memref<6256x16xf32, #tpu.memory_space<vmem_shared>>)
      tpu.yield
    }) : () -> ()
    "tpu.region"() ({
      %run_scoped3A_51 = tpu.sem_alloc : memref<!tpu.dma_semaphore, #tpu.memory_space<semaphore_mem>>
      tpu.enqueue_dma source(%arg4 : memref<128x16xf32, #tpu.memory_space<hbm>>) target(%arg7 : memref<128x16xf32, #tpu.memory_space<vmem>>) target_semaphore(%run_scoped3A_51 : memref<!tpu.dma_semaphore, #tpu.memory_space<semaphore_mem>>)
      tpu.wait_dma2 semaphore(%run_scoped3A_51 : memref<!tpu.dma_semaphore, #tpu.memory_space<semaphore_mem>>) src(%arg4 : memref<128x16xf32, #tpu.memory_space<hbm>>) dst(%arg7 : memref<128x16xf32, #tpu.memory_space<vmem>>)
      tpu.yield
    }) : () -> ()
    "tpu.region"() ({
      %run_scoped3A_51 = tpu.sem_alloc : memref<!tpu.dma_semaphore, #tpu.memory_space<semaphore_mem>>
      %dma_start3A = arith.constant 0 : i32
      %dma_start3A_52 = arith.constant 0 : i32
      %dma_start3A_53 = tpu.memref_slice %arg3[%dma_start3A, %dma_start3A_52] : memref<100096x16xf32, #tpu.memory_space<hbm>> -> memref<128x16xf32, #tpu.memory_space<hbm>>
      %dma_start3A_54 = arith.constant 0 : i32
      %dma_start3A_55 = arith.constant 0 : i32
      %dma_start3A_56 = tpu.memref_slice %arg3[%dma_start3A_54, %dma_start3A_55] : memref<100096x16xf32, #tpu.memory_space<hbm>> -> memref<128x16xf32, #tpu.memory_space<hbm>>
      tpu.enqueue_dma source(%dma_start3A_56 : memref<128x16xf32, #tpu.memory_space<hbm>>) target(%arg8 : memref<128x16xf32, #tpu.memory_space<vmem>>) target_semaphore(%run_scoped3A_51 : memref<!tpu.dma_semaphore, #tpu.memory_space<semaphore_mem>>)
      %dma_wait3A = arith.constant 0 : i32
      %dma_wait3A_57 = arith.constant 0 : i32
      %dma_wait3A_58 = tpu.memref_slice %arg3[%dma_wait3A, %dma_wait3A_57] : memref<100096x16xf32, #tpu.memory_space<hbm>> -> memref<128x16xf32, #tpu.memory_space<hbm>>
      %dma_wait3A_59 = arith.constant 0 : i32
      %dma_wait3A_60 = arith.constant 0 : i32
      %dma_wait3A_61 = tpu.memref_slice %arg3[%dma_wait3A_59, %dma_wait3A_60] : memref<100096x16xf32, #tpu.memory_space<hbm>> -> memref<128x16xf32, #tpu.memory_space<hbm>>
      tpu.wait_dma2 semaphore(%run_scoped3A_51 : memref<!tpu.dma_semaphore, #tpu.memory_space<semaphore_mem>>) src(%dma_wait3A_61 : memref<128x16xf32, #tpu.memory_space<hbm>>) dst(%arg8 : memref<128x16xf32, #tpu.memory_space<vmem>>)
      tpu.yield
    }) : () -> ()
    %barrier3A = arith.constant 0 : index
    tpu.barrier barrier_id(%barrier3A)
    %mul3A_5 = arith.constant 800 : i32
    %mul3A_6 = arith.muli %add3A, %mul3A_5 : i32
    %run_scoped3A = arith.constant 0 : i32
    "tpu.region"() ({
      %run_scoped3A_51 = tpu.sem_alloc : memref<!tpu.dma_semaphore, #tpu.memory_space<semaphore_mem>>
      %dma_start3A = arith.constant 0 : i32
      %dma_start3A_52 = arith.constant 0 : i32
      %dma_start3A_53 = tpu.memref_slice %arg6[%run_scoped3A, %dma_start3A, %dma_start3A_52] : memref<2x8x128xi32, #tpu.memory_space<vmem>> -> memref<1x8x128xi32, #tpu.memory_space<vmem>>
      %dma_start3A_54 = tpu.memref_squeeze %dma_start3A_53 : memref<1x8x128xi32, #tpu.memory_space<vmem>> -> memref<8x128xi32, #tpu.memory_space<vmem>>
      %dma_start3A_55 = arith.constant 0 : i32
      %dma_start3A_56 = tpu.memref_slice %arg2[%mul3A_6, %dma_start3A_55] : memref<25600x128xi32, #tpu.memory_space<hbm>> -> memref<8x128xi32, #tpu.memory_space<hbm>>
      %dma_start3A_57 = arith.constant 0 : i32
      %dma_start3A_58 = arith.constant 0 : i32
      %dma_start3A_59 = tpu.memref_slice %arg6[%run_scoped3A, %dma_start3A_57, %dma_start3A_58] : memref<2x8x128xi32, #tpu.memory_space<vmem>> -> memref<1x8x128xi32, #tpu.memory_space<vmem>>
      %dma_start3A_60 = tpu.memref_squeeze %dma_start3A_59 : memref<1x8x128xi32, #tpu.memory_space<vmem>> -> memref<8x128xi32, #tpu.memory_space<vmem>>
      %dma_start3A_61 = arith.constant 0 : i32
      %dma_start3A_62 = tpu.memref_slice %arg2[%mul3A_6, %dma_start3A_61] : memref<25600x128xi32, #tpu.memory_space<hbm>> -> memref<8x128xi32, #tpu.memory_space<hbm>>
      tpu.enqueue_dma source(%dma_start3A_62 : memref<8x128xi32, #tpu.memory_space<hbm>>) target(%dma_start3A_60 : memref<8x128xi32, #tpu.memory_space<vmem>>) target_semaphore(%run_scoped3A_51 : memref<!tpu.dma_semaphore, #tpu.memory_space<semaphore_mem>>)
      %dma_wait3A = arith.constant 0 : i32
      %dma_wait3A_63 = arith.constant 0 : i32
      %dma_wait3A_64 = tpu.memref_slice %arg6[%run_scoped3A, %dma_wait3A, %dma_wait3A_63] : memref<2x8x128xi32, #tpu.memory_space<vmem>> -> memref<1x8x128xi32, #tpu.memory_space<vmem>>
      %dma_wait3A_65 = tpu.memref_squeeze %dma_wait3A_64 : memref<1x8x128xi32, #tpu.memory_space<vmem>> -> memref<8x128xi32, #tpu.memory_space<vmem>>
      %dma_wait3A_66 = arith.constant 0 : i32
      %dma_wait3A_67 = tpu.memref_slice %arg2[%mul3A_6, %dma_wait3A_66] : memref<25600x128xi32, #tpu.memory_space<hbm>> -> memref<8x128xi32, #tpu.memory_space<hbm>>
      %dma_wait3A_68 = arith.constant 0 : i32
      %dma_wait3A_69 = arith.constant 0 : i32
      %dma_wait3A_70 = tpu.memref_slice %arg6[%run_scoped3A, %dma_wait3A_68, %dma_wait3A_69] : memref<2x8x128xi32, #tpu.memory_space<vmem>> -> memref<1x8x128xi32, #tpu.memory_space<vmem>>
      %dma_wait3A_71 = tpu.memref_squeeze %dma_wait3A_70 : memref<1x8x128xi32, #tpu.memory_space<vmem>> -> memref<8x128xi32, #tpu.memory_space<vmem>>
      %dma_wait3A_72 = arith.constant 0 : i32
      %dma_wait3A_73 = tpu.memref_slice %arg2[%mul3A_6, %dma_wait3A_72] : memref<25600x128xi32, #tpu.memory_space<hbm>> -> memref<8x128xi32, #tpu.memory_space<hbm>>
      tpu.wait_dma2 semaphore(%run_scoped3A_51 : memref<!tpu.dma_semaphore, #tpu.memory_space<semaphore_mem>>) src(%dma_wait3A_73 : memref<8x128xi32, #tpu.memory_space<hbm>>) dst(%dma_wait3A_71 : memref<8x128xi32, #tpu.memory_space<vmem>>)
      tpu.yield
    }) : () -> ()
    %scan3A = arith.constant 0 : i32
    %scan3A_7 = arith.constant 100 : i32
    %scan3A_8 = arith.addi %scan3A, %scan3A_7 : i32
    %scan3A_9 = arith.constant 1 : i32
    scf.for %scan3A_51 = %scan3A to %scan3A_8 step %scan3A_9  : i32 {
      %mul3A_52 = arith.constant 1 : i32
      %mul3A_53 = arith.muli %scan3A_51, %mul3A_52 : i32
      %add3A_54 = arith.constant 0 : i32
      %add3A_55 = arith.addi %add3A_54, %mul3A_53 : i32
      %rem3A = arith.constant 2 : i32
      %rem3A_56 = arith.remsi %add3A_55, %rem3A : i32
      %add3A_57 = arith.constant 1 : i32
      %add3A_58 = arith.addi %add3A_55, %add3A_57 : i32
      %rem3A_59 = arith.constant 100 : i32
      %rem3A_60 = arith.remsi %add3A_58, %rem3A_59 : i32
      %mul3A_61 = arith.constant 8 : i32
      %mul3A_62 = arith.muli %rem3A_60, %mul3A_61 : i32
      %add3A_63 = arith.addi %mul3A_6, %mul3A_62 : i32
      %sub3A = arith.constant 1 : i32
      %sub3A_64 = arith.subi %sub3A, %rem3A_56 : i32
      %dma_start3A = arith.constant 0 : i32
      %dma_start3A_65 = arith.constant 0 : i32
      %dma_start3A_66 = tpu.memref_slice %arg6[%sub3A_64, %dma_start3A, %dma_start3A_65] : memref<2x8x128xi32, #tpu.memory_space<vmem>> -> memref<1x8x128xi32, #tpu.memory_space<vmem>>
      %dma_start3A_67 = tpu.memref_squeeze %dma_start3A_66 : memref<1x8x128xi32, #tpu.memory_space<vmem>> -> memref<8x128xi32, #tpu.memory_space<vmem>>
      %dma_start3A_68 = arith.constant 0 : i32
      %dma_start3A_69 = tpu.memref_slice %arg2[%add3A_63, %dma_start3A_68] : memref<25600x128xi32, #tpu.memory_space<hbm>> -> memref<8x128xi32, #tpu.memory_space<hbm>>
      %dma_start3A_70 = arith.constant 0 : i32
      %dma_start3A_71 = arith.constant 0 : i32
      %dma_start3A_72 = tpu.memref_slice %arg6[%sub3A_64, %dma_start3A_70, %dma_start3A_71] : memref<2x8x128xi32, #tpu.memory_space<vmem>> -> memref<1x8x128xi32, #tpu.memory_space<vmem>>
      %dma_start3A_73 = tpu.memref_squeeze %dma_start3A_72 : memref<1x8x128xi32, #tpu.memory_space<vmem>> -> memref<8x128xi32, #tpu.memory_space<vmem>>
      %dma_start3A_74 = arith.constant 0 : i32
      %dma_start3A_75 = tpu.memref_slice %arg2[%add3A_63, %dma_start3A_74] : memref<25600x128xi32, #tpu.memory_space<hbm>> -> memref<8x128xi32, #tpu.memory_space<hbm>>
      tpu.enqueue_dma source(%dma_start3A_75 : memref<8x128xi32, #tpu.memory_space<hbm>>) target(%dma_start3A_73 : memref<8x128xi32, #tpu.memory_space<vmem>>) target_semaphore(%arg10 : memref<!tpu.dma_semaphore, #tpu.memory_space<semaphore_mem>>)
      %dma_start3A_76 = arith.constant 0 : i32
      %dma_start3A_77 = arith.constant 0 : i32
      %dma_start3A_78 = arith.constant 0 : i32
      %dma_start3A_79 = tpu.memref_slice %arg6[%rem3A_56, %dma_start3A_76, %dma_start3A_78] : memref<2x8x128xi32, #tpu.memory_space<vmem>> -> memref<1x1x128xi32, #tpu.memory_space<vmem>>
      %dma_start3A_80 = tpu.memref_squeeze %dma_start3A_79 : memref<1x1x128xi32, #tpu.memory_space<vmem>> -> memref<128xi32, #tpu.memory_space<vmem>>
      %dma_start3A_81 = arith.constant 0 : i32
      %dma_start3A_82 = arith.constant 0 : i32
      %dma_start3A_83 = tpu.memref_slice %arg9[%dma_start3A_81, %dma_start3A_82] : memref<100096x16xf32, #tpu.memory_space<vmem_shared>> -> memref<100096x16xf32, #tpu.memory_space<vmem_shared>>
      %dma_start3A_84 = tpu.memref_slice %arg11[%dma_start3A_77] : memref<8x!tpu.dma_semaphore, #tpu.memory_space<semaphore_mem>> -> memref<1x!tpu.dma_semaphore, #tpu.memory_space<semaphore_mem>>
      %dma_start3A_85 = tpu.memref_squeeze %dma_start3A_84 : memref<1x!tpu.dma_semaphore, #tpu.memory_space<semaphore_mem>> -> memref<!tpu.dma_semaphore, #tpu.memory_space<semaphore_mem>>
      tpu.enqueue_indirect_dma source(%arg7 : memref<128x16xf32, #tpu.memory_space<vmem>>) target(%dma_start3A_83 : memref<100096x16xf32, #tpu.memory_space<vmem_shared>>) offsets(%dma_start3A_80 : memref<128xi32, #tpu.memory_space<vmem>>) semaphore(%dma_start3A_85 : memref<!tpu.dma_semaphore, #tpu.memory_space<semaphore_mem>>) {add = true}
      %dma_start3A_86 = arith.constant 1 : i32
      %dma_start3A_87 = arith.constant 1 : i32
      %dma_start3A_88 = arith.constant 0 : i32
      %dma_start3A_89 = tpu.memref_slice %arg6[%rem3A_56, %dma_start3A_86, %dma_start3A_88] : memref<2x8x128xi32, #tpu.memory_space<vmem>> -> memref<1x1x128xi32, #tpu.memory_space<vmem>>
      %dma_start3A_90 = tpu.memref_squeeze %dma_start3A_89 : memref<1x1x128xi32, #tpu.memory_space<vmem>> -> memref<128xi32, #tpu.memory_space<vmem>>
      %dma_start3A_91 = arith.constant 0 : i32
      %dma_start3A_92 = arith.constant 0 : i32
      %dma_start3A_93 = tpu.memref_slice %arg9[%dma_start3A_91, %dma_start3A_92] : memref<100096x16xf32, #tpu.memory_space<vmem_shared>> -> memref<100096x16xf32, #tpu.memory_space<vmem_shared>>
      %dma_start3A_94 = tpu.memref_slice %arg11[%dma_start3A_87] : memref<8x!tpu.dma_semaphore, #tpu.memory_space<semaphore_mem>> -> memref<1x!tpu.dma_semaphore, #tpu.memory_space<semaphore_mem>>
      %dma_start3A_95 = tpu.memref_squeeze %dma_start3A_94 : memref<1x!tpu.dma_semaphore, #tpu.memory_space<semaphore_mem>> -> memref<!tpu.dma_semaphore, #tpu.memory_space<semaphore_mem>>
      tpu.enqueue_indirect_dma source(%arg7 : memref<128x16xf32, #tpu.memory_space<vmem>>) target(%dma_start3A_93 : memref<100096x16xf32, #tpu.memory_space<vmem_shared>>) offsets(%dma_start3A_90 : memref<128xi32, #tpu.memory_space<vmem>>) semaphore(%dma_start3A_95 : memref<!tpu.dma_semaphore, #tpu.memory_space<semaphore_mem>>) {add = true}
      %dma_start3A_96 = arith.constant 2 : i32
      %dma_start3A_97 = arith.constant 2 : i32
      %dma_start3A_98 = arith.constant 0 : i32
      %dma_start3A_99 = tpu.memref_slice %arg6[%rem3A_56, %dma_start3A_96, %dma_start3A_98] : memref<2x8x128xi32, #tpu.memory_space<vmem>> -> memref<1x1x128xi32, #tpu.memory_space<vmem>>
      %dma_start3A_100 = tpu.memref_squeeze %dma_start3A_99 : memref<1x1x128xi32, #tpu.memory_space<vmem>> -> memref<128xi32, #tpu.memory_space<vmem>>
      %dma_start3A_101 = arith.constant 0 : i32
      %dma_start3A_102 = arith.constant 0 : i32
      %dma_start3A_103 = tpu.memref_slice %arg9[%dma_start3A_101, %dma_start3A_102] : memref<100096x16xf32, #tpu.memory_space<vmem_shared>> -> memref<100096x16xf32, #tpu.memory_space<vmem_shared>>
      %dma_start3A_104 = tpu.memref_slice %arg11[%dma_start3A_97] : memref<8x!tpu.dma_semaphore, #tpu.memory_space<semaphore_mem>> -> memref<1x!tpu.dma_semaphore, #tpu.memory_space<semaphore_mem>>
      %dma_start3A_105 = tpu.memref_squeeze %dma_start3A_104 : memref<1x!tpu.dma_semaphore, #tpu.memory_space<semaphore_mem>> -> memref<!tpu.dma_semaphore, #tpu.memory_space<semaphore_mem>>
      tpu.enqueue_indirect_dma source(%arg7 : memref<128x16xf32, #tpu.memory_space<vmem>>) target(%dma_start3A_103 : memref<100096x16xf32, #tpu.memory_space<vmem_shared>>) offsets(%dma_start3A_100 : memref<128xi32, #tpu.memory_space<vmem>>) semaphore(%dma_start3A_105 : memref<!tpu.dma_semaphore, #tpu.memory_space<semaphore_mem>>) {add = true}
      %dma_start3A_106 = arith.constant 3 : i32
      %dma_start3A_107 = arith.constant 3 : i32
      %dma_start3A_108 = arith.constant 0 : i32
      %dma_start3A_109 = tpu.memref_slice %arg6[%rem3A_56, %dma_start3A_106, %dma_start3A_108] : memref<2x8x128xi32, #tpu.memory_space<vmem>> -> memref<1x1x128xi32, #tpu.memory_space<vmem>>
      %dma_start3A_110 = tpu.memref_squeeze %dma_start3A_109 : memref<1x1x128xi32, #tpu.memory_space<vmem>> -> memref<128xi32, #tpu.memory_space<vmem>>
      %dma_start3A_111 = arith.constant 0 : i32
      %dma_start3A_112 = arith.constant 0 : i32
      %dma_start3A_113 = tpu.memref_slice %arg9[%dma_start3A_111, %dma_start3A_112] : memref<100096x16xf32, #tpu.memory_space<vmem_shared>> -> memref<100096x16xf32, #tpu.memory_space<vmem_shared>>
      %dma_start3A_114 = tpu.memref_slice %arg11[%dma_start3A_107] : memref<8x!tpu.dma_semaphore, #tpu.memory_space<semaphore_mem>> -> memref<1x!tpu.dma_semaphore, #tpu.memory_space<semaphore_mem>>
      %dma_start3A_115 = tpu.memref_squeeze %dma_start3A_114 : memref<1x!tpu.dma_semaphore, #tpu.memory_space<semaphore_mem>> -> memref<!tpu.dma_semaphore, #tpu.memory_space<semaphore_mem>>
      tpu.enqueue_indirect_dma source(%arg7 : memref<128x16xf32, #tpu.memory_space<vmem>>) target(%dma_start3A_113 : memref<100096x16xf32, #tpu.memory_space<vmem_shared>>) offsets(%dma_start3A_110 : memref<128xi32, #tpu.memory_space<vmem>>) semaphore(%dma_start3A_115 : memref<!tpu.dma_semaphore, #tpu.memory_space<semaphore_mem>>) {add = true}
      %dma_start3A_116 = arith.constant 4 : i32
      %dma_start3A_117 = arith.constant 4 : i32
      %dma_start3A_118 = arith.constant 0 : i32
      %dma_start3A_119 = tpu.memref_slice %arg6[%rem3A_56, %dma_start3A_116, %dma_start3A_118] : memref<2x8x128xi32, #tpu.memory_space<vmem>> -> memref<1x1x128xi32, #tpu.memory_space<vmem>>
      %dma_start3A_120 = tpu.memref_squeeze %dma_start3A_119 : memref<1x1x128xi32, #tpu.memory_space<vmem>> -> memref<128xi32, #tpu.memory_space<vmem>>
      %dma_start3A_121 = arith.constant 0 : i32
      %dma_start3A_122 = arith.constant 0 : i32
      %dma_start3A_123 = tpu.memref_slice %arg9[%dma_start3A_121, %dma_start3A_122] : memref<100096x16xf32, #tpu.memory_space<vmem_shared>> -> memref<100096x16xf32, #tpu.memory_space<vmem_shared>>
      %dma_start3A_124 = tpu.memref_slice %arg11[%dma_start3A_117] : memref<8x!tpu.dma_semaphore, #tpu.memory_space<semaphore_mem>> -> memref<1x!tpu.dma_semaphore, #tpu.memory_space<semaphore_mem>>
      %dma_start3A_125 = tpu.memref_squeeze %dma_start3A_124 : memref<1x!tpu.dma_semaphore, #tpu.memory_space<semaphore_mem>> -> memref<!tpu.dma_semaphore, #tpu.memory_space<semaphore_mem>>
      tpu.enqueue_indirect_dma source(%arg7 : memref<128x16xf32, #tpu.memory_space<vmem>>) target(%dma_start3A_123 : memref<100096x16xf32, #tpu.memory_space<vmem_shared>>) offsets(%dma_start3A_120 : memref<128xi32, #tpu.memory_space<vmem>>) semaphore(%dma_start3A_125 : memref<!tpu.dma_semaphore, #tpu.memory_space<semaphore_mem>>) {add = true}
      %dma_start3A_126 = arith.constant 5 : i32
      %dma_start3A_127 = arith.constant 5 : i32
      %dma_start3A_128 = arith.constant 0 : i32
      %dma_start3A_129 = tpu.memref_slice %arg6[%rem3A_56, %dma_start3A_126, %dma_start3A_128] : memref<2x8x128xi32, #tpu.memory_space<vmem>> -> memref<1x1x128xi32, #tpu.memory_space<vmem>>
      %dma_start3A_130 = tpu.memref_squeeze %dma_start3A_129 : memref<1x1x128xi32, #tpu.memory_space<vmem>> -> memref<128xi32, #tpu.memory_space<vmem>>
      %dma_start3A_131 = arith.constant 0 : i32
      %dma_start3A_132 = arith.constant 0 : i32
      %dma_start3A_133 = tpu.memref_slice %arg9[%dma_start3A_131, %dma_start3A_132] : memref<100096x16xf32, #tpu.memory_space<vmem_shared>> -> memref<100096x16xf32, #tpu.memory_space<vmem_shared>>
      %dma_start3A_134 = tpu.memref_slice %arg11[%dma_start3A_127] : memref<8x!tpu.dma_semaphore, #tpu.memory_space<semaphore_mem>> -> memref<1x!tpu.dma_semaphore, #tpu.memory_space<semaphore_mem>>
      %dma_start3A_135 = tpu.memref_squeeze %dma_start3A_134 : memref<1x!tpu.dma_semaphore, #tpu.memory_space<semaphore_mem>> -> memref<!tpu.dma_semaphore, #tpu.memory_space<semaphore_mem>>
      tpu.enqueue_indirect_dma source(%arg7 : memref<128x16xf32, #tpu.memory_space<vmem>>) target(%dma_start3A_133 : memref<100096x16xf32, #tpu.memory_space<vmem_shared>>) offsets(%dma_start3A_130 : memref<128xi32, #tpu.memory_space<vmem>>) semaphore(%dma_start3A_135 : memref<!tpu.dma_semaphore, #tpu.memory_space<semaphore_mem>>) {add = true}
      %dma_start3A_136 = arith.constant 6 : i32
      %dma_start3A_137 = arith.constant 6 : i32
      %dma_start3A_138 = arith.constant 0 : i32
      %dma_start3A_139 = tpu.memref_slice %arg6[%rem3A_56, %dma_start3A_136, %dma_start3A_138] : memref<2x8x128xi32, #tpu.memory_space<vmem>> -> memref<1x1x128xi32, #tpu.memory_space<vmem>>
      %dma_start3A_140 = tpu.memref_squeeze %dma_start3A_139 : memref<1x1x128xi32, #tpu.memory_space<vmem>> -> memref<128xi32, #tpu.memory_space<vmem>>
      %dma_start3A_141 = arith.constant 0 : i32
      %dma_start3A_142 = arith.constant 0 : i32
      %dma_start3A_143 = tpu.memref_slice %arg9[%dma_start3A_141, %dma_start3A_142] : memref<100096x16xf32, #tpu.memory_space<vmem_shared>> -> memref<100096x16xf32, #tpu.memory_space<vmem_shared>>
      %dma_start3A_144 = tpu.memref_slice %arg11[%dma_start3A_137] : memref<8x!tpu.dma_semaphore, #tpu.memory_space<semaphore_mem>> -> memref<1x!tpu.dma_semaphore, #tpu.memory_space<semaphore_mem>>
      %dma_start3A_145 = tpu.memref_squeeze %dma_start3A_144 : memref<1x!tpu.dma_semaphore, #tpu.memory_space<semaphore_mem>> -> memref<!tpu.dma_semaphore, #tpu.memory_space<semaphore_mem>>
      tpu.enqueue_indirect_dma source(%arg7 : memref<128x16xf32, #tpu.memory_space<vmem>>) target(%dma_start3A_143 : memref<100096x16xf32, #tpu.memory_space<vmem_shared>>) offsets(%dma_start3A_140 : memref<128xi32, #tpu.memory_space<vmem>>) semaphore(%dma_start3A_145 : memref<!tpu.dma_semaphore, #tpu.memory_space<semaphore_mem>>) {add = true}
      %dma_start3A_146 = arith.constant 7 : i32
      %dma_start3A_147 = arith.constant 7 : i32
      %dma_start3A_148 = arith.constant 0 : i32
      %dma_start3A_149 = tpu.memref_slice %arg6[%rem3A_56, %dma_start3A_146, %dma_start3A_148] : memref<2x8x128xi32, #tpu.memory_space<vmem>> -> memref<1x1x128xi32, #tpu.memory_space<vmem>>
      %dma_start3A_150 = tpu.memref_squeeze %dma_start3A_149 : memref<1x1x128xi32, #tpu.memory_space<vmem>> -> memref<128xi32, #tpu.memory_space<vmem>>
      %dma_start3A_151 = arith.constant 0 : i32
      %dma_start3A_152 = arith.constant 0 : i32
      %dma_start3A_153 = tpu.memref_slice %arg9[%dma_start3A_151, %dma_start3A_152] : memref<100096x16xf32, #tpu.memory_space<vmem_shared>> -> memref<100096x16xf32, #tpu.memory_space<vmem_shared>>
      %dma_start3A_154 = tpu.memref_slice %arg11[%dma_start3A_147] : memref<8x!tpu.dma_semaphore, #tpu.memory_space<semaphore_mem>> -> memref<1x!tpu.dma_semaphore, #tpu.memory_space<semaphore_mem>>
      %dma_start3A_155 = tpu.memref_squeeze %dma_start3A_154 : memref<1x!tpu.dma_semaphore, #tpu.memory_space<semaphore_mem>> -> memref<!tpu.dma_semaphore, #tpu.memory_space<semaphore_mem>>
      tpu.enqueue_indirect_dma source(%arg7 : memref<128x16xf32, #tpu.memory_space<vmem>>) target(%dma_start3A_153 : memref<100096x16xf32, #tpu.memory_space<vmem_shared>>) offsets(%dma_start3A_150 : memref<128xi32, #tpu.memory_space<vmem>>) semaphore(%dma_start3A_155 : memref<!tpu.dma_semaphore, #tpu.memory_space<semaphore_mem>>) {add = true}
      %dma_wait3A = arith.constant 0 : i32
      %dma_wait3A_156 = arith.constant 0 : i32
      %dma_wait3A_157 = arith.constant 0 : i32
      %dma_wait3A_158 = tpu.memref_slice %arg6[%rem3A_56, %dma_wait3A, %dma_wait3A_157] : memref<2x8x128xi32, #tpu.memory_space<vmem>> -> memref<1x1x128xi32, #tpu.memory_space<vmem>>
      %dma_wait3A_159 = tpu.memref_squeeze %dma_wait3A_158 : memref<1x1x128xi32, #tpu.memory_space<vmem>> -> memref<128xi32, #tpu.memory_space<vmem>>
      %dma_wait3A_160 = arith.constant 0 : i32
      %dma_wait3A_161 = arith.constant 0 : i32
      %dma_wait3A_162 = tpu.memref_slice %arg9[%dma_wait3A_160, %dma_wait3A_161] : memref<100096x16xf32, #tpu.memory_space<vmem_shared>> -> memref<100096x16xf32, #tpu.memory_space<vmem_shared>>
      %dma_wait3A_163 = tpu.memref_slice %arg11[%dma_wait3A_156] : memref<8x!tpu.dma_semaphore, #tpu.memory_space<semaphore_mem>> -> memref<1x!tpu.dma_semaphore, #tpu.memory_space<semaphore_mem>>
      %dma_wait3A_164 = tpu.memref_squeeze %dma_wait3A_163 : memref<1x!tpu.dma_semaphore, #tpu.memory_space<semaphore_mem>> -> memref<!tpu.dma_semaphore, #tpu.memory_space<semaphore_mem>>
      tpu.wait_indirect_dma semaphore(%dma_wait3A_164 : memref<!tpu.dma_semaphore, #tpu.memory_space<semaphore_mem>>) src(%arg7 : memref<128x16xf32, #tpu.memory_space<vmem>>) dst(%dma_wait3A_162 : memref<100096x16xf32, #tpu.memory_space<vmem_shared>>)
      %dma_wait3A_165 = arith.constant 1 : i32
      %dma_wait3A_166 = arith.constant 1 : i32
      %dma_wait3A_167 = arith.constant 0 : i32
      %dma_wait3A_168 = tpu.memref_slice %arg6[%rem3A_56, %dma_wait3A_165, %dma_wait3A_167] : memref<2x8x128xi32, #tpu.memory_space<vmem>> -> memref<1x1x128xi32, #tpu.memory_space<vmem>>
      %dma_wait3A_169 = tpu.memref_squeeze %dma_wait3A_168 : memref<1x1x128xi32, #tpu.memory_space<vmem>> -> memref<128xi32, #tpu.memory_space<vmem>>
      %dma_wait3A_170 = arith.constant 0 : i32
      %dma_wait3A_171 = arith.constant 0 : i32
      %dma_wait3A_172 = tpu.memref_slice %arg9[%dma_wait3A_170, %dma_wait3A_171] : memref<100096x16xf32, #tpu.memory_space<vmem_shared>> -> memref<100096x16xf32, #tpu.memory_space<vmem_shared>>
      %dma_wait3A_173 = tpu.memref_slice %arg11[%dma_wait3A_166] : memref<8x!tpu.dma_semaphore, #tpu.memory_space<semaphore_mem>> -> memref<1x!tpu.dma_semaphore, #tpu.memory_space<semaphore_mem>>
      %dma_wait3A_174 = tpu.memref_squeeze %dma_wait3A_173 : memref<1x!tpu.dma_semaphore, #tpu.memory_space<semaphore_mem>> -> memref<!tpu.dma_semaphore, #tpu.memory_space<semaphore_mem>>
      tpu.wait_indirect_dma semaphore(%dma_wait3A_174 : memref<!tpu.dma_semaphore, #tpu.memory_space<semaphore_mem>>) src(%arg7 : memref<128x16xf32, #tpu.memory_space<vmem>>) dst(%dma_wait3A_172 : memref<100096x16xf32, #tpu.memory_space<vmem_shared>>)
      %dma_wait3A_175 = arith.constant 2 : i32
      %dma_wait3A_176 = arith.constant 2 : i32
      %dma_wait3A_177 = arith.constant 0 : i32
      %dma_wait3A_178 = tpu.memref_slice %arg6[%rem3A_56, %dma_wait3A_175, %dma_wait3A_177] : memref<2x8x128xi32, #tpu.memory_space<vmem>> -> memref<1x1x128xi32, #tpu.memory_space<vmem>>
      %dma_wait3A_179 = tpu.memref_squeeze %dma_wait3A_178 : memref<1x1x128xi32, #tpu.memory_space<vmem>> -> memref<128xi32, #tpu.memory_space<vmem>>
      %dma_wait3A_180 = arith.constant 0 : i32
      %dma_wait3A_181 = arith.constant 0 : i32
      %dma_wait3A_182 = tpu.memref_slice %arg9[%dma_wait3A_180, %dma_wait3A_181] : memref<100096x16xf32, #tpu.memory_space<vmem_shared>> -> memref<100096x16xf32, #tpu.memory_space<vmem_shared>>
      %dma_wait3A_183 = tpu.memref_slice %arg11[%dma_wait3A_176] : memref<8x!tpu.dma_semaphore, #tpu.memory_space<semaphore_mem>> -> memref<1x!tpu.dma_semaphore, #tpu.memory_space<semaphore_mem>>
      %dma_wait3A_184 = tpu.memref_squeeze %dma_wait3A_183 : memref<1x!tpu.dma_semaphore, #tpu.memory_space<semaphore_mem>> -> memref<!tpu.dma_semaphore, #tpu.memory_space<semaphore_mem>>
      tpu.wait_indirect_dma semaphore(%dma_wait3A_184 : memref<!tpu.dma_semaphore, #tpu.memory_space<semaphore_mem>>) src(%arg7 : memref<128x16xf32, #tpu.memory_space<vmem>>) dst(%dma_wait3A_182 : memref<100096x16xf32, #tpu.memory_space<vmem_shared>>)
      %dma_wait3A_185 = arith.constant 3 : i32
      %dma_wait3A_186 = arith.constant 3 : i32
      %dma_wait3A_187 = arith.constant 0 : i32
      %dma_wait3A_188 = tpu.memref_slice %arg6[%rem3A_56, %dma_wait3A_185, %dma_wait3A_187] : memref<2x8x128xi32, #tpu.memory_space<vmem>> -> memref<1x1x128xi32, #tpu.memory_space<vmem>>
      %dma_wait3A_189 = tpu.memref_squeeze %dma_wait3A_188 : memref<1x1x128xi32, #tpu.memory_space<vmem>> -> memref<128xi32, #tpu.memory_space<vmem>>
      %dma_wait3A_190 = arith.constant 0 : i32
      %dma_wait3A_191 = arith.constant 0 : i32
      %dma_wait3A_192 = tpu.memref_slice %arg9[%dma_wait3A_190, %dma_wait3A_191] : memref<100096x16xf32, #tpu.memory_space<vmem_shared>> -> memref<100096x16xf32, #tpu.memory_space<vmem_shared>>
      %dma_wait3A_193 = tpu.memref_slice %arg11[%dma_wait3A_186] : memref<8x!tpu.dma_semaphore, #tpu.memory_space<semaphore_mem>> -> memref<1x!tpu.dma_semaphore, #tpu.memory_space<semaphore_mem>>
      %dma_wait3A_194 = tpu.memref_squeeze %dma_wait3A_193 : memref<1x!tpu.dma_semaphore, #tpu.memory_space<semaphore_mem>> -> memref<!tpu.dma_semaphore, #tpu.memory_space<semaphore_mem>>
      tpu.wait_indirect_dma semaphore(%dma_wait3A_194 : memref<!tpu.dma_semaphore, #tpu.memory_space<semaphore_mem>>) src(%arg7 : memref<128x16xf32, #tpu.memory_space<vmem>>) dst(%dma_wait3A_192 : memref<100096x16xf32, #tpu.memory_space<vmem_shared>>)
      %dma_wait3A_195 = arith.constant 4 : i32
      %dma_wait3A_196 = arith.constant 4 : i32
      %dma_wait3A_197 = arith.constant 0 : i32
      %dma_wait3A_198 = tpu.memref_slice %arg6[%rem3A_56, %dma_wait3A_195, %dma_wait3A_197] : memref<2x8x128xi32, #tpu.memory_space<vmem>> -> memref<1x1x128xi32, #tpu.memory_space<vmem>>
      %dma_wait3A_199 = tpu.memref_squeeze %dma_wait3A_198 : memref<1x1x128xi32, #tpu.memory_space<vmem>> -> memref<128xi32, #tpu.memory_space<vmem>>
      %dma_wait3A_200 = arith.constant 0 : i32
      %dma_wait3A_201 = arith.constant 0 : i32
      %dma_wait3A_202 = tpu.memref_slice %arg9[%dma_wait3A_200, %dma_wait3A_201] : memref<100096x16xf32, #tpu.memory_space<vmem_shared>> -> memref<100096x16xf32, #tpu.memory_space<vmem_shared>>
      %dma_wait3A_203 = tpu.memref_slice %arg11[%dma_wait3A_196] : memref<8x!tpu.dma_semaphore, #tpu.memory_space<semaphore_mem>> -> memref<1x!tpu.dma_semaphore, #tpu.memory_space<semaphore_mem>>
      %dma_wait3A_204 = tpu.memref_squeeze %dma_wait3A_203 : memref<1x!tpu.dma_semaphore, #tpu.memory_space<semaphore_mem>> -> memref<!tpu.dma_semaphore, #tpu.memory_space<semaphore_mem>>
      tpu.wait_indirect_dma semaphore(%dma_wait3A_204 : memref<!tpu.dma_semaphore, #tpu.memory_space<semaphore_mem>>) src(%arg7 : memref<128x16xf32, #tpu.memory_space<vmem>>) dst(%dma_wait3A_202 : memref<100096x16xf32, #tpu.memory_space<vmem_shared>>)
      %dma_wait3A_205 = arith.constant 5 : i32
      %dma_wait3A_206 = arith.constant 5 : i32
      %dma_wait3A_207 = arith.constant 0 : i32
      %dma_wait3A_208 = tpu.memref_slice %arg6[%rem3A_56, %dma_wait3A_205, %dma_wait3A_207] : memref<2x8x128xi32, #tpu.memory_space<vmem>> -> memref<1x1x128xi32, #tpu.memory_space<vmem>>
      %dma_wait3A_209 = tpu.memref_squeeze %dma_wait3A_208 : memref<1x1x128xi32, #tpu.memory_space<vmem>> -> memref<128xi32, #tpu.memory_space<vmem>>
      %dma_wait3A_210 = arith.constant 0 : i32
      %dma_wait3A_211 = arith.constant 0 : i32
      %dma_wait3A_212 = tpu.memref_slice %arg9[%dma_wait3A_210, %dma_wait3A_211] : memref<100096x16xf32, #tpu.memory_space<vmem_shared>> -> memref<100096x16xf32, #tpu.memory_space<vmem_shared>>
      %dma_wait3A_213 = tpu.memref_slice %arg11[%dma_wait3A_206] : memref<8x!tpu.dma_semaphore, #tpu.memory_space<semaphore_mem>> -> memref<1x!tpu.dma_semaphore, #tpu.memory_space<semaphore_mem>>
      %dma_wait3A_214 = tpu.memref_squeeze %dma_wait3A_213 : memref<1x!tpu.dma_semaphore, #tpu.memory_space<semaphore_mem>> -> memref<!tpu.dma_semaphore, #tpu.memory_space<semaphore_mem>>
      tpu.wait_indirect_dma semaphore(%dma_wait3A_214 : memref<!tpu.dma_semaphore, #tpu.memory_space<semaphore_mem>>) src(%arg7 : memref<128x16xf32, #tpu.memory_space<vmem>>) dst(%dma_wait3A_212 : memref<100096x16xf32, #tpu.memory_space<vmem_shared>>)
      %dma_wait3A_215 = arith.constant 6 : i32
      %dma_wait3A_216 = arith.constant 6 : i32
      %dma_wait3A_217 = arith.constant 0 : i32
      %dma_wait3A_218 = tpu.memref_slice %arg6[%rem3A_56, %dma_wait3A_215, %dma_wait3A_217] : memref<2x8x128xi32, #tpu.memory_space<vmem>> -> memref<1x1x128xi32, #tpu.memory_space<vmem>>
      %dma_wait3A_219 = tpu.memref_squeeze %dma_wait3A_218 : memref<1x1x128xi32, #tpu.memory_space<vmem>> -> memref<128xi32, #tpu.memory_space<vmem>>
      %dma_wait3A_220 = arith.constant 0 : i32
      %dma_wait3A_221 = arith.constant 0 : i32
      %dma_wait3A_222 = tpu.memref_slice %arg9[%dma_wait3A_220, %dma_wait3A_221] : memref<100096x16xf32, #tpu.memory_space<vmem_shared>> -> memref<100096x16xf32, #tpu.memory_space<vmem_shared>>
      %dma_wait3A_223 = tpu.memref_slice %arg11[%dma_wait3A_216] : memref<8x!tpu.dma_semaphore, #tpu.memory_space<semaphore_mem>> -> memref<1x!tpu.dma_semaphore, #tpu.memory_space<semaphore_mem>>
      %dma_wait3A_224 = tpu.memref_squeeze %dma_wait3A_223 : memref<1x!tpu.dma_semaphore, #tpu.memory_space<semaphore_mem>> -> memref<!tpu.dma_semaphore, #tpu.memory_space<semaphore_mem>>
      tpu.wait_indirect_dma semaphore(%dma_wait3A_224 : memref<!tpu.dma_semaphore, #tpu.memory_space<semaphore_mem>>) src(%arg7 : memref<128x16xf32, #tpu.memory_space<vmem>>) dst(%dma_wait3A_222 : memref<100096x16xf32, #tpu.memory_space<vmem_shared>>)
      %dma_wait3A_225 = arith.constant 7 : i32
      %dma_wait3A_226 = arith.constant 7 : i32
      %dma_wait3A_227 = arith.constant 0 : i32
      %dma_wait3A_228 = tpu.memref_slice %arg6[%rem3A_56, %dma_wait3A_225, %dma_wait3A_227] : memref<2x8x128xi32, #tpu.memory_space<vmem>> -> memref<1x1x128xi32, #tpu.memory_space<vmem>>
      %dma_wait3A_229 = tpu.memref_squeeze %dma_wait3A_228 : memref<1x1x128xi32, #tpu.memory_space<vmem>> -> memref<128xi32, #tpu.memory_space<vmem>>
      %dma_wait3A_230 = arith.constant 0 : i32
      %dma_wait3A_231 = arith.constant 0 : i32
      %dma_wait3A_232 = tpu.memref_slice %arg9[%dma_wait3A_230, %dma_wait3A_231] : memref<100096x16xf32, #tpu.memory_space<vmem_shared>> -> memref<100096x16xf32, #tpu.memory_space<vmem_shared>>
      %dma_wait3A_233 = tpu.memref_slice %arg11[%dma_wait3A_226] : memref<8x!tpu.dma_semaphore, #tpu.memory_space<semaphore_mem>> -> memref<1x!tpu.dma_semaphore, #tpu.memory_space<semaphore_mem>>
      %dma_wait3A_234 = tpu.memref_squeeze %dma_wait3A_233 : memref<1x!tpu.dma_semaphore, #tpu.memory_space<semaphore_mem>> -> memref<!tpu.dma_semaphore, #tpu.memory_space<semaphore_mem>>
      tpu.wait_indirect_dma semaphore(%dma_wait3A_234 : memref<!tpu.dma_semaphore, #tpu.memory_space<semaphore_mem>>) src(%arg7 : memref<128x16xf32, #tpu.memory_space<vmem>>) dst(%dma_wait3A_232 : memref<100096x16xf32, #tpu.memory_space<vmem_shared>>)
      %dma_wait3A_235 = arith.constant 0 : i32
      %dma_wait3A_236 = arith.constant 0 : i32
      %dma_wait3A_237 = tpu.memref_slice %arg6[%sub3A_64, %dma_wait3A_235, %dma_wait3A_236] : memref<2x8x128xi32, #tpu.memory_space<vmem>> -> memref<1x8x128xi32, #tpu.memory_space<vmem>>
      %dma_wait3A_238 = tpu.memref_squeeze %dma_wait3A_237 : memref<1x8x128xi32, #tpu.memory_space<vmem>> -> memref<8x128xi32, #tpu.memory_space<vmem>>
      %dma_wait3A_239 = arith.constant 0 : i32
      %dma_wait3A_240 = tpu.memref_slice %arg2[%add3A_63, %dma_wait3A_239] : memref<25600x128xi32, #tpu.memory_space<hbm>> -> memref<8x128xi32, #tpu.memory_space<hbm>>
      %dma_wait3A_241 = arith.constant 0 : i32
      %dma_wait3A_242 = arith.constant 0 : i32
      %dma_wait3A_243 = tpu.memref_slice %arg6[%sub3A_64, %dma_wait3A_241, %dma_wait3A_242] : memref<2x8x128xi32, #tpu.memory_space<vmem>> -> memref<1x8x128xi32, #tpu.memory_space<vmem>>
      %dma_wait3A_244 = tpu.memref_squeeze %dma_wait3A_243 : memref<1x8x128xi32, #tpu.memory_space<vmem>> -> memref<8x128xi32, #tpu.memory_space<vmem>>
      %dma_wait3A_245 = arith.constant 0 : i32
      %dma_wait3A_246 = tpu.memref_slice %arg2[%add3A_63, %dma_wait3A_245] : memref<25600x128xi32, #tpu.memory_space<hbm>> -> memref<8x128xi32, #tpu.memory_space<hbm>>
      tpu.wait_dma2 semaphore(%arg10 : memref<!tpu.dma_semaphore, #tpu.memory_space<semaphore_mem>>) src(%dma_wait3A_246 : memref<8x128xi32, #tpu.memory_space<hbm>>) dst(%dma_wait3A_244 : memref<8x128xi32, #tpu.memory_space<vmem>>)
    }
    %scan3A_10 = arith.constant 100 : i32
    %run_scoped3A_11 = arith.constant 0 : i32
    %run_scoped3A_12 = arith.constant 0 : i32
    "tpu.region"() ({
      %run_scoped3A_51 = tpu.sem_alloc : memref<!tpu.dma_semaphore, #tpu.memory_space<semaphore_mem>>
      %dma_start3A = arith.constant 0 : i32
      %dma_start3A_52 = tpu.memref_slice %arg6[%run_scoped3A_11, %run_scoped3A_12, %dma_start3A] : memref<2x8x128xi32, #tpu.memory_space<vmem>> -> memref<1x1x128xi32, #tpu.memory_space<vmem>>
      %dma_start3A_53 = tpu.memref_squeeze %dma_start3A_52 : memref<1x1x128xi32, #tpu.memory_space<vmem>> -> memref<128xi32, #tpu.memory_space<vmem>>
      %dma_start3A_54 = arith.constant 0 : i32
      %dma_start3A_55 = arith.constant 0 : i32
      %dma_start3A_56 = tpu.memref_slice %arg9[%dma_start3A_54, %dma_start3A_55] : memref<100096x16xf32, #tpu.memory_space<vmem_shared>> -> memref<100096x16xf32, #tpu.memory_space<vmem_shared>>
      tpu.enqueue_indirect_dma source(%arg8 : memref<128x16xf32, #tpu.memory_space<vmem>>) target(%dma_start3A_56 : memref<100096x16xf32, #tpu.memory_space<vmem_shared>>) offsets(%dma_start3A_53 : memref<128xi32, #tpu.memory_space<vmem>>) semaphore(%run_scoped3A_51 : memref<!tpu.dma_semaphore, #tpu.memory_space<semaphore_mem>>) {add = true}
      %dma_wait3A = arith.constant 0 : i32
      %dma_wait3A_57 = tpu.memref_slice %arg6[%run_scoped3A_11, %run_scoped3A_12, %dma_wait3A] : memref<2x8x128xi32, #tpu.memory_space<vmem>> -> memref<1x1x128xi32, #tpu.memory_space<vmem>>
      %dma_wait3A_58 = tpu.memref_squeeze %dma_wait3A_57 : memref<1x1x128xi32, #tpu.memory_space<vmem>> -> memref<128xi32, #tpu.memory_space<vmem>>
      %dma_wait3A_59 = arith.constant 0 : i32
      %dma_wait3A_60 = arith.constant 0 : i32
      %dma_wait3A_61 = tpu.memref_slice %arg9[%dma_wait3A_59, %dma_wait3A_60] : memref<100096x16xf32, #tpu.memory_space<vmem_shared>> -> memref<100096x16xf32, #tpu.memory_space<vmem_shared>>
      tpu.wait_indirect_dma semaphore(%run_scoped3A_51 : memref<!tpu.dma_semaphore, #tpu.memory_space<semaphore_mem>>) src(%arg8 : memref<128x16xf32, #tpu.memory_space<vmem>>) dst(%dma_wait3A_61 : memref<100096x16xf32, #tpu.memory_space<vmem_shared>>)
      tpu.yield
    }) : () -> ()
    %run_scoped3A_13 = arith.constant 0 : i32
    %run_scoped3A_14 = arith.constant 1 : i32
    "tpu.region"() ({
      %run_scoped3A_51 = tpu.sem_alloc : memref<!tpu.dma_semaphore, #tpu.memory_space<semaphore_mem>>
      %dma_start3A = arith.constant 0 : i32
      %dma_start3A_52 = tpu.memref_slice %arg6[%run_scoped3A_13, %run_scoped3A_14, %dma_start3A] : memref<2x8x128xi32, #tpu.memory_space<vmem>> -> memref<1x1x128xi32, #tpu.memory_space<vmem>>
      %dma_start3A_53 = tpu.memref_squeeze %dma_start3A_52 : memref<1x1x128xi32, #tpu.memory_space<vmem>> -> memref<128xi32, #tpu.memory_space<vmem>>
      %dma_start3A_54 = arith.constant 0 : i32
      %dma_start3A_55 = arith.constant 0 : i32
      %dma_start3A_56 = tpu.memref_slice %arg9[%dma_start3A_54, %dma_start3A_55] : memref<100096x16xf32, #tpu.memory_space<vmem_shared>> -> memref<100096x16xf32, #tpu.memory_space<vmem_shared>>
      tpu.enqueue_indirect_dma source(%arg8 : memref<128x16xf32, #tpu.memory_space<vmem>>) target(%dma_start3A_56 : memref<100096x16xf32, #tpu.memory_space<vmem_shared>>) offsets(%dma_start3A_53 : memref<128xi32, #tpu.memory_space<vmem>>) semaphore(%run_scoped3A_51 : memref<!tpu.dma_semaphore, #tpu.memory_space<semaphore_mem>>) {add = true}
      %dma_wait3A = arith.constant 0 : i32
      %dma_wait3A_57 = tpu.memref_slice %arg6[%run_scoped3A_13, %run_scoped3A_14, %dma_wait3A] : memref<2x8x128xi32, #tpu.memory_space<vmem>> -> memref<1x1x128xi32, #tpu.memory_space<vmem>>
      %dma_wait3A_58 = tpu.memref_squeeze %dma_wait3A_57 : memref<1x1x128xi32, #tpu.memory_space<vmem>> -> memref<128xi32, #tpu.memory_space<vmem>>
      %dma_wait3A_59 = arith.constant 0 : i32
      %dma_wait3A_60 = arith.constant 0 : i32
      %dma_wait3A_61 = tpu.memref_slice %arg9[%dma_wait3A_59, %dma_wait3A_60] : memref<100096x16xf32, #tpu.memory_space<vmem_shared>> -> memref<100096x16xf32, #tpu.memory_space<vmem_shared>>
      tpu.wait_indirect_dma semaphore(%run_scoped3A_51 : memref<!tpu.dma_semaphore, #tpu.memory_space<semaphore_mem>>) src(%arg8 : memref<128x16xf32, #tpu.memory_space<vmem>>) dst(%dma_wait3A_61 : memref<100096x16xf32, #tpu.memory_space<vmem_shared>>)
      tpu.yield
    }) : () -> ()
    %run_scoped3A_15 = arith.constant 0 : i32
    %run_scoped3A_16 = arith.constant 2 : i32
    "tpu.region"() ({
      %run_scoped3A_51 = tpu.sem_alloc : memref<!tpu.dma_semaphore, #tpu.memory_space<semaphore_mem>>
      %dma_start3A = arith.constant 0 : i32
      %dma_start3A_52 = tpu.memref_slice %arg6[%run_scoped3A_15, %run_scoped3A_16, %dma_start3A] : memref<2x8x128xi32, #tpu.memory_space<vmem>> -> memref<1x1x128xi32, #tpu.memory_space<vmem>>
      %dma_start3A_53 = tpu.memref_squeeze %dma_start3A_52 : memref<1x1x128xi32, #tpu.memory_space<vmem>> -> memref<128xi32, #tpu.memory_space<vmem>>
      %dma_start3A_54 = arith.constant 0 : i32
      %dma_start3A_55 = arith.constant 0 : i32
      %dma_start3A_56 = tpu.memref_slice %arg9[%dma_start3A_54, %dma_start3A_55] : memref<100096x16xf32, #tpu.memory_space<vmem_shared>> -> memref<100096x16xf32, #tpu.memory_space<vmem_shared>>
      tpu.enqueue_indirect_dma source(%arg8 : memref<128x16xf32, #tpu.memory_space<vmem>>) target(%dma_start3A_56 : memref<100096x16xf32, #tpu.memory_space<vmem_shared>>) offsets(%dma_start3A_53 : memref<128xi32, #tpu.memory_space<vmem>>) semaphore(%run_scoped3A_51 : memref<!tpu.dma_semaphore, #tpu.memory_space<semaphore_mem>>) {add = true}
      %dma_wait3A = arith.constant 0 : i32
      %dma_wait3A_57 = tpu.memref_slice %arg6[%run_scoped3A_15, %run_scoped3A_16, %dma_wait3A] : memref<2x8x128xi32, #tpu.memory_space<vmem>> -> memref<1x1x128xi32, #tpu.memory_space<vmem>>
      %dma_wait3A_58 = tpu.memref_squeeze %dma_wait3A_57 : memref<1x1x128xi32, #tpu.memory_space<vmem>> -> memref<128xi32, #tpu.memory_space<vmem>>
      %dma_wait3A_59 = arith.constant 0 : i32
      %dma_wait3A_60 = arith.constant 0 : i32
      %dma_wait3A_61 = tpu.memref_slice %arg9[%dma_wait3A_59, %dma_wait3A_60] : memref<100096x16xf32, #tpu.memory_space<vmem_shared>> -> memref<100096x16xf32, #tpu.memory_space<vmem_shared>>
      tpu.wait_indirect_dma semaphore(%run_scoped3A_51 : memref<!tpu.dma_semaphore, #tpu.memory_space<semaphore_mem>>) src(%arg8 : memref<128x16xf32, #tpu.memory_space<vmem>>) dst(%dma_wait3A_61 : memref<100096x16xf32, #tpu.memory_space<vmem_shared>>)
      tpu.yield
    }) : () -> ()
    %run_scoped3A_17 = arith.constant 0 : i32
    %run_scoped3A_18 = arith.constant 3 : i32
    "tpu.region"() ({
      %run_scoped3A_51 = tpu.sem_alloc : memref<!tpu.dma_semaphore, #tpu.memory_space<semaphore_mem>>
      %dma_start3A = arith.constant 0 : i32
      %dma_start3A_52 = tpu.memref_slice %arg6[%run_scoped3A_17, %run_scoped3A_18, %dma_start3A] : memref<2x8x128xi32, #tpu.memory_space<vmem>> -> memref<1x1x128xi32, #tpu.memory_space<vmem>>
      %dma_start3A_53 = tpu.memref_squeeze %dma_start3A_52 : memref<1x1x128xi32, #tpu.memory_space<vmem>> -> memref<128xi32, #tpu.memory_space<vmem>>
      %dma_start3A_54 = arith.constant 0 : i32
      %dma_start3A_55 = arith.constant 0 : i32
      %dma_start3A_56 = tpu.memref_slice %arg9[%dma_start3A_54, %dma_start3A_55] : memref<100096x16xf32, #tpu.memory_space<vmem_shared>> -> memref<100096x16xf32, #tpu.memory_space<vmem_shared>>
      tpu.enqueue_indirect_dma source(%arg8 : memref<128x16xf32, #tpu.memory_space<vmem>>) target(%dma_start3A_56 : memref<100096x16xf32, #tpu.memory_space<vmem_shared>>) offsets(%dma_start3A_53 : memref<128xi32, #tpu.memory_space<vmem>>) semaphore(%run_scoped3A_51 : memref<!tpu.dma_semaphore, #tpu.memory_space<semaphore_mem>>) {add = true}
      %dma_wait3A = arith.constant 0 : i32
      %dma_wait3A_57 = tpu.memref_slice %arg6[%run_scoped3A_17, %run_scoped3A_18, %dma_wait3A] : memref<2x8x128xi32, #tpu.memory_space<vmem>> -> memref<1x1x128xi32, #tpu.memory_space<vmem>>
      %dma_wait3A_58 = tpu.memref_squeeze %dma_wait3A_57 : memref<1x1x128xi32, #tpu.memory_space<vmem>> -> memref<128xi32, #tpu.memory_space<vmem>>
      %dma_wait3A_59 = arith.constant 0 : i32
      %dma_wait3A_60 = arith.constant 0 : i32
      %dma_wait3A_61 = tpu.memref_slice %arg9[%dma_wait3A_59, %dma_wait3A_60] : memref<100096x16xf32, #tpu.memory_space<vmem_shared>> -> memref<100096x16xf32, #tpu.memory_space<vmem_shared>>
      tpu.wait_indirect_dma semaphore(%run_scoped3A_51 : memref<!tpu.dma_semaphore, #tpu.memory_space<semaphore_mem>>) src(%arg8 : memref<128x16xf32, #tpu.memory_space<vmem>>) dst(%dma_wait3A_61 : memref<100096x16xf32, #tpu.memory_space<vmem_shared>>)
      tpu.yield
    }) : () -> ()
    %run_scoped3A_19 = arith.constant 0 : i32
    %run_scoped3A_20 = arith.constant 4 : i32
    "tpu.region"() ({
      %run_scoped3A_51 = tpu.sem_alloc : memref<!tpu.dma_semaphore, #tpu.memory_space<semaphore_mem>>
      %dma_start3A = arith.constant 0 : i32
      %dma_start3A_52 = tpu.memref_slice %arg6[%run_scoped3A_19, %run_scoped3A_20, %dma_start3A] : memref<2x8x128xi32, #tpu.memory_space<vmem>> -> memref<1x1x128xi32, #tpu.memory_space<vmem>>
      %dma_start3A_53 = tpu.memref_squeeze %dma_start3A_52 : memref<1x1x128xi32, #tpu.memory_space<vmem>> -> memref<128xi32, #tpu.memory_space<vmem>>
      %dma_start3A_54 = arith.constant 0 : i32
      %dma_start3A_55 = arith.constant 0 : i32
      %dma_start3A_56 = tpu.memref_slice %arg9[%dma_start3A_54, %dma_start3A_55] : memref<100096x16xf32, #tpu.memory_space<vmem_shared>> -> memref<100096x16xf32, #tpu.memory_space<vmem_shared>>
      tpu.enqueue_indirect_dma source(%arg8 : memref<128x16xf32, #tpu.memory_space<vmem>>) target(%dma_start3A_56 : memref<100096x16xf32, #tpu.memory_space<vmem_shared>>) offsets(%dma_start3A_53 : memref<128xi32, #tpu.memory_space<vmem>>) semaphore(%run_scoped3A_51 : memref<!tpu.dma_semaphore, #tpu.memory_space<semaphore_mem>>) {add = true}
      %dma_wait3A = arith.constant 0 : i32
      %dma_wait3A_57 = tpu.memref_slice %arg6[%run_scoped3A_19, %run_scoped3A_20, %dma_wait3A] : memref<2x8x128xi32, #tpu.memory_space<vmem>> -> memref<1x1x128xi32, #tpu.memory_space<vmem>>
      %dma_wait3A_58 = tpu.memref_squeeze %dma_wait3A_57 : memref<1x1x128xi32, #tpu.memory_space<vmem>> -> memref<128xi32, #tpu.memory_space<vmem>>
      %dma_wait3A_59 = arith.constant 0 : i32
      %dma_wait3A_60 = arith.constant 0 : i32
      %dma_wait3A_61 = tpu.memref_slice %arg9[%dma_wait3A_59, %dma_wait3A_60] : memref<100096x16xf32, #tpu.memory_space<vmem_shared>> -> memref<100096x16xf32, #tpu.memory_space<vmem_shared>>
      tpu.wait_indirect_dma semaphore(%run_scoped3A_51 : memref<!tpu.dma_semaphore, #tpu.memory_space<semaphore_mem>>) src(%arg8 : memref<128x16xf32, #tpu.memory_space<vmem>>) dst(%dma_wait3A_61 : memref<100096x16xf32, #tpu.memory_space<vmem_shared>>)
      tpu.yield
    }) : () -> ()
    %run_scoped3A_21 = arith.constant 0 : i32
    %run_scoped3A_22 = arith.constant 5 : i32
    "tpu.region"() ({
      %run_scoped3A_51 = tpu.sem_alloc : memref<!tpu.dma_semaphore, #tpu.memory_space<semaphore_mem>>
      %dma_start3A = arith.constant 0 : i32
      %dma_start3A_52 = tpu.memref_slice %arg6[%run_scoped3A_21, %run_scoped3A_22, %dma_start3A] : memref<2x8x128xi32, #tpu.memory_space<vmem>> -> memref<1x1x128xi32, #tpu.memory_space<vmem>>
      %dma_start3A_53 = tpu.memref_squeeze %dma_start3A_52 : memref<1x1x128xi32, #tpu.memory_space<vmem>> -> memref<128xi32, #tpu.memory_space<vmem>>
      %dma_start3A_54 = arith.constant 0 : i32
      %dma_start3A_55 = arith.constant 0 : i32
      %dma_start3A_56 = tpu.memref_slice %arg9[%dma_start3A_54, %dma_start3A_55] : memref<100096x16xf32, #tpu.memory_space<vmem_shared>> -> memref<100096x16xf32, #tpu.memory_space<vmem_shared>>
      tpu.enqueue_indirect_dma source(%arg8 : memref<128x16xf32, #tpu.memory_space<vmem>>) target(%dma_start3A_56 : memref<100096x16xf32, #tpu.memory_space<vmem_shared>>) offsets(%dma_start3A_53 : memref<128xi32, #tpu.memory_space<vmem>>) semaphore(%run_scoped3A_51 : memref<!tpu.dma_semaphore, #tpu.memory_space<semaphore_mem>>) {add = true}
      %dma_wait3A = arith.constant 0 : i32
      %dma_wait3A_57 = tpu.memref_slice %arg6[%run_scoped3A_21, %run_scoped3A_22, %dma_wait3A] : memref<2x8x128xi32, #tpu.memory_space<vmem>> -> memref<1x1x128xi32, #tpu.memory_space<vmem>>
      %dma_wait3A_58 = tpu.memref_squeeze %dma_wait3A_57 : memref<1x1x128xi32, #tpu.memory_space<vmem>> -> memref<128xi32, #tpu.memory_space<vmem>>
      %dma_wait3A_59 = arith.constant 0 : i32
      %dma_wait3A_60 = arith.constant 0 : i32
      %dma_wait3A_61 = tpu.memref_slice %arg9[%dma_wait3A_59, %dma_wait3A_60] : memref<100096x16xf32, #tpu.memory_space<vmem_shared>> -> memref<100096x16xf32, #tpu.memory_space<vmem_shared>>
      tpu.wait_indirect_dma semaphore(%run_scoped3A_51 : memref<!tpu.dma_semaphore, #tpu.memory_space<semaphore_mem>>) src(%arg8 : memref<128x16xf32, #tpu.memory_space<vmem>>) dst(%dma_wait3A_61 : memref<100096x16xf32, #tpu.memory_space<vmem_shared>>)
      tpu.yield
    }) : () -> ()
    %run_scoped3A_23 = arith.constant 0 : i32
    %run_scoped3A_24 = arith.constant 6 : i32
    "tpu.region"() ({
      %run_scoped3A_51 = tpu.sem_alloc : memref<!tpu.dma_semaphore, #tpu.memory_space<semaphore_mem>>
      %dma_start3A = arith.constant 0 : i32
      %dma_start3A_52 = tpu.memref_slice %arg6[%run_scoped3A_23, %run_scoped3A_24, %dma_start3A] : memref<2x8x128xi32, #tpu.memory_space<vmem>> -> memref<1x1x128xi32, #tpu.memory_space<vmem>>
      %dma_start3A_53 = tpu.memref_squeeze %dma_start3A_52 : memref<1x1x128xi32, #tpu.memory_space<vmem>> -> memref<128xi32, #tpu.memory_space<vmem>>
      %dma_start3A_54 = arith.constant 0 : i32
      %dma_start3A_55 = arith.constant 0 : i32
      %dma_start3A_56 = tpu.memref_slice %arg9[%dma_start3A_54, %dma_start3A_55] : memref<100096x16xf32, #tpu.memory_space<vmem_shared>> -> memref<100096x16xf32, #tpu.memory_space<vmem_shared>>
      tpu.enqueue_indirect_dma source(%arg8 : memref<128x16xf32, #tpu.memory_space<vmem>>) target(%dma_start3A_56 : memref<100096x16xf32, #tpu.memory_space<vmem_shared>>) offsets(%dma_start3A_53 : memref<128xi32, #tpu.memory_space<vmem>>) semaphore(%run_scoped3A_51 : memref<!tpu.dma_semaphore, #tpu.memory_space<semaphore_mem>>) {add = true}
      %dma_wait3A = arith.constant 0 : i32
      %dma_wait3A_57 = tpu.memref_slice %arg6[%run_scoped3A_23, %run_scoped3A_24, %dma_wait3A] : memref<2x8x128xi32, #tpu.memory_space<vmem>> -> memref<1x1x128xi32, #tpu.memory_space<vmem>>
      %dma_wait3A_58 = tpu.memref_squeeze %dma_wait3A_57 : memref<1x1x128xi32, #tpu.memory_space<vmem>> -> memref<128xi32, #tpu.memory_space<vmem>>
      %dma_wait3A_59 = arith.constant 0 : i32
      %dma_wait3A_60 = arith.constant 0 : i32
      %dma_wait3A_61 = tpu.memref_slice %arg9[%dma_wait3A_59, %dma_wait3A_60] : memref<100096x16xf32, #tpu.memory_space<vmem_shared>> -> memref<100096x16xf32, #tpu.memory_space<vmem_shared>>
      tpu.wait_indirect_dma semaphore(%run_scoped3A_51 : memref<!tpu.dma_semaphore, #tpu.memory_space<semaphore_mem>>) src(%arg8 : memref<128x16xf32, #tpu.memory_space<vmem>>) dst(%dma_wait3A_61 : memref<100096x16xf32, #tpu.memory_space<vmem_shared>>)
      tpu.yield
    }) : () -> ()
    %run_scoped3A_25 = arith.constant 0 : i32
    %run_scoped3A_26 = arith.constant 7 : i32
    "tpu.region"() ({
      %run_scoped3A_51 = tpu.sem_alloc : memref<!tpu.dma_semaphore, #tpu.memory_space<semaphore_mem>>
      %dma_start3A = arith.constant 0 : i32
      %dma_start3A_52 = tpu.memref_slice %arg6[%run_scoped3A_25, %run_scoped3A_26, %dma_start3A] : memref<2x8x128xi32, #tpu.memory_space<vmem>> -> memref<1x1x128xi32, #tpu.memory_space<vmem>>
      %dma_start3A_53 = tpu.memref_squeeze %dma_start3A_52 : memref<1x1x128xi32, #tpu.memory_space<vmem>> -> memref<128xi32, #tpu.memory_space<vmem>>
      %dma_start3A_54 = arith.constant 0 : i32
      %dma_start3A_55 = arith.constant 0 : i32
      %dma_start3A_56 = tpu.memref_slice %arg9[%dma_start3A_54, %dma_start3A_55] : memref<100096x16xf32, #tpu.memory_space<vmem_shared>> -> memref<100096x16xf32, #tpu.memory_space<vmem_shared>>
      tpu.enqueue_indirect_dma source(%arg8 : memref<128x16xf32, #tpu.memory_space<vmem>>) target(%dma_start3A_56 : memref<100096x16xf32, #tpu.memory_space<vmem_shared>>) offsets(%dma_start3A_53 : memref<128xi32, #tpu.memory_space<vmem>>) semaphore(%run_scoped3A_51 : memref<!tpu.dma_semaphore, #tpu.memory_space<semaphore_mem>>) {add = true}
      %dma_wait3A = arith.constant 0 : i32
      %dma_wait3A_57 = tpu.memref_slice %arg6[%run_scoped3A_25, %run_scoped3A_26, %dma_wait3A] : memref<2x8x128xi32, #tpu.memory_space<vmem>> -> memref<1x1x128xi32, #tpu.memory_space<vmem>>
      %dma_wait3A_58 = tpu.memref_squeeze %dma_wait3A_57 : memref<1x1x128xi32, #tpu.memory_space<vmem>> -> memref<128xi32, #tpu.memory_space<vmem>>
      %dma_wait3A_59 = arith.constant 0 : i32
      %dma_wait3A_60 = arith.constant 0 : i32
      %dma_wait3A_61 = tpu.memref_slice %arg9[%dma_wait3A_59, %dma_wait3A_60] : memref<100096x16xf32, #tpu.memory_space<vmem_shared>> -> memref<100096x16xf32, #tpu.memory_space<vmem_shared>>
      tpu.wait_indirect_dma semaphore(%run_scoped3A_51 : memref<!tpu.dma_semaphore, #tpu.memory_space<semaphore_mem>>) src(%arg8 : memref<128x16xf32, #tpu.memory_space<vmem>>) dst(%dma_wait3A_61 : memref<100096x16xf32, #tpu.memory_space<vmem_shared>>)
      tpu.yield
    }) : () -> ()
    %run_scoped3A_27 = arith.constant 0 : i32
    %run_scoped3A_28 = arith.constant 0 : i32
    "tpu.region"() ({
      %run_scoped3A_51 = tpu.sem_alloc : memref<!tpu.dma_semaphore, #tpu.memory_space<semaphore_mem>>
      %dma_start3A = arith.constant 0 : i32
      %dma_start3A_52 = tpu.memref_slice %arg6[%run_scoped3A_27, %run_scoped3A_28, %dma_start3A] : memref<2x8x128xi32, #tpu.memory_space<vmem>> -> memref<1x1x128xi32, #tpu.memory_space<vmem>>
      %dma_start3A_53 = tpu.memref_squeeze %dma_start3A_52 : memref<1x1x128xi32, #tpu.memory_space<vmem>> -> memref<128xi32, #tpu.memory_space<vmem>>
      %dma_start3A_54 = arith.constant 0 : i32
      %dma_start3A_55 = arith.constant 0 : i32
      %dma_start3A_56 = tpu.memref_slice %arg9[%dma_start3A_54, %dma_start3A_55] : memref<100096x16xf32, #tpu.memory_space<vmem_shared>> -> memref<100096x16xf32, #tpu.memory_space<vmem_shared>>
      tpu.enqueue_indirect_dma source(%arg8 : memref<128x16xf32, #tpu.memory_space<vmem>>) target(%dma_start3A_56 : memref<100096x16xf32, #tpu.memory_space<vmem_shared>>) offsets(%dma_start3A_53 : memref<128xi32, #tpu.memory_space<vmem>>) semaphore(%run_scoped3A_51 : memref<!tpu.dma_semaphore, #tpu.memory_space<semaphore_mem>>) {add = true}
      %dma_wait3A = arith.constant 0 : i32
      %dma_wait3A_57 = tpu.memref_slice %arg6[%run_scoped3A_27, %run_scoped3A_28, %dma_wait3A] : memref<2x8x128xi32, #tpu.memory_space<vmem>> -> memref<1x1x128xi32, #tpu.memory_space<vmem>>
      %dma_wait3A_58 = tpu.memref_squeeze %dma_wait3A_57 : memref<1x1x128xi32, #tpu.memory_space<vmem>> -> memref<128xi32, #tpu.memory_space<vmem>>
      %dma_wait3A_59 = arith.constant 0 : i32
      %dma_wait3A_60 = arith.constant 0 : i32
      %dma_wait3A_61 = tpu.memref_slice %arg9[%dma_wait3A_59, %dma_wait3A_60] : memref<100096x16xf32, #tpu.memory_space<vmem_shared>> -> memref<100096x16xf32, #tpu.memory_space<vmem_shared>>
      tpu.wait_indirect_dma semaphore(%run_scoped3A_51 : memref<!tpu.dma_semaphore, #tpu.memory_space<semaphore_mem>>) src(%arg8 : memref<128x16xf32, #tpu.memory_space<vmem>>) dst(%dma_wait3A_61 : memref<100096x16xf32, #tpu.memory_space<vmem_shared>>)
      tpu.yield
    }) : () -> ()
    %run_scoped3A_29 = arith.constant 0 : i32
    %run_scoped3A_30 = arith.constant 1 : i32
    "tpu.region"() ({
      %run_scoped3A_51 = tpu.sem_alloc : memref<!tpu.dma_semaphore, #tpu.memory_space<semaphore_mem>>
      %dma_start3A = arith.constant 0 : i32
      %dma_start3A_52 = tpu.memref_slice %arg6[%run_scoped3A_29, %run_scoped3A_30, %dma_start3A] : memref<2x8x128xi32, #tpu.memory_space<vmem>> -> memref<1x1x128xi32, #tpu.memory_space<vmem>>
      %dma_start3A_53 = tpu.memref_squeeze %dma_start3A_52 : memref<1x1x128xi32, #tpu.memory_space<vmem>> -> memref<128xi32, #tpu.memory_space<vmem>>
      %dma_start3A_54 = arith.constant 0 : i32
      %dma_start3A_55 = arith.constant 0 : i32
      %dma_start3A_56 = tpu.memref_slice %arg9[%dma_start3A_54, %dma_start3A_55] : memref<100096x16xf32, #tpu.memory_space<vmem_shared>> -> memref<100096x16xf32, #tpu.memory_space<vmem_shared>>
      tpu.enqueue_indirect_dma source(%arg8 : memref<128x16xf32, #tpu.memory_space<vmem>>) target(%dma_start3A_56 : memref<100096x16xf32, #tpu.memory_space<vmem_shared>>) offsets(%dma_start3A_53 : memref<128xi32, #tpu.memory_space<vmem>>) semaphore(%run_scoped3A_51 : memref<!tpu.dma_semaphore, #tpu.memory_space<semaphore_mem>>) {add = true}
      %dma_wait3A = arith.constant 0 : i32
      %dma_wait3A_57 = tpu.memref_slice %arg6[%run_scoped3A_29, %run_scoped3A_30, %dma_wait3A] : memref<2x8x128xi32, #tpu.memory_space<vmem>> -> memref<1x1x128xi32, #tpu.memory_space<vmem>>
      %dma_wait3A_58 = tpu.memref_squeeze %dma_wait3A_57 : memref<1x1x128xi32, #tpu.memory_space<vmem>> -> memref<128xi32, #tpu.memory_space<vmem>>
      %dma_wait3A_59 = arith.constant 0 : i32
      %dma_wait3A_60 = arith.constant 0 : i32
      %dma_wait3A_61 = tpu.memref_slice %arg9[%dma_wait3A_59, %dma_wait3A_60] : memref<100096x16xf32, #tpu.memory_space<vmem_shared>> -> memref<100096x16xf32, #tpu.memory_space<vmem_shared>>
      tpu.wait_indirect_dma semaphore(%run_scoped3A_51 : memref<!tpu.dma_semaphore, #tpu.memory_space<semaphore_mem>>) src(%arg8 : memref<128x16xf32, #tpu.memory_space<vmem>>) dst(%dma_wait3A_61 : memref<100096x16xf32, #tpu.memory_space<vmem_shared>>)
      tpu.yield
    }) : () -> ()
    %run_scoped3A_31 = arith.constant 0 : i32
    %run_scoped3A_32 = arith.constant 2 : i32
    "tpu.region"() ({
      %run_scoped3A_51 = tpu.sem_alloc : memref<!tpu.dma_semaphore, #tpu.memory_space<semaphore_mem>>
      %dma_start3A = arith.constant 0 : i32
      %dma_start3A_52 = tpu.memref_slice %arg6[%run_scoped3A_31, %run_scoped3A_32, %dma_start3A] : memref<2x8x128xi32, #tpu.memory_space<vmem>> -> memref<1x1x128xi32, #tpu.memory_space<vmem>>
      %dma_start3A_53 = tpu.memref_squeeze %dma_start3A_52 : memref<1x1x128xi32, #tpu.memory_space<vmem>> -> memref<128xi32, #tpu.memory_space<vmem>>
      %dma_start3A_54 = arith.constant 0 : i32
      %dma_start3A_55 = arith.constant 0 : i32
      %dma_start3A_56 = tpu.memref_slice %arg9[%dma_start3A_54, %dma_start3A_55] : memref<100096x16xf32, #tpu.memory_space<vmem_shared>> -> memref<100096x16xf32, #tpu.memory_space<vmem_shared>>
      tpu.enqueue_indirect_dma source(%arg8 : memref<128x16xf32, #tpu.memory_space<vmem>>) target(%dma_start3A_56 : memref<100096x16xf32, #tpu.memory_space<vmem_shared>>) offsets(%dma_start3A_53 : memref<128xi32, #tpu.memory_space<vmem>>) semaphore(%run_scoped3A_51 : memref<!tpu.dma_semaphore, #tpu.memory_space<semaphore_mem>>) {add = true}
      %dma_wait3A = arith.constant 0 : i32
      %dma_wait3A_57 = tpu.memref_slice %arg6[%run_scoped3A_31, %run_scoped3A_32, %dma_wait3A] : memref<2x8x128xi32, #tpu.memory_space<vmem>> -> memref<1x1x128xi32, #tpu.memory_space<vmem>>
      %dma_wait3A_58 = tpu.memref_squeeze %dma_wait3A_57 : memref<1x1x128xi32, #tpu.memory_space<vmem>> -> memref<128xi32, #tpu.memory_space<vmem>>
      %dma_wait3A_59 = arith.constant 0 : i32
      %dma_wait3A_60 = arith.constant 0 : i32
      %dma_wait3A_61 = tpu.memref_slice %arg9[%dma_wait3A_59, %dma_wait3A_60] : memref<100096x16xf32, #tpu.memory_space<vmem_shared>> -> memref<100096x16xf32, #tpu.memory_space<vmem_shared>>
      tpu.wait_indirect_dma semaphore(%run_scoped3A_51 : memref<!tpu.dma_semaphore, #tpu.memory_space<semaphore_mem>>) src(%arg8 : memref<128x16xf32, #tpu.memory_space<vmem>>) dst(%dma_wait3A_61 : memref<100096x16xf32, #tpu.memory_space<vmem_shared>>)
      tpu.yield
    }) : () -> ()
    %run_scoped3A_33 = arith.constant 0 : i32
    %run_scoped3A_34 = arith.constant 3 : i32
    "tpu.region"() ({
      %run_scoped3A_51 = tpu.sem_alloc : memref<!tpu.dma_semaphore, #tpu.memory_space<semaphore_mem>>
      %dma_start3A = arith.constant 0 : i32
      %dma_start3A_52 = tpu.memref_slice %arg6[%run_scoped3A_33, %run_scoped3A_34, %dma_start3A] : memref<2x8x128xi32, #tpu.memory_space<vmem>> -> memref<1x1x128xi32, #tpu.memory_space<vmem>>
      %dma_start3A_53 = tpu.memref_squeeze %dma_start3A_52 : memref<1x1x128xi32, #tpu.memory_space<vmem>> -> memref<128xi32, #tpu.memory_space<vmem>>
      %dma_start3A_54 = arith.constant 0 : i32
      %dma_start3A_55 = arith.constant 0 : i32
      %dma_start3A_56 = tpu.memref_slice %arg9[%dma_start3A_54, %dma_start3A_55] : memref<100096x16xf32, #tpu.memory_space<vmem_shared>> -> memref<100096x16xf32, #tpu.memory_space<vmem_shared>>
      tpu.enqueue_indirect_dma source(%arg8 : memref<128x16xf32, #tpu.memory_space<vmem>>) target(%dma_start3A_56 : memref<100096x16xf32, #tpu.memory_space<vmem_shared>>) offsets(%dma_start3A_53 : memref<128xi32, #tpu.memory_space<vmem>>) semaphore(%run_scoped3A_51 : memref<!tpu.dma_semaphore, #tpu.memory_space<semaphore_mem>>) {add = true}
      %dma_wait3A = arith.constant 0 : i32
      %dma_wait3A_57 = tpu.memref_slice %arg6[%run_scoped3A_33, %run_scoped3A_34, %dma_wait3A] : memref<2x8x128xi32, #tpu.memory_space<vmem>> -> memref<1x1x128xi32, #tpu.memory_space<vmem>>
      %dma_wait3A_58 = tpu.memref_squeeze %dma_wait3A_57 : memref<1x1x128xi32, #tpu.memory_space<vmem>> -> memref<128xi32, #tpu.memory_space<vmem>>
      %dma_wait3A_59 = arith.constant 0 : i32
      %dma_wait3A_60 = arith.constant 0 : i32
      %dma_wait3A_61 = tpu.memref_slice %arg9[%dma_wait3A_59, %dma_wait3A_60] : memref<100096x16xf32, #tpu.memory_space<vmem_shared>> -> memref<100096x16xf32, #tpu.memory_space<vmem_shared>>
      tpu.wait_indirect_dma semaphore(%run_scoped3A_51 : memref<!tpu.dma_semaphore, #tpu.memory_space<semaphore_mem>>) src(%arg8 : memref<128x16xf32, #tpu.memory_space<vmem>>) dst(%dma_wait3A_61 : memref<100096x16xf32, #tpu.memory_space<vmem_shared>>)
      tpu.yield
    }) : () -> ()
    %run_scoped3A_35 = arith.constant 0 : i32
    %run_scoped3A_36 = arith.constant 4 : i32
    "tpu.region"() ({
      %run_scoped3A_51 = tpu.sem_alloc : memref<!tpu.dma_semaphore, #tpu.memory_space<semaphore_mem>>
      %dma_start3A = arith.constant 0 : i32
      %dma_start3A_52 = tpu.memref_slice %arg6[%run_scoped3A_35, %run_scoped3A_36, %dma_start3A] : memref<2x8x128xi32, #tpu.memory_space<vmem>> -> memref<1x1x128xi32, #tpu.memory_space<vmem>>
      %dma_start3A_53 = tpu.memref_squeeze %dma_start3A_52 : memref<1x1x128xi32, #tpu.memory_space<vmem>> -> memref<128xi32, #tpu.memory_space<vmem>>
      %dma_start3A_54 = arith.constant 0 : i32
      %dma_start3A_55 = arith.constant 0 : i32
      %dma_start3A_56 = tpu.memref_slice %arg9[%dma_start3A_54, %dma_start3A_55] : memref<100096x16xf32, #tpu.memory_space<vmem_shared>> -> memref<100096x16xf32, #tpu.memory_space<vmem_shared>>
      tpu.enqueue_indirect_dma source(%arg8 : memref<128x16xf32, #tpu.memory_space<vmem>>) target(%dma_start3A_56 : memref<100096x16xf32, #tpu.memory_space<vmem_shared>>) offsets(%dma_start3A_53 : memref<128xi32, #tpu.memory_space<vmem>>) semaphore(%run_scoped3A_51 : memref<!tpu.dma_semaphore, #tpu.memory_space<semaphore_mem>>) {add = true}
      %dma_wait3A = arith.constant 0 : i32
      %dma_wait3A_57 = tpu.memref_slice %arg6[%run_scoped3A_35, %run_scoped3A_36, %dma_wait3A] : memref<2x8x128xi32, #tpu.memory_space<vmem>> -> memref<1x1x128xi32, #tpu.memory_space<vmem>>
      %dma_wait3A_58 = tpu.memref_squeeze %dma_wait3A_57 : memref<1x1x128xi32, #tpu.memory_space<vmem>> -> memref<128xi32, #tpu.memory_space<vmem>>
      %dma_wait3A_59 = arith.constant 0 : i32
      %dma_wait3A_60 = arith.constant 0 : i32
      %dma_wait3A_61 = tpu.memref_slice %arg9[%dma_wait3A_59, %dma_wait3A_60] : memref<100096x16xf32, #tpu.memory_space<vmem_shared>> -> memref<100096x16xf32, #tpu.memory_space<vmem_shared>>
      tpu.wait_indirect_dma semaphore(%run_scoped3A_51 : memref<!tpu.dma_semaphore, #tpu.memory_space<semaphore_mem>>) src(%arg8 : memref<128x16xf32, #tpu.memory_space<vmem>>) dst(%dma_wait3A_61 : memref<100096x16xf32, #tpu.memory_space<vmem_shared>>)
      tpu.yield
    }) : () -> ()
    %run_scoped3A_37 = arith.constant 0 : i32
    %run_scoped3A_38 = arith.constant 5 : i32
    "tpu.region"() ({
      %run_scoped3A_51 = tpu.sem_alloc : memref<!tpu.dma_semaphore, #tpu.memory_space<semaphore_mem>>
      %dma_start3A = arith.constant 0 : i32
      %dma_start3A_52 = tpu.memref_slice %arg6[%run_scoped3A_37, %run_scoped3A_38, %dma_start3A] : memref<2x8x128xi32, #tpu.memory_space<vmem>> -> memref<1x1x128xi32, #tpu.memory_space<vmem>>
      %dma_start3A_53 = tpu.memref_squeeze %dma_start3A_52 : memref<1x1x128xi32, #tpu.memory_space<vmem>> -> memref<128xi32, #tpu.memory_space<vmem>>
      %dma_start3A_54 = arith.constant 0 : i32
      %dma_start3A_55 = arith.constant 0 : i32
      %dma_start3A_56 = tpu.memref_slice %arg9[%dma_start3A_54, %dma_start3A_55] : memref<100096x16xf32, #tpu.memory_space<vmem_shared>> -> memref<100096x16xf32, #tpu.memory_space<vmem_shared>>
      tpu.enqueue_indirect_dma source(%arg8 : memref<128x16xf32, #tpu.memory_space<vmem>>) target(%dma_start3A_56 : memref<100096x16xf32, #tpu.memory_space<vmem_shared>>) offsets(%dma_start3A_53 : memref<128xi32, #tpu.memory_space<vmem>>) semaphore(%run_scoped3A_51 : memref<!tpu.dma_semaphore, #tpu.memory_space<semaphore_mem>>) {add = true}
      %dma_wait3A = arith.constant 0 : i32
      %dma_wait3A_57 = tpu.memref_slice %arg6[%run_scoped3A_37, %run_scoped3A_38, %dma_wait3A] : memref<2x8x128xi32, #tpu.memory_space<vmem>> -> memref<1x1x128xi32, #tpu.memory_space<vmem>>
      %dma_wait3A_58 = tpu.memref_squeeze %dma_wait3A_57 : memref<1x1x128xi32, #tpu.memory_space<vmem>> -> memref<128xi32, #tpu.memory_space<vmem>>
      %dma_wait3A_59 = arith.constant 0 : i32
      %dma_wait3A_60 = arith.constant 0 : i32
      %dma_wait3A_61 = tpu.memref_slice %arg9[%dma_wait3A_59, %dma_wait3A_60] : memref<100096x16xf32, #tpu.memory_space<vmem_shared>> -> memref<100096x16xf32, #tpu.memory_space<vmem_shared>>
      tpu.wait_indirect_dma semaphore(%run_scoped3A_51 : memref<!tpu.dma_semaphore, #tpu.memory_space<semaphore_mem>>) src(%arg8 : memref<128x16xf32, #tpu.memory_space<vmem>>) dst(%dma_wait3A_61 : memref<100096x16xf32, #tpu.memory_space<vmem_shared>>)
      tpu.yield
    }) : () -> ()
    %run_scoped3A_39 = arith.constant 0 : i32
    %run_scoped3A_40 = arith.constant 6 : i32
    "tpu.region"() ({
      %run_scoped3A_51 = tpu.sem_alloc : memref<!tpu.dma_semaphore, #tpu.memory_space<semaphore_mem>>
      %dma_start3A = arith.constant 0 : i32
      %dma_start3A_52 = tpu.memref_slice %arg6[%run_scoped3A_39, %run_scoped3A_40, %dma_start3A] : memref<2x8x128xi32, #tpu.memory_space<vmem>> -> memref<1x1x128xi32, #tpu.memory_space<vmem>>
      %dma_start3A_53 = tpu.memref_squeeze %dma_start3A_52 : memref<1x1x128xi32, #tpu.memory_space<vmem>> -> memref<128xi32, #tpu.memory_space<vmem>>
      %dma_start3A_54 = arith.constant 0 : i32
      %dma_start3A_55 = arith.constant 0 : i32
      %dma_start3A_56 = tpu.memref_slice %arg9[%dma_start3A_54, %dma_start3A_55] : memref<100096x16xf32, #tpu.memory_space<vmem_shared>> -> memref<100096x16xf32, #tpu.memory_space<vmem_shared>>
      tpu.enqueue_indirect_dma source(%arg8 : memref<128x16xf32, #tpu.memory_space<vmem>>) target(%dma_start3A_56 : memref<100096x16xf32, #tpu.memory_space<vmem_shared>>) offsets(%dma_start3A_53 : memref<128xi32, #tpu.memory_space<vmem>>) semaphore(%run_scoped3A_51 : memref<!tpu.dma_semaphore, #tpu.memory_space<semaphore_mem>>) {add = true}
      %dma_wait3A = arith.constant 0 : i32
      %dma_wait3A_57 = tpu.memref_slice %arg6[%run_scoped3A_39, %run_scoped3A_40, %dma_wait3A] : memref<2x8x128xi32, #tpu.memory_space<vmem>> -> memref<1x1x128xi32, #tpu.memory_space<vmem>>
      %dma_wait3A_58 = tpu.memref_squeeze %dma_wait3A_57 : memref<1x1x128xi32, #tpu.memory_space<vmem>> -> memref<128xi32, #tpu.memory_space<vmem>>
      %dma_wait3A_59 = arith.constant 0 : i32
      %dma_wait3A_60 = arith.constant 0 : i32
      %dma_wait3A_61 = tpu.memref_slice %arg9[%dma_wait3A_59, %dma_wait3A_60] : memref<100096x16xf32, #tpu.memory_space<vmem_shared>> -> memref<100096x16xf32, #tpu.memory_space<vmem_shared>>
      tpu.wait_indirect_dma semaphore(%run_scoped3A_51 : memref<!tpu.dma_semaphore, #tpu.memory_space<semaphore_mem>>) src(%arg8 : memref<128x16xf32, #tpu.memory_space<vmem>>) dst(%dma_wait3A_61 : memref<100096x16xf32, #tpu.memory_space<vmem_shared>>)
      tpu.yield
    }) : () -> ()
    %run_scoped3A_41 = arith.constant 0 : i32
    %run_scoped3A_42 = arith.constant 7 : i32
    "tpu.region"() ({
      %run_scoped3A_51 = tpu.sem_alloc : memref<!tpu.dma_semaphore, #tpu.memory_space<semaphore_mem>>
      %dma_start3A = arith.constant 0 : i32
      %dma_start3A_52 = tpu.memref_slice %arg6[%run_scoped3A_41, %run_scoped3A_42, %dma_start3A] : memref<2x8x128xi32, #tpu.memory_space<vmem>> -> memref<1x1x128xi32, #tpu.memory_space<vmem>>
      %dma_start3A_53 = tpu.memref_squeeze %dma_start3A_52 : memref<1x1x128xi32, #tpu.memory_space<vmem>> -> memref<128xi32, #tpu.memory_space<vmem>>
      %dma_start3A_54 = arith.constant 0 : i32
      %dma_start3A_55 = arith.constant 0 : i32
      %dma_start3A_56 = tpu.memref_slice %arg9[%dma_start3A_54, %dma_start3A_55] : memref<100096x16xf32, #tpu.memory_space<vmem_shared>> -> memref<100096x16xf32, #tpu.memory_space<vmem_shared>>
      tpu.enqueue_indirect_dma source(%arg8 : memref<128x16xf32, #tpu.memory_space<vmem>>) target(%dma_start3A_56 : memref<100096x16xf32, #tpu.memory_space<vmem_shared>>) offsets(%dma_start3A_53 : memref<128xi32, #tpu.memory_space<vmem>>) semaphore(%run_scoped3A_51 : memref<!tpu.dma_semaphore, #tpu.memory_space<semaphore_mem>>) {add = true}
      %dma_wait3A = arith.constant 0 : i32
      %dma_wait3A_57 = tpu.memref_slice %arg6[%run_scoped3A_41, %run_scoped3A_42, %dma_wait3A] : memref<2x8x128xi32, #tpu.memory_space<vmem>> -> memref<1x1x128xi32, #tpu.memory_space<vmem>>
      %dma_wait3A_58 = tpu.memref_squeeze %dma_wait3A_57 : memref<1x1x128xi32, #tpu.memory_space<vmem>> -> memref<128xi32, #tpu.memory_space<vmem>>
      %dma_wait3A_59 = arith.constant 0 : i32
      %dma_wait3A_60 = arith.constant 0 : i32
      %dma_wait3A_61 = tpu.memref_slice %arg9[%dma_wait3A_59, %dma_wait3A_60] : memref<100096x16xf32, #tpu.memory_space<vmem_shared>> -> memref<100096x16xf32, #tpu.memory_space<vmem_shared>>
      tpu.wait_indirect_dma semaphore(%run_scoped3A_51 : memref<!tpu.dma_semaphore, #tpu.memory_space<semaphore_mem>>) src(%arg8 : memref<128x16xf32, #tpu.memory_space<vmem>>) dst(%dma_wait3A_61 : memref<100096x16xf32, #tpu.memory_space<vmem_shared>>)
      tpu.yield
    }) : () -> ()
    %barrier3A_43 = arith.constant 0 : index
    tpu.barrier barrier_id(%barrier3A_43)
    %mul3A_44 = arith.constant 6256 : i32
    %mul3A_45 = arith.muli %arg1, %mul3A_44 : i32
    %mul3A_46 = arith.constant 100096 : i32
    %mul3A_47 = arith.muli %arg0, %mul3A_46 : i32
    %mul3A_48 = arith.constant 6256 : i32
    %mul3A_49 = arith.muli %arg1, %mul3A_48 : i32
    %add3A_50 = arith.addi %mul3A_47, %mul3A_49 : i32
    "tpu.region"() ({
      %run_scoped3A_51 = tpu.sem_alloc : memref<!tpu.dma_semaphore, #tpu.memory_space<semaphore_mem>>
      %dma_start3A = arith.constant 0 : i32
      %dma_start3A_52 = tpu.memref_slice %arg5[%add3A_50, %dma_start3A] : memref<200192x16xf32, #tpu.memory_space<hbm>> -> memref<6256x16xf32, #tpu.memory_space<hbm>>
      %dma_start3A_53 = arith.constant 0 : i32
      %dma_start3A_54 = tpu.memref_slice %arg9[%mul3A_45, %dma_start3A_53] : memref<100096x16xf32, #tpu.memory_space<vmem_shared>> -> memref<6256x16xf32, #tpu.memory_space<vmem_shared>>
      tpu.enqueue_dma source(%dma_start3A_54 : memref<6256x16xf32, #tpu.memory_space<vmem_shared>>) target(%dma_start3A_52 : memref<6256x16xf32, #tpu.memory_space<hbm>>) target_semaphore(%run_scoped3A_51 : memref<!tpu.dma_semaphore, #tpu.memory_space<semaphore_mem>>)
      %dma_wait3A = arith.constant 0 : i32
      %dma_wait3A_55 = tpu.memref_slice %arg5[%add3A_50, %dma_wait3A] : memref<200192x16xf32, #tpu.memory_space<hbm>> -> memref<6256x16xf32, #tpu.memory_space<hbm>>
      %dma_wait3A_56 = arith.constant 0 : i32
      %dma_wait3A_57 = tpu.memref_slice %arg9[%mul3A_45, %dma_wait3A_56] : memref<100096x16xf32, #tpu.memory_space<vmem_shared>> -> memref<6256x16xf32, #tpu.memory_space<vmem_shared>>
      tpu.wait_dma2 semaphore(%run_scoped3A_51 : memref<!tpu.dma_semaphore, #tpu.memory_space<semaphore_mem>>) src(%dma_wait3A_57 : memref<6256x16xf32, #tpu.memory_space<vmem_shared>>) dst(%dma_wait3A_55 : memref<6256x16xf32, #tpu.memory_space<hbm>>)
      tpu.yield
    }) : () -> ()
    return
  }
}

module attributes {stable_mosaic.version = 14 : i64} {
  func.func @body(%arg0: i32, %arg1: memref<368x128xf32, #tpu.memory_space<vmem>>, %arg2: memref<128x128xf32, #tpu.memory_space<vmem>>, %arg3: memref<368x128xf32, #tpu.memory_space<vmem>>) attributes {dimension_semantics = [#tpu.dimension_semantics<arbitrary>], iteration_bounds = array<i64: 34>, scalar_prefetch = 0 : i64, scratch_operands = 0 : i64, tpu.core_type = #tpu.core_type<tc>, window_params = [{transform_indices = @transform_0, window_bounds = array<i64: 368, 128>}, {pipeline_mode = #tpu.pipeline_mode<synchronous>, transform_indices = @transform_1, window_bounds = array<i64: 128, 128>}, {transform_indices = @transform_2, window_bounds = array<i64: 368, 128>}]} {
    %get3A = arith.constant 0 : index
    %get3A_0 = arith.constant 0 : index
    %get3A_1 = vector.load %arg1[%get3A, %get3A_0] : memref<368x128xf32, #tpu.memory_space<vmem>>, vector<368x128xf32>
    %get3A_2 = arith.constant 0 : index
    %get3A_3 = arith.constant 0 : index
    %get3A_4 = vector.load %arg2[%get3A_2, %get3A_3] : memref<128x128xf32, #tpu.memory_space<vmem>>, vector<128x128xf32>
    %dot_general3A = arith.constant dense<0.000000e+00> : vector<368x128xf32>
    %dot_general3A_5 = tpu.matmul %get3A_1, %get3A_4, %dot_general3A {dimension_numbers = #tpu.dot_dimension_numbers<[1], [0], [0], [1], [0, 0, 1, 1], [], []>, precision = #tpu.contract_precision<fp32>, transpose_lhs_hint = false} : vector<368x128xf32>, vector<128x128xf32>, vector<368x128xf32> -> vector<368x128xf32>
    %swap3A = arith.constant 0 : index
    %swap3A_6 = arith.constant 0 : index
    %swap3A_7 = vector.load %arg3[%swap3A, %swap3A_6] : memref<368x128xf32, #tpu.memory_space<vmem>>, vector<368x128xf32>
    tpu.vector_store %arg3[%swap3A, %swap3A_6], %dot_general3A_5 {strides = array<i32>} : memref<368x128xf32, #tpu.memory_space<vmem>>, vector<368x128xf32>,
    return
  }
  func.func @transform_0(%arg0: i32) -> (i32, i32) {
    %c0_i32 = arith.constant 0 : i32
    %c0_i32_0 = arith.constant 0 : i32
    return %arg0, %c0_i32 : i32, i32
  }
  func.func @transform_1(%arg0: i32) -> (i32, i32) {
    %c0_i32 = arith.constant 0 : i32
    %c0_i32_0 = arith.constant 0 : i32
    %c0_i32_1 = arith.constant 0 : i32
    return %c0_i32, %c0_i32_0 : i32, i32
  }
  func.func @transform_2(%arg0: i32) -> (i32, i32) {
    %c0_i32 = arith.constant 0 : i32
    %c0_i32_0 = arith.constant 0 : i32
    return %arg0, %c0_i32 : i32, i32
  }
}

module attributes {stable_mosaic.version = 14 : i64} {
  func.func @body(%arg0: i32, %arg1: memref<368x128xf32, #tpu.memory_space<vmem>>, %arg2: memref<368x128xf32, #tpu.memory_space<vmem>>, %arg3: memref<368x128xf32, #tpu.memory_space<vmem>>, %arg4: memref<368x128xf32, #tpu.memory_space<vmem>>, %arg5: memref<368x128xf32, #tpu.memory_space<vmem>>) attributes {dimension_semantics = [#tpu.dimension_semantics<arbitrary>], iteration_bounds = array<i64: 34>, scalar_prefetch = 0 : i64, scratch_operands = 0 : i64, tpu.core_type = #tpu.core_type<tc>, window_params = [{transform_indices = @transform_0, window_bounds = array<i64: 368, 128>}, {transform_indices = @transform_1, window_bounds = array<i64: 368, 128>}, {transform_indices = @transform_2, window_bounds = array<i64: 368, 128>}, {transform_indices = @transform_3, window_bounds = array<i64: 368, 128>}, {transform_indices = @transform_4, window_bounds = array<i64: 368, 128>}]} {
    %get3A = arith.constant 0 : index
    %get3A_0 = arith.constant 0 : index
    %get3A_1 = vector.load %arg1[%get3A, %get3A_0] : memref<368x128xf32, #tpu.memory_space<vmem>>, vector<368x128xf32>
    %get3A_2 = arith.constant 0 : index
    %get3A_3 = arith.constant 0 : index
    %get3A_4 = vector.load %arg2[%get3A_2, %get3A_3] : memref<368x128xf32, #tpu.memory_space<vmem>>, vector<368x128xf32>
    %add3A = arith.addf %get3A_1, %get3A_4 : vector<368x128xf32>
    %add3A_5 = arith.constant 1.000000e+00 : f32
    %add3A_6 = vector.broadcast %add3A_5 : f32 to vector<368x128xf32>
    %add3A_7 = arith.addf %add3A, %add3A_6 : vector<368x128xf32>
    %rsqrt3A = math.rsqrt %add3A_7 : vector<368x128xf32>
    %swap3A = arith.constant 0 : index
    %swap3A_8 = arith.constant 0 : index
    %swap3A_9 = vector.load %arg4[%swap3A, %swap3A_8] : memref<368x128xf32, #tpu.memory_space<vmem>>, vector<368x128xf32>
    tpu.vector_store %arg4[%swap3A, %swap3A_8], %rsqrt3A {strides = array<i32>} : memref<368x128xf32, #tpu.memory_space<vmem>>, vector<368x128xf32>,
    %get3A_10 = arith.constant 0 : index
    %get3A_11 = arith.constant 0 : index
    %get3A_12 = vector.load %arg3[%get3A_10, %get3A_11] : memref<368x128xf32, #tpu.memory_space<vmem>>, vector<368x128xf32>
    %mul3A = arith.mulf %rsqrt3A, %get3A_12 : vector<368x128xf32>
    %swap3A_13 = arith.constant 0 : index
    %swap3A_14 = arith.constant 0 : index
    %swap3A_15 = vector.load %arg5[%swap3A_13, %swap3A_14] : memref<368x128xf32, #tpu.memory_space<vmem>>, vector<368x128xf32>
    tpu.vector_store %arg5[%swap3A_13, %swap3A_14], %mul3A {strides = array<i32>} : memref<368x128xf32, #tpu.memory_space<vmem>>, vector<368x128xf32>,
    return
  }
  func.func @transform_0(%arg0: i32) -> (i32, i32) {
    %c0_i32 = arith.constant 0 : i32
    %c0_i32_0 = arith.constant 0 : i32
    return %arg0, %c0_i32 : i32, i32
  }
  func.func @transform_1(%arg0: i32) -> (i32, i32) {
    %add3A = arith.constant 34 : i32
    %add3A_0 = arith.addi %arg0, %add3A : i32
    %c0_i32 = arith.constant 0 : i32
    %c0_i32_1 = arith.constant 0 : i32
    return %add3A_0, %c0_i32 : i32, i32
  }
  func.func @transform_2(%arg0: i32) -> (i32, i32) {
    %c0_i32 = arith.constant 0 : i32
    %c0_i32_0 = arith.constant 0 : i32
    return %arg0, %c0_i32 : i32, i32
  }
  func.func @transform_3(%arg0: i32) -> (i32, i32) {
    %c0_i32 = arith.constant 0 : i32
    %c0_i32_0 = arith.constant 0 : i32
    return %arg0, %c0_i32 : i32, i32
  }
  func.func @transform_4(%arg0: i32) -> (i32, i32) {
    %c0_i32 = arith.constant 0 : i32
    %c0_i32_0 = arith.constant 0 : i32
    return %arg0, %c0_i32 : i32, i32
  }
}

module attributes {stable_mosaic.version = 14 : i64} {
  func.func @body(%arg0: i32, %arg1: memref<368x128xf32, #tpu.memory_space<vmem>>, %arg2: memref<368x128xf32, #tpu.memory_space<vmem>>, %arg3: memref<368x128xf32, #tpu.memory_space<vmem>>, %arg4: memref<368x128xf32, #tpu.memory_space<vmem>>, %arg5: memref<128x128xf32, #tpu.memory_space<vmem>>, %arg6: memref<1x128xf32, #tpu.memory_space<vmem>>, %arg7: memref<368x128xf32, #tpu.memory_space<vmem>>) attributes {dimension_semantics = [#tpu.dimension_semantics<arbitrary>], iteration_bounds = array<i64: 34>, scalar_prefetch = 0 : i64, scratch_operands = 0 : i64, tpu.core_type = #tpu.core_type<tc>, window_params = [{transform_indices = @transform_0, window_bounds = array<i64: 368, 128>}, {transform_indices = @transform_1, window_bounds = array<i64: 368, 128>}, {transform_indices = @transform_2, window_bounds = array<i64: 368, 128>}, {transform_indices = @transform_3, window_bounds = array<i64: 368, 128>}, {pipeline_mode = #tpu.pipeline_mode<synchronous>, transform_indices = @transform_4, window_bounds = array<i64: 128, 128>}, {pipeline_mode = #tpu.pipeline_mode<synchronous>, transform_indices = @transform_5, window_bounds = array<i64: 1, 128>}, {transform_indices = @transform_6, window_bounds = array<i64: 368, 128>}]} {
    %get3A = arith.constant 0 : index
    %get3A_0 = arith.constant 0 : index
    %get3A_1 = vector.load %arg4[%get3A, %get3A_0] : memref<368x128xf32, #tpu.memory_space<vmem>>, vector<368x128xf32>
    %get3A_2 = arith.constant 0 : index
    %get3A_3 = arith.constant 0 : index
    %get3A_4 = vector.load %arg1[%get3A_2, %get3A_3] : memref<368x128xf32, #tpu.memory_space<vmem>>, vector<368x128xf32>
    %get3A_5 = arith.constant 0 : index
    %get3A_6 = arith.constant 0 : index
    %get3A_7 = vector.load %arg2[%get3A_5, %get3A_6] : memref<368x128xf32, #tpu.memory_space<vmem>>, vector<368x128xf32>
    %add3A = arith.addf %get3A_4, %get3A_7 : vector<368x128xf32>
    %get3A_8 = arith.constant 0 : index
    %get3A_9 = arith.constant 0 : index
    %get3A_10 = vector.load %arg3[%get3A_8, %get3A_9] : memref<368x128xf32, #tpu.memory_space<vmem>>, vector<368x128xf32>
    %add3A_11 = arith.addf %add3A, %get3A_10 : vector<368x128xf32>
    %mul3A = arith.mulf %get3A_1, %add3A_11 : vector<368x128xf32>
    %get3A_12 = arith.constant 0 : index
    %get3A_13 = arith.constant 0 : index
    %get3A_14 = vector.load %arg6[%get3A_12, %get3A_13] : memref<1x128xf32, #tpu.memory_space<vmem>>, vector<1x128xf32>
    %add3A_15 = vector.broadcast %get3A_14 : vector<1x128xf32> to vector<368x128xf32>
    %add3A_16 = arith.addf %mul3A, %add3A_15 : vector<368x128xf32>
    %max3A = arith.constant 0.000000e+00 : f32
    %max3A_17 = vector.broadcast %max3A : f32 to vector<368x128xf32>
    %max3A_18 = arith.maximumf %add3A_16, %max3A_17 : vector<368x128xf32>
    %get3A_19 = arith.constant 0 : index
    %get3A_20 = arith.constant 0 : index
    %get3A_21 = vector.load %arg5[%get3A_19, %get3A_20] : memref<128x128xf32, #tpu.memory_space<vmem>>, vector<128x128xf32>
    %dot_general3A = arith.constant dense<0.000000e+00> : vector<368x128xf32>
    %dot_general3A_22 = tpu.matmul %max3A_18, %get3A_21, %dot_general3A {dimension_numbers = #tpu.dot_dimension_numbers<[1], [0], [0], [1], [0, 0, 1, 1], [], []>, precision = #tpu.contract_precision<fp32>, transpose_lhs_hint = false} : vector<368x128xf32>, vector<128x128xf32>, vector<368x128xf32> -> vector<368x128xf32>
    %mul3A_23 = arith.mulf %get3A_1, %dot_general3A_22 : vector<368x128xf32>
    %swap3A = arith.constant 0 : index
    %swap3A_24 = arith.constant 0 : index
    %swap3A_25 = vector.load %arg7[%swap3A, %swap3A_24] : memref<368x128xf32, #tpu.memory_space<vmem>>, vector<368x128xf32>
    tpu.vector_store %arg7[%swap3A, %swap3A_24], %mul3A_23 {strides = array<i32>} : memref<368x128xf32, #tpu.memory_space<vmem>>, vector<368x128xf32>,
    return
  }
  func.func @transform_0(%arg0: i32) -> (i32, i32) {
    %c0_i32 = arith.constant 0 : i32
    %c0_i32_0 = arith.constant 0 : i32
    return %arg0, %c0_i32 : i32, i32
  }
  func.func @transform_1(%arg0: i32) -> (i32, i32) {
    %add3A = arith.constant 34 : i32
    %add3A_0 = arith.addi %arg0, %add3A : i32
    %c0_i32 = arith.constant 0 : i32
    %c0_i32_1 = arith.constant 0 : i32
    return %add3A_0, %c0_i32 : i32, i32
  }
  func.func @transform_2(%arg0: i32) -> (i32, i32) {
    %c0_i32 = arith.constant 0 : i32
    %c0_i32_0 = arith.constant 0 : i32
    return %arg0, %c0_i32 : i32, i32
  }
  func.func @transform_3(%arg0: i32) -> (i32, i32) {
    %c0_i32 = arith.constant 0 : i32
    %c0_i32_0 = arith.constant 0 : i32
    return %arg0, %c0_i32 : i32, i32
  }
  func.func @transform_4(%arg0: i32) -> (i32, i32) {
    %c0_i32 = arith.constant 0 : i32
    %c0_i32_0 = arith.constant 0 : i32
    %c0_i32_1 = arith.constant 0 : i32
    return %c0_i32, %c0_i32_0 : i32, i32
  }
  func.func @transform_5(%arg0: i32) -> (i32, i32) {
    %c0_i32 = arith.constant 0 : i32
    %c0_i32_0 = arith.constant 0 : i32
    %c0_i32_1 = arith.constant 0 : i32
    return %c0_i32, %c0_i32_0 : i32, i32
  }
  func.func @transform_6(%arg0: i32) -> (i32, i32) {
    %c0_i32 = arith.constant 0 : i32
    %c0_i32_0 = arith.constant 0 : i32
    return %arg0, %c0_i32 : i32, i32
  }
}

module attributes {stable_mosaic.version = 14 : i64} {
  func.func @body(%arg0: i32, %arg1: memref<368x128xf32, #tpu.memory_space<vmem>>, %arg2: memref<368x128xf32, #tpu.memory_space<vmem>>, %arg3: memref<368x128xf32, #tpu.memory_space<vmem>>, %arg4: memref<368x128xf32, #tpu.memory_space<vmem>>, %arg5: memref<1x128xf32, #tpu.memory_space<vmem>>, %arg6: memref<1x8x368xi32, #tpu.memory_space<vmem>>, %arg7: memref<16x7xf32, #tpu.memory_space<vmem>>, %arg8: memref<1x7xf32, #tpu.memory_space<vmem>>, %arg9: memref<64x7xf32, #tpu.memory_space<vmem>>, %arg10: memref<64x16xf32, #tpu.memory_space<vmem>>) attributes {dimension_semantics = [#tpu.dimension_semantics<arbitrary>], iteration_bounds = array<i64: 34>, scalar_prefetch = 0 : i64, scratch_operands = 1 : i64, tpu.core_type = #tpu.core_type<tc>, window_params = [{transform_indices = @transform_0, window_bounds = array<i64: 368, 128>}, {transform_indices = @transform_1, window_bounds = array<i64: 368, 128>}, {transform_indices = @transform_2, window_bounds = array<i64: 368, 128>}, {transform_indices = @transform_3, window_bounds = array<i64: 368, 128>}, {pipeline_mode = #tpu.pipeline_mode<synchronous>, transform_indices = @transform_4, window_bounds = array<i64: 1, 128>}, {transform_indices = @transform_5, window_bounds = array<i64: 1, 8, 368>}, {pipeline_mode = #tpu.pipeline_mode<synchronous>, transform_indices = @transform_6, window_bounds = array<i64: 16, 7>}, {pipeline_mode = #tpu.pipeline_mode<synchronous>, transform_indices = @transform_7, window_bounds = array<i64: 1, 7>}, {pipeline_mode = #tpu.pipeline_mode<synchronous>, transform_indices = @transform_8, window_bounds = array<i64: 64, 7>}]} {
    %eq3A = arith.constant 0 : i32
    %eq3A_0 = arith.cmpi eq, %arg0, %eq3A : i32
    %convert_element_type3A = arith.extui %eq3A_0 : i1 to i32
    %cond3A = arith.constant 0 : i32
    %cond3A_1 = arith.cmpi ne, %convert_element_type3A, %cond3A : i32
    scf.if %cond3A_1 {
      %broadcast_in_dim3A_130 = arith.constant 0.000000e+00 : f32
      %broadcast_in_dim3A_131 = vector.broadcast %broadcast_in_dim3A_130 : f32 to vector<64x16xf32>
      %swap3A_132 = arith.constant 0 : index
      %swap3A_133 = arith.constant 0 : index
      %swap3A_134 = vector.load %arg10[%swap3A_132, %swap3A_133] : memref<64x16xf32, #tpu.memory_space<vmem>>, vector<64x16xf32>
      tpu.vector_store %arg10[%swap3A_132, %swap3A_133], %broadcast_in_dim3A_131 {strides = array<i32>} : memref<64x16xf32, #tpu.memory_space<vmem>>, vector<64x16xf32>,
    } else {
    }
    %get3A = arith.constant 0 : index
    %get3A_2 = arith.constant 0 : index
    %get3A_3 = vector.load %arg4[%get3A, %get3A_2] : memref<368x128xf32, #tpu.memory_space<vmem>>, vector<368x128xf32>
    %get3A_4 = arith.constant 0 : index
    %get3A_5 = arith.constant 0 : index
    %get3A_6 = vector.load %arg1[%get3A_4, %get3A_5] : memref<368x128xf32, #tpu.memory_space<vmem>>, vector<368x128xf32>
    %get3A_7 = arith.constant 0 : index
    %get3A_8 = arith.constant 0 : index
    %get3A_9 = vector.load %arg2[%get3A_7, %get3A_8] : memref<368x128xf32, #tpu.memory_space<vmem>>, vector<368x128xf32>
    %add3A = arith.addf %get3A_6, %get3A_9 : vector<368x128xf32>
    %get3A_10 = arith.constant 0 : index
    %get3A_11 = arith.constant 0 : index
    %get3A_12 = vector.load %arg3[%get3A_10, %get3A_11] : memref<368x128xf32, #tpu.memory_space<vmem>>, vector<368x128xf32>
    %add3A_13 = arith.addf %add3A, %get3A_12 : vector<368x128xf32>
    %mul3A = arith.mulf %get3A_3, %add3A_13 : vector<368x128xf32>
    %get3A_14 = arith.constant 0 : index
    %get3A_15 = arith.constant 0 : index
    %get3A_16 = vector.load %arg5[%get3A_14, %get3A_15] : memref<1x128xf32, #tpu.memory_space<vmem>>, vector<1x128xf32>
    %add3A_17 = vector.broadcast %get3A_16 : vector<1x128xf32> to vector<368x128xf32>
    %add3A_18 = arith.addf %mul3A, %add3A_17 : vector<368x128xf32>
    %iota3A = tpu.iota {dimensions = array<i32: 0>} : vector<368x1xi32>
    %mul3A_19 = arith.constant 368 : i32
    %mul3A_20 = arith.muli %arg0, %mul3A_19 : i32
    %add3A_21 = vector.broadcast %mul3A_20 : i32 to vector<368x1xi32>
    %add3A_22 = arith.addi %iota3A, %add3A_21 : vector<368x1xi32>
    %lt3A = arith.constant 12500 : i32
    %lt3A_23 = vector.broadcast %lt3A : i32 to vector<368x1xi32>
    %lt3A_24 = arith.cmpi slt, %add3A_22, %lt3A_23 : vector<368x1xi32>
    %jit3A = arith.constant 0.000000e+00 : f32
    %broadcast_in_dim3A = vector.shape_cast %lt3A_24 : vector<368x1xi1> to vector<368x1xi1>
    %broadcast_in_dim3A_25 = vector.broadcast %broadcast_in_dim3A : vector<368x1xi1> to vector<368x128xi1>
    %broadcast_in_dim3A_26 = vector.broadcast %jit3A : f32 to vector<368x128xf32>
    %select_n3A = arith.select %broadcast_in_dim3A_25, %add3A_18, %broadcast_in_dim3A_26 : vector<368x128xi1>, vector<368x128xf32>
    %get3A_27 = arith.constant 0 : index
    %get3A_28 = arith.constant 0 : index
    %get3A_29 = arith.constant 0 : index
    %get3A_30 = vector.load %arg6[%get3A_27, %get3A_28, %get3A_29] : memref<1x8x368xi32, #tpu.memory_space<vmem>>, vector<1x8x368xi32>
    %iota3A_31 = tpu.iota {dimensions = array<i32: 0>} : vector<64x1xi32>
    %broadcast_in_dim3A_32 = arith.constant 0.000000e+00 : f32
    %broadcast_in_dim3A_33 = vector.broadcast %broadcast_in_dim3A_32 : f32 to vector<64x16xf32>
    %slice3A = vector.extract_strided_slice %get3A_30 {offsets = [0, 0, 0], sizes = [1, 1, 368], strides = [1, 1, 1]} : vector<1x8x368xi32> to vector<1x1x368xi32>
    %squeeze3A = vector.shape_cast %slice3A : vector<1x1x368xi32> to vector<1x368xi32>
    %eq3A_34 = vector.broadcast %squeeze3A : vector<1x368xi32> to vector<64x368xi32>
    %eq3A_35 = vector.broadcast %iota3A_31 : vector<64x1xi32> to vector<64x368xi32>
    %eq3A_36 = arith.cmpi eq, %eq3A_34, %eq3A_35 : vector<64x368xi32>
    %convert_element_type3A_37 = arith.extui %eq3A_36 : vector<64x368xi1> to vector<64x368xi32>
    %convert_element_type3A_38 = arith.sitofp %convert_element_type3A_37 : vector<64x368xi32> to vector<64x368xf32>
    %slice3A_39 = vector.extract_strided_slice %select_n3A {offsets = [0, 0], sizes = [368, 16], strides = [1, 1]} : vector<368x128xf32> to vector<368x16xf32>
    %dot_general3A = arith.constant dense<0.000000e+00> : vector<64x16xf32>
    %dot_general3A_40 = tpu.matmul %convert_element_type3A_38, %slice3A_39, %dot_general3A {dimension_numbers = #tpu.dot_dimension_numbers<[1], [0], [0], [1], [0, 0, 1, 1], [], []>, precision = #tpu.contract_precision<fp32>, transpose_lhs_hint = false} : vector<64x368xf32>, vector<368x16xf32>, vector<64x16xf32> -> vector<64x16xf32>
    %add3A_41 = arith.addf %broadcast_in_dim3A_33, %dot_general3A_40 : vector<64x16xf32>
    %slice3A_42 = vector.extract_strided_slice %get3A_30 {offsets = [0, 1, 0], sizes = [1, 1, 368], strides = [1, 1, 1]} : vector<1x8x368xi32> to vector<1x1x368xi32>
    %squeeze3A_43 = vector.shape_cast %slice3A_42 : vector<1x1x368xi32> to vector<1x368xi32>
    %eq3A_44 = vector.broadcast %squeeze3A_43 : vector<1x368xi32> to vector<64x368xi32>
    %eq3A_45 = vector.broadcast %iota3A_31 : vector<64x1xi32> to vector<64x368xi32>
    %eq3A_46 = arith.cmpi eq, %eq3A_44, %eq3A_45 : vector<64x368xi32>
    %convert_element_type3A_47 = arith.extui %eq3A_46 : vector<64x368xi1> to vector<64x368xi32>
    %convert_element_type3A_48 = arith.sitofp %convert_element_type3A_47 : vector<64x368xi32> to vector<64x368xf32>
    %slice3A_49 = vector.extract_strided_slice %select_n3A {offsets = [0, 16], sizes = [368, 16], strides = [1, 1]} : vector<368x128xf32> to vector<368x16xf32>
    %dot_general3A_50 = arith.constant dense<0.000000e+00> : vector<64x16xf32>
    %dot_general3A_51 = tpu.matmul %convert_element_type3A_48, %slice3A_49, %dot_general3A_50 {dimension_numbers = #tpu.dot_dimension_numbers<[1], [0], [0], [1], [0, 0, 1, 1], [], []>, precision = #tpu.contract_precision<fp32>, transpose_lhs_hint = false} : vector<64x368xf32>, vector<368x16xf32>, vector<64x16xf32> -> vector<64x16xf32>
    %add3A_52 = arith.addf %add3A_41, %dot_general3A_51 : vector<64x16xf32>
    %slice3A_53 = vector.extract_strided_slice %get3A_30 {offsets = [0, 2, 0], sizes = [1, 1, 368], strides = [1, 1, 1]} : vector<1x8x368xi32> to vector<1x1x368xi32>
    %squeeze3A_54 = vector.shape_cast %slice3A_53 : vector<1x1x368xi32> to vector<1x368xi32>
    %eq3A_55 = vector.broadcast %squeeze3A_54 : vector<1x368xi32> to vector<64x368xi32>
    %eq3A_56 = vector.broadcast %iota3A_31 : vector<64x1xi32> to vector<64x368xi32>
    %eq3A_57 = arith.cmpi eq, %eq3A_55, %eq3A_56 : vector<64x368xi32>
    %convert_element_type3A_58 = arith.extui %eq3A_57 : vector<64x368xi1> to vector<64x368xi32>
    %convert_element_type3A_59 = arith.sitofp %convert_element_type3A_58 : vector<64x368xi32> to vector<64x368xf32>
    %slice3A_60 = vector.extract_strided_slice %select_n3A {offsets = [0, 32], sizes = [368, 16], strides = [1, 1]} : vector<368x128xf32> to vector<368x16xf32>
    %dot_general3A_61 = arith.constant dense<0.000000e+00> : vector<64x16xf32>
    %dot_general3A_62 = tpu.matmul %convert_element_type3A_59, %slice3A_60, %dot_general3A_61 {dimension_numbers = #tpu.dot_dimension_numbers<[1], [0], [0], [1], [0, 0, 1, 1], [], []>, precision = #tpu.contract_precision<fp32>, transpose_lhs_hint = false} : vector<64x368xf32>, vector<368x16xf32>, vector<64x16xf32> -> vector<64x16xf32>
    %add3A_63 = arith.addf %add3A_52, %dot_general3A_62 : vector<64x16xf32>
    %slice3A_64 = vector.extract_strided_slice %get3A_30 {offsets = [0, 3, 0], sizes = [1, 1, 368], strides = [1, 1, 1]} : vector<1x8x368xi32> to vector<1x1x368xi32>
    %squeeze3A_65 = vector.shape_cast %slice3A_64 : vector<1x1x368xi32> to vector<1x368xi32>
    %eq3A_66 = vector.broadcast %squeeze3A_65 : vector<1x368xi32> to vector<64x368xi32>
    %eq3A_67 = vector.broadcast %iota3A_31 : vector<64x1xi32> to vector<64x368xi32>
    %eq3A_68 = arith.cmpi eq, %eq3A_66, %eq3A_67 : vector<64x368xi32>
    %convert_element_type3A_69 = arith.extui %eq3A_68 : vector<64x368xi1> to vector<64x368xi32>
    %convert_element_type3A_70 = arith.sitofp %convert_element_type3A_69 : vector<64x368xi32> to vector<64x368xf32>
    %slice3A_71 = vector.extract_strided_slice %select_n3A {offsets = [0, 48], sizes = [368, 16], strides = [1, 1]} : vector<368x128xf32> to vector<368x16xf32>
    %dot_general3A_72 = arith.constant dense<0.000000e+00> : vector<64x16xf32>
    %dot_general3A_73 = tpu.matmul %convert_element_type3A_70, %slice3A_71, %dot_general3A_72 {dimension_numbers = #tpu.dot_dimension_numbers<[1], [0], [0], [1], [0, 0, 1, 1], [], []>, precision = #tpu.contract_precision<fp32>, transpose_lhs_hint = false} : vector<64x368xf32>, vector<368x16xf32>, vector<64x16xf32> -> vector<64x16xf32>
    %add3A_74 = arith.addf %add3A_63, %dot_general3A_73 : vector<64x16xf32>
    %slice3A_75 = vector.extract_strided_slice %get3A_30 {offsets = [0, 4, 0], sizes = [1, 1, 368], strides = [1, 1, 1]} : vector<1x8x368xi32> to vector<1x1x368xi32>
    %squeeze3A_76 = vector.shape_cast %slice3A_75 : vector<1x1x368xi32> to vector<1x368xi32>
    %eq3A_77 = vector.broadcast %squeeze3A_76 : vector<1x368xi32> to vector<64x368xi32>
    %eq3A_78 = vector.broadcast %iota3A_31 : vector<64x1xi32> to vector<64x368xi32>
    %eq3A_79 = arith.cmpi eq, %eq3A_77, %eq3A_78 : vector<64x368xi32>
    %convert_element_type3A_80 = arith.extui %eq3A_79 : vector<64x368xi1> to vector<64x368xi32>
    %convert_element_type3A_81 = arith.sitofp %convert_element_type3A_80 : vector<64x368xi32> to vector<64x368xf32>
    %slice3A_82 = vector.extract_strided_slice %select_n3A {offsets = [0, 64], sizes = [368, 16], strides = [1, 1]} : vector<368x128xf32> to vector<368x16xf32>
    %dot_general3A_83 = arith.constant dense<0.000000e+00> : vector<64x16xf32>
    %dot_general3A_84 = tpu.matmul %convert_element_type3A_81, %slice3A_82, %dot_general3A_83 {dimension_numbers = #tpu.dot_dimension_numbers<[1], [0], [0], [1], [0, 0, 1, 1], [], []>, precision = #tpu.contract_precision<fp32>, transpose_lhs_hint = false} : vector<64x368xf32>, vector<368x16xf32>, vector<64x16xf32> -> vector<64x16xf32>
    %add3A_85 = arith.addf %add3A_74, %dot_general3A_84 : vector<64x16xf32>
    %slice3A_86 = vector.extract_strided_slice %get3A_30 {offsets = [0, 5, 0], sizes = [1, 1, 368], strides = [1, 1, 1]} : vector<1x8x368xi32> to vector<1x1x368xi32>
    %squeeze3A_87 = vector.shape_cast %slice3A_86 : vector<1x1x368xi32> to vector<1x368xi32>
    %eq3A_88 = vector.broadcast %squeeze3A_87 : vector<1x368xi32> to vector<64x368xi32>
    %eq3A_89 = vector.broadcast %iota3A_31 : vector<64x1xi32> to vector<64x368xi32>
    %eq3A_90 = arith.cmpi eq, %eq3A_88, %eq3A_89 : vector<64x368xi32>
    %convert_element_type3A_91 = arith.extui %eq3A_90 : vector<64x368xi1> to vector<64x368xi32>
    %convert_element_type3A_92 = arith.sitofp %convert_element_type3A_91 : vector<64x368xi32> to vector<64x368xf32>
    %slice3A_93 = vector.extract_strided_slice %select_n3A {offsets = [0, 80], sizes = [368, 16], strides = [1, 1]} : vector<368x128xf32> to vector<368x16xf32>
    %dot_general3A_94 = arith.constant dense<0.000000e+00> : vector<64x16xf32>
    %dot_general3A_95 = tpu.matmul %convert_element_type3A_92, %slice3A_93, %dot_general3A_94 {dimension_numbers = #tpu.dot_dimension_numbers<[1], [0], [0], [1], [0, 0, 1, 1], [], []>, precision = #tpu.contract_precision<fp32>, transpose_lhs_hint = false} : vector<64x368xf32>, vector<368x16xf32>, vector<64x16xf32> -> vector<64x16xf32>
    %add3A_96 = arith.addf %add3A_85, %dot_general3A_95 : vector<64x16xf32>
    %slice3A_97 = vector.extract_strided_slice %get3A_30 {offsets = [0, 6, 0], sizes = [1, 1, 368], strides = [1, 1, 1]} : vector<1x8x368xi32> to vector<1x1x368xi32>
    %squeeze3A_98 = vector.shape_cast %slice3A_97 : vector<1x1x368xi32> to vector<1x368xi32>
    %eq3A_99 = vector.broadcast %squeeze3A_98 : vector<1x368xi32> to vector<64x368xi32>
    %eq3A_100 = vector.broadcast %iota3A_31 : vector<64x1xi32> to vector<64x368xi32>
    %eq3A_101 = arith.cmpi eq, %eq3A_99, %eq3A_100 : vector<64x368xi32>
    %convert_element_type3A_102 = arith.extui %eq3A_101 : vector<64x368xi1> to vector<64x368xi32>
    %convert_element_type3A_103 = arith.sitofp %convert_element_type3A_102 : vector<64x368xi32> to vector<64x368xf32>
    %slice3A_104 = vector.extract_strided_slice %select_n3A {offsets = [0, 96], sizes = [368, 16], strides = [1, 1]} : vector<368x128xf32> to vector<368x16xf32>
    %dot_general3A_105 = arith.constant dense<0.000000e+00> : vector<64x16xf32>
    %dot_general3A_106 = tpu.matmul %convert_element_type3A_103, %slice3A_104, %dot_general3A_105 {dimension_numbers = #tpu.dot_dimension_numbers<[1], [0], [0], [1], [0, 0, 1, 1], [], []>, precision = #tpu.contract_precision<fp32>, transpose_lhs_hint = false} : vector<64x368xf32>, vector<368x16xf32>, vector<64x16xf32> -> vector<64x16xf32>
    %add3A_107 = arith.addf %add3A_96, %dot_general3A_106 : vector<64x16xf32>
    %slice3A_108 = vector.extract_strided_slice %get3A_30 {offsets = [0, 7, 0], sizes = [1, 1, 368], strides = [1, 1, 1]} : vector<1x8x368xi32> to vector<1x1x368xi32>
    %squeeze3A_109 = vector.shape_cast %slice3A_108 : vector<1x1x368xi32> to vector<1x368xi32>
    %eq3A_110 = vector.broadcast %squeeze3A_109 : vector<1x368xi32> to vector<64x368xi32>
    %eq3A_111 = vector.broadcast %iota3A_31 : vector<64x1xi32> to vector<64x368xi32>
    %eq3A_112 = arith.cmpi eq, %eq3A_110, %eq3A_111 : vector<64x368xi32>
    %convert_element_type3A_113 = arith.extui %eq3A_112 : vector<64x368xi1> to vector<64x368xi32>
    %convert_element_type3A_114 = arith.sitofp %convert_element_type3A_113 : vector<64x368xi32> to vector<64x368xf32>
    %slice3A_115 = vector.extract_strided_slice %select_n3A {offsets = [0, 112], sizes = [368, 16], strides = [1, 1]} : vector<368x128xf32> to vector<368x16xf32>
    %dot_general3A_116 = arith.constant dense<0.000000e+00> : vector<64x16xf32>
    %dot_general3A_117 = tpu.matmul %convert_element_type3A_114, %slice3A_115, %dot_general3A_116 {dimension_numbers = #tpu.dot_dimension_numbers<[1], [0], [0], [1], [0, 0, 1, 1], [], []>, precision = #tpu.contract_precision<fp32>, transpose_lhs_hint = false} : vector<64x368xf32>, vector<368x16xf32>, vector<64x16xf32> -> vector<64x16xf32>
    %add3A_118 = arith.addf %add3A_107, %dot_general3A_117 : vector<64x16xf32>
    %get3A_119 = arith.constant 0 : index
    %get3A_120 = arith.constant 0 : index
    %get3A_121 = vector.load %arg10[%get3A_119, %get3A_120] : memref<64x16xf32, #tpu.memory_space<vmem>>, vector<64x16xf32>
    %add3A_122 = arith.addf %get3A_121, %add3A_118 : vector<64x16xf32>
    %swap3A = arith.constant 0 : index
    %swap3A_123 = arith.constant 0 : index
    %swap3A_124 = vector.load %arg10[%swap3A, %swap3A_123] : memref<64x16xf32, #tpu.memory_space<vmem>>, vector<64x16xf32>
    tpu.vector_store %arg10[%swap3A, %swap3A_123], %add3A_122 {strides = array<i32>} : memref<64x16xf32, #tpu.memory_space<vmem>>, vector<64x16xf32>,
    %eq3A_125 = arith.constant 33 : i32
    %eq3A_126 = arith.cmpi eq, %arg0, %eq3A_125 : i32
    %convert_element_type3A_127 = arith.extui %eq3A_126 : i1 to i32
    %cond3A_128 = arith.constant 0 : i32
    %cond3A_129 = arith.cmpi ne, %convert_element_type3A_127, %cond3A_128 : i32
    scf.if %cond3A_129 {
      %get3A_130 = arith.constant 0 : index
      %get3A_131 = arith.constant 0 : index
      %get3A_132 = vector.load %arg10[%get3A_130, %get3A_131] : memref<64x16xf32, #tpu.memory_space<vmem>>, vector<64x16xf32>
      %get3A_133 = arith.constant 0 : index
      %get3A_134 = arith.constant 0 : index
      %get3A_135 = vector.load %arg7[%get3A_133, %get3A_134] : memref<16x7xf32, #tpu.memory_space<vmem>>, vector<16x7xf32>
      %dot_general3A_136 = arith.constant dense<0.000000e+00> : vector<64x7xf32>
      %dot_general3A_137 = tpu.matmul %get3A_132, %get3A_135, %dot_general3A_136 {dimension_numbers = #tpu.dot_dimension_numbers<[1], [0], [0], [1], [0, 0, 1, 1], [], []>, precision = #tpu.contract_precision<fp32>, transpose_lhs_hint = false} : vector<64x16xf32>, vector<16x7xf32>, vector<64x7xf32> -> vector<64x7xf32>
      %get3A_138 = arith.constant 0 : index
      %get3A_139 = arith.constant 0 : index
      %get3A_140 = vector.load %arg8[%get3A_138, %get3A_139] : memref<1x7xf32, #tpu.memory_space<vmem>>, vector<1x7xf32>
      %add3A_141 = vector.broadcast %get3A_140 : vector<1x7xf32> to vector<64x7xf32>
      %add3A_142 = arith.addf %dot_general3A_137, %add3A_141 : vector<64x7xf32>
      %reduce_max3A = arith.constant dense<0xFF800000> : vector<64xf32>
      %reduce_max3A_143 = vector.multi_reduction <maximumf>, %add3A_142, %reduce_max3A [1] : vector<64x7xf32> to vector<64xf32>
      %broadcast_in_dim3A_144 = vector.shape_cast %reduce_max3A_143 : vector<64xf32> to vector<64x1xf32>
      %sub3A = vector.broadcast %broadcast_in_dim3A_144 : vector<64x1xf32> to vector<64x7xf32>
      %sub3A_145 = arith.subf %add3A_142, %sub3A : vector<64x7xf32>
      %exp3A = math.exp %sub3A_145 : vector<64x7xf32>
      %reduce_sum3A = arith.constant dense<0.000000e+00> : vector<64xf32>
      %reduce_sum3A_146 = vector.multi_reduction <add>, %exp3A, %reduce_sum3A [1] : vector<64x7xf32> to vector<64xf32>
      %broadcast_in_dim3A_147 = vector.shape_cast %reduce_sum3A_146 : vector<64xf32> to vector<64x1xf32>
      %sub3A_148 = vector.broadcast %broadcast_in_dim3A_144 : vector<64x1xf32> to vector<64x7xf32>
      %sub3A_149 = arith.subf %add3A_142, %sub3A_148 : vector<64x7xf32>
      %log3A = math.log %broadcast_in_dim3A_147 : vector<64x1xf32>
      %sub3A_150 = vector.broadcast %log3A : vector<64x1xf32> to vector<64x7xf32>
      %sub3A_151 = arith.subf %sub3A_149, %sub3A_150 : vector<64x7xf32>
      %swap3A_152 = arith.constant 0 : index
      %swap3A_153 = arith.constant 0 : index
      %swap3A_154 = vector.load %arg9[%swap3A_152, %swap3A_153] : memref<64x7xf32, #tpu.memory_space<vmem>>, vector<64x7xf32>
      tpu.vector_store %arg9[%swap3A_152, %swap3A_153], %sub3A_151 {strides = array<i32>} : memref<64x7xf32, #tpu.memory_space<vmem>>, vector<64x7xf32>,
    } else {
    }
    return
  }
  func.func @transform_0(%arg0: i32) -> (i32, i32) {
    %c0_i32 = arith.constant 0 : i32
    %c0_i32_0 = arith.constant 0 : i32
    return %arg0, %c0_i32 : i32, i32
  }
  func.func @transform_1(%arg0: i32) -> (i32, i32) {
    %add3A = arith.constant 34 : i32
    %add3A_0 = arith.addi %arg0, %add3A : i32
    %c0_i32 = arith.constant 0 : i32
    %c0_i32_1 = arith.constant 0 : i32
    return %add3A_0, %c0_i32 : i32, i32
  }
  func.func @transform_2(%arg0: i32) -> (i32, i32) {
    %c0_i32 = arith.constant 0 : i32
    %c0_i32_0 = arith.constant 0 : i32
    return %arg0, %c0_i32 : i32, i32
  }
  func.func @transform_3(%arg0: i32) -> (i32, i32) {
    %c0_i32 = arith.constant 0 : i32
    %c0_i32_0 = arith.constant 0 : i32
    return %arg0, %c0_i32 : i32, i32
  }
  func.func @transform_4(%arg0: i32) -> (i32, i32) {
    %c0_i32 = arith.constant 0 : i32
    %c0_i32_0 = arith.constant 0 : i32
    %c0_i32_1 = arith.constant 0 : i32
    return %c0_i32, %c0_i32_0 : i32, i32
  }
  func.func @transform_5(%arg0: i32) -> (i32, i32, i32) {
    %c0_i32 = arith.constant 0 : i32
    %c0_i32_0 = arith.constant 0 : i32
    %c0_i32_1 = arith.constant 0 : i32
    return %arg0, %c0_i32, %c0_i32_0 : i32, i32, i32
  }
  func.func @transform_6(%arg0: i32) -> (i32, i32) {
    %c0_i32 = arith.constant 0 : i32
    %c0_i32_0 = arith.constant 0 : i32
    %c0_i32_1 = arith.constant 0 : i32
    return %c0_i32, %c0_i32_0 : i32, i32
  }
  func.func @transform_7(%arg0: i32) -> (i32, i32) {
    %c0_i32 = arith.constant 0 : i32
    %c0_i32_0 = arith.constant 0 : i32
    %c0_i32_1 = arith.constant 0 : i32
    return %c0_i32, %c0_i32_0 : i32, i32
  }
  func.func @transform_8(%arg0: i32) -> (i32, i32) {
    %c0_i32 = arith.constant 0 : i32
    %c0_i32_0 = arith.constant 0 : i32
    %c0_i32_1 = arith.constant 0 : i32
    return %c0_i32, %c0_i32_0 : i32, i32
  }
}

</mosaic_0001>

<sc_bundles>
// kernel: kernel.12.cloned.1.call-start
scs
__scs_entry_jumppad:
0x0: {  	(pc) =	sbr.rel $0x88, $3  }
0x1: {  	(tag) =	ssettag $0x0;
	lr =	simm.s32 $0x1  }
0x2: {  	[smem:$0x3F98] =	sst lr;
	_ =	strace $0xD0000000  }
0x3: {  	_ = 	snop  }
0x4: {  	_ = 	snop  }
0x5: {  	_ = 	snop  }
0x6: {  	_ = 	snop  }
0x7: {  	_ = 	snop  }
__scs_overlays_trampoline_lowered:
0x8: {  	[smem:$0x3FA7] =	sst s0  }
0x9: {  	[smem:$0x3FA8] =	sst s1  }
0xa: {  	[smem:$0x3FA9] =	sst s2  }
0xb: {  	[smem:$0x3FAA] =	sst s3  }
0xc: {  	[smem:$0x3FAB] =	sst s4  }
0xd: {  	[smem:$0x3FAC] =	sst s5  }
0xe: {  	[smem:$0x3FAD] =	sst s6  }
0xf: {  	[smem:$0x3FAE] =	sst s7  }
0x10: {  	[smem:$0x3FAF] =	sst s8  }
0x11: {  	[smem:$0x3FB0] =	sst s9;
	s0 =	simm.s32 @!p0 $0x0  }
0x12: {  	s1 =	sld [smem:$0x3F96];
	s0 =	simm.s32 @p0 $0x1  }
0x13: {  	[smem:$0x3FB1] =	sst s0;
	s0 =	simm.s32 @!p1 $0x0  }
0x14: {  	s2 =	sld [smem:$0x3F95];
	s0 =	simm.s32 @p1 $0x1  }
0x15: {  	[smem:$0x3FB2] =	sst s0;
	s0 =	simm.s32 @!p2 $0x0  }
0x16: {  	s3 =	sld [smem:$0x3FDB];
	s0 =	simm.s32 @p2 $0x1  }
0x17: {  	s4 =	simm.s32 $0x1BF5;
	[smem:$0x3FB4] =	sst s0  }
0x18: {  	s0 =	sld [smem:$0x3F97];
	_ =	swait.ge [sflag:s4], $0x0  }
0x19: {  	s7 =	sld [smem:$0x3F98]  }
0x1a: {  	s8 =	sadd.s32 $0xFFFFE003, lr  }
0x1b: {  	s9 =	sadd.s32 $0xFFFFFEF7, lr;
	s5 =	simm.s32 $0xFFFFFFFF;
	p2 =	slt.u32 s8, $0xFFFFF086  }
0x1c: {  	p1 =	slt.u32 s9, $0xF7A;
	s5 =	simm.s32 @!p2 $0x0  }
0x1d: {  	s5 =	simm.s32 @p1 $0x1;
	p0 =	seq.s32 s7, s2  }
0x1e: {  	s7 =	smul.u32 @!p0 $0xF7A, s2;
	p2 =	seq.s32 @!p0 s5, $0x0  }
0x1f: {  	s9 =	smul.u32 $0xF7A, s1;
	s8 =	simm.s32 @!p0 $0x1BF5;
	p2 =	por !p2, p0  }
0x20: {  	[sflag:s8] =	ssyncset.s32 @!p0 $0xFFFFF086;
	s6 =	sadd.s32 @!p0 s3, s7;
	s7 =	simm.s32 @!p0 $0x108  }
0x21: {  	s3 =	sadd.s32 s3, s9;
	s6 =	sadd.s32 @!p0 $0x88, s6;
	s7 =	simm.s32 @p2 $0x1082  }
0x22: {  	[simem:s7], [sflag:s8] =	dma.local @!p0 [hbm:s6], $0xF7A  }
0x23: {  	s9 =	sor.u32 $0xD0000000, s2;
	s6 =	simm.s32 $0x108;
	_ =	swait.ge @!p0 [sflag:s8], $0x0  }
0x24: {  	s3 =	sadd.s32 $0x88, s3;
	s6 =	simm.s32 @!p1 $0x1082;
	[sflag:s4] =	ssyncset.s32 $0xFFFFF086  }
0x25: {  	[simem:s6], [sflag:s4] =	dma.local [hbm:s3], $0xF7A  }
0x26: {  	[smem:$0x3F98] =	sst s1;
	(tag) =	ssettag s2;
	_ =	strace s9  }
0x27: {  	s1 =	sld [smem:$0x3FA8]  }
0x28: {  	s2 =	sld [smem:$0x3FA9]  }
0x29: {  	s4 =	sld [smem:$0x3FAB]  }
0x2a: {  	p0 =	seq.s32 s5, $0x0;
	s5 =	sld [smem:$0x3FAC]  }
0x2b: {  	s6 =	sld [smem:$0x3FAD]  }
0x2c: {  	s7 =	sld [smem:$0x3FAE]  }
0x2d: {  	s3 =	simm.s32 $0x108;
	s8 =	sld [smem:$0x3FAF]  }
0x2e: {  	s3 =	simm.s32 @!p0 $0x1082;
	s9 =	sld [smem:$0x3FB0]  }
0x2f: {  	lr =	sadd.s32 s0, s3;
	s0 =	sld [smem:$0x3FA7]  }
0x30: {  	s3 =	sld [smem:$0x3FAA]  }
0x31: {  	[smem:$0x3FB3] =	sst s10  }
0x32: {  	s10 =	sld [smem:$0x3FB1];
	_ =	sdelay $0x3  }
0x33: {  	p0 =	seq.s32 s10, $0x1;
	s10 =	sld [smem:$0x3FB3];
	_ =	sdelay $0x3  }
0x34: {  	[smem:$0x3FB3] =	sst s10  }
0x35: {  	s10 =	sld [smem:$0x3FB2];
	_ =	sdelay $0x3  }
0x36: {  	p1 =	seq.s32 s10, $0x1;
	s10 =	sld [smem:$0x3FB3];
	_ =	sdelay $0x3  }
0x37: {  	[smem:$0x3FB3] =	sst s10  }
0x38: {  	s10 =	sld [smem:$0x3FB4]  }
0x39: {  	_ = 	snop;
	(pc) =	sbr.ind lr, $3  }
0x3a: {  	_ = 	snop  }
0x3b: {  	_ = 	snop  }
0x3c: {  	p2 =	seq.s32 s10, $0x1;
	s10 =	sld [smem:$0x3FB3]  }
0x3d: {  	_ =	shalt  }
0x3e: {  	_ =	shalt  }
0x3f: {  	_ =	shalt  }
0x40: {  	_ =	shalt  }
0x41: {  	_ =	shalt  }
0x42: {  	_ =	shalt  }
0x43: {  	_ =	shalt  }
0x44: {  	_ =	shalt  }
0x45: {  	_ =	shalt  }
0x46: {  	_ =	shalt  }
0x47: {  	_ =	shalt  }
0x48: {  	_ =	shalt  }
0x49: {  	_ =	shalt  }
0x4a: {  	_ =	shalt  }
0x4b: {  	_ =	shalt  }
0x4c: {  	_ =	shalt  }
0x4d: {  	_ =	shalt  }
0x4e: {  	_ =	shalt  }
0x4f: {  	_ =	shalt  }
0x50: {  	_ =	shalt  }
0x51: {  	_ =	shalt  }
0x52: {  	_ =	shalt  }
0x53: {  	_ =	shalt  }
0x54: {  	_ =	shalt  }
0x55: {  	_ =	shalt  }
0x56: {  	_ =	shalt  }
0x57: {  	_ =	shalt  }
0x58: {  	_ =	shalt  }
0x59: {  	_ =	shalt  }
0x5a: {  	_ =	shalt  }
0x5b: {  	_ =	shalt  }
0x5c: {  	_ =	shalt  }
0x5d: {  	_ =	shalt  }
0x5e: {  	_ =	shalt  }
0x5f: {  	_ =	shalt  }
0x60: {  	_ =	shalt  }
0x61: {  	_ =	shalt  }
0x62: {  	_ =	shalt  }
0x63: {  	_ =	shalt  }
0x64: {  	_ =	shalt  }
0x65: {  	_ =	shalt  }
0x66: {  	_ =	shalt  }
0x67: {  	_ =	shalt  }
0x68: {  	_ =	shalt  }
0x69: {  	_ =	shalt  }
0x6a: {  	_ =	shalt  }
0x6b: {  	_ =	shalt  }
0x6c: {  	_ =	shalt  }
0x6d: {  	_ =	shalt  }
0x6e: {  	_ =	shalt  }
0x6f: {  	_ =	shalt  }
0x70: {  	_ =	shalt  }
0x71: {  	_ =	shalt  }
0x72: {  	_ =	shalt  }
0x73: {  	_ =	shalt  }
0x74: {  	_ =	shalt  }
0x75: {  	_ =	shalt  }
0x76: {  	_ =	shalt  }
0x77: {  	_ =	shalt  }
0x78: {  	_ =	shalt  }
0x79: {  	_ =	shalt  }
0x7a: {  	_ =	shalt  }
0x7b: {  	_ =	shalt  }
0x7c: {  	_ =	shalt  }
0x7d: {  	_ =	shalt  }
0x7e: {  	_ =	shalt  }
0x7f: {  	_ =	shalt  }
0x80: {  	_ =	shalt  }
0x81: {  	_ =	shalt  }
0x82: {  	_ =	shalt  }
0x83: {  	_ =	shalt  }
0x84: {  	_ =	shalt  }
0x85: {  	_ =	shalt  }
0x86: {  	_ =	shalt  }
0x87: {  	_ =	shalt  }
.Lfunc_end0:
.L_simem_size_0:
called_computation.1_lowered:
.L_overlay_start_0:
0x88: {  	s2 =	sld [smem:$0x3FD9]  }
0x89: {  	s3 =	sld [smem:$0x3FFE];
	_ =	sdelay $0x1  }
0x8a: {  	s1 =	srdreg.scid  }
0x8b: {  	s0 =	sand.u32 $0x1, s1  }
0x8c: {  	s16 =	sshll.u32 s0, $0xA;
	s2 =	sadd.s32 s3, s2  }
0x8d: {  	s2 =	sadd.s32 s2, s16  }
0x8e: {  	[smem:$0x3FBF] =	sst s2  }
0x8f: {  	_ = 	snop  }
0x90: {  	(tm) =	ssettm $0x1  }
0x91: {  	s17 =	sld [smem:$0x3FFB];
	_ =	sdelay $0x3  }
0x92: {  	_ =	strace s17  }
0x93: {  	s2 =	sld [smem:$0x3FFC];
	_ =	sdelay $0x3  }
0x94: {  	_ =	strace s2  }
0x95: {  	s2 =	sld [smem:$0x3FFD];
	_ =	sdelay $0x3  }
0x96: {  	_ =	strace s2  }
0x97: {  	_ =	strace $0x8FFFFFFF  }
0x98: {  	s18 =	sld [smem:$0x3FDB];
	_ =	sdelay $0x1  }
0x99: {  	s19 =	simm.s32 $_scs_section_size  }
0x9a: {  	s4 =	simm.s32 $_size__tile_overlayer_lowered;
	s5 =	simm.s32 $_tile_overlayer_lowered  }
0x9b: {  	s22 =	simm.s32 $0x1BFF;
	s21 =	sshll.u32 s5, $0x1;
	s2 =	sadd.s32 s19, s18  }
0x9c: {  	s6 =	simm.s32 $0x0;
	s20 =	sshll.u32 s4, $0x1;
	s4 =	sadd.s32 s21, s2  }
0x9d: {  	[timem:s6], [sflag:s22] =	dma.local [hbm:s4], s20  }
0x9e: {  	_ =	swait.ge [sflag:s22], s20  }
0x9f: {  	s3 =	ssub.s32 $0x0, s20;
	[sflag:s22] =	ssyncset.done $0x0  }
0xa0: {  	[sflag:s22] =	ssyncadd.s32 s3;
	_ =	sdelay $0x1  }
0xa1: {  	s23 =	simm.s32 $0x1B8B  }
0xa2: {  	_ =	swait.ge [sflag:s23], $0x1  }
0xa3: {  	[sflag:s23] =	ssyncset.done $0x0  }
0xa4: {  	s25 =	simm.s32 $0x1B8E;
	s24 =	sld [smem:$0x3FFE];
	[sflag:s23] =	ssyncadd.s32 $0xFFFFFFFF  }
0xa5: {  	s26 =	simm.s32 $execute0_lowered;
	[smem:$0x3FD2] =	sst s25  }
0xa6: {  	s4 =	sshll.u32 s26, $0x1;
	_ =	strace $0x80000049;
	[dreg:$0x1] =	wrdreg $0xFFFFFFFF  }
0xa7: {  	s28 =	simm.s32 $_size_execute0_lowered;
	s2 =	sadd.s32 s2, s4;
	[dreg:$0x0] =	wrdreg $0x0  }
0xa8: {  	s4 =	sshll.u32 s28, $0x1;
	[dreg:$0x2] =	wrdreg s2  }
0xa9: {  	[dreg:$0x3] =	wrdreg s4  }
0xaa: {  	[dreg:$0x4] =	wrdreg $0xC0  }
0xab: {  	_ =	task [dreg:s6], $0x5FFFF  }
0xac: {  	[dreg:$0x1] =	wrdreg $0xFFFFFFFF  }
0xad: {  	[dreg:$0x0] =	wrdreg $0x60  }
0xae: {  	[dreg:$0x2] =	wrdreg s24  }
0xaf: {  	[dreg:$0x3] =	wrdreg $0x58000  }
0xb0: {  	[dreg:$0x4] =	wrdreg $0x9  }
0xb1: {  	_ =	task.clear_ibuf [dreg:s6], $0x5FFFF;
	_ =	strace $0x90000049  }
0xb2: {  	s29 =	simm.s32 $0x9;
	_ =	strace $0x8000004B  }
0xb3: {  	_ =	swait.ge [sflag:s29], $0x1  }
0xb4: {  	[sflag:s29] =	ssyncadd.s32 $0xFFFFFFFF  }
0xb5: {  	_ =	strace $0x9000004B  }
0xb6: {  	_ =	sfence  }
0xb7: {  	s30 =	sld [smem:$0x0];
	_ =	sdelay $0x2  }
0xb8: {  	s31 =	sshll.u32 s1, $0xD;
	s1 =	sshrl.u32 s1, $0x2  }
0xb9: {  	s3 =	sand.u32 $0x4000, s31;
	s1 =	sadd.s32 s1, s30  }
0xba: {  	s0 =	sor.u32 s3, s0;
	s1 =	sshll.u32 s1, $0x11  }
0xbb: {  	s0 =	sor.u32 s1, s0  }
0xbc: {  	s0 =	sadd.s32 $0x8F2B, s0  }
0xbd: {  	[sflag:s0] =	ssyncadd.remote.s32 $0x1  }
0xbe: {  	_ =	sfence.sel $0xFFFF  }
0xbf: {  	[dreg:$0x0] =	wrdreg $0xFFFFFFFF;
	(pc) =	sbr.abs _section_cstart, $3  }
0xc0: {  	[dreg:$0x1] =	wrdreg $0xFFFFFFFF  }
0xc1: {  	_ =	task.clear_ibuf [dreg:s6], $0x2FFFF;
	_ =	strace $0x9FFFFFFF  }
0xc2: {  	(tm) =	ssettm $0x7FFFFFFF  }
0xc3: {  	_ =	shalt  }
tec
execute0_lowered:
.L_overlay_start_1:
0x0: {  	(tag) =	ssettag $0x1  }
0x1: {  	s0 =	rddreg [dreg:$0x0]  }
0x2: {  	s2 =	rddreg [dreg:$0x1]  }
0x3: {  	s3 =	simm.s32 $0x0;
	s1 =	srdreg.scid;
	s9 =	stileid.u32  }
0x4: {  	s18 =	simm.s32 $0x80;
	s30 =	simm.s32 $0x5;
	s31 =	simm.s32 $0x6  }
0x5: {  	s13 =	simm.s32 $0xE;
	s17 =	simm.s32 $0xF;
	s14 =	simm.s32 $0x11  }
0x6: {  	s16 =	simm.s32 $0x12;
	s15 =	simm.s32 $0x1;
	s28 =	simm.s32 $0x4000  }
0x7: {  	s29 =	simm.s32 $0x4800;
	[smem:$0x7FF] =	sst s3;
	s1 =	sand.u32 $0x1, s1  }
0x8: {  	s19 =	smul.u32 $0x30E0, s9;
	s4 =	sadd.s32 $0x33400, s0;
	s10 =	sadd.s32 $0x190200, s0  }
0x9: {  	s11 =	sadd.s32 $0x66600, s0;
	s12 =	sadd.s32 $0x2600, s0;
	s7 =	sshll.u32 s9, $0x1  }
0xa: {  	s8 =	smul.u32 $0x18700, s9;
	s24 =	sshll.u32 s9, $0x6;
	s9 =	simm.s32 $0x10  }
0xb: {  	_ =	strace $0x8000004A;
	s5 =	smul.u32 $0x30E00, s1;
	[dreg:$0x6] =	wrdreg s12  }
0xc: {  	s20 =	ssub.s32 $0x2, s1;
	s1 =	sor.u32 s1, s7;
	[dreg:$0x4] =	wrdreg s10  }
0xd: {  	[dreg:$0x5] =	wrdreg s11;
	s6 =	sshrl.u32 s20, $0x1;
	s7 =	smul.u32 $0x3200, s1  }
0xe: {  	s22 =	sadd.s32 s8, s2;
	s23 =	sshrl.u32 s8, $0x3;
	s1 =	smul.u32 $0x19000, s1  }
0xf: {  	s8 =	simm.s32 $0x9;
	s3 =	sadd.s32 s19, s5;
	s21 =	ssub.s32 s20, s6  }
0x10: {  	s6 =	sadd.s32 s12, s23;
	s19 =	sshrl.u32 s22, $0x3;
	s20 =	simm.s32 $0x13  }
0x11: {  	s22 =	simm.s32 $0x5000;
	s23 =	simm.s32 $0x800;
	[dreg:$0x7] =	wrdreg s6  }
0x12: {  	s12 =	simm.s32 $0xD;
	s0 =	sadd.s32 s3, s0;
	[dreg:$0x3] =	wrdreg s1  }
0x13: {  	s6 =	sor.u32 $0x1C13, s24;
	s25 =	sadd.s32 s10, s7;
	[dreg:$0xd] =	wrdreg s19  }
0x14: {  	s7 =	sadd.s32 s11, s7;
	s26 =	smax.u32 s21, $0x1;
	[dreg:$0x9] =	wrdreg s25  }
0x15: {  	s1 =	simm.s32 $0x8;
	s10 =	simm.s32 $0xA;
	[dreg:$0xa] =	wrdreg s7  }
0x16: {  	s11 =	simm.s32 $0xC;
	s3 =	simm.s32 $0x2;
	[dreg:$0xc] =	wrdreg s26  }
0x17: {  	s21 =	simm.s32 $0x0;
	s0 =	sadd.s32 $0xCA600, s0;
	[dreg:$0x8] =	wrdreg s6  }
0x18: {  	s7 =	simm.s32 $0xB;
	[dreg:$0xb] =	wrdreg s0;
	s0 =	simm.s32 $0x7  }
.LBB2_1:
0x19: {  	[dreg:$0xe] =	wrdreg s21  }
0x1a: {  	s5 =	rddreg [dreg:$0x7]  }
0x1b: {  	[spmem:s19], [sflag:s6] =	dma.local [hbm:s5], $0x30E0  }
0x1c: {  	_ =	swait.ge [sflag:s20], $0x30E0  }
0x1d: {  	[sflag:s20] =	ssyncset.done $0x0  }
0x1e: {  	s21 =	simm.s32 $0x0;
	s25 =	rddreg [dreg:$0x6];
	[sflag:s20] =	ssyncadd.s32 $0xFFFFCF20  }
0x1f: {  	[tilespmem:s22], [sflag:$0x13] =	stream.linear.gather [hbm4b:s25+s21], $0x800, $0x38;
	[tilespmem:$0x1DF00] =	vst v63  }
0x20: {  	_ =	swait.ge [sflag:s20], $0x800  }
0x21: {  	[sflag:s20] =	ssyncset.done $0x0  }
0x22: {  	[sflag:s20] =	ssyncadd.s32 $0xFFFFF800  }
0x23: {  	[bflag:$0x0] =	sbarrier.arrive $0xFFFF  }
0x24: {  	s26 =	rddreg [dreg:$0x9]  }
0x25: {  	[tilespmem:s21], [sflag:$0x13] =	stream.linear.gather [hbm4b:s26+s21], $0x400, $0x38;
	[tilespmem:$0x1DF00] =	vst v63  }
0x26: {  	_ =	swait.ge [sflag:s20], $0x400  }
0x27: {  	[sflag:s20] =	ssyncset.done $0x0  }
0x28: {  	s6 =	rddreg [dreg:$0xa];
	[sflag:s20] =	ssyncadd.s32 $0xFFFFFC00  }
0x29: {  	[tilespmem:s23], [sflag:$0x13] =	stream.linear.gather [hbm4b:s6+s21], $0x400, $0x38;
	[tilespmem:$0x1DF00] =	vst v63  }
0x2a: {  	p0 =	por $0x0, $0x0;
	s6 =	simm.s32 $0x400;
	_ =	swait.ge [sflag:s20], $0x400  }
0x2b: {  	s22 =	simm.s32 $0x0;
	s6 =	simm.s32 @p0 $0x0;
	s19 =	rddreg [dreg:$0x3]  }
0x2c: {  	[sflag:s20] =	ssyncset.done $0x0;
	s24 =	rddreg [dreg:$0x4];
	s5 =	sadd.s32 s19, s6  }
0x2d: {  	s26 =	rddreg [dreg:$0x5];
	s6 =	sand.u32 $0x400, s22;
	s5 =	sshrl.u32 s5, $0x3  }
0x2e: {  	[sflag:s20] =	ssyncadd.s32 $0xFFFFFC00;
	s23 =	sxor.u32 $0x400, s6;
	s20 =	sadd.s32 s24, s5  }
0x2f: {  	[tilespmem:s23], [sflag:$0x1] =	stream.linear.gather [hbm4b:s20+s21], $0x400, $0x38;
	[tilespmem:$0x1DF00] =	vst v63  }
0x30: {  	s25 =	sxor.u32 $0xC00, s6;
	s5 =	sadd.s32 s26, s5  }
0x31: {  	[tilespmem:s25], [sflag:$0x2] =	stream.linear.gather [hbm4b:s5+s21], $0x400, $0x38;
	[tilespmem:$0x1DF00] =	vst v63  }
0x32: {  	s19 =	simm.s32 $0x1000  }
0x33: {  	[tilespmem:s19], [sflag:$0x3] =	stream.indirect.gather [hbm4b:s4+s18], $0x10, s6, s18, $0xb8;
	[tilespmem:$0x1DF00] =	vst v63  }
0x34: {  	s20 =	simm.s32 $0x1800;
	s21 =	sor.u32 $0x80, s6  }
0x35: {  	[tilespmem:s20], [sflag:$0x4] =	stream.indirect.gather [hbm4b:s4+s18], $0x10, s21, s18, $0xb8;
	[tilespmem:$0x1DF00] =	vst v63  }
0x36: {  	s22 =	sor.u32 $0x100, s6;
	s21 =	simm.s32 $0x2000  }
0x37: {  	[tilespmem:s21], [sflag:$0x5] =	stream.indirect.gather [hbm4b:s4+s18], $0x10, s22, s18, $0xb8;
	[tilespmem:$0x1DF00] =	vst v63  }
0x38: {  	s23 =	sor.u32 $0x180, s6;
	s22 =	simm.s32 $0x2800  }
0x39: {  	[tilespmem:s22], [sflag:$0x6] =	stream.indirect.gather [hbm4b:s4+s18], $0x10, s23, s18, $0xb8;
	[tilespmem:$0x1DF00] =	vst v63  }
0x3a: {  	s24 =	sor.u32 $0x200, s6;
	s23 =	simm.s32 $0x3000  }
0x3b: {  	[tilespmem:s23], [sflag:$0x7] =	stream.indirect.gather [hbm4b:s4+s18], $0x10, s24, s18, $0xb8;
	[tilespmem:$0x1DF00] =	vst v63  }
0x3c: {  	s25 =	sor.u32 $0x280, s6;
	s24 =	simm.s32 $0x3800  }
0x3d: {  	[tilespmem:s24], [sflag:$0x8] =	stream.indirect.gather [hbm4b:s4+s18], $0x10, s25, s18, $0xb8;
	[tilespmem:$0x1DF00] =	vst v63  }
0x3e: {  	s26 =	sor.u32 $0x300, s6;
	s25 =	simm.s32 $0x4000  }
0x3f: {  	[tilespmem:s25], [sflag:$0x9] =	stream.indirect.gather [hbm4b:s4+s18], $0x10, s26, s18, $0xb8;
	[tilespmem:$0x1DF00] =	vst v63  }
0x40: {  	s5 =	sor.u32 $0x380, s6;
	s26 =	simm.s32 $0x4800  }
0x41: {  	[tilespmem:s26], [sflag:$0xA] =	stream.indirect.gather [hbm4b:s4+s18], $0x10, s5, s18, $0xb8;
	[tilespmem:$0x1DF00] =	vst v63  }
0x42: {  	s5 =	simm.s32 $0x3  }
0x43: {  	_ =	swait.ge [sflag:s5], $0x800  }
0x44: {  	[sflag:s5] =	ssyncset.done $0x0  }
0x45: {  	[sflag:s5] =	ssyncadd.s32 $0xFFFFF800;
	s5 =	sor.u32 $0x800, s6  }
0x46: {  	[spmem:s2] =	stream.indirect.scatter.add.f32 [tilespmem:s19], [sflag:$0xB], $0x10, s5, s18, $0xb8;
	[tilespmem:$0x1DF00] =	vst v63  }
0x47: {  	s19 =	simm.s32 $0x4  }
0x48: {  	_ =	swait.ge [sflag:s19], $0x800  }
0x49: {  	[sflag:s19] =	ssyncset.done $0x0  }
0x4a: {  	[sflag:s19] =	ssyncadd.s32 $0xFFFFF800;
	s19 =	sor.u32 $0x880, s6  }
0x4b: {  	[spmem:s2] =	stream.indirect.scatter.add.f32 [tilespmem:s20], [sflag:$0xC], $0x10, s19, s18, $0xb8;
	[tilespmem:$0x1DF00] =	vst v63  }
0x4c: {  	_ =	swait.ge [sflag:s30], $0x800  }
0x4d: {  	[sflag:s30] =	ssyncset.done $0x0  }
0x4e: {  	s20 =	sor.u32 $0x900, s6;
	[sflag:s30] =	ssyncadd.s32 $0xFFFFF800  }
0x4f: {  	[spmem:s2] =	stream.indirect.scatter.add.f32 [tilespmem:s21], [sflag:$0xD], $0x10, s20, s18, $0xb8;
	[tilespmem:$0x1DF00] =	vst v63  }
0x50: {  	_ =	swait.ge [sflag:s31], $0x800  }
0x51: {  	[sflag:s31] =	ssyncset.done $0x0  }
0x52: {  	s21 =	sor.u32 $0x980, s6;
	[sflag:s31] =	ssyncadd.s32 $0xFFFFF800  }
0x53: {  	[spmem:s2] =	stream.indirect.scatter.add.f32 [tilespmem:s22], [sflag:$0xE], $0x10, s21, s18, $0xb8;
	[tilespmem:$0x1DF00] =	vst v63  }
0x54: {  	_ =	swait.ge [sflag:s0], $0x800  }
0x55: {  	[sflag:s0] =	ssyncset.done $0x0  }
0x56: {  	s22 =	sor.u32 $0xA00, s6;
	[sflag:s0] =	ssyncadd.s32 $0xFFFFF800  }
0x57: {  	[spmem:s2] =	stream.indirect.scatter.add.f32 [tilespmem:s23], [sflag:$0xF], $0x10, s22, s18, $0xb8;
	[tilespmem:$0x1DF00] =	vst v63  }
0x58: {  	_ =	swait.ge [sflag:s1], $0x800  }
0x59: {  	[sflag:s1] =	ssyncset.done $0x0  }
0x5a: {  	s23 =	sor.u32 $0xA80, s6;
	[sflag:s1] =	ssyncadd.s32 $0xFFFFF800  }
0x5b: {  	[spmem:s2] =	stream.indirect.scatter.add.f32 [tilespmem:s24], [sflag:$0x10], $0x10, s23, s18, $0xb8;
	[tilespmem:$0x1DF00] =	vst v63  }
0x5c: {  	_ =	swait.ge [sflag:s8], $0x800  }
0x5d: {  	[sflag:s8] =	ssyncset.done $0x0  }
0x5e: {  	s24 =	sor.u32 $0xB00, s6;
	[sflag:s8] =	ssyncadd.s32 $0xFFFFF800  }
0x5f: {  	[spmem:s2] =	stream.indirect.scatter.add.f32 [tilespmem:s25], [sflag:$0x11], $0x10, s24, s18, $0xb8;
	[tilespmem:$0x1DF00] =	vst v63  }
0x60: {  	_ =	swait.ge [sflag:s10], $0x800  }
0x61: {  	[sflag:s10] =	ssyncset.done $0x0  }
0x62: {  	s25 =	sor.u32 $0xB80, s6;
	[sflag:s10] =	ssyncadd.s32 $0xFFFFF800  }
0x63: {  	[spmem:s2] =	stream.indirect.scatter.add.f32 [tilespmem:s26], [sflag:$0x12], $0x10, s25, s18, $0xb8;
	[tilespmem:$0x1DF00] =	vst v63  }
0x64: {  	_ =	swait.ge [sflag:s7], $0x800  }
0x65: {  	[sflag:s7] =	ssyncset.done $0x0  }
0x66: {  	[sflag:s7] =	ssyncadd.s32 $0xFFFFF800  }
0x67: {  	_ =	swait.ge [sflag:s11], $0x800  }
0x68: {  	[sflag:s11] =	ssyncset.done $0x0  }
0x69: {  	[sflag:s11] =	ssyncadd.s32 $0xFFFFF800  }
0x6a: {  	_ =	swait.ge [sflag:s12], $0x800  }
0x6b: {  	[sflag:s12] =	ssyncset.done $0x0  }
0x6c: {  	[sflag:s12] =	ssyncadd.s32 $0xFFFFF800  }
0x6d: {  	_ =	swait.ge [sflag:s13], $0x800  }
0x6e: {  	[sflag:s13] =	ssyncset.done $0x0  }
0x6f: {  	[sflag:s13] =	ssyncadd.s32 $0xFFFFF800  }
0x70: {  	_ =	swait.ge [sflag:s17], $0x800  }
0x71: {  	[sflag:s17] =	ssyncset.done $0x0  }
0x72: {  	[sflag:s17] =	ssyncadd.s32 $0xFFFFF800  }
0x73: {  	_ =	swait.ge [sflag:s9], $0x800  }
0x74: {  	[sflag:s9] =	ssyncset.done $0x0  }
0x75: {  	[sflag:s9] =	ssyncadd.s32 $0xFFFFF800  }
0x76: {  	_ =	swait.ge [sflag:s14], $0x800  }
0x77: {  	[sflag:s14] =	ssyncset.done $0x0  }
0x78: {  	[sflag:s14] =	ssyncadd.s32 $0xFFFFF800  }
0x79: {  	_ =	swait.ge [sflag:s16], $0x800  }
0x7a: {  	[sflag:s16] =	ssyncset.done $0x0  }
0x7b: {  	[sflag:s16] =	ssyncadd.s32 $0xFFFFF800  }
0x7c: {  	_ =	swait.ge [sflag:s15], $0x400  }
0x7d: {  	[sflag:s15] =	ssyncset.done $0x0  }
0x7e: {  	[sflag:s15] =	ssyncadd.s32 $0xFFFFFC00  }
0x7f: {  	s5 =	simm.s32 $0x800;
	_ =	swait.ge [sflag:s3], $0x400  }
0x80: {  	s6 =	simm.s32 $0xC00;
	s19 =	rddreg [dreg:$0x3];
	[sflag:s3] =	ssyncset.done $0x0  }
.LBB2_2:
0x81: {  	p1 =	seq.s32 s5, $0x19000;
	s21 =	smov.u32 s6  }
0x82: {  	s20 =	sadd.s32 $0x400, s6;
	p0 =	sne.s32 s6, $0x19000;
	s6 =	smov.u32 s5  }
0x83: {  	[sflag:s3] =	ssyncadd.s32 $0xFFFFFC00;
	s6 =	simm.s32 @p1 $0x0  }
0x84: {  	s23 =	sadd.s32 $0xFFFFFC00, s5;
	s22 =	rddreg [dreg:$0x4];
	s6 =	sadd.s32 s19, s6  }
0x85: {  	s26 =	rddreg [dreg:$0x5];
	s19 =	sand.u32 $0x400, s23;
	s6 =	sshrl.u32 s6, $0x3  }
0x86: {  	s23 =	simm.s32 $0x0;
	s24 =	sxor.u32 $0x400, s19;
	s22 =	sadd.s32 s22, s6  }
0x87: {  	[tilespmem:s24], [sflag:$0x1] =	stream.linear.gather [hbm4b:s22+s23], $0x400, $0x38;
	[tilespmem:$0x1DF00] =	vst v63  }
0x88: {  	s25 =	sxor.u32 $0xC00, s19;
	s6 =	sadd.s32 s26, s6  }
0x89: {  	[tilespmem:s25], [sflag:$0x2] =	stream.linear.gather [hbm4b:s6+s23], $0x400, $0x38;
	[tilespmem:$0x1DF00] =	vst v63  }
0x8a: {  	s5 =	smov.u32 s21;
	s21 =	simm.s32 $0x1000  }
0x8b: {  	[tilespmem:s21], [sflag:$0x3] =	stream.indirect.gather [hbm4b:s4+s18], $0x10, s19, s18, $0xb8;
	[tilespmem:$0x1DF00] =	vst v63  }
0x8c: {  	s22 =	simm.s32 $0x1800;
	s23 =	sor.u32 $0x80, s19  }
0x8d: {  	[tilespmem:s22], [sflag:$0x4] =	stream.indirect.gather [hbm4b:s4+s18], $0x10, s23, s18, $0xb8;
	[tilespmem:$0x1DF00] =	vst v63  }
0x8e: {  	s24 =	sor.u32 $0x100, s19;
	s23 =	simm.s32 $0x2000  }
0x8f: {  	[tilespmem:s23], [sflag:$0x5] =	stream.indirect.gather [hbm4b:s4+s18], $0x10, s24, s18, $0xb8;
	[tilespmem:$0x1DF00] =	vst v63  }
0x90: {  	s25 =	sor.u32 $0x180, s19;
	s24 =	simm.s32 $0x2800  }
0x91: {  	[tilespmem:s24], [sflag:$0x6] =	stream.indirect.gather [hbm4b:s4+s18], $0x10, s25, s18, $0xb8;
	[tilespmem:$0x1DF00] =	vst v63  }
0x92: {  	s26 =	sor.u32 $0x200, s19;
	s25 =	simm.s32 $0x3000  }
0x93: {  	[tilespmem:s25], [sflag:$0x7] =	stream.indirect.gather [hbm4b:s4+s18], $0x10, s26, s18, $0xb8;
	[tilespmem:$0x1DF00] =	vst v63  }
0x94: {  	s6 =	sor.u32 $0x280, s19;
	s26 =	simm.s32 $0x3800  }
0x95: {  	[tilespmem:s26], [sflag:$0x8] =	stream.indirect.gather [hbm4b:s4+s18], $0x10, s6, s18, $0xb8;
	[tilespmem:$0x1DF00] =	vst v63  }
0x96: {  	s6 =	sor.u32 $0x300, s19  }
0x97: {  	[tilespmem:s28], [sflag:$0x9] =	stream.indirect.gather [hbm4b:s4+s18], $0x10, s6, s18, $0xb8;
	[tilespmem:$0x1DF00] =	vst v63  }
0x98: {  	s6 =	sor.u32 $0x380, s19  }
0x99: {  	[tilespmem:s29], [sflag:$0xA] =	stream.indirect.gather [hbm4b:s4+s18], $0x10, s6, s18, $0xb8;
	[tilespmem:$0x1DF00] =	vst v63  }
0x9a: {  	s6 =	simm.s32 $0x3  }
0x9b: {  	_ =	swait.ge [sflag:s6], $0x800  }
0x9c: {  	[sflag:s6] =	ssyncset.done $0x0  }
0x9d: {  	[sflag:s6] =	ssyncadd.s32 $0xFFFFF800;
	s6 =	sor.u32 $0x800, s19  }
0x9e: {  	[spmem:s2] =	stream.indirect.scatter.add.f32 [tilespmem:s21], [sflag:$0xB], $0x10, s6, s18, $0xb8;
	[tilespmem:$0x1DF00] =	vst v63  }
0x9f: {  	s21 =	simm.s32 $0x4  }
0xa0: {  	_ =	swait.ge [sflag:s21], $0x800  }
0xa1: {  	[sflag:s21] =	ssyncset.done $0x0  }
0xa2: {  	[sflag:s21] =	ssyncadd.s32 $0xFFFFF800;
	s21 =	sor.u32 $0x880, s19  }
0xa3: {  	[spmem:s2] =	stream.indirect.scatter.add.f32 [tilespmem:s22], [sflag:$0xC], $0x10, s21, s18, $0xb8;
	[tilespmem:$0x1DF00] =	vst v63  }
0xa4: {  	_ =	swait.ge [sflag:s30], $0x800  }
0xa5: {  	[sflag:s30] =	ssyncset.done $0x0  }
0xa6: {  	s21 =	sor.u32 $0x900, s19;
	[sflag:s30] =	ssyncadd.s32 $0xFFFFF800  }
0xa7: {  	[spmem:s2] =	stream.indirect.scatter.add.f32 [tilespmem:s23], [sflag:$0xD], $0x10, s21, s18, $0xb8;
	[tilespmem:$0x1DF00] =	vst v63  }
0xa8: {  	_ =	swait.ge [sflag:s31], $0x800  }
0xa9: {  	[sflag:s31] =	ssyncset.done $0x0  }
0xaa: {  	s22 =	sor.u32 $0x980, s19;
	[sflag:s31] =	ssyncadd.s32 $0xFFFFF800  }
0xab: {  	[spmem:s2] =	stream.indirect.scatter.add.f32 [tilespmem:s24], [sflag:$0xE], $0x10, s22, s18, $0xb8;
	[tilespmem:$0x1DF00] =	vst v63  }
0xac: {  	_ =	swait.ge [sflag:s0], $0x800  }
0xad: {  	[sflag:s0] =	ssyncset.done $0x0  }
0xae: {  	s23 =	sor.u32 $0xA00, s19;
	[sflag:s0] =	ssyncadd.s32 $0xFFFFF800  }
0xaf: {  	[spmem:s2] =	stream.indirect.scatter.add.f32 [tilespmem:s25], [sflag:$0xF], $0x10, s23, s18, $0xb8;
	[tilespmem:$0x1DF00] =	vst v63  }
0xb0: {  	_ =	swait.ge [sflag:s1], $0x800  }
0xb1: {  	[sflag:s1] =	ssyncset.done $0x0  }
0xb2: {  	s24 =	sor.u32 $0xA80, s19;
	[sflag:s1] =	ssyncadd.s32 $0xFFFFF800  }
0xb3: {  	[spmem:s2] =	stream.indirect.scatter.add.f32 [tilespmem:s26], [sflag:$0x10], $0x10, s24, s18, $0xb8;
	[tilespmem:$0x1DF00] =	vst v63  }
0xb4: {  	_ =	swait.ge [sflag:s8], $0x800  }
0xb5: {  	[sflag:s8] =	ssyncset.done $0x0  }
0xb6: {  	s25 =	sor.u32 $0xB00, s19;
	[sflag:s8] =	ssyncadd.s32 $0xFFFFF800  }
0xb7: {  	[spmem:s2] =	stream.indirect.scatter.add.f32 [tilespmem:s28], [sflag:$0x11], $0x10, s25, s18, $0xb8;
	[tilespmem:$0x1DF00] =	vst v63  }
0xb8: {  	_ =	swait.ge [sflag:s10], $0x800  }
0xb9: {  	[sflag:s10] =	ssyncset.done $0x0  }
0xba: {  	s26 =	sor.u32 $0xB80, s19;
	[sflag:s10] =	ssyncadd.s32 $0xFFFFF800  }
0xbb: {  	[spmem:s2] =	stream.indirect.scatter.add.f32 [tilespmem:s29], [sflag:$0x12], $0x10, s26, s18, $0xb8;
	[tilespmem:$0x1DF00] =	vst v63  }
0xbc: {  	_ =	swait.ge [sflag:s7], $0x800  }
0xbd: {  	[sflag:s7] =	ssyncset.done $0x0  }
0xbe: {  	[sflag:s7] =	ssyncadd.s32 $0xFFFFF800  }
0xbf: {  	_ =	swait.ge [sflag:s11], $0x800  }
0xc0: {  	[sflag:s11] =	ssyncset.done $0x0  }
0xc1: {  	[sflag:s11] =	ssyncadd.s32 $0xFFFFF800  }
0xc2: {  	_ =	swait.ge [sflag:s12], $0x800  }
0xc3: {  	[sflag:s12] =	ssyncset.done $0x0  }
0xc4: {  	[sflag:s12] =	ssyncadd.s32 $0xFFFFF800  }
0xc5: {  	_ =	swait.ge [sflag:s13], $0x800  }
0xc6: {  	[sflag:s13] =	ssyncset.done $0x0  }
0xc7: {  	[sflag:s13] =	ssyncadd.s32 $0xFFFFF800  }
0xc8: {  	_ =	swait.ge [sflag:s17], $0x800  }
0xc9: {  	[sflag:s17] =	ssyncset.done $0x0  }
0xca: {  	[sflag:s17] =	ssyncadd.s32 $0xFFFFF800  }
0xcb: {  	_ =	swait.ge [sflag:s9], $0x800  }
0xcc: {  	[sflag:s9] =	ssyncset.done $0x0  }
0xcd: {  	[sflag:s9] =	ssyncadd.s32 $0xFFFFF800  }
0xce: {  	_ =	swait.ge [sflag:s14], $0x800  }
0xcf: {  	[sflag:s14] =	ssyncset.done $0x0  }
0xd0: {  	[sflag:s14] =	ssyncadd.s32 $0xFFFFF800  }
0xd1: {  	_ =	swait.ge [sflag:s16], $0x800  }
0xd2: {  	[sflag:s16] =	ssyncset.done $0x0  }
0xd3: {  	[sflag:s16] =	ssyncadd.s32 $0xFFFFF800  }
.Ltmp0:
0xd4: {  	_ =	swait.ge [sflag:s15], $0x400;
	(pc) =	sbr.rel @p0 .LBB2_2-.Ltmp0, $4  }
0xd5: {  	[sflag:s15] =	ssyncset.done $0x0  }
0xd6: {  	[sflag:s15] =	ssyncadd.s32 $0xFFFFFC00  }
0xd7: {  	_ =	swait.ge [sflag:s3], $0x400  }
0xd8: {  	s6 =	smov.u32 s20;
	s19 =	rddreg [dreg:$0x3];
	[sflag:s3] =	ssyncset.done $0x0  }
0xd9: {  	p0 =	seq.s32 s5, $0x19000  }
0xda: {  	s6 =	sadd.s32 $0xFFFFFC00, s5;
	s5 =	simm.s32 @p0 $0x0  }
0xdb: {  	[sflag:s3] =	ssyncadd.s32 $0xFFFFFC00;
	s20 =	rddreg [dreg:$0x4];
	s5 =	sadd.s32 s19, s5  }
0xdc: {  	s21 =	simm.s32 $0x0;
	s6 =	sand.u32 $0x400, s6;
	s5 =	sshrl.u32 s5, $0x3  }
0xdd: {  	s26 =	rddreg [dreg:$0x5];
	s24 =	sxor.u32 $0x400, s6;
	s20 =	sadd.s32 s20, s5  }
0xde: {  	[tilespmem:s24], [sflag:$0x1] =	stream.linear.gather [hbm4b:s20+s21], $0x400, $0x38;
	[tilespmem:$0x1DF00] =	vst v63  }
0xdf: {  	s25 =	sxor.u32 $0xC00, s6;
	s5 =	sadd.s32 s26, s5  }
0xe0: {  	[tilespmem:s25], [sflag:$0x2] =	stream.linear.gather [hbm4b:s5+s21], $0x400, $0x38;
	[tilespmem:$0x1DF00] =	vst v63  }
0xe1: {  	s19 =	simm.s32 $0x1000  }
0xe2: {  	[tilespmem:s19], [sflag:$0x3] =	stream.indirect.gather [hbm4b:s4+s18], $0x10, s6, s18, $0xb8;
	[tilespmem:$0x1DF00] =	vst v63  }
0xe3: {  	s20 =	simm.s32 $0x1800;
	s21 =	sor.u32 $0x80, s6  }
0xe4: {  	[tilespmem:s20], [sflag:$0x4] =	stream.indirect.gather [hbm4b:s4+s18], $0x10, s21, s18, $0xb8;
	[tilespmem:$0x1DF00] =	vst v63  }
0xe5: {  	s22 =	sor.u32 $0x100, s6;
	s21 =	simm.s32 $0x2000  }
0xe6: {  	[tilespmem:s21], [sflag:$0x5] =	stream.indirect.gather [hbm4b:s4+s18], $0x10, s22, s18, $0xb8;
	[tilespmem:$0x1DF00] =	vst v63  }
0xe7: {  	s23 =	sor.u32 $0x180, s6;
	s22 =	simm.s32 $0x2800  }
0xe8: {  	[tilespmem:s22], [sflag:$0x6] =	stream.indirect.gather [hbm4b:s4+s18], $0x10, s23, s18, $0xb8;
	[tilespmem:$0x1DF00] =	vst v63  }
0xe9: {  	s24 =	sor.u32 $0x200, s6;
	s23 =	simm.s32 $0x3000  }
0xea: {  	[tilespmem:s23], [sflag:$0x7] =	stream.indirect.gather [hbm4b:s4+s18], $0x10, s24, s18, $0xb8;
	[tilespmem:$0x1DF00] =	vst v63  }
0xeb: {  	s25 =	sor.u32 $0x280, s6;
	s24 =	simm.s32 $0x3800  }
0xec: {  	[tilespmem:s24], [sflag:$0x8] =	stream.indirect.gather [hbm4b:s4+s18], $0x10, s25, s18, $0xb8;
	[tilespmem:$0x1DF00] =	vst v63  }
0xed: {  	s26 =	sor.u32 $0x300, s6;
	s25 =	simm.s32 $0x4000  }
0xee: {  	[tilespmem:s25], [sflag:$0x9] =	stream.indirect.gather [hbm4b:s4+s18], $0x10, s26, s18, $0xb8;
	[tilespmem:$0x1DF00] =	vst v63  }
0xef: {  	s5 =	sor.u32 $0x380, s6;
	s26 =	simm.s32 $0x4800  }
0xf0: {  	[tilespmem:s26], [sflag:$0xA] =	stream.indirect.gather [hbm4b:s4+s18], $0x10, s5, s18, $0xb8;
	[tilespmem:$0x1DF00] =	vst v63  }
0xf1: {  	s5 =	simm.s32 $0x3  }
0xf2: {  	_ =	swait.ge [sflag:s5], $0x800  }
0xf3: {  	[sflag:s5] =	ssyncset.done $0x0  }
0xf4: {  	[sflag:s5] =	ssyncadd.s32 $0xFFFFF800;
	s5 =	sor.u32 $0x800, s6  }
0xf5: {  	[spmem:s2] =	stream.indirect.scatter.add.f32 [tilespmem:s19], [sflag:$0xB], $0x10, s5, s18, $0xb8;
	[tilespmem:$0x1DF00] =	vst v63  }
0xf6: {  	s19 =	simm.s32 $0x4  }
0xf7: {  	_ =	swait.ge [sflag:s19], $0x800  }
0xf8: {  	[sflag:s19] =	ssyncset.done $0x0  }
0xf9: {  	[sflag:s19] =	ssyncadd.s32 $0xFFFFF800;
	s19 =	sor.u32 $0x880, s6  }
0xfa: {  	[spmem:s2] =	stream.indirect.scatter.add.f32 [tilespmem:s20], [sflag:$0xC], $0x10, s19, s18, $0xb8;
	[tilespmem:$0x1DF00] =	vst v63  }
0xfb: {  	_ =	swait.ge [sflag:s30], $0x800  }
0xfc: {  	[sflag:s30] =	ssyncset.done $0x0  }
0xfd: {  	s20 =	sor.u32 $0x900, s6;
	[sflag:s30] =	ssyncadd.s32 $0xFFFFF800  }
0xfe: {  	[spmem:s2] =	stream.indirect.scatter.add.f32 [tilespmem:s21], [sflag:$0xD], $0x10, s20, s18, $0xb8;
	[tilespmem:$0x1DF00] =	vst v63  }
0xff: {  	_ =	swait.ge [sflag:s31], $0x800  }
0x100: {  	[sflag:s31] =	ssyncset.done $0x0  }
0x101: {  	s19 =	sor.u32 $0x980, s6;
	[sflag:s31] =	ssyncadd.s32 $0xFFFFF800  }
0x102: {  	[spmem:s2] =	stream.indirect.scatter.add.f32 [tilespmem:s22], [sflag:$0xE], $0x10, s19, s18, $0xb8;
	[tilespmem:$0x1DF00] =	vst v63  }
0x103: {  	_ =	swait.ge [sflag:s0], $0x800  }
0x104: {  	[sflag:s0] =	ssyncset.done $0x0  }
0x105: {  	s20 =	sor.u32 $0xA00, s6;
	[sflag:s0] =	ssyncadd.s32 $0xFFFFF800  }
0x106: {  	[spmem:s2] =	stream.indirect.scatter.add.f32 [tilespmem:s23], [sflag:$0xF], $0x10, s20, s18, $0xb8;
	[tilespmem:$0x1DF00] =	vst v63  }
0x107: {  	_ =	swait.ge [sflag:s1], $0x800  }
0x108: {  	[sflag:s1] =	ssyncset.done $0x0  }
0x109: {  	s21 =	sor.u32 $0xA80, s6;
	[sflag:s1] =	ssyncadd.s32 $0xFFFFF800  }
0x10a: {  	[spmem:s2] =	stream.indirect.scatter.add.f32 [tilespmem:s24], [sflag:$0x10], $0x10, s21, s18, $0xb8;
	[tilespmem:$0x1DF00] =	vst v63  }
0x10b: {  	_ =	swait.ge [sflag:s8], $0x800  }
0x10c: {  	[sflag:s8] =	ssyncset.done $0x0  }
0x10d: {  	s22 =	sor.u32 $0xB00, s6;
	[sflag:s8] =	ssyncadd.s32 $0xFFFFF800  }
0x10e: {  	[spmem:s2] =	stream.indirect.scatter.add.f32 [tilespmem:s25], [sflag:$0x11], $0x10, s22, s18, $0xb8;
	[tilespmem:$0x1DF00] =	vst v63  }
0x10f: {  	_ =	swait.ge [sflag:s10], $0x800  }
0x110: {  	[sflag:s10] =	ssyncset.done $0x0  }
0x111: {  	s23 =	sor.u32 $0xB80, s6;
	[sflag:s10] =	ssyncadd.s32 $0xFFFFF800  }
0x112: {  	[spmem:s2] =	stream.indirect.scatter.add.f32 [tilespmem:s26], [sflag:$0x12], $0x10, s23, s18, $0xb8;
	[tilespmem:$0x1DF00] =	vst v63  }
0x113: {  	_ =	swait.ge [sflag:s7], $0x800  }
0x114: {  	[sflag:s7] =	ssyncset.done $0x0  }
0x115: {  	[sflag:s7] =	ssyncadd.s32 $0xFFFFF800  }
0x116: {  	_ =	swait.ge [sflag:s11], $0x800  }
0x117: {  	[sflag:s11] =	ssyncset.done $0x0  }
0x118: {  	[sflag:s11] =	ssyncadd.s32 $0xFFFFF800  }
0x119: {  	_ =	swait.ge [sflag:s12], $0x800  }
0x11a: {  	[sflag:s12] =	ssyncset.done $0x0  }
0x11b: {  	[sflag:s12] =	ssyncadd.s32 $0xFFFFF800  }
0x11c: {  	_ =	swait.ge [sflag:s13], $0x800  }
0x11d: {  	[sflag:s13] =	ssyncset.done $0x0  }
0x11e: {  	[sflag:s13] =	ssyncadd.s32 $0xFFFFF800  }
0x11f: {  	_ =	swait.ge [sflag:s17], $0x800  }
0x120: {  	[sflag:s17] =	ssyncset.done $0x0  }
0x121: {  	[sflag:s17] =	ssyncadd.s32 $0xFFFFF800  }
0x122: {  	_ =	swait.ge [sflag:s9], $0x800  }
0x123: {  	[sflag:s9] =	ssyncset.done $0x0  }
0x124: {  	[sflag:s9] =	ssyncadd.s32 $0xFFFFF800  }
0x125: {  	_ =	swait.ge [sflag:s14], $0x800  }
0x126: {  	[sflag:s14] =	ssyncset.done $0x0  }
0x127: {  	[sflag:s14] =	ssyncadd.s32 $0xFFFFF800  }
0x128: {  	_ =	swait.ge [sflag:s16], $0x800  }
0x129: {  	[sflag:s16] =	ssyncset.done $0x0  }
0x12a: {  	[sflag:s16] =	ssyncadd.s32 $0xFFFFF800  }
0x12b: {  	_ =	swait.ge [sflag:s15], $0x400  }
0x12c: {  	[sflag:s15] =	ssyncset.done $0x0  }
0x12d: {  	[sflag:s15] =	ssyncadd.s32 $0xFFFFFC00  }
0x12e: {  	_ =	swait.ge [sflag:s3], $0x400  }
0x12f: {  	s20 =	simm.s32 $0x13;
	[sflag:s3] =	ssyncset.done $0x0  }
0x130: {  	s22 =	simm.s32 $0x5000;
	s23 =	simm.s32 $0x800;
	[sflag:s3] =	ssyncadd.s32 $0xFFFFFC00  }
0x131: {  	[spmem:s2] =	stream.indirect.scatter.add.f32 [tilespmem:s22], [sflag:$0x13], $0x10, s23, s18, $0xb8;
	[tilespmem:$0x1DF00] =	vst v63  }
0x132: {  	_ =	swait.ge [sflag:s20], $0x800  }
0x133: {  	[sflag:s20] =	ssyncset.done $0x0  }
0x134: {  	s5 =	simm.s32 $0x880;
	[sflag:s20] =	ssyncadd.s32 $0xFFFFF800  }
0x135: {  	[spmem:s2] =	stream.indirect.scatter.add.f32 [tilespmem:s22], [sflag:$0x13], $0x10, s5, s18, $0xb8;
	[tilespmem:$0x1DF00] =	vst v63  }
0x136: {  	_ =	swait.ge [sflag:s20], $0x800  }
0x137: {  	[sflag:s20] =	ssyncset.done $0x0  }
0x138: {  	s6 =	simm.s32 $0x900;
	[sflag:s20] =	ssyncadd.s32 $0xFFFFF800  }
0x139: {  	[spmem:s2] =	stream.indirect.scatter.add.f32 [tilespmem:s22], [sflag:$0x13], $0x10, s6, s18, $0xb8;
	[tilespmem:$0x1DF00] =	vst v63  }
0x13a: {  	_ =	swait.ge [sflag:s20], $0x800  }
0x13b: {  	[sflag:s20] =	ssyncset.done $0x0  }
0x13c: {  	s19 =	simm.s32 $0x980;
	[sflag:s20] =	ssyncadd.s32 $0xFFFFF800  }
0x13d: {  	[spmem:s2] =	stream.indirect.scatter.add.f32 [tilespmem:s22], [sflag:$0x13], $0x10, s19, s18, $0xb8;
	[tilespmem:$0x1DF00] =	vst v63  }
0x13e: {  	_ =	swait.ge [sflag:s20], $0x800  }
0x13f: {  	[sflag:s20] =	ssyncset.done $0x0  }
0x140: {  	s21 =	simm.s32 $0xA00;
	[sflag:s20] =	ssyncadd.s32 $0xFFFFF800  }
0x141: {  	[spmem:s2] =	stream.indirect.scatter.add.f32 [tilespmem:s22], [sflag:$0x13], $0x10, s21, s18, $0xb8;
	[tilespmem:$0x1DF00] =	vst v63  }
0x142: {  	_ =	swait.ge [sflag:s20], $0x800  }
0x143: {  	[sflag:s20] =	ssyncset.done $0x0  }
0x144: {  	s24 =	simm.s32 $0xA80;
	[sflag:s20] =	ssyncadd.s32 $0xFFFFF800  }
0x145: {  	[spmem:s2] =	stream.indirect.scatter.add.f32 [tilespmem:s22], [sflag:$0x13], $0x10, s24, s18, $0xb8;
	[tilespmem:$0x1DF00] =	vst v63  }
0x146: {  	_ =	swait.ge [sflag:s20], $0x800  }
0x147: {  	[sflag:s20] =	ssyncset.done $0x0  }
0x148: {  	s25 =	simm.s32 $0xB00;
	[sflag:s20] =	ssyncadd.s32 $0xFFFFF800  }
0x149: {  	[spmem:s2] =	stream.indirect.scatter.add.f32 [tilespmem:s22], [sflag:$0x13], $0x10, s25, s18, $0xb8;
	[tilespmem:$0x1DF00] =	vst v63  }
0x14a: {  	_ =	swait.ge [sflag:s20], $0x800  }
0x14b: {  	[sflag:s20] =	ssyncset.done $0x0  }
0x14c: {  	s26 =	simm.s32 $0xB80;
	[sflag:s20] =	ssyncadd.s32 $0xFFFFF800  }
0x14d: {  	[spmem:s2] =	stream.indirect.scatter.add.f32 [tilespmem:s22], [sflag:$0x13], $0x10, s26, s18, $0xb8;
	[tilespmem:$0x1DF00] =	vst v63  }
0x14e: {  	_ =	swait.ge [sflag:s20], $0x800  }
0x14f: {  	[sflag:s20] =	ssyncset.done $0x0  }
0x150: {  	[sflag:s20] =	ssyncadd.s32 $0xFFFFF800  }
0x151: {  	[spmem:s2] =	stream.indirect.scatter.add.f32 [tilespmem:s22], [sflag:$0x13], $0x10, s23, s18, $0xb8;
	[tilespmem:$0x1DF00] =	vst v63  }
0x152: {  	_ =	swait.ge [sflag:s20], $0x800  }
0x153: {  	[sflag:s20] =	ssyncset.done $0x0  }
0x154: {  	[sflag:s20] =	ssyncadd.s32 $0xFFFFF800  }
0x155: {  	[spmem:s2] =	stream.indirect.scatter.add.f32 [tilespmem:s22], [sflag:$0x13], $0x10, s5, s18, $0xb8;
	[tilespmem:$0x1DF00] =	vst v63  }
0x156: {  	_ =	swait.ge [sflag:s20], $0x800  }
0x157: {  	[sflag:s20] =	ssyncset.done $0x0  }
0x158: {  	[sflag:s20] =	ssyncadd.s32 $0xFFFFF800  }
0x159: {  	[spmem:s2] =	stream.indirect.scatter.add.f32 [tilespmem:s22], [sflag:$0x13], $0x10, s6, s18, $0xb8;
	[tilespmem:$0x1DF00] =	vst v63  }
0x15a: {  	_ =	swait.ge [sflag:s20], $0x800  }
0x15b: {  	[sflag:s20] =	ssyncset.done $0x0  }
0x15c: {  	[sflag:s20] =	ssyncadd.s32 $0xFFFFF800  }
0x15d: {  	[spmem:s2] =	stream.indirect.scatter.add.f32 [tilespmem:s22], [sflag:$0x13], $0x10, s19, s18, $0xb8;
	[tilespmem:$0x1DF00] =	vst v63  }
0x15e: {  	_ =	swait.ge [sflag:s20], $0x800  }
0x15f: {  	[sflag:s20] =	ssyncset.done $0x0  }
0x160: {  	[sflag:s20] =	ssyncadd.s32 $0xFFFFF800  }
0x161: {  	[spmem:s2] =	stream.indirect.scatter.add.f32 [tilespmem:s22], [sflag:$0x13], $0x10, s21, s18, $0xb8;
	[tilespmem:$0x1DF00] =	vst v63  }
0x162: {  	_ =	swait.ge [sflag:s20], $0x800  }
0x163: {  	[sflag:s20] =	ssyncset.done $0x0  }
0x164: {  	[sflag:s20] =	ssyncadd.s32 $0xFFFFF800  }
0x165: {  	[spmem:s2] =	stream.indirect.scatter.add.f32 [tilespmem:s22], [sflag:$0x13], $0x10, s24, s18, $0xb8;
	[tilespmem:$0x1DF00] =	vst v63  }
0x166: {  	_ =	swait.ge [sflag:s20], $0x800  }
0x167: {  	[sflag:s20] =	ssyncset.done $0x0  }
0x168: {  	[sflag:s20] =	ssyncadd.s32 $0xFFFFF800  }
0x169: {  	[spmem:s2] =	stream.indirect.scatter.add.f32 [tilespmem:s22], [sflag:$0x13], $0x10, s25, s18, $0xb8;
	[tilespmem:$0x1DF00] =	vst v63  }
0x16a: {  	_ =	swait.ge [sflag:s20], $0x800  }
0x16b: {  	[sflag:s20] =	ssyncset.done $0x0  }
0x16c: {  	[sflag:s20] =	ssyncadd.s32 $0xFFFFF800  }
0x16d: {  	[spmem:s2] =	stream.indirect.scatter.add.f32 [tilespmem:s22], [sflag:$0x13], $0x10, s26, s18, $0xb8;
	[tilespmem:$0x1DF00] =	vst v63  }
0x16e: {  	_ =	swait.ge [sflag:s20], $0x800  }
0x16f: {  	[sflag:s20] =	ssyncset.done $0x0  }
0x170: {  	[sflag:s20] =	ssyncadd.s32 $0xFFFFF800  }
0x171: {  	[bflag:$0x0] =	sbarrier.arrive $0xFFFF  }
0x172: {  	s6 =	rddreg [dreg:$0x8]  }
0x173: {  	s24 =	rddreg [dreg:$0xb]  }
0x174: {  	s19 =	rddreg [dreg:$0xd]  }
0x175: {  	[hbm:s24], [sflag:s6] =	dma.local [spmem:s19], $0x30E0  }
0x176: {  	_ =	swait.ge [sflag:s20], $0x30E0  }
0x177: {  	s25 =	rddreg [dreg:$0xe]  }
0x178: {  	s26 =	rddreg [dreg:$0xc];
	s21 =	sadd.s32 $0x1, s25  }
0x179: {  	p0 =	sne.s32 s21, s26  }
.Ltmp1:
0x17a: {  	_ = 	snop;
	(pc) =	sbr.rel @p0 .LBB2_1-.Ltmp1, $3  }
0x17b: {  	_ =	sdelay $0x1  }
0x17c: {  	[sflag:s20] =	ssyncset.done $0x0  }
0x17d: {  	[sflag:s20] =	ssyncadd.s32 $0xFFFFCF20  }
0x17e: {  	_ =	sfence.sel $0x180000  }
0x17f: {  	[bflag:$0x0] =	sbarrier.arrive $0xFFFF  }
0x180: {  	_ =	strace $0x9000004A  }
0x181: {  	s0 =	stileid.u32;
	[bflag:$0x2] =	sbarrier.arrive $0xFFFF  }
0x182: {  	p0 =	sne.s32 s0, $0x0;
	s0 =	rddreg [dreg:$0x2]  }
0x183: {  	s0 =	sadd.s32 @!p0 $0x100000, s0  }
0x184: {  	[sflag:s0] =	ssyncadd.tile.s32 @!p0 $0x1;
	_ =	shalt  }
.Lfunc_end2:
_tile_overlayer_lowered:
.L_overlay_start_2:
0x185: {  	(tag) =	ssettag $0x2  }
0x186: {  	s0 =	rddreg [dreg:$0x0];
	s2 =	stileid.u32  }
0x187: {  	s1 =	rddreg [dreg:$0x1];
	p0 =	sne.s32 s2, $0x0  }
0x188: {  	s3 =	rddreg [dreg:$0x2];
	[bflag:$0x3] =	sbarrier.arrive $0xFFFF;
	s2 =	simm.s32 @!p0 $0x1C13  }
0x189: {  	[timem:s3], [sflag:s2] =	dma.local @!p0 [hbm:s0], s1  }
0x18a: {  	s0 =	simm.s32 @!p0 $0x13  }
0x18b: {  	_ =	swait.ge @!p0 [sflag:s0], s1  }
0x18c: {  	s1 =	ssub.s32 @!p0 $0x0, s1;
	[sflag:s0] =	ssyncset.done @!p0 $0x0  }
0x18d: {  	[sflag:s0] =	ssyncadd.s32 @!p0 s1  }
0x18e: {  	[bflag:$0x3] =	sbarrier.arrive $0xFFFF  }
0x18f: {  	_ =	shalt  }

// kernel: kernel.15.cloned.1.call-start
scs
__scs_entry_jumppad:
0x0: {  	(pc) =	sbr.rel $0x88, $3  }
0x1: {  	(tag) =	ssettag $0x0;
	lr =	simm.s32 $0x1  }
0x2: {  	[smem:$0x3F98] =	sst lr;
	_ =	strace $0xD0000000  }
0x3: {  	_ = 	snop  }
0x4: {  	_ = 	snop  }
0x5: {  	_ = 	snop  }
0x6: {  	_ = 	snop  }
0x7: {  	_ = 	snop  }
__scs_overlays_trampoline_lowered:
0x8: {  	[smem:$0x3FA7] =	sst s0  }
0x9: {  	[smem:$0x3FA8] =	sst s1  }
0xa: {  	[smem:$0x3FA9] =	sst s2  }
0xb: {  	[smem:$0x3FAA] =	sst s3  }
0xc: {  	[smem:$0x3FAB] =	sst s4  }
0xd: {  	[smem:$0x3FAC] =	sst s5  }
0xe: {  	[smem:$0x3FAD] =	sst s6  }
0xf: {  	[smem:$0x3FAE] =	sst s7  }
0x10: {  	[smem:$0x3FAF] =	sst s8  }
0x11: {  	[smem:$0x3FB0] =	sst s9;
	s0 =	simm.s32 @!p0 $0x0  }
0x12: {  	s1 =	sld [smem:$0x3F96];
	s0 =	simm.s32 @p0 $0x1  }
0x13: {  	[smem:$0x3FB1] =	sst s0;
	s0 =	simm.s32 @!p1 $0x0  }
0x14: {  	s2 =	sld [smem:$0x3F95];
	s0 =	simm.s32 @p1 $0x1  }
0x15: {  	[smem:$0x3FB2] =	sst s0;
	s0 =	simm.s32 @!p2 $0x0  }
0x16: {  	s3 =	sld [smem:$0x3FDB];
	s0 =	simm.s32 @p2 $0x1  }
0x17: {  	s4 =	simm.s32 $0x1BF5;
	[smem:$0x3FB4] =	sst s0  }
0x18: {  	s0 =	sld [smem:$0x3F97];
	_ =	swait.ge [sflag:s4], $0x0  }
0x19: {  	s7 =	sld [smem:$0x3F98]  }
0x1a: {  	s8 =	sadd.s32 $0xFFFFE003, lr  }
0x1b: {  	s9 =	sadd.s32 $0xFFFFFEF7, lr;
	s5 =	simm.s32 $0xFFFFFFFF;
	p2 =	slt.u32 s8, $0xFFFFF086  }
0x1c: {  	p1 =	slt.u32 s9, $0xF7A;
	s5 =	simm.s32 @!p2 $0x0  }
0x1d: {  	s5 =	simm.s32 @p1 $0x1;
	p0 =	seq.s32 s7, s2  }
0x1e: {  	s7 =	smul.u32 @!p0 $0xF7A, s2;
	p2 =	seq.s32 @!p0 s5, $0x0  }
0x1f: {  	s9 =	smul.u32 $0xF7A, s1;
	s8 =	simm.s32 @!p0 $0x1BF5;
	p2 =	por !p2, p0  }
0x20: {  	[sflag:s8] =	ssyncset.s32 @!p0 $0xFFFFF086;
	s6 =	sadd.s32 @!p0 s3, s7;
	s7 =	simm.s32 @!p0 $0x108  }
0x21: {  	s3 =	sadd.s32 s3, s9;
	s6 =	sadd.s32 @!p0 $0x88, s6;
	s7 =	simm.s32 @p2 $0x1082  }
0x22: {  	[simem:s7], [sflag:s8] =	dma.local @!p0 [hbm:s6], $0xF7A  }
0x23: {  	s9 =	sor.u32 $0xD0000000, s2;
	s6 =	simm.s32 $0x108;
	_ =	swait.ge @!p0 [sflag:s8], $0x0  }
0x24: {  	s3 =	sadd.s32 $0x88, s3;
	s6 =	simm.s32 @!p1 $0x1082;
	[sflag:s4] =	ssyncset.s32 $0xFFFFF086  }
0x25: {  	[simem:s6], [sflag:s4] =	dma.local [hbm:s3], $0xF7A  }
0x26: {  	[smem:$0x3F98] =	sst s1;
	(tag) =	ssettag s2;
	_ =	strace s9  }
0x27: {  	s1 =	sld [smem:$0x3FA8]  }
0x28: {  	s2 =	sld [smem:$0x3FA9]  }
0x29: {  	s4 =	sld [smem:$0x3FAB]  }
0x2a: {  	p0 =	seq.s32 s5, $0x0;
	s5 =	sld [smem:$0x3FAC]  }
0x2b: {  	s6 =	sld [smem:$0x3FAD]  }
0x2c: {  	s7 =	sld [smem:$0x3FAE]  }
0x2d: {  	s3 =	simm.s32 $0x108;
	s8 =	sld [smem:$0x3FAF]  }
0x2e: {  	s3 =	simm.s32 @!p0 $0x1082;
	s9 =	sld [smem:$0x3FB0]  }
0x2f: {  	lr =	sadd.s32 s0, s3;
	s0 =	sld [smem:$0x3FA7]  }
0x30: {  	s3 =	sld [smem:$0x3FAA]  }
0x31: {  	[smem:$0x3FB3] =	sst s10  }
0x32: {  	s10 =	sld [smem:$0x3FB1];
	_ =	sdelay $0x3  }
0x33: {  	p0 =	seq.s32 s10, $0x1;
	s10 =	sld [smem:$0x3FB3];
	_ =	sdelay $0x3  }
0x34: {  	[smem:$0x3FB3] =	sst s10  }
0x35: {  	s10 =	sld [smem:$0x3FB2];
	_ =	sdelay $0x3  }
0x36: {  	p1 =	seq.s32 s10, $0x1;
	s10 =	sld [smem:$0x3FB3];
	_ =	sdelay $0x3  }
0x37: {  	[smem:$0x3FB3] =	sst s10  }
0x38: {  	s10 =	sld [smem:$0x3FB4]  }
0x39: {  	_ = 	snop;
	(pc) =	sbr.ind lr, $3  }
0x3a: {  	_ = 	snop  }
0x3b: {  	_ = 	snop  }
0x3c: {  	p2 =	seq.s32 s10, $0x1;
	s10 =	sld [smem:$0x3FB3]  }
0x3d: {  	_ =	shalt  }
0x3e: {  	_ =	shalt  }
0x3f: {  	_ =	shalt  }
0x40: {  	_ =	shalt  }
0x41: {  	_ =	shalt  }
0x42: {  	_ =	shalt  }
0x43: {  	_ =	shalt  }
0x44: {  	_ =	shalt  }
0x45: {  	_ =	shalt  }
0x46: {  	_ =	shalt  }
0x47: {  	_ =	shalt  }
0x48: {  	_ =	shalt  }
0x49: {  	_ =	shalt  }
0x4a: {  	_ =	shalt  }
0x4b: {  	_ =	shalt  }
0x4c: {  	_ =	shalt  }
0x4d: {  	_ =	shalt  }
0x4e: {  	_ =	shalt  }
0x4f: {  	_ =	shalt  }
0x50: {  	_ =	shalt  }
0x51: {  	_ =	shalt  }
0x52: {  	_ =	shalt  }
0x53: {  	_ =	shalt  }
0x54: {  	_ =	shalt  }
0x55: {  	_ =	shalt  }
0x56: {  	_ =	shalt  }
0x57: {  	_ =	shalt  }
0x58: {  	_ =	shalt  }
0x59: {  	_ =	shalt  }
0x5a: {  	_ =	shalt  }
0x5b: {  	_ =	shalt  }
0x5c: {  	_ =	shalt  }
0x5d: {  	_ =	shalt  }
0x5e: {  	_ =	shalt  }
0x5f: {  	_ =	shalt  }
0x60: {  	_ =	shalt  }
0x61: {  	_ =	shalt  }
0x62: {  	_ =	shalt  }
0x63: {  	_ =	shalt  }
0x64: {  	_ =	shalt  }
0x65: {  	_ =	shalt  }
0x66: {  	_ =	shalt  }
0x67: {  	_ =	shalt  }
0x68: {  	_ =	shalt  }
0x69: {  	_ =	shalt  }
0x6a: {  	_ =	shalt  }
0x6b: {  	_ =	shalt  }
0x6c: {  	_ =	shalt  }
0x6d: {  	_ =	shalt  }
0x6e: {  	_ =	shalt  }
0x6f: {  	_ =	shalt  }
0x70: {  	_ =	shalt  }
0x71: {  	_ =	shalt  }
0x72: {  	_ =	shalt  }
0x73: {  	_ =	shalt  }
0x74: {  	_ =	shalt  }
0x75: {  	_ =	shalt  }
0x76: {  	_ =	shalt  }
0x77: {  	_ =	shalt  }
0x78: {  	_ =	shalt  }
0x79: {  	_ =	shalt  }
0x7a: {  	_ =	shalt  }
0x7b: {  	_ =	shalt  }
0x7c: {  	_ =	shalt  }
0x7d: {  	_ =	shalt  }
0x7e: {  	_ =	shalt  }
0x7f: {  	_ =	shalt  }
0x80: {  	_ =	shalt  }
0x81: {  	_ =	shalt  }
0x82: {  	_ =	shalt  }
0x83: {  	_ =	shalt  }
0x84: {  	_ =	shalt  }
0x85: {  	_ =	shalt  }
0x86: {  	_ =	shalt  }
0x87: {  	_ =	shalt  }
.Lfunc_end0:
.L_simem_size_0:
called_computation.2_lowered:
.L_overlay_start_0:
0x88: {  	s2 =	sld [smem:$0x3FD9]  }
0x89: {  	s3 =	sld [smem:$0x3FFE];
	_ =	sdelay $0x1  }
0x8a: {  	s1 =	srdreg.scid  }
0x8b: {  	s0 =	sand.u32 $0x1, s1  }
0x8c: {  	s16 =	sshll.u32 s0, $0xA;
	s2 =	sadd.s32 s3, s2  }
0x8d: {  	s2 =	sadd.s32 s2, s16  }
0x8e: {  	[smem:$0x3FBF] =	sst s2  }
0x8f: {  	_ = 	snop  }
0x90: {  	(tm) =	ssettm $0x1  }
0x91: {  	s17 =	sld [smem:$0x3FFB];
	_ =	sdelay $0x3  }
0x92: {  	_ =	strace s17  }
0x93: {  	s2 =	sld [smem:$0x3FFC];
	_ =	sdelay $0x3  }
0x94: {  	_ =	strace s2  }
0x95: {  	s2 =	sld [smem:$0x3FFD];
	_ =	sdelay $0x3  }
0x96: {  	_ =	strace s2  }
0x97: {  	_ =	strace $0x8FFFFFFF  }
0x98: {  	s18 =	sld [smem:$0x3FDB];
	_ =	sdelay $0x1  }
0x99: {  	s19 =	simm.s32 $_scs_section_size  }
0x9a: {  	s4 =	simm.s32 $_size__tile_overlayer_lowered;
	s5 =	simm.s32 $_tile_overlayer_lowered  }
0x9b: {  	s22 =	simm.s32 $0x1BFF;
	s21 =	sshll.u32 s5, $0x1;
	s2 =	sadd.s32 s19, s18  }
0x9c: {  	s6 =	simm.s32 $0x0;
	s20 =	sshll.u32 s4, $0x1;
	s4 =	sadd.s32 s21, s2  }
0x9d: {  	[timem:s6], [sflag:s22] =	dma.local [hbm:s4], s20  }
0x9e: {  	_ =	swait.ge [sflag:s22], s20  }
0x9f: {  	s3 =	ssub.s32 $0x0, s20;
	[sflag:s22] =	ssyncset.done $0x0  }
0xa0: {  	[sflag:s22] =	ssyncadd.s32 s3;
	_ =	sdelay $0x1  }
0xa1: {  	s23 =	simm.s32 $0x1B8B  }
0xa2: {  	_ =	swait.ge [sflag:s23], $0x1  }
0xa3: {  	[sflag:s23] =	ssyncset.done $0x0  }
0xa4: {  	s25 =	simm.s32 $0x1B8E;
	s24 =	sld [smem:$0x3FFE];
	[sflag:s23] =	ssyncadd.s32 $0xFFFFFFFF  }
0xa5: {  	s26 =	simm.s32 $execute0_lowered;
	[smem:$0x3FD2] =	sst s25  }
0xa6: {  	s4 =	sshll.u32 s26, $0x1;
	_ =	strace $0x8000004C;
	[dreg:$0x1] =	wrdreg $0xFFFFFFFF  }
0xa7: {  	s28 =	simm.s32 $_size_execute0_lowered;
	s2 =	sadd.s32 s2, s4;
	[dreg:$0x0] =	wrdreg $0x0  }
0xa8: {  	s4 =	sshll.u32 s28, $0x1;
	[dreg:$0x2] =	wrdreg s2  }
0xa9: {  	[dreg:$0x3] =	wrdreg s4  }
0xaa: {  	[dreg:$0x4] =	wrdreg $0xC0  }
0xab: {  	_ =	task [dreg:s6], $0x5FFFF  }
0xac: {  	[dreg:$0x1] =	wrdreg $0xFFFFFFFF  }
0xad: {  	[dreg:$0x0] =	wrdreg $0x60  }
0xae: {  	[dreg:$0x2] =	wrdreg s24  }
0xaf: {  	[dreg:$0x3] =	wrdreg $0x58000  }
0xb0: {  	[dreg:$0x4] =	wrdreg $0x9  }
0xb1: {  	_ =	task.clear_ibuf [dreg:s6], $0x5FFFF;
	_ =	strace $0x9000004C  }
0xb2: {  	s29 =	simm.s32 $0x9;
	_ =	strace $0x8000004E  }
0xb3: {  	_ =	swait.ge [sflag:s29], $0x1  }
0xb4: {  	[sflag:s29] =	ssyncadd.s32 $0xFFFFFFFF  }
0xb5: {  	_ =	strace $0x9000004E  }
0xb6: {  	_ =	sfence  }
0xb7: {  	s30 =	sld [smem:$0x0];
	_ =	sdelay $0x2  }
0xb8: {  	s31 =	sshll.u32 s1, $0xD;
	s1 =	sshrl.u32 s1, $0x2  }
0xb9: {  	s3 =	sand.u32 $0x4000, s31;
	s1 =	sadd.s32 s1, s30  }
0xba: {  	s0 =	sor.u32 s3, s0;
	s1 =	sshll.u32 s1, $0x11  }
0xbb: {  	s0 =	sor.u32 s1, s0  }
0xbc: {  	s0 =	sadd.s32 $0x8F2B, s0  }
0xbd: {  	[sflag:s0] =	ssyncadd.remote.s32 $0x1  }
0xbe: {  	_ =	sfence.sel $0xFFFF  }
0xbf: {  	[dreg:$0x0] =	wrdreg $0xFFFFFFFF;
	(pc) =	sbr.abs _section_cstart, $3  }
0xc0: {  	[dreg:$0x1] =	wrdreg $0xFFFFFFFF  }
0xc1: {  	_ =	task.clear_ibuf [dreg:s6], $0x2FFFF;
	_ =	strace $0x9FFFFFFF  }
0xc2: {  	(tm) =	ssettm $0x7FFFFFFF  }
0xc3: {  	_ =	shalt  }
tec
execute0_lowered:
.L_overlay_start_1:
0x0: {  	(tag) =	ssettag $0x1  }
0x1: {  	s0 =	rddreg [dreg:$0x0]  }
0x2: {  	s2 =	rddreg [dreg:$0x1]  }
0x3: {  	s3 =	simm.s32 $0x0;
	s1 =	srdreg.scid;
	s9 =	stileid.u32  }
0x4: {  	s18 =	simm.s32 $0x80;
	s30 =	simm.s32 $0x5;
	s31 =	simm.s32 $0x6  }
0x5: {  	s13 =	simm.s32 $0xE;
	s17 =	simm.s32 $0xF;
	s14 =	simm.s32 $0x11  }
0x6: {  	s16 =	simm.s32 $0x12;
	s15 =	simm.s32 $0x1;
	s28 =	simm.s32 $0x4000  }
0x7: {  	s29 =	simm.s32 $0x4800;
	[smem:$0x7FF] =	sst s3;
	s1 =	sand.u32 $0x1, s1  }
0x8: {  	s19 =	smul.u32 $0x30E0, s9;
	s4 =	sadd.s32 $0x33400, s0;
	s10 =	sadd.s32 $0x190200, s0  }
0x9: {  	s11 =	sadd.s32 $0x66600, s0;
	s12 =	sadd.s32 $0x2600, s0;
	s7 =	sshll.u32 s9, $0x1  }
0xa: {  	s8 =	smul.u32 $0x18700, s9;
	s24 =	sshll.u32 s9, $0x6;
	s9 =	simm.s32 $0x10  }
0xb: {  	_ =	strace $0x8000004D;
	s5 =	smul.u32 $0x30E00, s1;
	[dreg:$0x6] =	wrdreg s12  }
0xc: {  	s20 =	ssub.s32 $0x2, s1;
	s1 =	sor.u32 s1, s7;
	[dreg:$0x4] =	wrdreg s10  }
0xd: {  	[dreg:$0x5] =	wrdreg s11;
	s6 =	sshrl.u32 s20, $0x1;
	s7 =	smul.u32 $0x3200, s1  }
0xe: {  	s22 =	sadd.s32 s8, s2;
	s23 =	sshrl.u32 s8, $0x3;
	s1 =	smul.u32 $0x19000, s1  }
0xf: {  	s8 =	simm.s32 $0x9;
	s3 =	sadd.s32 s19, s5;
	s21 =	ssub.s32 s20, s6  }
0x10: {  	s6 =	sadd.s32 s12, s23;
	s19 =	sshrl.u32 s22, $0x3;
	s20 =	simm.s32 $0x13  }
0x11: {  	s22 =	simm.s32 $0x5000;
	s23 =	simm.s32 $0x800;
	[dreg:$0x7] =	wrdreg s6  }
0x12: {  	s12 =	simm.s32 $0xD;
	s0 =	sadd.s32 s3, s0;
	[dreg:$0x3] =	wrdreg s1  }
0x13: {  	s6 =	sor.u32 $0x1C13, s24;
	s25 =	sadd.s32 s10, s7;
	[dreg:$0xd] =	wrdreg s19  }
0x14: {  	s7 =	sadd.s32 s11, s7;
	s26 =	smax.u32 s21, $0x1;
	[dreg:$0x9] =	wrdreg s25  }
0x15: {  	s1 =	simm.s32 $0x8;
	s10 =	simm.s32 $0xA;
	[dreg:$0xa] =	wrdreg s7  }
0x16: {  	s11 =	simm.s32 $0xC;
	s3 =	simm.s32 $0x2;
	[dreg:$0xc] =	wrdreg s26  }
0x17: {  	s21 =	simm.s32 $0x0;
	s0 =	sadd.s32 $0xCA600, s0;
	[dreg:$0x8] =	wrdreg s6  }
0x18: {  	s7 =	simm.s32 $0xB;
	[dreg:$0xb] =	wrdreg s0;
	s0 =	simm.s32 $0x7  }
.LBB2_1:
0x19: {  	[dreg:$0xe] =	wrdreg s21  }
0x1a: {  	s5 =	rddreg [dreg:$0x7]  }
0x1b: {  	[spmem:s19], [sflag:s6] =	dma.local [hbm:s5], $0x30E0  }
0x1c: {  	_ =	swait.ge [sflag:s20], $0x30E0  }
0x1d: {  	[sflag:s20] =	ssyncset.done $0x0  }
0x1e: {  	s21 =	simm.s32 $0x0;
	s25 =	rddreg [dreg:$0x6];
	[sflag:s20] =	ssyncadd.s32 $0xFFFFCF20  }
0x1f: {  	[tilespmem:s22], [sflag:$0x13] =	stream.linear.gather [hbm4b:s25+s21], $0x800, $0x38;
	[tilespmem:$0x1DF00] =	vst v63  }
0x20: {  	_ =	swait.ge [sflag:s20], $0x800  }
0x21: {  	[sflag:s20] =	ssyncset.done $0x0  }
0x22: {  	[sflag:s20] =	ssyncadd.s32 $0xFFFFF800  }
0x23: {  	[bflag:$0x0] =	sbarrier.arrive $0xFFFF  }
0x24: {  	s26 =	rddreg [dreg:$0x9]  }
0x25: {  	[tilespmem:s21], [sflag:$0x13] =	stream.linear.gather [hbm4b:s26+s21], $0x400, $0x38;
	[tilespmem:$0x1DF00] =	vst v63  }
0x26: {  	_ =	swait.ge [sflag:s20], $0x400  }
0x27: {  	[sflag:s20] =	ssyncset.done $0x0  }
0x28: {  	s6 =	rddreg [dreg:$0xa];
	[sflag:s20] =	ssyncadd.s32 $0xFFFFFC00  }
0x29: {  	[tilespmem:s23], [sflag:$0x13] =	stream.linear.gather [hbm4b:s6+s21], $0x400, $0x38;
	[tilespmem:$0x1DF00] =	vst v63  }
0x2a: {  	p0 =	por $0x0, $0x0;
	s6 =	simm.s32 $0x400;
	_ =	swait.ge [sflag:s20], $0x400  }
0x2b: {  	s22 =	simm.s32 $0x0;
	s6 =	simm.s32 @p0 $0x0;
	s19 =	rddreg [dreg:$0x3]  }
0x2c: {  	[sflag:s20] =	ssyncset.done $0x0;
	s24 =	rddreg [dreg:$0x4];
	s5 =	sadd.s32 s19, s6  }
0x2d: {  	s26 =	rddreg [dreg:$0x5];
	s6 =	sand.u32 $0x400, s22;
	s5 =	sshrl.u32 s5, $0x3  }
0x2e: {  	[sflag:s20] =	ssyncadd.s32 $0xFFFFFC00;
	s23 =	sxor.u32 $0x400, s6;
	s20 =	sadd.s32 s24, s5  }
0x2f: {  	[tilespmem:s23], [sflag:$0x1] =	stream.linear.gather [hbm4b:s20+s21], $0x400, $0x38;
	[tilespmem:$0x1DF00] =	vst v63  }
0x30: {  	s25 =	sxor.u32 $0xC00, s6;
	s5 =	sadd.s32 s26, s5  }
0x31: {  	[tilespmem:s25], [sflag:$0x2] =	stream.linear.gather [hbm4b:s5+s21], $0x400, $0x38;
	[tilespmem:$0x1DF00] =	vst v63  }
0x32: {  	s19 =	simm.s32 $0x1000  }
0x33: {  	[tilespmem:s19], [sflag:$0x3] =	stream.indirect.gather [hbm4b:s4+s18], $0x10, s6, s18, $0xb8;
	[tilespmem:$0x1DF00] =	vst v63  }
0x34: {  	s20 =	simm.s32 $0x1800;
	s21 =	sor.u32 $0x80, s6  }
0x35: {  	[tilespmem:s20], [sflag:$0x4] =	stream.indirect.gather [hbm4b:s4+s18], $0x10, s21, s18, $0xb8;
	[tilespmem:$0x1DF00] =	vst v63  }
0x36: {  	s22 =	sor.u32 $0x100, s6;
	s21 =	simm.s32 $0x2000  }
0x37: {  	[tilespmem:s21], [sflag:$0x5] =	stream.indirect.gather [hbm4b:s4+s18], $0x10, s22, s18, $0xb8;
	[tilespmem:$0x1DF00] =	vst v63  }
0x38: {  	s23 =	sor.u32 $0x180, s6;
	s22 =	simm.s32 $0x2800  }
0x39: {  	[tilespmem:s22], [sflag:$0x6] =	stream.indirect.gather [hbm4b:s4+s18], $0x10, s23, s18, $0xb8;
	[tilespmem:$0x1DF00] =	vst v63  }
0x3a: {  	s24 =	sor.u32 $0x200, s6;
	s23 =	simm.s32 $0x3000  }
0x3b: {  	[tilespmem:s23], [sflag:$0x7] =	stream.indirect.gather [hbm4b:s4+s18], $0x10, s24, s18, $0xb8;
	[tilespmem:$0x1DF00] =	vst v63  }
0x3c: {  	s25 =	sor.u32 $0x280, s6;
	s24 =	simm.s32 $0x3800  }
0x3d: {  	[tilespmem:s24], [sflag:$0x8] =	stream.indirect.gather [hbm4b:s4+s18], $0x10, s25, s18, $0xb8;
	[tilespmem:$0x1DF00] =	vst v63  }
0x3e: {  	s26 =	sor.u32 $0x300, s6;
	s25 =	simm.s32 $0x4000  }
0x3f: {  	[tilespmem:s25], [sflag:$0x9] =	stream.indirect.gather [hbm4b:s4+s18], $0x10, s26, s18, $0xb8;
	[tilespmem:$0x1DF00] =	vst v63  }
0x40: {  	s5 =	sor.u32 $0x380, s6;
	s26 =	simm.s32 $0x4800  }
0x41: {  	[tilespmem:s26], [sflag:$0xA] =	stream.indirect.gather [hbm4b:s4+s18], $0x10, s5, s18, $0xb8;
	[tilespmem:$0x1DF00] =	vst v63  }
0x42: {  	s5 =	simm.s32 $0x3  }
0x43: {  	_ =	swait.ge [sflag:s5], $0x800  }
0x44: {  	[sflag:s5] =	ssyncset.done $0x0  }
0x45: {  	[sflag:s5] =	ssyncadd.s32 $0xFFFFF800;
	s5 =	sor.u32 $0x800, s6  }
0x46: {  	[spmem:s2] =	stream.indirect.scatter.add.f32 [tilespmem:s19], [sflag:$0xB], $0x10, s5, s18, $0xb8;
	[tilespmem:$0x1DF00] =	vst v63  }
0x47: {  	s19 =	simm.s32 $0x4  }
0x48: {  	_ =	swait.ge [sflag:s19], $0x800  }
0x49: {  	[sflag:s19] =	ssyncset.done $0x0  }
0x4a: {  	[sflag:s19] =	ssyncadd.s32 $0xFFFFF800;
	s19 =	sor.u32 $0x880, s6  }
0x4b: {  	[spmem:s2] =	stream.indirect.scatter.add.f32 [tilespmem:s20], [sflag:$0xC], $0x10, s19, s18, $0xb8;
	[tilespmem:$0x1DF00] =	vst v63  }
0x4c: {  	_ =	swait.ge [sflag:s30], $0x800  }
0x4d: {  	[sflag:s30] =	ssyncset.done $0x0  }
0x4e: {  	s20 =	sor.u32 $0x900, s6;
	[sflag:s30] =	ssyncadd.s32 $0xFFFFF800  }
0x4f: {  	[spmem:s2] =	stream.indirect.scatter.add.f32 [tilespmem:s21], [sflag:$0xD], $0x10, s20, s18, $0xb8;
	[tilespmem:$0x1DF00] =	vst v63  }
0x50: {  	_ =	swait.ge [sflag:s31], $0x800  }
0x51: {  	[sflag:s31] =	ssyncset.done $0x0  }
0x52: {  	s21 =	sor.u32 $0x980, s6;
	[sflag:s31] =	ssyncadd.s32 $0xFFFFF800  }
0x53: {  	[spmem:s2] =	stream.indirect.scatter.add.f32 [tilespmem:s22], [sflag:$0xE], $0x10, s21, s18, $0xb8;
	[tilespmem:$0x1DF00] =	vst v63  }
0x54: {  	_ =	swait.ge [sflag:s0], $0x800  }
0x55: {  	[sflag:s0] =	ssyncset.done $0x0  }
0x56: {  	s22 =	sor.u32 $0xA00, s6;
	[sflag:s0] =	ssyncadd.s32 $0xFFFFF800  }
0x57: {  	[spmem:s2] =	stream.indirect.scatter.add.f32 [tilespmem:s23], [sflag:$0xF], $0x10, s22, s18, $0xb8;
	[tilespmem:$0x1DF00] =	vst v63  }
0x58: {  	_ =	swait.ge [sflag:s1], $0x800  }
0x59: {  	[sflag:s1] =	ssyncset.done $0x0  }
0x5a: {  	s23 =	sor.u32 $0xA80, s6;
	[sflag:s1] =	ssyncadd.s32 $0xFFFFF800  }
0x5b: {  	[spmem:s2] =	stream.indirect.scatter.add.f32 [tilespmem:s24], [sflag:$0x10], $0x10, s23, s18, $0xb8;
	[tilespmem:$0x1DF00] =	vst v63  }
0x5c: {  	_ =	swait.ge [sflag:s8], $0x800  }
0x5d: {  	[sflag:s8] =	ssyncset.done $0x0  }
0x5e: {  	s24 =	sor.u32 $0xB00, s6;
	[sflag:s8] =	ssyncadd.s32 $0xFFFFF800  }
0x5f: {  	[spmem:s2] =	stream.indirect.scatter.add.f32 [tilespmem:s25], [sflag:$0x11], $0x10, s24, s18, $0xb8;
	[tilespmem:$0x1DF00] =	vst v63  }
0x60: {  	_ =	swait.ge [sflag:s10], $0x800  }
0x61: {  	[sflag:s10] =	ssyncset.done $0x0  }
0x62: {  	s25 =	sor.u32 $0xB80, s6;
	[sflag:s10] =	ssyncadd.s32 $0xFFFFF800  }
0x63: {  	[spmem:s2] =	stream.indirect.scatter.add.f32 [tilespmem:s26], [sflag:$0x12], $0x10, s25, s18, $0xb8;
	[tilespmem:$0x1DF00] =	vst v63  }
0x64: {  	_ =	swait.ge [sflag:s7], $0x800  }
0x65: {  	[sflag:s7] =	ssyncset.done $0x0  }
0x66: {  	[sflag:s7] =	ssyncadd.s32 $0xFFFFF800  }
0x67: {  	_ =	swait.ge [sflag:s11], $0x800  }
0x68: {  	[sflag:s11] =	ssyncset.done $0x0  }
0x69: {  	[sflag:s11] =	ssyncadd.s32 $0xFFFFF800  }
0x6a: {  	_ =	swait.ge [sflag:s12], $0x800  }
0x6b: {  	[sflag:s12] =	ssyncset.done $0x0  }
0x6c: {  	[sflag:s12] =	ssyncadd.s32 $0xFFFFF800  }
0x6d: {  	_ =	swait.ge [sflag:s13], $0x800  }
0x6e: {  	[sflag:s13] =	ssyncset.done $0x0  }
0x6f: {  	[sflag:s13] =	ssyncadd.s32 $0xFFFFF800  }
0x70: {  	_ =	swait.ge [sflag:s17], $0x800  }
0x71: {  	[sflag:s17] =	ssyncset.done $0x0  }
0x72: {  	[sflag:s17] =	ssyncadd.s32 $0xFFFFF800  }
0x73: {  	_ =	swait.ge [sflag:s9], $0x800  }
0x74: {  	[sflag:s9] =	ssyncset.done $0x0  }
0x75: {  	[sflag:s9] =	ssyncadd.s32 $0xFFFFF800  }
0x76: {  	_ =	swait.ge [sflag:s14], $0x800  }
0x77: {  	[sflag:s14] =	ssyncset.done $0x0  }
0x78: {  	[sflag:s14] =	ssyncadd.s32 $0xFFFFF800  }
0x79: {  	_ =	swait.ge [sflag:s16], $0x800  }
0x7a: {  	[sflag:s16] =	ssyncset.done $0x0  }
0x7b: {  	[sflag:s16] =	ssyncadd.s32 $0xFFFFF800  }
0x7c: {  	_ =	swait.ge [sflag:s15], $0x400  }
0x7d: {  	[sflag:s15] =	ssyncset.done $0x0  }
0x7e: {  	[sflag:s15] =	ssyncadd.s32 $0xFFFFFC00  }
0x7f: {  	s5 =	simm.s32 $0x800;
	_ =	swait.ge [sflag:s3], $0x400  }
0x80: {  	s6 =	simm.s32 $0xC00;
	s19 =	rddreg [dreg:$0x3];
	[sflag:s3] =	ssyncset.done $0x0  }
.LBB2_2:
0x81: {  	p1 =	seq.s32 s5, $0x19000;
	s21 =	smov.u32 s6  }
0x82: {  	s20 =	sadd.s32 $0x400, s6;
	p0 =	sne.s32 s6, $0x19000;
	s6 =	smov.u32 s5  }
0x83: {  	[sflag:s3] =	ssyncadd.s32 $0xFFFFFC00;
	s6 =	simm.s32 @p1 $0x0  }
0x84: {  	s23 =	sadd.s32 $0xFFFFFC00, s5;
	s22 =	rddreg [dreg:$0x4];
	s6 =	sadd.s32 s19, s6  }
0x85: {  	s26 =	rddreg [dreg:$0x5];
	s19 =	sand.u32 $0x400, s23;
	s6 =	sshrl.u32 s6, $0x3  }
0x86: {  	s23 =	simm.s32 $0x0;
	s24 =	sxor.u32 $0x400, s19;
	s22 =	sadd.s32 s22, s6  }
0x87: {  	[tilespmem:s24], [sflag:$0x1] =	stream.linear.gather [hbm4b:s22+s23], $0x400, $0x38;
	[tilespmem:$0x1DF00] =	vst v63  }
0x88: {  	s25 =	sxor.u32 $0xC00, s19;
	s6 =	sadd.s32 s26, s6  }
0x89: {  	[tilespmem:s25], [sflag:$0x2] =	stream.linear.gather [hbm4b:s6+s23], $0x400, $0x38;
	[tilespmem:$0x1DF00] =	vst v63  }
0x8a: {  	s5 =	smov.u32 s21;
	s21 =	simm.s32 $0x1000  }
0x8b: {  	[tilespmem:s21], [sflag:$0x3] =	stream.indirect.gather [hbm4b:s4+s18], $0x10, s19, s18, $0xb8;
	[tilespmem:$0x1DF00] =	vst v63  }
0x8c: {  	s22 =	simm.s32 $0x1800;
	s23 =	sor.u32 $0x80, s19  }
0x8d: {  	[tilespmem:s22], [sflag:$0x4] =	stream.indirect.gather [hbm4b:s4+s18], $0x10, s23, s18, $0xb8;
	[tilespmem:$0x1DF00] =	vst v63  }
0x8e: {  	s24 =	sor.u32 $0x100, s19;
	s23 =	simm.s32 $0x2000  }
0x8f: {  	[tilespmem:s23], [sflag:$0x5] =	stream.indirect.gather [hbm4b:s4+s18], $0x10, s24, s18, $0xb8;
	[tilespmem:$0x1DF00] =	vst v63  }
0x90: {  	s25 =	sor.u32 $0x180, s19;
	s24 =	simm.s32 $0x2800  }
0x91: {  	[tilespmem:s24], [sflag:$0x6] =	stream.indirect.gather [hbm4b:s4+s18], $0x10, s25, s18, $0xb8;
	[tilespmem:$0x1DF00] =	vst v63  }
0x92: {  	s26 =	sor.u32 $0x200, s19;
	s25 =	simm.s32 $0x3000  }
0x93: {  	[tilespmem:s25], [sflag:$0x7] =	stream.indirect.gather [hbm4b:s4+s18], $0x10, s26, s18, $0xb8;
	[tilespmem:$0x1DF00] =	vst v63  }
0x94: {  	s6 =	sor.u32 $0x280, s19;
	s26 =	simm.s32 $0x3800  }
0x95: {  	[tilespmem:s26], [sflag:$0x8] =	stream.indirect.gather [hbm4b:s4+s18], $0x10, s6, s18, $0xb8;
	[tilespmem:$0x1DF00] =	vst v63  }
0x96: {  	s6 =	sor.u32 $0x300, s19  }
0x97: {  	[tilespmem:s28], [sflag:$0x9] =	stream.indirect.gather [hbm4b:s4+s18], $0x10, s6, s18, $0xb8;
	[tilespmem:$0x1DF00] =	vst v63  }
0x98: {  	s6 =	sor.u32 $0x380, s19  }
0x99: {  	[tilespmem:s29], [sflag:$0xA] =	stream.indirect.gather [hbm4b:s4+s18], $0x10, s6, s18, $0xb8;
	[tilespmem:$0x1DF00] =	vst v63  }
0x9a: {  	s6 =	simm.s32 $0x3  }
0x9b: {  	_ =	swait.ge [sflag:s6], $0x800  }
0x9c: {  	[sflag:s6] =	ssyncset.done $0x0  }
0x9d: {  	[sflag:s6] =	ssyncadd.s32 $0xFFFFF800;
	s6 =	sor.u32 $0x800, s19  }
0x9e: {  	[spmem:s2] =	stream.indirect.scatter.add.f32 [tilespmem:s21], [sflag:$0xB], $0x10, s6, s18, $0xb8;
	[tilespmem:$0x1DF00] =	vst v63  }
0x9f: {  	s21 =	simm.s32 $0x4  }
0xa0: {  	_ =	swait.ge [sflag:s21], $0x800  }
0xa1: {  	[sflag:s21] =	ssyncset.done $0x0  }
0xa2: {  	[sflag:s21] =	ssyncadd.s32 $0xFFFFF800;
	s21 =	sor.u32 $0x880, s19  }
0xa3: {  	[spmem:s2] =	stream.indirect.scatter.add.f32 [tilespmem:s22], [sflag:$0xC], $0x10, s21, s18, $0xb8;
	[tilespmem:$0x1DF00] =	vst v63  }
0xa4: {  	_ =	swait.ge [sflag:s30], $0x800  }
0xa5: {  	[sflag:s30] =	ssyncset.done $0x0  }
0xa6: {  	s21 =	sor.u32 $0x900, s19;
	[sflag:s30] =	ssyncadd.s32 $0xFFFFF800  }
0xa7: {  	[spmem:s2] =	stream.indirect.scatter.add.f32 [tilespmem:s23], [sflag:$0xD], $0x10, s21, s18, $0xb8;
	[tilespmem:$0x1DF00] =	vst v63  }
0xa8: {  	_ =	swait.ge [sflag:s31], $0x800  }
0xa9: {  	[sflag:s31] =	ssyncset.done $0x0  }
0xaa: {  	s22 =	sor.u32 $0x980, s19;
	[sflag:s31] =	ssyncadd.s32 $0xFFFFF800  }
0xab: {  	[spmem:s2] =	stream.indirect.scatter.add.f32 [tilespmem:s24], [sflag:$0xE], $0x10, s22, s18, $0xb8;
	[tilespmem:$0x1DF00] =	vst v63  }
0xac: {  	_ =	swait.ge [sflag:s0], $0x800  }
0xad: {  	[sflag:s0] =	ssyncset.done $0x0  }
0xae: {  	s23 =	sor.u32 $0xA00, s19;
	[sflag:s0] =	ssyncadd.s32 $0xFFFFF800  }
0xaf: {  	[spmem:s2] =	stream.indirect.scatter.add.f32 [tilespmem:s25], [sflag:$0xF], $0x10, s23, s18, $0xb8;
	[tilespmem:$0x1DF00] =	vst v63  }
0xb0: {  	_ =	swait.ge [sflag:s1], $0x800  }
0xb1: {  	[sflag:s1] =	ssyncset.done $0x0  }
0xb2: {  	s24 =	sor.u32 $0xA80, s19;
	[sflag:s1] =	ssyncadd.s32 $0xFFFFF800  }
0xb3: {  	[spmem:s2] =	stream.indirect.scatter.add.f32 [tilespmem:s26], [sflag:$0x10], $0x10, s24, s18, $0xb8;
	[tilespmem:$0x1DF00] =	vst v63  }
0xb4: {  	_ =	swait.ge [sflag:s8], $0x800  }
0xb5: {  	[sflag:s8] =	ssyncset.done $0x0  }
0xb6: {  	s25 =	sor.u32 $0xB00, s19;
	[sflag:s8] =	ssyncadd.s32 $0xFFFFF800  }
0xb7: {  	[spmem:s2] =	stream.indirect.scatter.add.f32 [tilespmem:s28], [sflag:$0x11], $0x10, s25, s18, $0xb8;
	[tilespmem:$0x1DF00] =	vst v63  }
0xb8: {  	_ =	swait.ge [sflag:s10], $0x800  }
0xb9: {  	[sflag:s10] =	ssyncset.done $0x0  }
0xba: {  	s26 =	sor.u32 $0xB80, s19;
	[sflag:s10] =	ssyncadd.s32 $0xFFFFF800  }
0xbb: {  	[spmem:s2] =	stream.indirect.scatter.add.f32 [tilespmem:s29], [sflag:$0x12], $0x10, s26, s18, $0xb8;
	[tilespmem:$0x1DF00] =	vst v63  }
0xbc: {  	_ =	swait.ge [sflag:s7], $0x800  }
0xbd: {  	[sflag:s7] =	ssyncset.done $0x0  }
0xbe: {  	[sflag:s7] =	ssyncadd.s32 $0xFFFFF800  }
0xbf: {  	_ =	swait.ge [sflag:s11], $0x800  }
0xc0: {  	[sflag:s11] =	ssyncset.done $0x0  }
0xc1: {  	[sflag:s11] =	ssyncadd.s32 $0xFFFFF800  }
0xc2: {  	_ =	swait.ge [sflag:s12], $0x800  }
0xc3: {  	[sflag:s12] =	ssyncset.done $0x0  }
0xc4: {  	[sflag:s12] =	ssyncadd.s32 $0xFFFFF800  }
0xc5: {  	_ =	swait.ge [sflag:s13], $0x800  }
0xc6: {  	[sflag:s13] =	ssyncset.done $0x0  }
0xc7: {  	[sflag:s13] =	ssyncadd.s32 $0xFFFFF800  }
0xc8: {  	_ =	swait.ge [sflag:s17], $0x800  }
0xc9: {  	[sflag:s17] =	ssyncset.done $0x0  }
0xca: {  	[sflag:s17] =	ssyncadd.s32 $0xFFFFF800  }
0xcb: {  	_ =	swait.ge [sflag:s9], $0x800  }
0xcc: {  	[sflag:s9] =	ssyncset.done $0x0  }
0xcd: {  	[sflag:s9] =	ssyncadd.s32 $0xFFFFF800  }
0xce: {  	_ =	swait.ge [sflag:s14], $0x800  }
0xcf: {  	[sflag:s14] =	ssyncset.done $0x0  }
0xd0: {  	[sflag:s14] =	ssyncadd.s32 $0xFFFFF800  }
0xd1: {  	_ =	swait.ge [sflag:s16], $0x800  }
0xd2: {  	[sflag:s16] =	ssyncset.done $0x0  }
0xd3: {  	[sflag:s16] =	ssyncadd.s32 $0xFFFFF800  }
.Ltmp0:
0xd4: {  	_ =	swait.ge [sflag:s15], $0x400;
	(pc) =	sbr.rel @p0 .LBB2_2-.Ltmp0, $4  }
0xd5: {  	[sflag:s15] =	ssyncset.done $0x0  }
0xd6: {  	[sflag:s15] =	ssyncadd.s32 $0xFFFFFC00  }
0xd7: {  	_ =	swait.ge [sflag:s3], $0x400  }
0xd8: {  	s6 =	smov.u32 s20;
	s19 =	rddreg [dreg:$0x3];
	[sflag:s3] =	ssyncset.done $0x0  }
0xd9: {  	p0 =	seq.s32 s5, $0x19000  }
0xda: {  	s6 =	sadd.s32 $0xFFFFFC00, s5;
	s5 =	simm.s32 @p0 $0x0  }
0xdb: {  	[sflag:s3] =	ssyncadd.s32 $0xFFFFFC00;
	s20 =	rddreg [dreg:$0x4];
	s5 =	sadd.s32 s19, s5  }
0xdc: {  	s21 =	simm.s32 $0x0;
	s6 =	sand.u32 $0x400, s6;
	s5 =	sshrl.u32 s5, $0x3  }
0xdd: {  	s26 =	rddreg [dreg:$0x5];
	s24 =	sxor.u32 $0x400, s6;
	s20 =	sadd.s32 s20, s5  }
0xde: {  	[tilespmem:s24], [sflag:$0x1] =	stream.linear.gather [hbm4b:s20+s21], $0x400, $0x38;
	[tilespmem:$0x1DF00] =	vst v63  }
0xdf: {  	s25 =	sxor.u32 $0xC00, s6;
	s5 =	sadd.s32 s26, s5  }
0xe0: {  	[tilespmem:s25], [sflag:$0x2] =	stream.linear.gather [hbm4b:s5+s21], $0x400, $0x38;
	[tilespmem:$0x1DF00] =	vst v63  }
0xe1: {  	s19 =	simm.s32 $0x1000  }
0xe2: {  	[tilespmem:s19], [sflag:$0x3] =	stream.indirect.gather [hbm4b:s4+s18], $0x10, s6, s18, $0xb8;
	[tilespmem:$0x1DF00] =	vst v63  }
0xe3: {  	s20 =	simm.s32 $0x1800;
	s21 =	sor.u32 $0x80, s6  }
0xe4: {  	[tilespmem:s20], [sflag:$0x4] =	stream.indirect.gather [hbm4b:s4+s18], $0x10, s21, s18, $0xb8;
	[tilespmem:$0x1DF00] =	vst v63  }
0xe5: {  	s22 =	sor.u32 $0x100, s6;
	s21 =	simm.s32 $0x2000  }
0xe6: {  	[tilespmem:s21], [sflag:$0x5] =	stream.indirect.gather [hbm4b:s4+s18], $0x10, s22, s18, $0xb8;
	[tilespmem:$0x1DF00] =	vst v63  }
0xe7: {  	s23 =	sor.u32 $0x180, s6;
	s22 =	simm.s32 $0x2800  }
0xe8: {  	[tilespmem:s22], [sflag:$0x6] =	stream.indirect.gather [hbm4b:s4+s18], $0x10, s23, s18, $0xb8;
	[tilespmem:$0x1DF00] =	vst v63  }
0xe9: {  	s24 =	sor.u32 $0x200, s6;
	s23 =	simm.s32 $0x3000  }
0xea: {  	[tilespmem:s23], [sflag:$0x7] =	stream.indirect.gather [hbm4b:s4+s18], $0x10, s24, s18, $0xb8;
	[tilespmem:$0x1DF00] =	vst v63  }
0xeb: {  	s25 =	sor.u32 $0x280, s6;
	s24 =	simm.s32 $0x3800  }
0xec: {  	[tilespmem:s24], [sflag:$0x8] =	stream.indirect.gather [hbm4b:s4+s18], $0x10, s25, s18, $0xb8;
	[tilespmem:$0x1DF00] =	vst v63  }
0xed: {  	s26 =	sor.u32 $0x300, s6;
	s25 =	simm.s32 $0x4000  }
0xee: {  	[tilespmem:s25], [sflag:$0x9] =	stream.indirect.gather [hbm4b:s4+s18], $0x10, s26, s18, $0xb8;
	[tilespmem:$0x1DF00] =	vst v63  }
0xef: {  	s5 =	sor.u32 $0x380, s6;
	s26 =	simm.s32 $0x4800  }
0xf0: {  	[tilespmem:s26], [sflag:$0xA] =	stream.indirect.gather [hbm4b:s4+s18], $0x10, s5, s18, $0xb8;
	[tilespmem:$0x1DF00] =	vst v63  }
0xf1: {  	s5 =	simm.s32 $0x3  }
0xf2: {  	_ =	swait.ge [sflag:s5], $0x800  }
0xf3: {  	[sflag:s5] =	ssyncset.done $0x0  }
0xf4: {  	[sflag:s5] =	ssyncadd.s32 $0xFFFFF800;
	s5 =	sor.u32 $0x800, s6  }
0xf5: {  	[spmem:s2] =	stream.indirect.scatter.add.f32 [tilespmem:s19], [sflag:$0xB], $0x10, s5, s18, $0xb8;
	[tilespmem:$0x1DF00] =	vst v63  }
0xf6: {  	s19 =	simm.s32 $0x4  }
0xf7: {  	_ =	swait.ge [sflag:s19], $0x800  }
0xf8: {  	[sflag:s19] =	ssyncset.done $0x0  }
0xf9: {  	[sflag:s19] =	ssyncadd.s32 $0xFFFFF800;
	s19 =	sor.u32 $0x880, s6  }
0xfa: {  	[spmem:s2] =	stream.indirect.scatter.add.f32 [tilespmem:s20], [sflag:$0xC], $0x10, s19, s18, $0xb8;
	[tilespmem:$0x1DF00] =	vst v63  }
0xfb: {  	_ =	swait.ge [sflag:s30], $0x800  }
0xfc: {  	[sflag:s30] =	ssyncset.done $0x0  }
0xfd: {  	s20 =	sor.u32 $0x900, s6;
	[sflag:s30] =	ssyncadd.s32 $0xFFFFF800  }
0xfe: {  	[spmem:s2] =	stream.indirect.scatter.add.f32 [tilespmem:s21], [sflag:$0xD], $0x10, s20, s18, $0xb8;
	[tilespmem:$0x1DF00] =	vst v63  }
0xff: {  	_ =	swait.ge [sflag:s31], $0x800  }
0x100: {  	[sflag:s31] =	ssyncset.done $0x0  }
0x101: {  	s19 =	sor.u32 $0x980, s6;
	[sflag:s31] =	ssyncadd.s32 $0xFFFFF800  }
0x102: {  	[spmem:s2] =	stream.indirect.scatter.add.f32 [tilespmem:s22], [sflag:$0xE], $0x10, s19, s18, $0xb8;
	[tilespmem:$0x1DF00] =	vst v63  }
0x103: {  	_ =	swait.ge [sflag:s0], $0x800  }
0x104: {  	[sflag:s0] =	ssyncset.done $0x0  }
0x105: {  	s20 =	sor.u32 $0xA00, s6;
	[sflag:s0] =	ssyncadd.s32 $0xFFFFF800  }
0x106: {  	[spmem:s2] =	stream.indirect.scatter.add.f32 [tilespmem:s23], [sflag:$0xF], $0x10, s20, s18, $0xb8;
	[tilespmem:$0x1DF00] =	vst v63  }
0x107: {  	_ =	swait.ge [sflag:s1], $0x800  }
0x108: {  	[sflag:s1] =	ssyncset.done $0x0  }
0x109: {  	s21 =	sor.u32 $0xA80, s6;
	[sflag:s1] =	ssyncadd.s32 $0xFFFFF800  }
0x10a: {  	[spmem:s2] =	stream.indirect.scatter.add.f32 [tilespmem:s24], [sflag:$0x10], $0x10, s21, s18, $0xb8;
	[tilespmem:$0x1DF00] =	vst v63  }
0x10b: {  	_ =	swait.ge [sflag:s8], $0x800  }
0x10c: {  	[sflag:s8] =	ssyncset.done $0x0  }
0x10d: {  	s22 =	sor.u32 $0xB00, s6;
	[sflag:s8] =	ssyncadd.s32 $0xFFFFF800  }
0x10e: {  	[spmem:s2] =	stream.indirect.scatter.add.f32 [tilespmem:s25], [sflag:$0x11], $0x10, s22, s18, $0xb8;
	[tilespmem:$0x1DF00] =	vst v63  }
0x10f: {  	_ =	swait.ge [sflag:s10], $0x800  }
0x110: {  	[sflag:s10] =	ssyncset.done $0x0  }
0x111: {  	s23 =	sor.u32 $0xB80, s6;
	[sflag:s10] =	ssyncadd.s32 $0xFFFFF800  }
0x112: {  	[spmem:s2] =	stream.indirect.scatter.add.f32 [tilespmem:s26], [sflag:$0x12], $0x10, s23, s18, $0xb8;
	[tilespmem:$0x1DF00] =	vst v63  }
0x113: {  	_ =	swait.ge [sflag:s7], $0x800  }
0x114: {  	[sflag:s7] =	ssyncset.done $0x0  }
0x115: {  	[sflag:s7] =	ssyncadd.s32 $0xFFFFF800  }
0x116: {  	_ =	swait.ge [sflag:s11], $0x800  }
0x117: {  	[sflag:s11] =	ssyncset.done $0x0  }
0x118: {  	[sflag:s11] =	ssyncadd.s32 $0xFFFFF800  }
0x119: {  	_ =	swait.ge [sflag:s12], $0x800  }
0x11a: {  	[sflag:s12] =	ssyncset.done $0x0  }
0x11b: {  	[sflag:s12] =	ssyncadd.s32 $0xFFFFF800  }
0x11c: {  	_ =	swait.ge [sflag:s13], $0x800  }
0x11d: {  	[sflag:s13] =	ssyncset.done $0x0  }
0x11e: {  	[sflag:s13] =	ssyncadd.s32 $0xFFFFF800  }
0x11f: {  	_ =	swait.ge [sflag:s17], $0x800  }
0x120: {  	[sflag:s17] =	ssyncset.done $0x0  }
0x121: {  	[sflag:s17] =	ssyncadd.s32 $0xFFFFF800  }
0x122: {  	_ =	swait.ge [sflag:s9], $0x800  }
0x123: {  	[sflag:s9] =	ssyncset.done $0x0  }
0x124: {  	[sflag:s9] =	ssyncadd.s32 $0xFFFFF800  }
0x125: {  	_ =	swait.ge [sflag:s14], $0x800  }
0x126: {  	[sflag:s14] =	ssyncset.done $0x0  }
0x127: {  	[sflag:s14] =	ssyncadd.s32 $0xFFFFF800  }
0x128: {  	_ =	swait.ge [sflag:s16], $0x800  }
0x129: {  	[sflag:s16] =	ssyncset.done $0x0  }
0x12a: {  	[sflag:s16] =	ssyncadd.s32 $0xFFFFF800  }
0x12b: {  	_ =	swait.ge [sflag:s15], $0x400  }
0x12c: {  	[sflag:s15] =	ssyncset.done $0x0  }
0x12d: {  	[sflag:s15] =	ssyncadd.s32 $0xFFFFFC00  }
0x12e: {  	_ =	swait.ge [sflag:s3], $0x400  }
0x12f: {  	s20 =	simm.s32 $0x13;
	[sflag:s3] =	ssyncset.done $0x0  }
0x130: {  	s22 =	simm.s32 $0x5000;
	s23 =	simm.s32 $0x800;
	[sflag:s3] =	ssyncadd.s32 $0xFFFFFC00  }
0x131: {  	[spmem:s2] =	stream.indirect.scatter.add.f32 [tilespmem:s22], [sflag:$0x13], $0x10, s23, s18, $0xb8;
	[tilespmem:$0x1DF00] =	vst v63  }
0x132: {  	_ =	swait.ge [sflag:s20], $0x800  }
0x133: {  	[sflag:s20] =	ssyncset.done $0x0  }
0x134: {  	s5 =	simm.s32 $0x880;
	[sflag:s20] =	ssyncadd.s32 $0xFFFFF800  }
0x135: {  	[spmem:s2] =	stream.indirect.scatter.add.f32 [tilespmem:s22], [sflag:$0x13], $0x10, s5, s18, $0xb8;
	[tilespmem:$0x1DF00] =	vst v63  }
0x136: {  	_ =	swait.ge [sflag:s20], $0x800  }
0x137: {  	[sflag:s20] =	ssyncset.done $0x0  }
0x138: {  	s6 =	simm.s32 $0x900;
	[sflag:s20] =	ssyncadd.s32 $0xFFFFF800  }
0x139: {  	[spmem:s2] =	stream.indirect.scatter.add.f32 [tilespmem:s22], [sflag:$0x13], $0x10, s6, s18, $0xb8;
	[tilespmem:$0x1DF00] =	vst v63  }
0x13a: {  	_ =	swait.ge [sflag:s20], $0x800  }
0x13b: {  	[sflag:s20] =	ssyncset.done $0x0  }
0x13c: {  	s19 =	simm.s32 $0x980;
	[sflag:s20] =	ssyncadd.s32 $0xFFFFF800  }
0x13d: {  	[spmem:s2] =	stream.indirect.scatter.add.f32 [tilespmem:s22], [sflag:$0x13], $0x10, s19, s18, $0xb8;
	[tilespmem:$0x1DF00] =	vst v63  }
0x13e: {  	_ =	swait.ge [sflag:s20], $0x800  }
0x13f: {  	[sflag:s20] =	ssyncset.done $0x0  }
0x140: {  	s21 =	simm.s32 $0xA00;
	[sflag:s20] =	ssyncadd.s32 $0xFFFFF800  }
0x141: {  	[spmem:s2] =	stream.indirect.scatter.add.f32 [tilespmem:s22], [sflag:$0x13], $0x10, s21, s18, $0xb8;
	[tilespmem:$0x1DF00] =	vst v63  }
0x142: {  	_ =	swait.ge [sflag:s20], $0x800  }
0x143: {  	[sflag:s20] =	ssyncset.done $0x0  }
0x144: {  	s24 =	simm.s32 $0xA80;
	[sflag:s20] =	ssyncadd.s32 $0xFFFFF800  }
0x145: {  	[spmem:s2] =	stream.indirect.scatter.add.f32 [tilespmem:s22], [sflag:$0x13], $0x10, s24, s18, $0xb8;
	[tilespmem:$0x1DF00] =	vst v63  }
0x146: {  	_ =	swait.ge [sflag:s20], $0x800  }
0x147: {  	[sflag:s20] =	ssyncset.done $0x0  }
0x148: {  	s25 =	simm.s32 $0xB00;
	[sflag:s20] =	ssyncadd.s32 $0xFFFFF800  }
0x149: {  	[spmem:s2] =	stream.indirect.scatter.add.f32 [tilespmem:s22], [sflag:$0x13], $0x10, s25, s18, $0xb8;
	[tilespmem:$0x1DF00] =	vst v63  }
0x14a: {  	_ =	swait.ge [sflag:s20], $0x800  }
0x14b: {  	[sflag:s20] =	ssyncset.done $0x0  }
0x14c: {  	s26 =	simm.s32 $0xB80;
	[sflag:s20] =	ssyncadd.s32 $0xFFFFF800  }
0x14d: {  	[spmem:s2] =	stream.indirect.scatter.add.f32 [tilespmem:s22], [sflag:$0x13], $0x10, s26, s18, $0xb8;
	[tilespmem:$0x1DF00] =	vst v63  }
0x14e: {  	_ =	swait.ge [sflag:s20], $0x800  }
0x14f: {  	[sflag:s20] =	ssyncset.done $0x0  }
0x150: {  	[sflag:s20] =	ssyncadd.s32 $0xFFFFF800  }
0x151: {  	[spmem:s2] =	stream.indirect.scatter.add.f32 [tilespmem:s22], [sflag:$0x13], $0x10, s23, s18, $0xb8;
	[tilespmem:$0x1DF00] =	vst v63  }
0x152: {  	_ =	swait.ge [sflag:s20], $0x800  }
0x153: {  	[sflag:s20] =	ssyncset.done $0x0  }
0x154: {  	[sflag:s20] =	ssyncadd.s32 $0xFFFFF800  }
0x155: {  	[spmem:s2] =	stream.indirect.scatter.add.f32 [tilespmem:s22], [sflag:$0x13], $0x10, s5, s18, $0xb8;
	[tilespmem:$0x1DF00] =	vst v63  }
0x156: {  	_ =	swait.ge [sflag:s20], $0x800  }
0x157: {  	[sflag:s20] =	ssyncset.done $0x0  }
0x158: {  	[sflag:s20] =	ssyncadd.s32 $0xFFFFF800  }
0x159: {  	[spmem:s2] =	stream.indirect.scatter.add.f32 [tilespmem:s22], [sflag:$0x13], $0x10, s6, s18, $0xb8;
	[tilespmem:$0x1DF00] =	vst v63  }
0x15a: {  	_ =	swait.ge [sflag:s20], $0x800  }
0x15b: {  	[sflag:s20] =	ssyncset.done $0x0  }
0x15c: {  	[sflag:s20] =	ssyncadd.s32 $0xFFFFF800  }
0x15d: {  	[spmem:s2] =	stream.indirect.scatter.add.f32 [tilespmem:s22], [sflag:$0x13], $0x10, s19, s18, $0xb8;
	[tilespmem:$0x1DF00] =	vst v63  }
0x15e: {  	_ =	swait.ge [sflag:s20], $0x800  }
0x15f: {  	[sflag:s20] =	ssyncset.done $0x0  }
0x160: {  	[sflag:s20] =	ssyncadd.s32 $0xFFFFF800  }
0x161: {  	[spmem:s2] =	stream.indirect.scatter.add.f32 [tilespmem:s22], [sflag:$0x13], $0x10, s21, s18, $0xb8;
	[tilespmem:$0x1DF00] =	vst v63  }
0x162: {  	_ =	swait.ge [sflag:s20], $0x800  }
0x163: {  	[sflag:s20] =	ssyncset.done $0x0  }
0x164: {  	[sflag:s20] =	ssyncadd.s32 $0xFFFFF800  }
0x165: {  	[spmem:s2] =	stream.indirect.scatter.add.f32 [tilespmem:s22], [sflag:$0x13], $0x10, s24, s18, $0xb8;
	[tilespmem:$0x1DF00] =	vst v63  }
0x166: {  	_ =	swait.ge [sflag:s20], $0x800  }
0x167: {  	[sflag:s20] =	ssyncset.done $0x0  }
0x168: {  	[sflag:s20] =	ssyncadd.s32 $0xFFFFF800  }
0x169: {  	[spmem:s2] =	stream.indirect.scatter.add.f32 [tilespmem:s22], [sflag:$0x13], $0x10, s25, s18, $0xb8;
	[tilespmem:$0x1DF00] =	vst v63  }
0x16a: {  	_ =	swait.ge [sflag:s20], $0x800  }
0x16b: {  	[sflag:s20] =	ssyncset.done $0x0  }
0x16c: {  	[sflag:s20] =	ssyncadd.s32 $0xFFFFF800  }
0x16d: {  	[spmem:s2] =	stream.indirect.scatter.add.f32 [tilespmem:s22], [sflag:$0x13], $0x10, s26, s18, $0xb8;
	[tilespmem:$0x1DF00] =	vst v63  }
0x16e: {  	_ =	swait.ge [sflag:s20], $0x800  }
0x16f: {  	[sflag:s20] =	ssyncset.done $0x0  }
0x170: {  	[sflag:s20] =	ssyncadd.s32 $0xFFFFF800  }
0x171: {  	[bflag:$0x0] =	sbarrier.arrive $0xFFFF  }
0x172: {  	s6 =	rddreg [dreg:$0x8]  }
0x173: {  	s24 =	rddreg [dreg:$0xb]  }
0x174: {  	s19 =	rddreg [dreg:$0xd]  }
0x175: {  	[hbm:s24], [sflag:s6] =	dma.local [spmem:s19], $0x30E0  }
0x176: {  	_ =	swait.ge [sflag:s20], $0x30E0  }
0x177: {  	s25 =	rddreg [dreg:$0xe]  }
0x178: {  	s26 =	rddreg [dreg:$0xc];
	s21 =	sadd.s32 $0x1, s25  }
0x179: {  	p0 =	sne.s32 s21, s26  }
.Ltmp1:
0x17a: {  	_ = 	snop;
	(pc) =	sbr.rel @p0 .LBB2_1-.Ltmp1, $3  }
0x17b: {  	_ =	sdelay $0x1  }
0x17c: {  	[sflag:s20] =	ssyncset.done $0x0  }
0x17d: {  	[sflag:s20] =	ssyncadd.s32 $0xFFFFCF20  }
0x17e: {  	_ =	sfence.sel $0x180000  }
0x17f: {  	[bflag:$0x0] =	sbarrier.arrive $0xFFFF  }
0x180: {  	_ =	strace $0x9000004D  }
0x181: {  	s0 =	stileid.u32;
	[bflag:$0x2] =	sbarrier.arrive $0xFFFF  }
0x182: {  	p0 =	sne.s32 s0, $0x0;
	s0 =	rddreg [dreg:$0x2]  }
0x183: {  	s0 =	sadd.s32 @!p0 $0x100000, s0  }
0x184: {  	[sflag:s0] =	ssyncadd.tile.s32 @!p0 $0x1;
	_ =	shalt  }
.Lfunc_end2:
_tile_overlayer_lowered:
.L_overlay_start_2:
0x185: {  	(tag) =	ssettag $0x2  }
0x186: {  	s0 =	rddreg [dreg:$0x0];
	s2 =	stileid.u32  }
0x187: {  	s1 =	rddreg [dreg:$0x1];
	p0 =	sne.s32 s2, $0x0  }
0x188: {  	s3 =	rddreg [dreg:$0x2];
	[bflag:$0x3] =	sbarrier.arrive $0xFFFF;
	s2 =	simm.s32 @!p0 $0x1C13  }
0x189: {  	[timem:s3], [sflag:s2] =	dma.local @!p0 [hbm:s0], s1  }
0x18a: {  	s0 =	simm.s32 @!p0 $0x13  }
0x18b: {  	_ =	swait.ge @!p0 [sflag:s0], s1  }
0x18c: {  	s1 =	ssub.s32 @!p0 $0x0, s1;
	[sflag:s0] =	ssyncset.done @!p0 $0x0  }
0x18d: {  	[sflag:s0] =	ssyncadd.s32 @!p0 s1  }
0x18e: {  	[bflag:$0x3] =	sbarrier.arrive $0xFFFF  }
0x18f: {  	_ =	shalt  }

// kernel: kernel.9.cloned.1.call-start
scs
__scs_entry_jumppad:
0x0: {  	(pc) =	sbr.rel $0x88, $3  }
0x1: {  	(tag) =	ssettag $0x0;
	lr =	simm.s32 $0x1  }
0x2: {  	[smem:$0x3F98] =	sst lr;
	_ =	strace $0xD0000000  }
0x3: {  	_ = 	snop  }
0x4: {  	_ = 	snop  }
0x5: {  	_ = 	snop  }
0x6: {  	_ = 	snop  }
0x7: {  	_ = 	snop  }
__scs_overlays_trampoline_lowered:
0x8: {  	[smem:$0x3FA7] =	sst s0  }
0x9: {  	[smem:$0x3FA8] =	sst s1  }
0xa: {  	[smem:$0x3FA9] =	sst s2  }
0xb: {  	[smem:$0x3FAA] =	sst s3  }
0xc: {  	[smem:$0x3FAB] =	sst s4  }
0xd: {  	[smem:$0x3FAC] =	sst s5  }
0xe: {  	[smem:$0x3FAD] =	sst s6  }
0xf: {  	[smem:$0x3FAE] =	sst s7  }
0x10: {  	[smem:$0x3FAF] =	sst s8  }
0x11: {  	[smem:$0x3FB0] =	sst s9;
	s0 =	simm.s32 @!p0 $0x0  }
0x12: {  	s1 =	sld [smem:$0x3F96];
	s0 =	simm.s32 @p0 $0x1  }
0x13: {  	[smem:$0x3FB1] =	sst s0;
	s0 =	simm.s32 @!p1 $0x0  }
0x14: {  	s2 =	sld [smem:$0x3F95];
	s0 =	simm.s32 @p1 $0x1  }
0x15: {  	[smem:$0x3FB2] =	sst s0;
	s0 =	simm.s32 @!p2 $0x0  }
0x16: {  	s3 =	sld [smem:$0x3FDB];
	s0 =	simm.s32 @p2 $0x1  }
0x17: {  	s4 =	simm.s32 $0x1BF5;
	[smem:$0x3FB4] =	sst s0  }
0x18: {  	s0 =	sld [smem:$0x3F97];
	_ =	swait.ge [sflag:s4], $0x0  }
0x19: {  	s7 =	sld [smem:$0x3F98]  }
0x1a: {  	s8 =	sadd.s32 $0xFFFFE003, lr  }
0x1b: {  	s9 =	sadd.s32 $0xFFFFFEF7, lr;
	s5 =	simm.s32 $0xFFFFFFFF;
	p2 =	slt.u32 s8, $0xFFFFF086  }
0x1c: {  	p1 =	slt.u32 s9, $0xF7A;
	s5 =	simm.s32 @!p2 $0x0  }
0x1d: {  	s5 =	simm.s32 @p1 $0x1;
	p0 =	seq.s32 s7, s2  }
0x1e: {  	s7 =	smul.u32 @!p0 $0xF7A, s2;
	p2 =	seq.s32 @!p0 s5, $0x0  }
0x1f: {  	s9 =	smul.u32 $0xF7A, s1;
	s8 =	simm.s32 @!p0 $0x1BF5;
	p2 =	por !p2, p0  }
0x20: {  	[sflag:s8] =	ssyncset.s32 @!p0 $0xFFFFF086;
	s6 =	sadd.s32 @!p0 s3, s7;
	s7 =	simm.s32 @!p0 $0x108  }
0x21: {  	s3 =	sadd.s32 s3, s9;
	s6 =	sadd.s32 @!p0 $0x88, s6;
	s7 =	simm.s32 @p2 $0x1082  }
0x22: {  	[simem:s7], [sflag:s8] =	dma.local @!p0 [hbm:s6], $0xF7A  }
0x23: {  	s9 =	sor.u32 $0xD0000000, s2;
	s6 =	simm.s32 $0x108;
	_ =	swait.ge @!p0 [sflag:s8], $0x0  }
0x24: {  	s3 =	sadd.s32 $0x88, s3;
	s6 =	simm.s32 @!p1 $0x1082;
	[sflag:s4] =	ssyncset.s32 $0xFFFFF086  }
0x25: {  	[simem:s6], [sflag:s4] =	dma.local [hbm:s3], $0xF7A  }
0x26: {  	[smem:$0x3F98] =	sst s1;
	(tag) =	ssettag s2;
	_ =	strace s9  }
0x27: {  	s1 =	sld [smem:$0x3FA8]  }
0x28: {  	s2 =	sld [smem:$0x3FA9]  }
0x29: {  	s4 =	sld [smem:$0x3FAB]  }
0x2a: {  	p0 =	seq.s32 s5, $0x0;
	s5 =	sld [smem:$0x3FAC]  }
0x2b: {  	s6 =	sld [smem:$0x3FAD]  }
0x2c: {  	s7 =	sld [smem:$0x3FAE]  }
0x2d: {  	s3 =	simm.s32 $0x108;
	s8 =	sld [smem:$0x3FAF]  }
0x2e: {  	s3 =	simm.s32 @!p0 $0x1082;
	s9 =	sld [smem:$0x3FB0]  }
0x2f: {  	lr =	sadd.s32 s0, s3;
	s0 =	sld [smem:$0x3FA7]  }
0x30: {  	s3 =	sld [smem:$0x3FAA]  }
0x31: {  	[smem:$0x3FB3] =	sst s10  }
0x32: {  	s10 =	sld [smem:$0x3FB1];
	_ =	sdelay $0x3  }
0x33: {  	p0 =	seq.s32 s10, $0x1;
	s10 =	sld [smem:$0x3FB3];
	_ =	sdelay $0x3  }
0x34: {  	[smem:$0x3FB3] =	sst s10  }
0x35: {  	s10 =	sld [smem:$0x3FB2];
	_ =	sdelay $0x3  }
0x36: {  	p1 =	seq.s32 s10, $0x1;
	s10 =	sld [smem:$0x3FB3];
	_ =	sdelay $0x3  }
0x37: {  	[smem:$0x3FB3] =	sst s10  }
0x38: {  	s10 =	sld [smem:$0x3FB4]  }
0x39: {  	_ = 	snop;
	(pc) =	sbr.ind lr, $3  }
0x3a: {  	_ = 	snop  }
0x3b: {  	_ = 	snop  }
0x3c: {  	p2 =	seq.s32 s10, $0x1;
	s10 =	sld [smem:$0x3FB3]  }
0x3d: {  	_ =	shalt  }
0x3e: {  	_ =	shalt  }
0x3f: {  	_ =	shalt  }
0x40: {  	_ =	shalt  }
0x41: {  	_ =	shalt  }
0x42: {  	_ =	shalt  }
0x43: {  	_ =	shalt  }
0x44: {  	_ =	shalt  }
0x45: {  	_ =	shalt  }
0x46: {  	_ =	shalt  }
0x47: {  	_ =	shalt  }
0x48: {  	_ =	shalt  }
0x49: {  	_ =	shalt  }
0x4a: {  	_ =	shalt  }
0x4b: {  	_ =	shalt  }
0x4c: {  	_ =	shalt  }
0x4d: {  	_ =	shalt  }
0x4e: {  	_ =	shalt  }
0x4f: {  	_ =	shalt  }
0x50: {  	_ =	shalt  }
0x51: {  	_ =	shalt  }
0x52: {  	_ =	shalt  }
0x53: {  	_ =	shalt  }
0x54: {  	_ =	shalt  }
0x55: {  	_ =	shalt  }
0x56: {  	_ =	shalt  }
0x57: {  	_ =	shalt  }
0x58: {  	_ =	shalt  }
0x59: {  	_ =	shalt  }
0x5a: {  	_ =	shalt  }
0x5b: {  	_ =	shalt  }
0x5c: {  	_ =	shalt  }
0x5d: {  	_ =	shalt  }
0x5e: {  	_ =	shalt  }
0x5f: {  	_ =	shalt  }
0x60: {  	_ =	shalt  }
0x61: {  	_ =	shalt  }
0x62: {  	_ =	shalt  }
0x63: {  	_ =	shalt  }
0x64: {  	_ =	shalt  }
0x65: {  	_ =	shalt  }
0x66: {  	_ =	shalt  }
0x67: {  	_ =	shalt  }
0x68: {  	_ =	shalt  }
0x69: {  	_ =	shalt  }
0x6a: {  	_ =	shalt  }
0x6b: {  	_ =	shalt  }
0x6c: {  	_ =	shalt  }
0x6d: {  	_ =	shalt  }
0x6e: {  	_ =	shalt  }
0x6f: {  	_ =	shalt  }
0x70: {  	_ =	shalt  }
0x71: {  	_ =	shalt  }
0x72: {  	_ =	shalt  }
0x73: {  	_ =	shalt  }
0x74: {  	_ =	shalt  }
0x75: {  	_ =	shalt  }
0x76: {  	_ =	shalt  }
0x77: {  	_ =	shalt  }
0x78: {  	_ =	shalt  }
0x79: {  	_ =	shalt  }
0x7a: {  	_ =	shalt  }
0x7b: {  	_ =	shalt  }
0x7c: {  	_ =	shalt  }
0x7d: {  	_ =	shalt  }
0x7e: {  	_ =	shalt  }
0x7f: {  	_ =	shalt  }
0x80: {  	_ =	shalt  }
0x81: {  	_ =	shalt  }
0x82: {  	_ =	shalt  }
0x83: {  	_ =	shalt  }
0x84: {  	_ =	shalt  }
0x85: {  	_ =	shalt  }
0x86: {  	_ =	shalt  }
0x87: {  	_ =	shalt  }
.Lfunc_end0:
.L_simem_size_0:
called_computation_lowered:
.L_overlay_start_0:
0x88: {  	s2 =	sld [smem:$0x3FD9]  }
0x89: {  	s3 =	sld [smem:$0x3FFE];
	_ =	sdelay $0x1  }
0x8a: {  	s1 =	srdreg.scid  }
0x8b: {  	s0 =	sand.u32 $0x1, s1  }
0x8c: {  	s16 =	sshll.u32 s0, $0xA;
	s2 =	sadd.s32 s3, s2  }
0x8d: {  	s2 =	sadd.s32 s2, s16  }
0x8e: {  	[smem:$0x3FBF] =	sst s2  }
0x8f: {  	_ = 	snop  }
0x90: {  	(tm) =	ssettm $0x1  }
0x91: {  	s17 =	sld [smem:$0x3FFB];
	_ =	sdelay $0x3  }
0x92: {  	_ =	strace s17  }
0x93: {  	s2 =	sld [smem:$0x3FFC];
	_ =	sdelay $0x3  }
0x94: {  	_ =	strace s2  }
0x95: {  	s2 =	sld [smem:$0x3FFD];
	_ =	sdelay $0x3  }
0x96: {  	_ =	strace s2  }
0x97: {  	_ =	strace $0x8FFFFFFF  }
0x98: {  	s18 =	sld [smem:$0x3FDB];
	_ =	sdelay $0x1  }
0x99: {  	s19 =	simm.s32 $_scs_section_size  }
0x9a: {  	s4 =	simm.s32 $_size__tile_overlayer_lowered;
	s5 =	simm.s32 $_tile_overlayer_lowered  }
0x9b: {  	s22 =	simm.s32 $0x1BFF;
	s21 =	sshll.u32 s5, $0x1;
	s2 =	sadd.s32 s19, s18  }
0x9c: {  	s6 =	simm.s32 $0x0;
	s20 =	sshll.u32 s4, $0x1;
	s4 =	sadd.s32 s21, s2  }
0x9d: {  	[timem:s6], [sflag:s22] =	dma.local [hbm:s4], s20  }
0x9e: {  	_ =	swait.ge [sflag:s22], s20  }
0x9f: {  	s3 =	ssub.s32 $0x0, s20;
	[sflag:s22] =	ssyncset.done $0x0  }
0xa0: {  	[sflag:s22] =	ssyncadd.s32 s3;
	_ =	sdelay $0x1  }
0xa1: {  	s23 =	simm.s32 $0x1B8B  }
0xa2: {  	_ =	swait.ge [sflag:s23], $0x1  }
0xa3: {  	[sflag:s23] =	ssyncset.done $0x0  }
0xa4: {  	s25 =	simm.s32 $0x1B8E;
	s24 =	sld [smem:$0x3FFE];
	[sflag:s23] =	ssyncadd.s32 $0xFFFFFFFF  }
0xa5: {  	s26 =	simm.s32 $execute0_lowered;
	[smem:$0x3FD2] =	sst s25  }
0xa6: {  	s4 =	sshll.u32 s26, $0x1;
	_ =	strace $0x80000046;
	[dreg:$0x1] =	wrdreg $0xFFFFFFFF  }
0xa7: {  	s28 =	simm.s32 $_size_execute0_lowered;
	s2 =	sadd.s32 s2, s4;
	[dreg:$0x0] =	wrdreg $0x0  }
0xa8: {  	s4 =	sshll.u32 s28, $0x1;
	[dreg:$0x2] =	wrdreg s2  }
0xa9: {  	[dreg:$0x3] =	wrdreg s4  }
0xaa: {  	[dreg:$0x4] =	wrdreg $0xC0  }
0xab: {  	_ =	task [dreg:s6], $0x5FFFF  }
0xac: {  	[dreg:$0x1] =	wrdreg $0xFFFFFFFF  }
0xad: {  	[dreg:$0x0] =	wrdreg $0x60  }
0xae: {  	[dreg:$0x2] =	wrdreg s24  }
0xaf: {  	[dreg:$0x3] =	wrdreg $0x18000  }
0xb0: {  	[dreg:$0x4] =	wrdreg $0x9  }
0xb1: {  	_ =	task.clear_ibuf [dreg:s6], $0x5FFFF;
	_ =	strace $0x90000046  }
0xb2: {  	s29 =	simm.s32 $0x9;
	_ =	strace $0x80000048  }
0xb3: {  	_ =	swait.ge [sflag:s29], $0x1  }
0xb4: {  	[sflag:s29] =	ssyncadd.s32 $0xFFFFFFFF  }
0xb5: {  	_ =	strace $0x90000048  }
0xb6: {  	_ =	sfence  }
0xb7: {  	s30 =	sld [smem:$0x0];
	_ =	sdelay $0x2  }
0xb8: {  	s31 =	sshll.u32 s1, $0xD;
	s1 =	sshrl.u32 s1, $0x2  }
0xb9: {  	s3 =	sand.u32 $0x4000, s31;
	s1 =	sadd.s32 s1, s30  }
0xba: {  	s0 =	sor.u32 s3, s0;
	s1 =	sshll.u32 s1, $0x11  }
0xbb: {  	s0 =	sor.u32 s1, s0  }
0xbc: {  	s0 =	sadd.s32 $0x8F2B, s0  }
0xbd: {  	[sflag:s0] =	ssyncadd.remote.s32 $0x1  }
0xbe: {  	_ =	sfence.sel $0xFFFF  }
0xbf: {  	[dreg:$0x0] =	wrdreg $0xFFFFFFFF;
	(pc) =	sbr.abs _section_cstart, $3  }
0xc0: {  	[dreg:$0x1] =	wrdreg $0xFFFFFFFF  }
0xc1: {  	_ =	task.clear_ibuf [dreg:s6], $0x2FFFF;
	_ =	strace $0x9FFFFFFF  }
0xc2: {  	(tm) =	ssettm $0x7FFFFFFF  }
0xc3: {  	_ =	shalt  }
tec
execute0_lowered:
.L_overlay_start_1:
0x0: {  	(tag) =	ssettag $0x1  }
0x1: {  	s0 =	rddreg [dreg:$0x0]  }
0x2: {  	s1 =	rddreg [dreg:$0x1];
	s2 =	simm.s32 $0x0;
	s4 =	srdreg.scid  }
0x3: {  	s11 =	stileid.u32;
	s14 =	simm.s32 $0xA;
	s15 =	simm.s32 $0x800  }
0x4: {  	s16 =	simm.s32 $0x1000;
	s30 =	simm.s32 $0x100;
	s31 =	simm.s32 $0x180  }
0x5: {  	s28 =	simm.s32 $0x300;
	s29 =	simm.s32 $0x380;
	[smem:$0x7FF] =	sst s2  }
0x6: {  	s3 =	sadd.s32 $0x66600, s0;
	s12 =	sadd.s32 $0x2600, s0;
	s5 =	smul.u32 $0x30E0, s11  }
0x7: {  	s4 =	sand.u32 $0x1, s4;
	s6 =	sadd.s32 $0x33400, s0;
	s9 =	smul.u32 $0x18700, s11  }
0x8: {  	s7 =	sshll.u32 s11, $0x1;
	s20 =	smul.u32 $0x32000, s11;
	s22 =	sshll.u32 s11, $0x6  }
0x9: {  	_ =	strace $0x80000047;
	[dreg:$0x4] =	wrdreg s6;
	s17 =	smul.u32 $0x30E00, s4  }
0xa: {  	s8 =	ssub.s32 $0x2, s4;
	s7 =	sor.u32 s4, s7;
	s4 =	smul.u32 $0x19000, s4  }
0xb: {  	[dreg:$0x3] =	wrdreg s12;
	s18 =	sshrl.u32 s8, $0x1;
	s10 =	smul.u32 $0x3200, s7  }
0xc: {  	s21 =	sadd.s32 s9, s1;
	s9 =	sshrl.u32 s9, $0x3;
	s23 =	smul.u32 $0x19000, s7  }
0xd: {  	s7 =	sor.u32 $0x1C0A, s22;
	s22 =	simm.s32 $0x6;
	s5 =	sadd.s32 s5, s17  }
0xe: {  	s19 =	ssub.s32 s8, s18;
	s9 =	sadd.s32 s12, s9;
	s4 =	sadd.s32 s4, s20  }
0xf: {  	s13 =	sshrl.u32 s21, $0x3;
	s17 =	simm.s32 $0x80;
	s18 =	simm.s32 $0x2  }
0x10: {  	s20 =	simm.s32 $0x4;
	s21 =	simm.s32 $0x5;
	s0 =	sadd.s32 s5, s0  }
0x11: {  	[dreg:$0x5] =	wrdreg s9;
	s24 =	sadd.s32 s3, s10;
	s25 =	sshrl.u32 s23, $0x3  }
0x12: {  	s4 =	sor.u32 $0x400, s4;
	s5 =	smax.u32 s19, $0x1;
	s19 =	simm.s32 $0x3  }
0x13: {  	s23 =	simm.s32 $0x7;
	[dreg:$0x6] =	wrdreg s24;
	s0 =	sadd.s32 $0xCA600, s0  }
0x14: {  	[dreg:$0x8] =	wrdreg s5;
	s26 =	sshrl.u32 s4, $0x3;
	s24 =	simm.s32 $0x8  }
0x15: {  	s5 =	simm.s32 $0x0;
	[dreg:$0x7] =	wrdreg s0;
	s0 =	sadd.s32 s3, s25  }
0x16: {  	s12 =	sadd.s32 s26, s3;
	s25 =	simm.s32 $0x9;
	s26 =	simm.s32 $0x1  }
0x17: {  	s3 =	simm.s32 $0x280;
	[dreg:$0x9] =	wrdreg s0;
	s0 =	simm.s32 $0x200  }
.LBB2_1:
0x18: {  	s4 =	rddreg [dreg:$0x5]  }
0x19: {  	[spmem:s13], [sflag:s7] =	dma.local [hbm:s4], $0x30E0  }
0x1a: {  	_ =	swait.ge [sflag:s14], $0x30E0  }
0x1b: {  	[sflag:s14] =	ssyncset.done $0x0  }
0x1c: {  	s11 =	rddreg [dreg:$0x4];
	[sflag:s14] =	ssyncadd.s32 $0xFFFFCF20  }
0x1d: {  	[tilespmem:s15], [sflag:$0xA] =	stream.linear.gather [hbm4b:s11+s2], $0x800, $0x38;
	[tilespmem:$0x19F00] =	vst v63  }
0x1e: {  	_ =	swait.ge [sflag:s14], $0x800  }
0x1f: {  	[sflag:s14] =	ssyncset.done $0x0  }
0x20: {  	s6 =	rddreg [dreg:$0x3];
	[sflag:s14] =	ssyncadd.s32 $0xFFFFF800  }
0x21: {  	[tilespmem:s16], [sflag:$0xA] =	stream.linear.gather [hbm4b:s6+s2], $0x800, $0x38;
	[tilespmem:$0x19F00] =	vst v63  }
0x22: {  	_ =	swait.ge [sflag:s14], $0x800  }
0x23: {  	[sflag:s14] =	ssyncset.done $0x0  }
0x24: {  	[sflag:s14] =	ssyncadd.s32 $0xFFFFF800  }
0x25: {  	[bflag:$0x0] =	sbarrier.arrive $0xFFFF  }
0x26: {  	s8 =	rddreg [dreg:$0x6]  }
0x27: {  	[tilespmem:s2], [sflag:$0xA] =	stream.linear.gather [hbm4b:s8+s2], $0x400, $0x38;
	[tilespmem:$0x19F00] =	vst v63  }
0x28: {  	_ =	swait.ge [sflag:s14], $0x400  }
0x29: {  	s4 =	sand.u32 $0x400, s2;
	[sflag:s14] =	ssyncset.done $0x0  }
0x2a: {  	s6 =	sxor.u32 $0x400, s4;
	[sflag:s14] =	ssyncadd.s32 $0xFFFFFC00  }
0x2b: {  	[tilespmem:s6], [sflag:$0x1] =	stream.linear.gather [hbm4b:s12+s2], $0x400, $0x38;
	[tilespmem:$0x19F00] =	vst v63  }
0x2c: {  	_ = 	snop  }
0x2d: {  	[spmem:s1] =	stream.indirect.scatter.add.f32 [tilespmem:s15], [sflag:$0x2], $0x10, s4, s17, $0xb8;
	[tilespmem:$0x19F00] =	vst v63  }
0x2e: {  	s9 =	sor.u32 $0x80, s4  }
0x2f: {  	[spmem:s1] =	stream.indirect.scatter.add.f32 [tilespmem:s15], [sflag:$0x3], $0x10, s9, s17, $0xb8;
	[tilespmem:$0x19F00] =	vst v63  }
0x30: {  	s10 =	sor.u32 $0x100, s4  }
0x31: {  	[spmem:s1] =	stream.indirect.scatter.add.f32 [tilespmem:s15], [sflag:$0x4], $0x10, s10, s17, $0xb8;
	[tilespmem:$0x19F00] =	vst v63  }
0x32: {  	s11 =	sor.u32 $0x180, s4  }
0x33: {  	[spmem:s1] =	stream.indirect.scatter.add.f32 [tilespmem:s15], [sflag:$0x5], $0x10, s11, s17, $0xb8;
	[tilespmem:$0x19F00] =	vst v63  }
0x34: {  	s8 =	sor.u32 $0x200, s4  }
0x35: {  	[spmem:s1] =	stream.indirect.scatter.add.f32 [tilespmem:s15], [sflag:$0x6], $0x10, s8, s17, $0xb8;
	[tilespmem:$0x19F00] =	vst v63  }
0x36: {  	s9 =	sor.u32 $0x280, s4  }
0x37: {  	[spmem:s1] =	stream.indirect.scatter.add.f32 [tilespmem:s15], [sflag:$0x7], $0x10, s9, s17, $0xb8;
	[tilespmem:$0x19F00] =	vst v63  }
0x38: {  	s10 =	sor.u32 $0x300, s4  }
0x39: {  	[spmem:s1] =	stream.indirect.scatter.add.f32 [tilespmem:s15], [sflag:$0x8], $0x10, s10, s17, $0xb8;
	[tilespmem:$0x19F00] =	vst v63  }
0x3a: {  	s4 =	sor.u32 $0x380, s4  }
0x3b: {  	[spmem:s1] =	stream.indirect.scatter.add.f32 [tilespmem:s15], [sflag:$0x9], $0x10, s4, s17, $0xb8;
	[tilespmem:$0x19F00] =	vst v63  }
0x3c: {  	_ =	swait.ge [sflag:s18], $0x800  }
0x3d: {  	[sflag:s18] =	ssyncset.done $0x0  }
0x3e: {  	[sflag:s18] =	ssyncadd.s32 $0xFFFFF800  }
0x3f: {  	_ =	swait.ge [sflag:s19], $0x800  }
0x40: {  	[sflag:s19] =	ssyncset.done $0x0  }
0x41: {  	[sflag:s19] =	ssyncadd.s32 $0xFFFFF800  }
0x42: {  	_ =	swait.ge [sflag:s20], $0x800  }
0x43: {  	[sflag:s20] =	ssyncset.done $0x0  }
0x44: {  	[sflag:s20] =	ssyncadd.s32 $0xFFFFF800  }
0x45: {  	_ =	swait.ge [sflag:s21], $0x800  }
0x46: {  	[sflag:s21] =	ssyncset.done $0x0  }
0x47: {  	[sflag:s21] =	ssyncadd.s32 $0xFFFFF800  }
0x48: {  	_ =	swait.ge [sflag:s22], $0x800  }
0x49: {  	[sflag:s22] =	ssyncset.done $0x0  }
0x4a: {  	[sflag:s22] =	ssyncadd.s32 $0xFFFFF800  }
0x4b: {  	_ =	swait.ge [sflag:s23], $0x800  }
0x4c: {  	[sflag:s23] =	ssyncset.done $0x0  }
0x4d: {  	[sflag:s23] =	ssyncadd.s32 $0xFFFFF800  }
0x4e: {  	_ =	swait.ge [sflag:s24], $0x800  }
0x4f: {  	[sflag:s24] =	ssyncset.done $0x0  }
0x50: {  	[sflag:s24] =	ssyncadd.s32 $0xFFFFF800  }
0x51: {  	_ =	swait.ge [sflag:s25], $0x800  }
0x52: {  	[sflag:s25] =	ssyncset.done $0x0  }
0x53: {  	[sflag:s25] =	ssyncadd.s32 $0xFFFFF800  }
0x54: {  	s6 =	simm.s32 $0x800;
	s11 =	simm.s32 $0x400;
	_ =	swait.ge [sflag:s26], $0x400  }
0x55: {  	s9 =	sand.u32 $0x400, s11;
	s4 =	sadd.s32 $0x80, s12;
	[sflag:s26] =	ssyncset.done $0x0  }
.LBB2_2:
0x56: {  	s11 =	sxor.u32 $0x400, s9  }
0x57: {  	[sflag:s26] =	ssyncadd.s32 $0xFFFFFC00;
	s8 =	smov.u32 s6;
	s10 =	sadd.s32 $0x400, s6  }
0x58: {  	[tilespmem:s11], [sflag:$0x1] =	stream.linear.gather [hbm4b:s4+s2], $0x400, $0x38;
	[tilespmem:$0x19F00] =	vst v63  }
0x59: {  	p0 =	sne.s32 s6, $0x18800  }
0x5a: {  	[spmem:s1] =	stream.indirect.scatter.add.f32 [tilespmem:s15], [sflag:$0x2], $0x10, s9, s17, $0xb8;
	[tilespmem:$0x19F00] =	vst v63  }
0x5b: {  	s6 =	sor.u32 $0x80, s9  }
0x5c: {  	[spmem:s1] =	stream.indirect.scatter.add.f32 [tilespmem:s15], [sflag:$0x3], $0x10, s6, s17, $0xb8;
	[tilespmem:$0x19F00] =	vst v63  }
0x5d: {  	s6 =	sor.u32 $0x100, s9  }
0x5e: {  	[spmem:s1] =	stream.indirect.scatter.add.f32 [tilespmem:s15], [sflag:$0x4], $0x10, s6, s17, $0xb8;
	[tilespmem:$0x19F00] =	vst v63  }
0x5f: {  	s6 =	sor.u32 $0x180, s9  }
0x60: {  	[spmem:s1] =	stream.indirect.scatter.add.f32 [tilespmem:s15], [sflag:$0x5], $0x10, s6, s17, $0xb8;
	[tilespmem:$0x19F00] =	vst v63  }
0x61: {  	s6 =	sor.u32 $0x200, s9  }
0x62: {  	[spmem:s1] =	stream.indirect.scatter.add.f32 [tilespmem:s15], [sflag:$0x6], $0x10, s6, s17, $0xb8;
	[tilespmem:$0x19F00] =	vst v63  }
0x63: {  	s6 =	sor.u32 $0x280, s9  }
0x64: {  	[spmem:s1] =	stream.indirect.scatter.add.f32 [tilespmem:s15], [sflag:$0x7], $0x10, s6, s17, $0xb8;
	[tilespmem:$0x19F00] =	vst v63  }
0x65: {  	s6 =	sor.u32 $0x300, s9  }
0x66: {  	[spmem:s1] =	stream.indirect.scatter.add.f32 [tilespmem:s15], [sflag:$0x8], $0x10, s6, s17, $0xb8;
	[tilespmem:$0x19F00] =	vst v63  }
0x67: {  	s6 =	sor.u32 $0x380, s9  }
0x68: {  	[spmem:s1] =	stream.indirect.scatter.add.f32 [tilespmem:s15], [sflag:$0x9], $0x10, s6, s17, $0xb8;
	[tilespmem:$0x19F00] =	vst v63  }
0x69: {  	_ =	swait.ge [sflag:s18], $0x800  }
0x6a: {  	[sflag:s18] =	ssyncset.done $0x0  }
0x6b: {  	[sflag:s18] =	ssyncadd.s32 $0xFFFFF800  }
0x6c: {  	_ =	swait.ge [sflag:s19], $0x800  }
0x6d: {  	[sflag:s19] =	ssyncset.done $0x0  }
0x6e: {  	[sflag:s19] =	ssyncadd.s32 $0xFFFFF800  }
0x6f: {  	_ =	swait.ge [sflag:s20], $0x800  }
0x70: {  	[sflag:s20] =	ssyncset.done $0x0  }
0x71: {  	[sflag:s20] =	ssyncadd.s32 $0xFFFFF800  }
0x72: {  	_ =	swait.ge [sflag:s21], $0x800  }
0x73: {  	[sflag:s21] =	ssyncset.done $0x0  }
0x74: {  	[sflag:s21] =	ssyncadd.s32 $0xFFFFF800  }
0x75: {  	_ =	swait.ge [sflag:s22], $0x800  }
0x76: {  	[sflag:s22] =	ssyncset.done $0x0  }
0x77: {  	[sflag:s22] =	ssyncadd.s32 $0xFFFFF800  }
0x78: {  	_ =	swait.ge [sflag:s23], $0x800  }
0x79: {  	[sflag:s23] =	ssyncset.done $0x0  }
0x7a: {  	[sflag:s23] =	ssyncadd.s32 $0xFFFFF800  }
0x7b: {  	_ =	swait.ge [sflag:s24], $0x800  }
0x7c: {  	[sflag:s24] =	ssyncset.done $0x0  }
0x7d: {  	[sflag:s24] =	ssyncadd.s32 $0xFFFFF800  }
.Ltmp0:
0x7e: {  	_ =	swait.ge [sflag:s25], $0x800;
	(pc) =	sbr.rel @p0 .LBB2_2-.Ltmp0, $4  }
0x7f: {  	[sflag:s25] =	ssyncset.done $0x0  }
0x80: {  	[sflag:s25] =	ssyncadd.s32 $0xFFFFF800  }
0x81: {  	s4 =	sadd.s32 $0x80, s4;
	_ =	swait.ge [sflag:s26], $0x400  }
0x82: {  	s9 =	sand.u32 $0x400, s8;
	s6 =	smov.u32 s10;
	[sflag:s26] =	ssyncset.done $0x0  }
0x83: {  	s6 =	sxor.u32 $0x400, s9;
	[sflag:s26] =	ssyncadd.s32 $0xFFFFFC00  }
0x84: {  	[tilespmem:s6], [sflag:$0x1] =	stream.linear.gather [hbm4b:s4+s2], $0x400, $0x38;
	[tilespmem:$0x19F00] =	vst v63  }
0x85: {  	_ = 	snop  }
0x86: {  	[spmem:s1] =	stream.indirect.scatter.add.f32 [tilespmem:s15], [sflag:$0x2], $0x10, s9, s17, $0xb8;
	[tilespmem:$0x19F00] =	vst v63  }
0x87: {  	s6 =	sor.u32 $0x80, s9  }
0x88: {  	[spmem:s1] =	stream.indirect.scatter.add.f32 [tilespmem:s15], [sflag:$0x3], $0x10, s6, s17, $0xb8;
	[tilespmem:$0x19F00] =	vst v63  }
0x89: {  	s8 =	sor.u32 $0x100, s9  }
0x8a: {  	[spmem:s1] =	stream.indirect.scatter.add.f32 [tilespmem:s15], [sflag:$0x4], $0x10, s8, s17, $0xb8;
	[tilespmem:$0x19F00] =	vst v63  }
0x8b: {  	s10 =	sor.u32 $0x180, s9  }
0x8c: {  	[spmem:s1] =	stream.indirect.scatter.add.f32 [tilespmem:s15], [sflag:$0x5], $0x10, s10, s17, $0xb8;
	[tilespmem:$0x19F00] =	vst v63  }
0x8d: {  	s11 =	sor.u32 $0x200, s9  }
0x8e: {  	[spmem:s1] =	stream.indirect.scatter.add.f32 [tilespmem:s15], [sflag:$0x6], $0x10, s11, s17, $0xb8;
	[tilespmem:$0x19F00] =	vst v63  }
0x8f: {  	s6 =	sor.u32 $0x280, s9  }
0x90: {  	[spmem:s1] =	stream.indirect.scatter.add.f32 [tilespmem:s15], [sflag:$0x7], $0x10, s6, s17, $0xb8;
	[tilespmem:$0x19F00] =	vst v63  }
0x91: {  	s8 =	sor.u32 $0x300, s9  }
0x92: {  	[spmem:s1] =	stream.indirect.scatter.add.f32 [tilespmem:s15], [sflag:$0x8], $0x10, s8, s17, $0xb8;
	[tilespmem:$0x19F00] =	vst v63  }
0x93: {  	s10 =	sor.u32 $0x380, s9  }
0x94: {  	[spmem:s1] =	stream.indirect.scatter.add.f32 [tilespmem:s15], [sflag:$0x9], $0x10, s10, s17, $0xb8;
	[tilespmem:$0x19F00] =	vst v63  }
0x95: {  	_ =	swait.ge [sflag:s18], $0x800  }
0x96: {  	[sflag:s18] =	ssyncset.done $0x0  }
0x97: {  	[sflag:s18] =	ssyncadd.s32 $0xFFFFF800  }
0x98: {  	_ =	swait.ge [sflag:s19], $0x800  }
0x99: {  	[sflag:s19] =	ssyncset.done $0x0  }
0x9a: {  	[sflag:s19] =	ssyncadd.s32 $0xFFFFF800  }
0x9b: {  	_ =	swait.ge [sflag:s20], $0x800  }
0x9c: {  	[sflag:s20] =	ssyncset.done $0x0  }
0x9d: {  	[sflag:s20] =	ssyncadd.s32 $0xFFFFF800  }
0x9e: {  	_ =	swait.ge [sflag:s21], $0x800  }
0x9f: {  	[sflag:s21] =	ssyncset.done $0x0  }
0xa0: {  	[sflag:s21] =	ssyncadd.s32 $0xFFFFF800  }
0xa1: {  	_ =	swait.ge [sflag:s22], $0x800  }
0xa2: {  	[sflag:s22] =	ssyncset.done $0x0  }
0xa3: {  	[sflag:s22] =	ssyncadd.s32 $0xFFFFF800  }
0xa4: {  	_ =	swait.ge [sflag:s23], $0x800  }
0xa5: {  	[sflag:s23] =	ssyncset.done $0x0  }
0xa6: {  	[sflag:s23] =	ssyncadd.s32 $0xFFFFF800  }
0xa7: {  	_ =	swait.ge [sflag:s24], $0x800  }
0xa8: {  	[sflag:s24] =	ssyncset.done $0x0  }
0xa9: {  	[sflag:s24] =	ssyncadd.s32 $0xFFFFF800  }
0xaa: {  	_ =	swait.ge [sflag:s25], $0x800  }
0xab: {  	[sflag:s25] =	ssyncset.done $0x0  }
0xac: {  	[sflag:s25] =	ssyncadd.s32 $0xFFFFF800  }
0xad: {  	_ =	swait.ge [sflag:s26], $0x400  }
0xae: {  	[sflag:s26] =	ssyncset.done $0x0  }
0xaf: {  	s11 =	rddreg [dreg:$0x9];
	[sflag:s26] =	ssyncadd.s32 $0xFFFFFC00  }
0xb0: {  	[tilespmem:s2], [sflag:$0x1] =	stream.linear.gather [hbm4b:s11+s2], $0x400, $0x38;
	[tilespmem:$0x19F00] =	vst v63  }
0xb1: {  	s6 =	simm.s32 $0x400  }
0xb2: {  	[spmem:s1] =	stream.indirect.scatter.add.f32 [tilespmem:s15], [sflag:$0x2], $0x10, s6, s17, $0xb8;
	[tilespmem:$0x19F00] =	vst v63  }
0xb3: {  	s8 =	simm.s32 $0x480  }
0xb4: {  	[spmem:s1] =	stream.indirect.scatter.add.f32 [tilespmem:s15], [sflag:$0x3], $0x10, s8, s17, $0xb8;
	[tilespmem:$0x19F00] =	vst v63  }
0xb5: {  	s9 =	simm.s32 $0x500  }
0xb6: {  	[spmem:s1] =	stream.indirect.scatter.add.f32 [tilespmem:s15], [sflag:$0x4], $0x10, s9, s17, $0xb8;
	[tilespmem:$0x19F00] =	vst v63  }
0xb7: {  	s10 =	simm.s32 $0x580  }
0xb8: {  	[spmem:s1] =	stream.indirect.scatter.add.f32 [tilespmem:s15], [sflag:$0x5], $0x10, s10, s17, $0xb8;
	[tilespmem:$0x19F00] =	vst v63  }
0xb9: {  	s11 =	simm.s32 $0x600  }
0xba: {  	[spmem:s1] =	stream.indirect.scatter.add.f32 [tilespmem:s15], [sflag:$0x6], $0x10, s11, s17, $0xb8;
	[tilespmem:$0x19F00] =	vst v63  }
0xbb: {  	s6 =	simm.s32 $0x680  }
0xbc: {  	[spmem:s1] =	stream.indirect.scatter.add.f32 [tilespmem:s15], [sflag:$0x7], $0x10, s6, s17, $0xb8;
	[tilespmem:$0x19F00] =	vst v63  }
0xbd: {  	s8 =	simm.s32 $0x700  }
0xbe: {  	[spmem:s1] =	stream.indirect.scatter.add.f32 [tilespmem:s15], [sflag:$0x8], $0x10, s8, s17, $0xb8;
	[tilespmem:$0x19F00] =	vst v63  }
0xbf: {  	s9 =	simm.s32 $0x780  }
0xc0: {  	[spmem:s1] =	stream.indirect.scatter.add.f32 [tilespmem:s15], [sflag:$0x9], $0x10, s9, s17, $0xb8;
	[tilespmem:$0x19F00] =	vst v63  }
0xc1: {  	_ =	swait.ge [sflag:s18], $0x800  }
0xc2: {  	[sflag:s18] =	ssyncset.done $0x0  }
0xc3: {  	[sflag:s18] =	ssyncadd.s32 $0xFFFFF800  }
0xc4: {  	_ =	swait.ge [sflag:s19], $0x800  }
0xc5: {  	[sflag:s19] =	ssyncset.done $0x0  }
0xc6: {  	[sflag:s19] =	ssyncadd.s32 $0xFFFFF800  }
0xc7: {  	_ =	swait.ge [sflag:s20], $0x800  }
0xc8: {  	[sflag:s20] =	ssyncset.done $0x0  }
0xc9: {  	[sflag:s20] =	ssyncadd.s32 $0xFFFFF800  }
0xca: {  	_ =	swait.ge [sflag:s21], $0x800  }
0xcb: {  	[sflag:s21] =	ssyncset.done $0x0  }
0xcc: {  	[sflag:s21] =	ssyncadd.s32 $0xFFFFF800  }
0xcd: {  	_ =	swait.ge [sflag:s22], $0x800  }
0xce: {  	[sflag:s22] =	ssyncset.done $0x0  }
0xcf: {  	[sflag:s22] =	ssyncadd.s32 $0xFFFFF800  }
0xd0: {  	_ =	swait.ge [sflag:s23], $0x800  }
0xd1: {  	[sflag:s23] =	ssyncset.done $0x0  }
0xd2: {  	[sflag:s23] =	ssyncadd.s32 $0xFFFFF800  }
0xd3: {  	_ =	swait.ge [sflag:s24], $0x800  }
0xd4: {  	[sflag:s24] =	ssyncset.done $0x0  }
0xd5: {  	[sflag:s24] =	ssyncadd.s32 $0xFFFFF800  }
0xd6: {  	_ =	swait.ge [sflag:s25], $0x800  }
0xd7: {  	[sflag:s25] =	ssyncset.done $0x0  }
0xd8: {  	[sflag:s25] =	ssyncadd.s32 $0xFFFFF800  }
0xd9: {  	_ =	swait.ge [sflag:s26], $0x400  }
0xda: {  	[sflag:s26] =	ssyncset.done $0x0  }
0xdb: {  	[sflag:s26] =	ssyncadd.s32 $0xFFFFFC00  }
0xdc: {  	[spmem:s1] =	stream.indirect.scatter.add.f32 [tilespmem:s16], [sflag:$0xA], $0x10, s2, s17, $0xb8;
	[tilespmem:$0x19F00] =	vst v63  }
0xdd: {  	_ =	swait.ge [sflag:s14], $0x800  }
0xde: {  	[sflag:s14] =	ssyncset.done $0x0  }
0xdf: {  	[sflag:s14] =	ssyncadd.s32 $0xFFFFF800  }
0xe0: {  	[spmem:s1] =	stream.indirect.scatter.add.f32 [tilespmem:s16], [sflag:$0xA], $0x10, s17, s17, $0xb8;
	[tilespmem:$0x19F00] =	vst v63  }
0xe1: {  	_ =	swait.ge [sflag:s14], $0x800  }
0xe2: {  	[sflag:s14] =	ssyncset.done $0x0  }
0xe3: {  	[sflag:s14] =	ssyncadd.s32 $0xFFFFF800  }
0xe4: {  	[spmem:s1] =	stream.indirect.scatter.add.f32 [tilespmem:s16], [sflag:$0xA], $0x10, s30, s17, $0xb8;
	[tilespmem:$0x19F00] =	vst v63  }
0xe5: {  	_ =	swait.ge [sflag:s14], $0x800  }
0xe6: {  	[sflag:s14] =	ssyncset.done $0x0  }
0xe7: {  	[sflag:s14] =	ssyncadd.s32 $0xFFFFF800  }
0xe8: {  	[spmem:s1] =	stream.indirect.scatter.add.f32 [tilespmem:s16], [sflag:$0xA], $0x10, s31, s17, $0xb8;
	[tilespmem:$0x19F00] =	vst v63  }
0xe9: {  	_ =	swait.ge [sflag:s14], $0x800  }
0xea: {  	[sflag:s14] =	ssyncset.done $0x0  }
0xeb: {  	[sflag:s14] =	ssyncadd.s32 $0xFFFFF800  }
0xec: {  	[spmem:s1] =	stream.indirect.scatter.add.f32 [tilespmem:s16], [sflag:$0xA], $0x10, s0, s17, $0xb8;
	[tilespmem:$0x19F00] =	vst v63  }
0xed: {  	_ =	swait.ge [sflag:s14], $0x800  }
0xee: {  	[sflag:s14] =	ssyncset.done $0x0  }
0xef: {  	[sflag:s14] =	ssyncadd.s32 $0xFFFFF800  }
0xf0: {  	[spmem:s1] =	stream.indirect.scatter.add.f32 [tilespmem:s16], [sflag:$0xA], $0x10, s3, s17, $0xb8;
	[tilespmem:$0x19F00] =	vst v63  }
0xf1: {  	_ =	swait.ge [sflag:s14], $0x800  }
0xf2: {  	[sflag:s14] =	ssyncset.done $0x0  }
0xf3: {  	[sflag:s14] =	ssyncadd.s32 $0xFFFFF800  }
0xf4: {  	[spmem:s1] =	stream.indirect.scatter.add.f32 [tilespmem:s16], [sflag:$0xA], $0x10, s28, s17, $0xb8;
	[tilespmem:$0x19F00] =	vst v63  }
0xf5: {  	_ =	swait.ge [sflag:s14], $0x800  }
0xf6: {  	[sflag:s14] =	ssyncset.done $0x0  }
0xf7: {  	[sflag:s14] =	ssyncadd.s32 $0xFFFFF800  }
0xf8: {  	[spmem:s1] =	stream.indirect.scatter.add.f32 [tilespmem:s16], [sflag:$0xA], $0x10, s29, s17, $0xb8;
	[tilespmem:$0x19F00] =	vst v63  }
0xf9: {  	_ =	swait.ge [sflag:s14], $0x800  }
0xfa: {  	[sflag:s14] =	ssyncset.done $0x0  }
0xfb: {  	[sflag:s14] =	ssyncadd.s32 $0xFFFFF800  }
0xfc: {  	[spmem:s1] =	stream.indirect.scatter.add.f32 [tilespmem:s16], [sflag:$0xA], $0x10, s2, s17, $0xb8;
	[tilespmem:$0x19F00] =	vst v63  }
0xfd: {  	_ =	swait.ge [sflag:s14], $0x800  }
0xfe: {  	[sflag:s14] =	ssyncset.done $0x0  }
0xff: {  	[sflag:s14] =	ssyncadd.s32 $0xFFFFF800  }
0x100: {  	[spmem:s1] =	stream.indirect.scatter.add.f32 [tilespmem:s16], [sflag:$0xA], $0x10, s17, s17, $0xb8;
	[tilespmem:$0x19F00] =	vst v63  }
0x101: {  	_ =	swait.ge [sflag:s14], $0x800  }
0x102: {  	[sflag:s14] =	ssyncset.done $0x0  }
0x103: {  	[sflag:s14] =	ssyncadd.s32 $0xFFFFF800  }
0x104: {  	[spmem:s1] =	stream.indirect.scatter.add.f32 [tilespmem:s16], [sflag:$0xA], $0x10, s30, s17, $0xb8;
	[tilespmem:$0x19F00] =	vst v63  }
0x105: {  	_ =	swait.ge [sflag:s14], $0x800  }
0x106: {  	[sflag:s14] =	ssyncset.done $0x0  }
0x107: {  	[sflag:s14] =	ssyncadd.s32 $0xFFFFF800  }
0x108: {  	[spmem:s1] =	stream.indirect.scatter.add.f32 [tilespmem:s16], [sflag:$0xA], $0x10, s31, s17, $0xb8;
	[tilespmem:$0x19F00] =	vst v63  }
0x109: {  	_ =	swait.ge [sflag:s14], $0x800  }
0x10a: {  	[sflag:s14] =	ssyncset.done $0x0  }
0x10b: {  	[sflag:s14] =	ssyncadd.s32 $0xFFFFF800  }
0x10c: {  	[spmem:s1] =	stream.indirect.scatter.add.f32 [tilespmem:s16], [sflag:$0xA], $0x10, s0, s17, $0xb8;
	[tilespmem:$0x19F00] =	vst v63  }
0x10d: {  	_ =	swait.ge [sflag:s14], $0x800  }
0x10e: {  	[sflag:s14] =	ssyncset.done $0x0  }
0x10f: {  	[sflag:s14] =	ssyncadd.s32 $0xFFFFF800  }
0x110: {  	[spmem:s1] =	stream.indirect.scatter.add.f32 [tilespmem:s16], [sflag:$0xA], $0x10, s3, s17, $0xb8;
	[tilespmem:$0x19F00] =	vst v63  }
0x111: {  	_ =	swait.ge [sflag:s14], $0x800  }
0x112: {  	[sflag:s14] =	ssyncset.done $0x0  }
0x113: {  	[sflag:s14] =	ssyncadd.s32 $0xFFFFF800  }
0x114: {  	[spmem:s1] =	stream.indirect.scatter.add.f32 [tilespmem:s16], [sflag:$0xA], $0x10, s28, s17, $0xb8;
	[tilespmem:$0x19F00] =	vst v63  }
0x115: {  	_ =	swait.ge [sflag:s14], $0x800  }
0x116: {  	[sflag:s14] =	ssyncset.done $0x0  }
0x117: {  	[sflag:s14] =	ssyncadd.s32 $0xFFFFF800  }
0x118: {  	[spmem:s1] =	stream.indirect.scatter.add.f32 [tilespmem:s16], [sflag:$0xA], $0x10, s29, s17, $0xb8;
	[tilespmem:$0x19F00] =	vst v63  }
0x119: {  	_ =	swait.ge [sflag:s14], $0x800  }
0x11a: {  	[sflag:s14] =	ssyncset.done $0x0  }
0x11b: {  	[sflag:s14] =	ssyncadd.s32 $0xFFFFF800  }
0x11c: {  	[bflag:$0x0] =	sbarrier.arrive $0xFFFF  }
0x11d: {  	s10 =	rddreg [dreg:$0x7]  }
0x11e: {  	[hbm:s10], [sflag:s7] =	dma.local [spmem:s13], $0x30E0  }
0x11f: {  	_ =	swait.ge [sflag:s14], $0x30E0  }
0x120: {  	s5 =	sadd.s32 $0x1, s5;
	s11 =	rddreg [dreg:$0x8]  }
0x121: {  	p0 =	sne.s32 s5, s11  }
.Ltmp1:
0x122: {  	_ = 	snop;
	(pc) =	sbr.rel @p0 .LBB2_1-.Ltmp1, $3  }
0x123: {  	_ =	sdelay $0x1  }
0x124: {  	[sflag:s14] =	ssyncset.done $0x0  }
0x125: {  	[sflag:s14] =	ssyncadd.s32 $0xFFFFCF20  }
0x126: {  	_ =	sfence.sel $0x180000  }
0x127: {  	[bflag:$0x0] =	sbarrier.arrive $0xFFFF  }
0x128: {  	_ =	strace $0x90000047  }
0x129: {  	s0 =	stileid.u32;
	[bflag:$0x2] =	sbarrier.arrive $0xFFFF  }
0x12a: {  	p0 =	sne.s32 s0, $0x0;
	s0 =	rddreg [dreg:$0x2]  }
0x12b: {  	s0 =	sadd.s32 @!p0 $0x100000, s0  }
0x12c: {  	[sflag:s0] =	ssyncadd.tile.s32 @!p0 $0x1;
	_ =	shalt  }
.Lfunc_end2:
_tile_overlayer_lowered:
.L_overlay_start_2:
0x12d: {  	(tag) =	ssettag $0x2  }
0x12e: {  	s0 =	rddreg [dreg:$0x0];
	s2 =	stileid.u32  }
0x12f: {  	s1 =	rddreg [dreg:$0x1];
	p0 =	sne.s32 s2, $0x0  }
0x130: {  	s3 =	rddreg [dreg:$0x2];
	[bflag:$0x3] =	sbarrier.arrive $0xFFFF;
	s2 =	simm.s32 @!p0 $0x1C0A  }
0x131: {  	[timem:s3], [sflag:s2] =	dma.local @!p0 [hbm:s0], s1  }
0x132: {  	s0 =	simm.s32 @!p0 $0xA  }
0x133: {  	_ =	swait.ge @!p0 [sflag:s0], s1  }
0x134: {  	s1 =	ssub.s32 @!p0 $0x0, s1;
	[sflag:s0] =	ssyncset.done @!p0 $0x0  }
0x135: {  	[sflag:s0] =	ssyncadd.s32 @!p0 s1  }
0x136: {  	[bflag:$0x3] =	sbarrier.arrive $0xFFFF  }
0x137: {  	_ =	shalt  }

</sc_bundles>
